<compile_context>
chip_gen: v7x
topology: tpu7x:2x2x1
jax: 0.10.2.dev20260603
libtpu: 0.0.44.dev20260713+nightly
codegen_flags: <defaults>
</compile_context>

<pallas_src>
import functools

import jax
import jax.numpy as jnp
from jax import lax
from jax.experimental import pallas as pl
from jax.experimental.pallas import tpu as pltpu
from jax.experimental.pallas import tpu_sc as plsc

_N = 10000
_E = 320000
_H = 128
_NC = 2
_NS = 16
_NW = _NC * _NS
_EPW = _E // _NW
_CHUNK = 128
_PCH = 128
_PNCH = 80
_PPH = 40
_PAD_PW = _PNCH * _PCH - _EPW
_NP = 10240
_WB = _NP // _NS

_BLK = 256
_GRID_N = (_N + _BLK - 1) // _BLK

_NL = 32768
_LPW = _NL // _NW
_LCH = _LPW // _CHUNK

_LH = 192
_LHP = 256
_GP = 4 * _LHP

_sc_mesh = plsc.VectorSubcoreMesh(
    core_axis_name="c", subcore_axis_name="s", num_cores=_NC, num_subcores=_NS)



@functools.partial(
    pl.kernel,
    out_type=jax.ShapeDtypeStruct((_NC, _NP, _H), jnp.float32),
    mesh=_sc_mesh,
    scratch_types=[
        pltpu.VMEM_SHARED((_NP, _H), jnp.float32),
        pltpu.VMEM((_PNCH, _PCH), jnp.int32),
        pltpu.VMEM((_PCH, _H), jnp.float32),
    ],
)
def _sc_deg(dst_hbm, zeros_hbm, ones_hbm, out_hbm, acc_sh, dst_v, ones_v):
    cid = lax.axis_index("c")
    sid = lax.axis_index("s")
    wid = sid * _NC + cid
    pltpu.sync_copy(zeros_hbm, acc_sh.at[pl.ds(sid * _WB, _WB)])
    pltpu.sync_copy(dst_hbm.at[wid], dst_v)
    pltpu.sync_copy(ones_hbm, ones_v)
    plsc.subcore_barrier()

    def step(j, carry):
        pltpu.sync_copy(ones_v, acc_sh.at[dst_v.at[j]], add=True)
        return carry

    lax.fori_loop(0, _PNCH, step, 0)
    plsc.subcore_barrier()
    pltpu.sync_copy(acc_sh.at[pl.ds(sid * _WB, _WB)],
                    out_hbm.at[cid, pl.ds(sid * _WB, _WB)])


@functools.partial(
    pl.kernel,
    out_type=jax.ShapeDtypeStruct((_NC, _NP, _H), jnp.float32),
    mesh=_sc_mesh,
    scratch_types=[
        pltpu.VMEM_SHARED((_NP, _H), jnp.float32),
        pltpu.VMEM((_PPH, _PCH), jnp.int32),
        pltpu.VMEM((_PPH, _PCH), jnp.int32),
        pltpu.VMEM((_PCH, _H), jnp.float32),
        pltpu.VMEM((_PCH, _H), jnp.float32),
        pltpu.SemaphoreType.DMA,
        pltpu.SemaphoreType.DMA,
    ],
)
def _sc_prop(src_hbm, dst_hbm, feat_hbm, zeros_hbm, out_hbm,
             acc_sh, src_v, dst_v, rows_a, rows_b, sem_a, sem_b):
    cid = lax.axis_index("c")
    sid = lax.axis_index("s")
    wid = sid * _NC + cid
    pltpu.sync_copy(zeros_hbm, acc_sh.at[pl.ds(sid * _WB, _WB)])
    plsc.subcore_barrier()

    for ph in range(_PNCH // _PPH):
        pltpu.sync_copy(src_hbm.at[wid, pl.ds(ph * _PPH, _PPH)], src_v)
        pltpu.sync_copy(dst_hbm.at[wid, pl.ds(ph * _PPH, _PPH)], dst_v)
        pltpu.async_copy(feat_hbm.at[src_v.at[0]], rows_a, sem_a)

        def step(jh, carry):
            j = jh * 2
            pltpu.async_copy(feat_hbm.at[src_v.at[j + 1]], rows_b, sem_b)
            pltpu.make_async_copy(feat_hbm.at[src_v.at[j]], rows_a,
                                  sem_a).wait()
            pltpu.sync_copy(rows_a, acc_sh.at[dst_v.at[j]], add=True)

            @pl.when(j + 2 < _PPH)
            def _():
                pltpu.async_copy(feat_hbm.at[src_v.at[j + 2]], rows_a, sem_a)

            pltpu.make_async_copy(feat_hbm.at[src_v.at[j + 1]], rows_b,
                                  sem_b).wait()
            pltpu.sync_copy(rows_b, acc_sh.at[dst_v.at[j + 1]], add=True)
            return carry

        lax.fori_loop(0, _PPH // 2, step, 0)
    plsc.subcore_barrier()
    pltpu.sync_copy(acc_sh.at[pl.ds(sid * _WB, _WB)],
                    out_hbm.at[cid, pl.ds(sid * _WB, _WB)])


@functools.partial(
    pl.kernel,
    out_type=(jax.ShapeDtypeStruct((_NL, _H), jnp.float32),
              jax.ShapeDtypeStruct((_NL, _H), jnp.float32)),
    mesh=_sc_mesh,
    scratch_types=[
        pltpu.VMEM((_LCH, _CHUNK), jnp.int32),
        pltpu.VMEM((_LCH, _CHUNK), jnp.int32),
        pltpu.VMEM((_CHUNK, _H), jnp.float32),
        pltpu.VMEM((_CHUNK, _H), jnp.float32),
        pltpu.SemaphoreType.DMA,
        pltpu.SemaphoreType.DMA,
    ],
)
def _sc_lgather(row_hbm, col_hbm, gr_hbm, gc_hbm, zr_hbm, zc_hbm,
                ridx_v, cidx_v, rows_a, rows_b, sem_a, sem_b):
    cid = lax.axis_index("c")
    sid = lax.axis_index("s")
    wid = sid * _NC + cid
    base = wid * _LPW
    pltpu.sync_copy(row_hbm.at[wid], ridx_v)
    pltpu.sync_copy(col_hbm.at[wid], cidx_v)

    def step(j, carry):
        pltpu.async_copy(gr_hbm.at[ridx_v.at[j]], rows_a, sem_a).wait()
        pltpu.sync_copy(rows_a, zr_hbm.at[pl.ds(base + j * _CHUNK, _CHUNK)])
        pltpu.async_copy(gc_hbm.at[cidx_v.at[j]], rows_b, sem_b).wait()
        pltpu.sync_copy(rows_b, zc_hbm.at[pl.ds(base + j * _CHUNK, _CHUNK)])
        return carry

    lax.fori_loop(0, _LCH, step, 0)



def _dinv_of(degp):
    deg = degp[0, :, 0:1] + degp[1, :, 0:1] + 1.0
    return lax.rsqrt(deg)


def _bn(h, g, b, m, v):
    return (h - m) * lax.rsqrt(v + 1e-5) * g + b


def _ka_body(degp, x, w, xws_ref):
    dinv = _dinv_of(degp)
    xw = jnp.dot(x[...], w[...], preferred_element_type=jnp.float32)
    xws_ref[...] = xw * dinv


def _kb1_body(degp, p, xws, gcn_b, g, b, m, v, h0_ref, h0s_ref):
    dinv = _dinv_of(degp)
    s = (p[0] + p[1] + xws[...]) * dinv + gcn_b[...]
    s = _bn(jnp.maximum(s, 0.0), g[...], b[...], m[...], v[...])
    h0_ref[...] = s
    h0s_ref[...] = s * dinv


def _kb2_body(degp, p, h0s, w, bias, g, b, m, v, h1_ref, h1s_ref):
    dinv = _dinv_of(degp)
    t = (p[0] + p[1] + h0s[...]) * dinv
    s = jnp.dot(t, w[...], preferred_element_type=jnp.float32) + bias[...]
    s = _bn(jnp.maximum(s, 0.0), g[...], b[...], m[...], v[...])
    h1_ref[...] = s
    h1s_ref[...] = s * dinv


def _lstm_cell(x, h, c, wi, wh, bias):
    gt = (jnp.dot(x, wi, preferred_element_type=jnp.float32)
          + jnp.dot(h, wh, preferred_element_type=jnp.float32) + bias)
    i = jax.nn.sigmoid(gt[:, 0:_LHP])
    f = jax.nn.sigmoid(gt[:, _LHP:2 * _LHP])
    g = jnp.tanh(gt[:, 2 * _LHP:3 * _LHP])
    o = jax.nn.sigmoid(gt[:, 3 * _LHP:4 * _LHP])
    c2 = f * c + i * g
    return o * jnp.tanh(c2), c2


def _kbc_body(degp, p, h1s, h0, h1, sgw, sgb,
              wi_f, wh_f, bf, wi_b, wh_b, bb, af, ab, attb,
              w1r, w1c, b1, gr_ref, gc_ref):
    dinv = _dinv_of(degp)
    t = (p[0] + p[1] + h1s[...]) * dinv
    h2 = jnp.dot(t, sgw[...], preferred_element_type=jnp.float32) + sgb[...]
    xs = (h0[...], h1[...], h2)

    z = jnp.zeros((xs[0].shape[0], _LHP), jnp.float32)
    hcur, ccur = z, z
    hf = []
    for t_ in range(3):
        hcur, ccur = _lstm_cell(xs[t_], hcur, ccur, wi_f[...], wh_f[...], bf[...])
        hf.append(hcur)
    hcur, ccur = z, z
    hb = [None, None, None]
    for t_ in (2, 1, 0):
        hcur, ccur = _lstm_cell(xs[t_], hcur, ccur, wi_b[...], wh_b[...], bb[...])
        hb[t_] = hcur

    a = [jnp.dot(hf[t_], af[...], preferred_element_type=jnp.float32)
         + jnp.dot(hb[t_], ab[...], preferred_element_type=jnp.float32)
         + attb[...] for t_ in range(3)]
    mx = jnp.maximum(jnp.maximum(a[0], a[1]), a[2])
    e = [jnp.exp(av - mx) for av in a]
    ssum = e[0] + e[1] + e[2]
    jk = (e[0] * xs[0] + e[1] * xs[1] + e[2] * xs[2]) / ssum
    gr_ref[...] = jnp.dot(jk, w1r[...], preferred_element_type=jnp.float32) + b1[...]
    gc_ref[...] = jnp.dot(jk, w1c[...], preferred_element_type=jnp.float32)


def _kd_body(zr, zc, g, b, m, v, w2, b2, out_ref):
    s = jnp.maximum(zr[...] + zc[...], 0.0)
    s = _bn(s, g[...], b[...], m[...], v[...])
    out_ref[...] = jax.nn.sigmoid(
        jnp.dot(s, w2[...], preferred_element_type=jnp.float32) + b2[...])


def _nblk(i):
    return (i, 0)


_SPEC_P = pl.BlockSpec((_NC, _BLK, _H), lambda i: (0, i, 0))
_SPEC_DEG = _SPEC_P
_SPEC_NH = pl.BlockSpec((_BLK, _H), _nblk)


def _full(shape):
    return pl.BlockSpec(shape, lambda i: tuple(0 for _ in shape))


def _pad_gates_ih(w):
    wt = jnp.transpose(w)
    parts = [jnp.pad(wt[:, _LH * k:_LH * (k + 1)], ((0, 0), (0, _LHP - _LH)))
             for k in range(4)]
    return jnp.concatenate(parts, axis=1)


def _pad_gates_hh(w):
    wt = jnp.pad(jnp.transpose(w), ((0, _LHP - _LH), (0, 0)))
    parts = [jnp.pad(wt[:, _LH * k:_LH * (k + 1)], ((0, 0), (0, _LHP - _LH)))
             for k in range(4)]
    return jnp.concatenate(parts, axis=1)


def _pad_gates_b(b):
    parts = [jnp.pad(b[_LH * k:_LH * (k + 1)], (0, _LHP - _LH))
             for k in range(4)]
    return jnp.concatenate(parts).reshape(1, _GP)


def kernel(edge_index, x, edge_label_index, gcn_W, gcn_b, sg1_W, sg1_b,
           sg2_W, sg2_b, bn_gamma, bn_beta, bn_mean, bn_var,
           w_ih_f, w_hh_f, b_ih_f, b_hh_f, w_ih_b, w_hh_b, b_ih_b, b_hh_b,
           att_W, att_b, pred_W1, pred_b1, pbn_gamma, pbn_beta, pbn_mean,
           pbn_var, pred_W2, pred_b2):
    f32 = jnp.float32
    src = edge_index[0].astype(jnp.int32).reshape(_NW, _EPW)
    dst = edge_index[1].astype(jnp.int32).reshape(_NW, _EPW)
    pad_src = jnp.zeros((_NW, _PAD_PW), jnp.int32)
    pad_dst = jnp.broadcast_to(
        _N + jnp.arange(_NW, dtype=jnp.int32)[:, None], (_NW, _PAD_PW))
    srcp = jnp.concatenate([src, pad_src], 1).reshape(_NW, _PNCH, _PCH)
    dstp = jnp.concatenate([dst, pad_dst], 1).reshape(_NW, _PNCH, _PCH)

    zerosH = jnp.zeros((_WB, _H), f32)

    degp = _sc_deg(dstp, zerosH, jnp.ones((_PCH, _H), f32))

    bnp = (bn_gamma.reshape(1, _H), bn_beta.reshape(1, _H),
           bn_mean.reshape(1, _H), bn_var.reshape(1, _H))

    xws = pl.pallas_call(
        _ka_body,
        grid=(_GRID_N,),
        in_specs=[_SPEC_DEG, _SPEC_NH, _full((_H, _H))],
        out_specs=_SPEC_NH,
        out_shape=jax.ShapeDtypeStruct((_N, _H), f32),
    )(degp, x, gcn_W)

    p1 = _sc_prop(srcp, dstp, xws, zerosH)

    h0, h0s = pl.pallas_call(
        _kb1_body,
        grid=(_GRID_N,),
        in_specs=[_SPEC_DEG, _SPEC_P, _SPEC_NH] + [_full((1, _H))] * 5,
        out_specs=(_SPEC_NH, _SPEC_NH),
        out_shape=(jax.ShapeDtypeStruct((_N, _H), f32),
                   jax.ShapeDtypeStruct((_N, _H), f32)),
    )(degp, p1, xws, gcn_b.reshape(1, _H), *bnp)

    p2 = _sc_prop(srcp, dstp, h0s, zerosH)

    h1, h1s = pl.pallas_call(
        _kb2_body,
        grid=(_GRID_N,),
        in_specs=[_SPEC_DEG, _SPEC_P, _SPEC_NH, _full((_H, _H))]
        + [_full((1, _H))] * 5,
        out_specs=(_SPEC_NH, _SPEC_NH),
        out_shape=(jax.ShapeDtypeStruct((_N, _H), f32),
                   jax.ShapeDtypeStruct((_N, _H), f32)),
    )(degp, p2, h0s, sg1_W, sg1_b.reshape(1, _H), *bnp)

    p3 = _sc_prop(srcp, dstp, h1s, zerosH)

    wi_f = _pad_gates_ih(w_ih_f)
    wh_f = _pad_gates_hh(w_hh_f)
    bf = _pad_gates_b(b_ih_f + b_hh_f)
    wi_b = _pad_gates_ih(w_ih_b)
    wh_b = _pad_gates_hh(w_hh_b)
    bb = _pad_gates_b(b_ih_b + b_hh_b)
    af = jnp.pad(att_W[:_LH], ((0, _LHP - _LH), (0, 0)))
    ab = jnp.pad(att_W[_LH:], ((0, _LHP - _LH), (0, 0)))
    w1r = pred_W1[:_H]
    w1c = pred_W1[_H:]

    gr, gc = pl.pallas_call(
        _kbc_body,
        grid=(_GRID_N,),
        in_specs=[_SPEC_DEG, _SPEC_P, _SPEC_NH, _SPEC_NH, _SPEC_NH,
                  _full((_H, _H)), _full((1, _H)),
                  _full((_H, _GP)), _full((_LHP, _GP)), _full((1, _GP)),
                  _full((_H, _GP)), _full((_LHP, _GP)), _full((1, _GP)),
                  _full((_LHP, 1)), _full((_LHP, 1)), _full((1, 1)),
                  _full((_H, _H)), _full((_H, _H)), _full((1, _H))],
        out_specs=(_SPEC_NH, _SPEC_NH),
        out_shape=(jax.ShapeDtypeStruct((_N, _H), f32),
                   jax.ShapeDtypeStruct((_N, _H), f32)),
    )(degp, p3, h1s, h0, h1, sg2_W, sg2_b.reshape(1, _H),
      wi_f, wh_f, bf, wi_b, wh_b, bb, af, ab, att_b.reshape(1, 1),
      w1r, w1c, pred_b1.reshape(1, _H))

    rowi = edge_label_index[0].astype(jnp.int32).reshape(_NW, _LCH, _CHUNK)
    coli = edge_label_index[1].astype(jnp.int32).reshape(_NW, _LCH, _CHUNK)
    zr, zc = _sc_lgather(rowi, coli, gr, gc)

    _DBLK = 1024
    pbnp = (pbn_gamma.reshape(1, _H), pbn_beta.reshape(1, _H),
            pbn_mean.reshape(1, _H), pbn_var.reshape(1, _H))
    out = pl.pallas_call(
        _kd_body,
        grid=(_NL // _DBLK,),
        in_specs=[pl.BlockSpec((_DBLK, _H), _nblk),
                  pl.BlockSpec((_DBLK, _H), _nblk)]
        + [_full((1, _H))] * 4 + [_full((_H, 1)), _full((1, 1))],
        out_specs=pl.BlockSpec((_DBLK, 1), _nblk),
        out_shape=jax.ShapeDtypeStruct((_NL, 1), f32),
    )(zr, zc, *pbnp, pred_W2, pred_b2.reshape(1, 1))
    return out

# --- scband reference (transcript-rebuilt; emitter-appended) ---
"""Pipeline reference for scband-pyg-homo-link-prediction-model-49306224558369 (READ-ONLY COPY).

The authoritative reference and input builder live on the scoring server;
editing this copy changes nothing except your own understanding.
"""

import jax, jax.numpy as jnp
import numpy as np

N_NODES = 10000
N_EDGES = 320000
D_FEAT = 128
N_HIDDEN = 128
T = 3
LSTM_H = (T * N_HIDDEN) // 2
N_LABEL = 32768


def setup_inputs(seed: int = 0):
    key = jax.random.key(seed)
    ks = jax.random.split(key, 16)
    s = 0.05
    H = N_HIDDEN
    G = 4 * LSTM_H
    inp = {}
    inp['edge_index'] = jax.random.randint(ks[0], (2, N_EDGES), 0, N_NODES)
    inp['x'] = jax.random.normal(ks[1], (N_NODES, D_FEAT), dtype=jnp.float32)
    inp['edge_label_index'] = jax.random.randint(ks[2], (2, N_LABEL), 0, N_NODES)
    inp['gcn_W'] = jax.random.normal(ks[3], (D_FEAT, H), dtype=jnp.float32) * s
    inp['gcn_b'] = jnp.zeros((H,), jnp.float32)
    inp['sg1_W'] = jax.random.normal(ks[4], (H, H), dtype=jnp.float32) * s
    inp['sg1_b'] = jnp.zeros((H,), jnp.float32)
    inp['sg2_W'] = jax.random.normal(ks[5], (H, H), dtype=jnp.float32) * s
    inp['sg2_b'] = jnp.zeros((H,), jnp.float32)
    inp['bn_gamma'] = jnp.ones((H,), jnp.float32)
    inp['bn_beta'] = jnp.zeros((H,), jnp.float32)
    inp['bn_mean'] = jnp.zeros((H,), jnp.float32)
    inp['bn_var'] = jnp.ones((H,), jnp.float32)
    inp['w_ih_f'] = jax.random.normal(ks[6], (G, H), dtype=jnp.float32) * s
    inp['w_hh_f'] = jax.random.normal(ks[7], (G, LSTM_H), dtype=jnp.float32) * s
    inp['b_ih_f'] = jnp.zeros((G,), jnp.float32)
    inp['b_hh_f'] = jnp.zeros((G,), jnp.float32)
    inp['w_ih_b'] = jax.random.normal(ks[8], (G, H), dtype=jnp.float32) * s
    inp['w_hh_b'] = jax.random.normal(ks[9], (G, LSTM_H), dtype=jnp.float32) * s
    inp['b_ih_b'] = jnp.zeros((G,), jnp.float32)
    inp['b_hh_b'] = jnp.zeros((G,), jnp.float32)
    inp['att_W'] = jax.random.normal(ks[10], (2 * LSTM_H, 1), dtype=jnp.float32) * s
    inp['att_b'] = jnp.zeros((1,), jnp.float32)
    inp['pred_W1'] = jax.random.normal(ks[11], (2 * H, H), dtype=jnp.float32) * s
    inp['pred_b1'] = jnp.zeros((H,), jnp.float32)
    inp['pbn_gamma'] = jnp.ones((H,), jnp.float32)
    inp['pbn_beta'] = jnp.zeros((H,), jnp.float32)
    inp['pbn_mean'] = jnp.zeros((H,), jnp.float32)
    inp['pbn_var'] = jnp.ones((H,), jnp.float32)
    inp['pred_W2'] = jax.random.normal(ks[12], (H, 1), dtype=jnp.float32) * s
    inp['pred_b2'] = jnp.zeros((1,), jnp.float32)
    return inp


def _gcn_prop(x, src, dst, n):
    loop = jnp.arange(n)
    s = jnp.concatenate([src, loop])
    d = jnp.concatenate([dst, loop])
    deg = jax.ops.segment_sum(jnp.ones(s.shape[0], x.dtype), d, num_segments=n)
    dinv = jnp.where(deg > 0, jax.lax.rsqrt(jnp.maximum(deg, 1e-12)), 0.0)
    norm = dinv[s] * dinv[d]
    return jax.ops.segment_sum(x[s] * norm[:, None], d, num_segments=n)


def _bn(h, g, b, m, v, eps=1e-5):
    return (h - m) * jax.lax.rsqrt(v + eps) * g + b


def _lstm_dir(xs, w_ih, w_hh, b_ih, b_hh):
    n = xs.shape[1]
    hdim = w_hh.shape[1]

    def step(carry, xt):
        h, c = carry
        gates = xt @ w_ih.T + h @ w_hh.T + b_ih + b_hh
        i, f, g, o = jnp.split(gates, 4, axis=-1)
        c = jax.nn.sigmoid(f) * c + jax.nn.sigmoid(i) * jnp.tanh(g)
        h = jax.nn.sigmoid(o) * jnp.tanh(c)
        return (h, c), h

    init = (jnp.zeros((n, hdim), xs.dtype), jnp.zeros((n, hdim), xs.dtype))
    _, hs = jax.lax.scan(step, init, xs)
    return hs


def reference(edge_index, x, edge_label_index, gcn_W, gcn_b, sg1_W, sg1_b, sg2_W, sg2_b, bn_gamma, bn_beta, bn_mean, bn_var, w_ih_f, w_hh_f, b_ih_f, b_hh_f, w_ih_b, w_hh_b, b_ih_b, b_hh_b, att_W, att_b, pred_W1, pred_b1, pbn_gamma, pbn_beta, pbn_mean, pbn_var, pred_W2, pred_b2):
    src, dst = edge_index[0], edge_index[1]
    n = x.shape[0]
    hs = []
    h = _gcn_prop(x @ gcn_W, src, dst, n) + gcn_b
    h = jax.nn.relu(h)
    h = _bn(h, bn_gamma, bn_beta, bn_mean, bn_var)
    hs.append(h)
    h = _gcn_prop(h, src, dst, n) @ sg1_W + sg1_b
    h = jax.nn.relu(h)
    h = _bn(h, bn_gamma, bn_beta, bn_mean, bn_var)
    hs.append(h)
    h = _gcn_prop(h, src, dst, n) @ sg2_W + sg2_b
    hs.append(h)
    xstack = jnp.stack(hs, axis=1)
    xs_t = jnp.swapaxes(xstack, 0, 1)
    hf = _lstm_dir(xs_t, w_ih_f, w_hh_f, b_ih_f, b_hh_f)
    hb = _lstm_dir(xs_t[::-1], w_ih_b, w_hh_b, b_ih_b, b_hh_b)[::-1]
    lstm_out = jnp.concatenate([hf, hb], axis=-1)
    alpha = jnp.squeeze(lstm_out @ att_W + att_b, axis=-1)
    alpha = jax.nn.softmax(alpha, axis=0)
    jk = jnp.sum(xstack * jnp.swapaxes(alpha, 0, 1)[:, :, None], axis=1)
    row, col = edge_label_index[0], edge_label_index[1]
    z = jnp.concatenate([jk[row], jk[col]], axis=-1)
    z = jax.nn.relu(z @ pred_W1 + pred_b1)
    z = _bn(z, pbn_gamma, pbn_beta, pbn_mean, pbn_var)
    z = z @ pred_W2 + pred_b2
    return jax.nn.sigmoid(z)

if __name__ == "__main__":
    import jax
    _d = setup_inputs()
    print(jax.jit(kernel)(*tuple(_d.values())))

</pallas_src>

<mosaic_0001>
#map = affine_map<(d0, d1) -> (0, 0, 0)>
#map1 = affine_map<(d0, d1) -> (0, 0)>
module attributes {stable_mosaic.version = 14 : i64} {
  func.func @_sc_prop(%arg0: i32, %arg1: i32, %arg2: memref<32x80x128xi32, #tpu.memory_space<hbm>>, %arg3: memref<32x80x128xi32, #tpu.memory_space<hbm>>, %arg4: memref<10000x128xf32, #tpu.memory_space<hbm>>, %arg5: memref<640x128xf32, #tpu.memory_space<hbm>>, %arg6: memref<2x10240x128xf32, #tpu.memory_space<hbm>>, %arg7: memref<10240x128xf32, #tpu.memory_space<vmem_shared>>, %arg8: memref<40x128xi32, #tpu.memory_space<vmem>>, %arg9: memref<40x128xi32, #tpu.memory_space<vmem>>, %arg10: memref<128x128xf32, #tpu.memory_space<vmem>>, %arg11: memref<128x128xf32, #tpu.memory_space<vmem>>, %arg12: memref<!tpu.dma_semaphore, #tpu.memory_space<semaphore_mem>>, %arg13: memref<!tpu.dma_semaphore, #tpu.memory_space<semaphore_mem>>) attributes {dimension_semantics = [#tpu.dimension_semantics<core_parallel>, #tpu.dimension_semantics<subcore_parallel>], iteration_bounds = array<i64: 2, 16>, scalar_prefetch = 0 : i64, scratch_operands = 7 : i64, tpu.core_type = #tpu.core_type<sc_vector_subcore>, window_params = [{transform_indices = #map}, {transform_indices = #map}, {transform_indices = #map1}, {transform_indices = #map1}, {transform_indices = #map}]} {
    %mul3A = arith.constant 2 : i32
    %mul3A_0 = arith.muli %arg1, %mul3A : i32
    %add3A = arith.addi %mul3A_0, %arg0 : i32
    %mul3A_1 = arith.constant 640 : i32
    %mul3A_2 = arith.muli %arg1, %mul3A_1 : i32
    "tpu.region"() ({
      %run_scoped3A = tpu.sem_alloc : memref<!tpu.dma_semaphore, #tpu.memory_space<semaphore_mem>>
      %dma_start3A_32 = arith.constant 0 : i32
      %dma_start3A_33 = tpu.memref_slice %arg7[%mul3A_2, %dma_start3A_32] : memref<10240x128xf32, #tpu.memory_space<vmem_shared>> -> memref<640x128xf32, #tpu.memory_space<vmem_shared>>
      tpu.enqueue_dma source(%arg5 : memref<640x128xf32, #tpu.memory_space<hbm>>) target(%dma_start3A_33 : memref<640x128xf32, #tpu.memory_space<vmem_shared>>) target_semaphore(%run_scoped3A : memref<!tpu.dma_semaphore, #tpu.memory_space<semaphore_mem>>)
      %dma_wait3A = arith.constant 0 : i32
      %dma_wait3A_34 = tpu.memref_slice %arg7[%mul3A_2, %dma_wait3A] : memref<10240x128xf32, #tpu.memory_space<vmem_shared>> -> memref<640x128xf32, #tpu.memory_space<vmem_shared>>
      tpu.wait_dma2 semaphore(%run_scoped3A : memref<!tpu.dma_semaphore, #tpu.memory_space<semaphore_mem>>) src(%arg5 : memref<640x128xf32, #tpu.memory_space<hbm>>) dst(%dma_wait3A_34 : memref<640x128xf32, #tpu.memory_space<vmem_shared>>)
      tpu.yield
    }) : () -> ()
    %barrier3A = arith.constant 0 : index
    tpu.barrier barrier_id(%barrier3A)
    "tpu.region"() ({
      %run_scoped3A = tpu.sem_alloc : memref<!tpu.dma_semaphore, #tpu.memory_space<semaphore_mem>>
      %dma_start3A_32 = arith.constant 0 : i32
      %dma_start3A_33 = arith.constant 0 : i32
      %dma_start3A_34 = tpu.memref_slice %arg2[%add3A, %dma_start3A_32, %dma_start3A_33] : memref<32x80x128xi32, #tpu.memory_space<hbm>> -> memref<1x40x128xi32, #tpu.memory_space<hbm>>
      %dma_start3A_35 = tpu.memref_squeeze %dma_start3A_34 : memref<1x40x128xi32, #tpu.memory_space<hbm>> -> memref<40x128xi32, #tpu.memory_space<hbm>>
      %dma_start3A_36 = arith.constant 0 : i32
      %dma_start3A_37 = arith.constant 0 : i32
      %dma_start3A_38 = tpu.memref_slice %arg2[%add3A, %dma_start3A_36, %dma_start3A_37] : memref<32x80x128xi32, #tpu.memory_space<hbm>> -> memref<1x40x128xi32, #tpu.memory_space<hbm>>
      %dma_start3A_39 = tpu.memref_squeeze %dma_start3A_38 : memref<1x40x128xi32, #tpu.memory_space<hbm>> -> memref<40x128xi32, #tpu.memory_space<hbm>>
      tpu.enqueue_dma source(%dma_start3A_39 : memref<40x128xi32, #tpu.memory_space<hbm>>) target(%arg8 : memref<40x128xi32, #tpu.memory_space<vmem>>) target_semaphore(%run_scoped3A : memref<!tpu.dma_semaphore, #tpu.memory_space<semaphore_mem>>)
      %dma_wait3A = arith.constant 0 : i32
      %dma_wait3A_40 = arith.constant 0 : i32
      %dma_wait3A_41 = tpu.memref_slice %arg2[%add3A, %dma_wait3A, %dma_wait3A_40] : memref<32x80x128xi32, #tpu.memory_space<hbm>> -> memref<1x40x128xi32, #tpu.memory_space<hbm>>
      %dma_wait3A_42 = tpu.memref_squeeze %dma_wait3A_41 : memref<1x40x128xi32, #tpu.memory_space<hbm>> -> memref<40x128xi32, #tpu.memory_space<hbm>>
      %dma_wait3A_43 = arith.constant 0 : i32
      %dma_wait3A_44 = arith.constant 0 : i32
      %dma_wait3A_45 = tpu.memref_slice %arg2[%add3A, %dma_wait3A_43, %dma_wait3A_44] : memref<32x80x128xi32, #tpu.memory_space<hbm>> -> memref<1x40x128xi32, #tpu.memory_space<hbm>>
      %dma_wait3A_46 = tpu.memref_squeeze %dma_wait3A_45 : memref<1x40x128xi32, #tpu.memory_space<hbm>> -> memref<40x128xi32, #tpu.memory_space<hbm>>
      tpu.wait_dma2 semaphore(%run_scoped3A : memref<!tpu.dma_semaphore, #tpu.memory_space<semaphore_mem>>) src(%dma_wait3A_46 : memref<40x128xi32, #tpu.memory_space<hbm>>) dst(%arg8 : memref<40x128xi32, #tpu.memory_space<vmem>>)
      tpu.yield
    }) : () -> ()
    "tpu.region"() ({
      %run_scoped3A = tpu.sem_alloc : memref<!tpu.dma_semaphore, #tpu.memory_space<semaphore_mem>>
      %dma_start3A_32 = arith.constant 0 : i32
      %dma_start3A_33 = arith.constant 0 : i32
      %dma_start3A_34 = tpu.memref_slice %arg3[%add3A, %dma_start3A_32, %dma_start3A_33] : memref<32x80x128xi32, #tpu.memory_space<hbm>> -> memref<1x40x128xi32, #tpu.memory_space<hbm>>
      %dma_start3A_35 = tpu.memref_squeeze %dma_start3A_34 : memref<1x40x128xi32, #tpu.memory_space<hbm>> -> memref<40x128xi32, #tpu.memory_space<hbm>>
      %dma_start3A_36 = arith.constant 0 : i32
      %dma_start3A_37 = arith.constant 0 : i32
      %dma_start3A_38 = tpu.memref_slice %arg3[%add3A, %dma_start3A_36, %dma_start3A_37] : memref<32x80x128xi32, #tpu.memory_space<hbm>> -> memref<1x40x128xi32, #tpu.memory_space<hbm>>
      %dma_start3A_39 = tpu.memref_squeeze %dma_start3A_38 : memref<1x40x128xi32, #tpu.memory_space<hbm>> -> memref<40x128xi32, #tpu.memory_space<hbm>>
      tpu.enqueue_dma source(%dma_start3A_39 : memref<40x128xi32, #tpu.memory_space<hbm>>) target(%arg9 : memref<40x128xi32, #tpu.memory_space<vmem>>) target_semaphore(%run_scoped3A : memref<!tpu.dma_semaphore, #tpu.memory_space<semaphore_mem>>)
      %dma_wait3A = arith.constant 0 : i32
      %dma_wait3A_40 = arith.constant 0 : i32
      %dma_wait3A_41 = tpu.memref_slice %arg3[%add3A, %dma_wait3A, %dma_wait3A_40] : memref<32x80x128xi32, #tpu.memory_space<hbm>> -> memref<1x40x128xi32, #tpu.memory_space<hbm>>
      %dma_wait3A_42 = tpu.memref_squeeze %dma_wait3A_41 : memref<1x40x128xi32, #tpu.memory_space<hbm>> -> memref<40x128xi32, #tpu.memory_space<hbm>>
      %dma_wait3A_43 = arith.constant 0 : i32
      %dma_wait3A_44 = arith.constant 0 : i32
      %dma_wait3A_45 = tpu.memref_slice %arg3[%add3A, %dma_wait3A_43, %dma_wait3A_44] : memref<32x80x128xi32, #tpu.memory_space<hbm>> -> memref<1x40x128xi32, #tpu.memory_space<hbm>>
      %dma_wait3A_46 = tpu.memref_squeeze %dma_wait3A_45 : memref<1x40x128xi32, #tpu.memory_space<hbm>> -> memref<40x128xi32, #tpu.memory_space<hbm>>
      tpu.wait_dma2 semaphore(%run_scoped3A : memref<!tpu.dma_semaphore, #tpu.memory_space<semaphore_mem>>) src(%dma_wait3A_46 : memref<40x128xi32, #tpu.memory_space<hbm>>) dst(%arg9 : memref<40x128xi32, #tpu.memory_space<vmem>>)
      tpu.yield
    }) : () -> ()
    %dma_start3A = arith.constant 0 : i32
    %dma_start3A_3 = arith.constant 0 : i32
    %dma_start3A_4 = tpu.memref_slice %arg8[%dma_start3A, %dma_start3A_3] : memref<40x128xi32, #tpu.memory_space<vmem>> -> memref<1x128xi32, #tpu.memory_space<vmem>>
    %dma_start3A_5 = tpu.memref_squeeze %dma_start3A_4 : memref<1x128xi32, #tpu.memory_space<vmem>> -> memref<128xi32, #tpu.memory_space<vmem>>
    %dma_start3A_6 = arith.constant 0 : i32
    %dma_start3A_7 = arith.constant 0 : i32
    %dma_start3A_8 = tpu.memref_slice %arg4[%dma_start3A_6, %dma_start3A_7] : memref<10000x128xf32, #tpu.memory_space<hbm>> -> memref<10000x128xf32, #tpu.memory_space<hbm>>
    tpu.enqueue_indirect_dma source(%dma_start3A_8 : memref<10000x128xf32, #tpu.memory_space<hbm>>) target(%arg10 : memref<128x128xf32, #tpu.memory_space<vmem>>) offsets(%dma_start3A_5 : memref<128xi32, #tpu.memory_space<vmem>>) semaphore(%arg12 : memref<!tpu.dma_semaphore, #tpu.memory_space<semaphore_mem>>)
    %scan3A = arith.constant 0 : i32
    %scan3A_9 = arith.constant 0 : i32
    %scan3A_10 = arith.constant 20 : i32
    %scan3A_11 = arith.addi %scan3A_9, %scan3A_10 : i32
    %scan3A_12 = arith.constant 1 : i32
    scf.for %scan3A_32 = %scan3A_9 to %scan3A_11 step %scan3A_12  : i32 {
      %mul3A_33 = arith.constant 2 : i32
      %mul3A_34 = arith.muli %scan3A_32, %mul3A_33 : i32
      %add3A_35 = arith.constant 1 : i32
      %add3A_36 = arith.addi %mul3A_34, %add3A_35 : i32
      %dma_start3A_37 = arith.constant 0 : i32
      %dma_start3A_38 = tpu.memref_slice %arg8[%add3A_36, %dma_start3A_37] : memref<40x128xi32, #tpu.memory_space<vmem>> -> memref<1x128xi32, #tpu.memory_space<vmem>>
      %dma_start3A_39 = tpu.memref_squeeze %dma_start3A_38 : memref<1x128xi32, #tpu.memory_space<vmem>> -> memref<128xi32, #tpu.memory_space<vmem>>
      %dma_start3A_40 = arith.constant 0 : i32
      %dma_start3A_41 = arith.constant 0 : i32
      %dma_start3A_42 = tpu.memref_slice %arg4[%dma_start3A_40, %dma_start3A_41] : memref<10000x128xf32, #tpu.memory_space<hbm>> -> memref<10000x128xf32, #tpu.memory_space<hbm>>
      tpu.enqueue_indirect_dma source(%dma_start3A_42 : memref<10000x128xf32, #tpu.memory_space<hbm>>) target(%arg11 : memref<128x128xf32, #tpu.memory_space<vmem>>) offsets(%dma_start3A_39 : memref<128xi32, #tpu.memory_space<vmem>>) semaphore(%arg13 : memref<!tpu.dma_semaphore, #tpu.memory_space<semaphore_mem>>)
      %dma_wait3A = arith.constant 0 : i32
      %dma_wait3A_43 = tpu.memref_slice %arg8[%mul3A_34, %dma_wait3A] : memref<40x128xi32, #tpu.memory_space<vmem>> -> memref<1x128xi32, #tpu.memory_space<vmem>>
      %dma_wait3A_44 = tpu.memref_squeeze %dma_wait3A_43 : memref<1x128xi32, #tpu.memory_space<vmem>> -> memref<128xi32, #tpu.memory_space<vmem>>
      %dma_wait3A_45 = arith.constant 0 : i32
      %dma_wait3A_46 = arith.constant 0 : i32
      %dma_wait3A_47 = tpu.memref_slice %arg4[%dma_wait3A_45, %dma_wait3A_46] : memref<10000x128xf32, #tpu.memory_space<hbm>> -> memref<10000x128xf32, #tpu.memory_space<hbm>>
      tpu.wait_indirect_dma semaphore(%arg12 : memref<!tpu.dma_semaphore, #tpu.memory_space<semaphore_mem>>) src(%dma_wait3A_47 : memref<10000x128xf32, #tpu.memory_space<hbm>>) dst(%arg10 : memref<128x128xf32, #tpu.memory_space<vmem>>)
      "tpu.region"() ({
        %run_scoped3A = tpu.sem_alloc : memref<!tpu.dma_semaphore, #tpu.memory_space<semaphore_mem>>
        %dma_start3A_62 = arith.constant 0 : i32
        %dma_start3A_63 = tpu.memref_slice %arg9[%mul3A_34, %dma_start3A_62] : memref<40x128xi32, #tpu.memory_space<vmem>> -> memref<1x128xi32, #tpu.memory_space<vmem>>
        %dma_start3A_64 = tpu.memref_squeeze %dma_start3A_63 : memref<1x128xi32, #tpu.memory_space<vmem>> -> memref<128xi32, #tpu.memory_space<vmem>>
        %dma_start3A_65 = arith.constant 0 : i32
        %dma_start3A_66 = arith.constant 0 : i32
        %dma_start3A_67 = tpu.memref_slice %arg7[%dma_start3A_65, %dma_start3A_66] : memref<10240x128xf32, #tpu.memory_space<vmem_shared>> -> memref<10240x128xf32, #tpu.memory_space<vmem_shared>>
        tpu.enqueue_indirect_dma source(%arg10 : memref<128x128xf32, #tpu.memory_space<vmem>>) target(%dma_start3A_67 : memref<10240x128xf32, #tpu.memory_space<vmem_shared>>) offsets(%dma_start3A_64 : memref<128xi32, #tpu.memory_space<vmem>>) semaphore(%run_scoped3A : memref<!tpu.dma_semaphore, #tpu.memory_space<semaphore_mem>>) {add = true}
        %dma_wait3A_68 = arith.constant 0 : i32
        %dma_wait3A_69 = tpu.memref_slice %arg9[%mul3A_34, %dma_wait3A_68] : memref<40x128xi32, #tpu.memory_space<vmem>> -> memref<1x128xi32, #tpu.memory_space<vmem>>
        %dma_wait3A_70 = tpu.memref_squeeze %dma_wait3A_69 : memref<1x128xi32, #tpu.memory_space<vmem>> -> memref<128xi32, #tpu.memory_space<vmem>>
        %dma_wait3A_71 = arith.constant 0 : i32
        %dma_wait3A_72 = arith.constant 0 : i32
        %dma_wait3A_73 = tpu.memref_slice %arg7[%dma_wait3A_71, %dma_wait3A_72] : memref<10240x128xf32, #tpu.memory_space<vmem_shared>> -> memref<10240x128xf32, #tpu.memory_space<vmem_shared>>
        tpu.wait_indirect_dma semaphore(%run_scoped3A : memref<!tpu.dma_semaphore, #tpu.memory_space<semaphore_mem>>) src(%arg10 : memref<128x128xf32, #tpu.memory_space<vmem>>) dst(%dma_wait3A_73 : memref<10240x128xf32, #tpu.memory_space<vmem_shared>>)
        tpu.yield
      }) : () -> ()
      %add3A_48 = arith.constant 2 : i32
      %add3A_49 = arith.addi %mul3A_34, %add3A_48 : i32
      %lt3A = arith.constant 40 : i32
      %lt3A_50 = arith.cmpi slt, %add3A_49, %lt3A : i32
      %convert_element_type3A = arith.extui %lt3A_50 : i1 to i32
      %cond3A = arith.constant 0 : i32
      %cond3A_51 = arith.cmpi ne, %convert_element_type3A, %cond3A : i32
      scf.if %cond3A_51 {
        %add3A_62 = arith.constant 2 : i32
        %add3A_63 = arith.addi %mul3A_34, %add3A_62 : i32
        %dma_start3A_64 = arith.constant 0 : i32
        %dma_start3A_65 = tpu.memref_slice %arg8[%add3A_63, %dma_start3A_64] : memref<40x128xi32, #tpu.memory_space<vmem>> -> memref<1x128xi32, #tpu.memory_space<vmem>>
        %dma_start3A_66 = tpu.memref_squeeze %dma_start3A_65 : memref<1x128xi32, #tpu.memory_space<vmem>> -> memref<128xi32, #tpu.memory_space<vmem>>
        %dma_start3A_67 = arith.constant 0 : i32
        %dma_start3A_68 = arith.constant 0 : i32
        %dma_start3A_69 = tpu.memref_slice %arg4[%dma_start3A_67, %dma_start3A_68] : memref<10000x128xf32, #tpu.memory_space<hbm>> -> memref<10000x128xf32, #tpu.memory_space<hbm>>
        tpu.enqueue_indirect_dma source(%dma_start3A_69 : memref<10000x128xf32, #tpu.memory_space<hbm>>) target(%arg10 : memref<128x128xf32, #tpu.memory_space<vmem>>) offsets(%dma_start3A_66 : memref<128xi32, #tpu.memory_space<vmem>>) semaphore(%arg12 : memref<!tpu.dma_semaphore, #tpu.memory_space<semaphore_mem>>)
      } else {
      }
      %add3A_52 = arith.constant 1 : i32
      %add3A_53 = arith.addi %mul3A_34, %add3A_52 : i32
      %dma_wait3A_54 = arith.constant 0 : i32
      %dma_wait3A_55 = tpu.memref_slice %arg8[%add3A_53, %dma_wait3A_54] : memref<40x128xi32, #tpu.memory_space<vmem>> -> memref<1x128xi32, #tpu.memory_space<vmem>>
      %dma_wait3A_56 = tpu.memref_squeeze %dma_wait3A_55 : memref<1x128xi32, #tpu.memory_space<vmem>> -> memref<128xi32, #tpu.memory_space<vmem>>
      %dma_wait3A_57 = arith.constant 0 : i32
      %dma_wait3A_58 = arith.constant 0 : i32
      %dma_wait3A_59 = tpu.memref_slice %arg4[%dma_wait3A_57, %dma_wait3A_58] : memref<10000x128xf32, #tpu.memory_space<hbm>> -> memref<10000x128xf32, #tpu.memory_space<hbm>>
      tpu.wait_indirect_dma semaphore(%arg13 : memref<!tpu.dma_semaphore, #tpu.memory_space<semaphore_mem>>) src(%dma_wait3A_59 : memref<10000x128xf32, #tpu.memory_space<hbm>>) dst(%arg11 : memref<128x128xf32, #tpu.memory_space<vmem>>)
      %add3A_60 = arith.constant 1 : i32
      %add3A_61 = arith.addi %mul3A_34, %add3A_60 : i32
      "tpu.region"() ({
        %run_scoped3A = tpu.sem_alloc : memref<!tpu.dma_semaphore, #tpu.memory_space<semaphore_mem>>
        %dma_start3A_62 = arith.constant 0 : i32
        %dma_start3A_63 = tpu.memref_slice %arg9[%add3A_61, %dma_start3A_62] : memref<40x128xi32, #tpu.memory_space<vmem>> -> memref<1x128xi32, #tpu.memory_space<vmem>>
        %dma_start3A_64 = tpu.memref_squeeze %dma_start3A_63 : memref<1x128xi32, #tpu.memory_space<vmem>> -> memref<128xi32, #tpu.memory_space<vmem>>
        %dma_start3A_65 = arith.constant 0 : i32
        %dma_start3A_66 = arith.constant 0 : i32
        %dma_start3A_67 = tpu.memref_slice %arg7[%dma_start3A_65, %dma_start3A_66] : memref<10240x128xf32, #tpu.memory_space<vmem_shared>> -> memref<10240x128xf32, #tpu.memory_space<vmem_shared>>
        tpu.enqueue_indirect_dma source(%arg11 : memref<128x128xf32, #tpu.memory_space<vmem>>) target(%dma_start3A_67 : memref<10240x128xf32, #tpu.memory_space<vmem_shared>>) offsets(%dma_start3A_64 : memref<128xi32, #tpu.memory_space<vmem>>) semaphore(%run_scoped3A : memref<!tpu.dma_semaphore, #tpu.memory_space<semaphore_mem>>) {add = true}
        %dma_wait3A_68 = arith.constant 0 : i32
        %dma_wait3A_69 = tpu.memref_slice %arg9[%add3A_61, %dma_wait3A_68] : memref<40x128xi32, #tpu.memory_space<vmem>> -> memref<1x128xi32, #tpu.memory_space<vmem>>
        %dma_wait3A_70 = tpu.memref_squeeze %dma_wait3A_69 : memref<1x128xi32, #tpu.memory_space<vmem>> -> memref<128xi32, #tpu.memory_space<vmem>>
        %dma_wait3A_71 = arith.constant 0 : i32
        %dma_wait3A_72 = arith.constant 0 : i32
        %dma_wait3A_73 = tpu.memref_slice %arg7[%dma_wait3A_71, %dma_wait3A_72] : memref<10240x128xf32, #tpu.memory_space<vmem_shared>> -> memref<10240x128xf32, #tpu.memory_space<vmem_shared>>
        tpu.wait_indirect_dma semaphore(%run_scoped3A : memref<!tpu.dma_semaphore, #tpu.memory_space<semaphore_mem>>) src(%arg11 : memref<128x128xf32, #tpu.memory_space<vmem>>) dst(%dma_wait3A_73 : memref<10240x128xf32, #tpu.memory_space<vmem_shared>>)
        tpu.yield
      }) : () -> ()
    }
    %scan3A_13 = arith.constant 20 : i32
    "tpu.region"() ({
      %run_scoped3A = tpu.sem_alloc : memref<!tpu.dma_semaphore, #tpu.memory_space<semaphore_mem>>
      %dma_start3A_32 = arith.constant 40 : i32
      %dma_start3A_33 = arith.constant 0 : i32
      %dma_start3A_34 = tpu.memref_slice %arg2[%add3A, %dma_start3A_32, %dma_start3A_33] : memref<32x80x128xi32, #tpu.memory_space<hbm>> -> memref<1x40x128xi32, #tpu.memory_space<hbm>>
      %dma_start3A_35 = tpu.memref_squeeze %dma_start3A_34 : memref<1x40x128xi32, #tpu.memory_space<hbm>> -> memref<40x128xi32, #tpu.memory_space<hbm>>
      %dma_start3A_36 = arith.constant 40 : i32
      %dma_start3A_37 = arith.constant 0 : i32
      %dma_start3A_38 = tpu.memref_slice %arg2[%add3A, %dma_start3A_36, %dma_start3A_37] : memref<32x80x128xi32, #tpu.memory_space<hbm>> -> memref<1x40x128xi32, #tpu.memory_space<hbm>>
      %dma_start3A_39 = tpu.memref_squeeze %dma_start3A_38 : memref<1x40x128xi32, #tpu.memory_space<hbm>> -> memref<40x128xi32, #tpu.memory_space<hbm>>
      tpu.enqueue_dma source(%dma_start3A_39 : memref<40x128xi32, #tpu.memory_space<hbm>>) target(%arg8 : memref<40x128xi32, #tpu.memory_space<vmem>>) target_semaphore(%run_scoped3A : memref<!tpu.dma_semaphore, #tpu.memory_space<semaphore_mem>>)
      %dma_wait3A = arith.constant 40 : i32
      %dma_wait3A_40 = arith.constant 0 : i32
      %dma_wait3A_41 = tpu.memref_slice %arg2[%add3A, %dma_wait3A, %dma_wait3A_40] : memref<32x80x128xi32, #tpu.memory_space<hbm>> -> memref<1x40x128xi32, #tpu.memory_space<hbm>>
      %dma_wait3A_42 = tpu.memref_squeeze %dma_wait3A_41 : memref<1x40x128xi32, #tpu.memory_space<hbm>> -> memref<40x128xi32, #tpu.memory_space<hbm>>
      %dma_wait3A_43 = arith.constant 40 : i32
      %dma_wait3A_44 = arith.constant 0 : i32
      %dma_wait3A_45 = tpu.memref_slice %arg2[%add3A, %dma_wait3A_43, %dma_wait3A_44] : memref<32x80x128xi32, #tpu.memory_space<hbm>> -> memref<1x40x128xi32, #tpu.memory_space<hbm>>
      %dma_wait3A_46 = tpu.memref_squeeze %dma_wait3A_45 : memref<1x40x128xi32, #tpu.memory_space<hbm>> -> memref<40x128xi32, #tpu.memory_space<hbm>>
      tpu.wait_dma2 semaphore(%run_scoped3A : memref<!tpu.dma_semaphore, #tpu.memory_space<semaphore_mem>>) src(%dma_wait3A_46 : memref<40x128xi32, #tpu.memory_space<hbm>>) dst(%arg8 : memref<40x128xi32, #tpu.memory_space<vmem>>)
      tpu.yield
    }) : () -> ()
    "tpu.region"() ({
      %run_scoped3A = tpu.sem_alloc : memref<!tpu.dma_semaphore, #tpu.memory_space<semaphore_mem>>
      %dma_start3A_32 = arith.constant 40 : i32
      %dma_start3A_33 = arith.constant 0 : i32
      %dma_start3A_34 = tpu.memref_slice %arg3[%add3A, %dma_start3A_32, %dma_start3A_33] : memref<32x80x128xi32, #tpu.memory_space<hbm>> -> memref<1x40x128xi32, #tpu.memory_space<hbm>>
      %dma_start3A_35 = tpu.memref_squeeze %dma_start3A_34 : memref<1x40x128xi32, #tpu.memory_space<hbm>> -> memref<40x128xi32, #tpu.memory_space<hbm>>
      %dma_start3A_36 = arith.constant 40 : i32
      %dma_start3A_37 = arith.constant 0 : i32
      %dma_start3A_38 = tpu.memref_slice %arg3[%add3A, %dma_start3A_36, %dma_start3A_37] : memref<32x80x128xi32, #tpu.memory_space<hbm>> -> memref<1x40x128xi32, #tpu.memory_space<hbm>>
      %dma_start3A_39 = tpu.memref_squeeze %dma_start3A_38 : memref<1x40x128xi32, #tpu.memory_space<hbm>> -> memref<40x128xi32, #tpu.memory_space<hbm>>
      tpu.enqueue_dma source(%dma_start3A_39 : memref<40x128xi32, #tpu.memory_space<hbm>>) target(%arg9 : memref<40x128xi32, #tpu.memory_space<vmem>>) target_semaphore(%run_scoped3A : memref<!tpu.dma_semaphore, #tpu.memory_space<semaphore_mem>>)
      %dma_wait3A = arith.constant 40 : i32
      %dma_wait3A_40 = arith.constant 0 : i32
      %dma_wait3A_41 = tpu.memref_slice %arg3[%add3A, %dma_wait3A, %dma_wait3A_40] : memref<32x80x128xi32, #tpu.memory_space<hbm>> -> memref<1x40x128xi32, #tpu.memory_space<hbm>>
      %dma_wait3A_42 = tpu.memref_squeeze %dma_wait3A_41 : memref<1x40x128xi32, #tpu.memory_space<hbm>> -> memref<40x128xi32, #tpu.memory_space<hbm>>
      %dma_wait3A_43 = arith.constant 40 : i32
      %dma_wait3A_44 = arith.constant 0 : i32
      %dma_wait3A_45 = tpu.memref_slice %arg3[%add3A, %dma_wait3A_43, %dma_wait3A_44] : memref<32x80x128xi32, #tpu.memory_space<hbm>> -> memref<1x40x128xi32, #tpu.memory_space<hbm>>
      %dma_wait3A_46 = tpu.memref_squeeze %dma_wait3A_45 : memref<1x40x128xi32, #tpu.memory_space<hbm>> -> memref<40x128xi32, #tpu.memory_space<hbm>>
      tpu.wait_dma2 semaphore(%run_scoped3A : memref<!tpu.dma_semaphore, #tpu.memory_space<semaphore_mem>>) src(%dma_wait3A_46 : memref<40x128xi32, #tpu.memory_space<hbm>>) dst(%arg9 : memref<40x128xi32, #tpu.memory_space<vmem>>)
      tpu.yield
    }) : () -> ()
    %dma_start3A_14 = arith.constant 0 : i32
    %dma_start3A_15 = arith.constant 0 : i32
    %dma_start3A_16 = tpu.memref_slice %arg8[%dma_start3A_14, %dma_start3A_15] : memref<40x128xi32, #tpu.memory_space<vmem>> -> memref<1x128xi32, #tpu.memory_space<vmem>>
    %dma_start3A_17 = tpu.memref_squeeze %dma_start3A_16 : memref<1x128xi32, #tpu.memory_space<vmem>> -> memref<128xi32, #tpu.memory_space<vmem>>
    %dma_start3A_18 = arith.constant 0 : i32
    %dma_start3A_19 = arith.constant 0 : i32
    %dma_start3A_20 = tpu.memref_slice %arg4[%dma_start3A_18, %dma_start3A_19] : memref<10000x128xf32, #tpu.memory_space<hbm>> -> memref<10000x128xf32, #tpu.memory_space<hbm>>
    tpu.enqueue_indirect_dma source(%dma_start3A_20 : memref<10000x128xf32, #tpu.memory_space<hbm>>) target(%arg10 : memref<128x128xf32, #tpu.memory_space<vmem>>) offsets(%dma_start3A_17 : memref<128xi32, #tpu.memory_space<vmem>>) semaphore(%arg12 : memref<!tpu.dma_semaphore, #tpu.memory_space<semaphore_mem>>)
    %scan3A_21 = arith.constant 0 : i32
    %scan3A_22 = arith.constant 0 : i32
    %scan3A_23 = arith.constant 20 : i32
    %scan3A_24 = arith.addi %scan3A_22, %scan3A_23 : i32
    %scan3A_25 = arith.constant 1 : i32
    scf.for %scan3A_32 = %scan3A_22 to %scan3A_24 step %scan3A_25  : i32 {
      %mul3A_33 = arith.constant 2 : i32
      %mul3A_34 = arith.muli %scan3A_32, %mul3A_33 : i32
      %add3A_35 = arith.constant 1 : i32
      %add3A_36 = arith.addi %mul3A_34, %add3A_35 : i32
      %dma_start3A_37 = arith.constant 0 : i32
      %dma_start3A_38 = tpu.memref_slice %arg8[%add3A_36, %dma_start3A_37] : memref<40x128xi32, #tpu.memory_space<vmem>> -> memref<1x128xi32, #tpu.memory_space<vmem>>
      %dma_start3A_39 = tpu.memref_squeeze %dma_start3A_38 : memref<1x128xi32, #tpu.memory_space<vmem>> -> memref<128xi32, #tpu.memory_space<vmem>>
      %dma_start3A_40 = arith.constant 0 : i32
      %dma_start3A_41 = arith.constant 0 : i32
      %dma_start3A_42 = tpu.memref_slice %arg4[%dma_start3A_40, %dma_start3A_41] : memref<10000x128xf32, #tpu.memory_space<hbm>> -> memref<10000x128xf32, #tpu.memory_space<hbm>>
      tpu.enqueue_indirect_dma source(%dma_start3A_42 : memref<10000x128xf32, #tpu.memory_space<hbm>>) target(%arg11 : memref<128x128xf32, #tpu.memory_space<vmem>>) offsets(%dma_start3A_39 : memref<128xi32, #tpu.memory_space<vmem>>) semaphore(%arg13 : memref<!tpu.dma_semaphore, #tpu.memory_space<semaphore_mem>>)
      %dma_wait3A = arith.constant 0 : i32
      %dma_wait3A_43 = tpu.memref_slice %arg8[%mul3A_34, %dma_wait3A] : memref<40x128xi32, #tpu.memory_space<vmem>> -> memref<1x128xi32, #tpu.memory_space<vmem>>
      %dma_wait3A_44 = tpu.memref_squeeze %dma_wait3A_43 : memref<1x128xi32, #tpu.memory_space<vmem>> -> memref<128xi32, #tpu.memory_space<vmem>>
      %dma_wait3A_45 = arith.constant 0 : i32
      %dma_wait3A_46 = arith.constant 0 : i32
      %dma_wait3A_47 = tpu.memref_slice %arg4[%dma_wait3A_45, %dma_wait3A_46] : memref<10000x128xf32, #tpu.memory_space<hbm>> -> memref<10000x128xf32, #tpu.memory_space<hbm>>
      tpu.wait_indirect_dma semaphore(%arg12 : memref<!tpu.dma_semaphore, #tpu.memory_space<semaphore_mem>>) src(%dma_wait3A_47 : memref<10000x128xf32, #tpu.memory_space<hbm>>) dst(%arg10 : memref<128x128xf32, #tpu.memory_space<vmem>>)
      "tpu.region"() ({
        %run_scoped3A = tpu.sem_alloc : memref<!tpu.dma_semaphore, #tpu.memory_space<semaphore_mem>>
        %dma_start3A_62 = arith.constant 0 : i32
        %dma_start3A_63 = tpu.memref_slice %arg9[%mul3A_34, %dma_start3A_62] : memref<40x128xi32, #tpu.memory_space<vmem>> -> memref<1x128xi32, #tpu.memory_space<vmem>>
        %dma_start3A_64 = tpu.memref_squeeze %dma_start3A_63 : memref<1x128xi32, #tpu.memory_space<vmem>> -> memref<128xi32, #tpu.memory_space<vmem>>
        %dma_start3A_65 = arith.constant 0 : i32
        %dma_start3A_66 = arith.constant 0 : i32
        %dma_start3A_67 = tpu.memref_slice %arg7[%dma_start3A_65, %dma_start3A_66] : memref<10240x128xf32, #tpu.memory_space<vmem_shared>> -> memref<10240x128xf32, #tpu.memory_space<vmem_shared>>
        tpu.enqueue_indirect_dma source(%arg10 : memref<128x128xf32, #tpu.memory_space<vmem>>) target(%dma_start3A_67 : memref<10240x128xf32, #tpu.memory_space<vmem_shared>>) offsets(%dma_start3A_64 : memref<128xi32, #tpu.memory_space<vmem>>) semaphore(%run_scoped3A : memref<!tpu.dma_semaphore, #tpu.memory_space<semaphore_mem>>) {add = true}
        %dma_wait3A_68 = arith.constant 0 : i32
        %dma_wait3A_69 = tpu.memref_slice %arg9[%mul3A_34, %dma_wait3A_68] : memref<40x128xi32, #tpu.memory_space<vmem>> -> memref<1x128xi32, #tpu.memory_space<vmem>>
        %dma_wait3A_70 = tpu.memref_squeeze %dma_wait3A_69 : memref<1x128xi32, #tpu.memory_space<vmem>> -> memref<128xi32, #tpu.memory_space<vmem>>
        %dma_wait3A_71 = arith.constant 0 : i32
        %dma_wait3A_72 = arith.constant 0 : i32
        %dma_wait3A_73 = tpu.memref_slice %arg7[%dma_wait3A_71, %dma_wait3A_72] : memref<10240x128xf32, #tpu.memory_space<vmem_shared>> -> memref<10240x128xf32, #tpu.memory_space<vmem_shared>>
        tpu.wait_indirect_dma semaphore(%run_scoped3A : memref<!tpu.dma_semaphore, #tpu.memory_space<semaphore_mem>>) src(%arg10 : memref<128x128xf32, #tpu.memory_space<vmem>>) dst(%dma_wait3A_73 : memref<10240x128xf32, #tpu.memory_space<vmem_shared>>)
        tpu.yield
      }) : () -> ()
      %add3A_48 = arith.constant 2 : i32
      %add3A_49 = arith.addi %mul3A_34, %add3A_48 : i32
      %lt3A = arith.constant 40 : i32
      %lt3A_50 = arith.cmpi slt, %add3A_49, %lt3A : i32
      %convert_element_type3A = arith.extui %lt3A_50 : i1 to i32
      %cond3A = arith.constant 0 : i32
      %cond3A_51 = arith.cmpi ne, %convert_element_type3A, %cond3A : i32
      scf.if %cond3A_51 {
        %add3A_62 = arith.constant 2 : i32
        %add3A_63 = arith.addi %mul3A_34, %add3A_62 : i32
        %dma_start3A_64 = arith.constant 0 : i32
        %dma_start3A_65 = tpu.memref_slice %arg8[%add3A_63, %dma_start3A_64] : memref<40x128xi32, #tpu.memory_space<vmem>> -> memref<1x128xi32, #tpu.memory_space<vmem>>
        %dma_start3A_66 = tpu.memref_squeeze %dma_start3A_65 : memref<1x128xi32, #tpu.memory_space<vmem>> -> memref<128xi32, #tpu.memory_space<vmem>>
        %dma_start3A_67 = arith.constant 0 : i32
        %dma_start3A_68 = arith.constant 0 : i32
        %dma_start3A_69 = tpu.memref_slice %arg4[%dma_start3A_67, %dma_start3A_68] : memref<10000x128xf32, #tpu.memory_space<hbm>> -> memref<10000x128xf32, #tpu.memory_space<hbm>>
        tpu.enqueue_indirect_dma source(%dma_start3A_69 : memref<10000x128xf32, #tpu.memory_space<hbm>>) target(%arg10 : memref<128x128xf32, #tpu.memory_space<vmem>>) offsets(%dma_start3A_66 : memref<128xi32, #tpu.memory_space<vmem>>) semaphore(%arg12 : memref<!tpu.dma_semaphore, #tpu.memory_space<semaphore_mem>>)
      } else {
      }
      %add3A_52 = arith.constant 1 : i32
      %add3A_53 = arith.addi %mul3A_34, %add3A_52 : i32
      %dma_wait3A_54 = arith.constant 0 : i32
      %dma_wait3A_55 = tpu.memref_slice %arg8[%add3A_53, %dma_wait3A_54] : memref<40x128xi32, #tpu.memory_space<vmem>> -> memref<1x128xi32, #tpu.memory_space<vmem>>
      %dma_wait3A_56 = tpu.memref_squeeze %dma_wait3A_55 : memref<1x128xi32, #tpu.memory_space<vmem>> -> memref<128xi32, #tpu.memory_space<vmem>>
      %dma_wait3A_57 = arith.constant 0 : i32
      %dma_wait3A_58 = arith.constant 0 : i32
      %dma_wait3A_59 = tpu.memref_slice %arg4[%dma_wait3A_57, %dma_wait3A_58] : memref<10000x128xf32, #tpu.memory_space<hbm>> -> memref<10000x128xf32, #tpu.memory_space<hbm>>
      tpu.wait_indirect_dma semaphore(%arg13 : memref<!tpu.dma_semaphore, #tpu.memory_space<semaphore_mem>>) src(%dma_wait3A_59 : memref<10000x128xf32, #tpu.memory_space<hbm>>) dst(%arg11 : memref<128x128xf32, #tpu.memory_space<vmem>>)
      %add3A_60 = arith.constant 1 : i32
      %add3A_61 = arith.addi %mul3A_34, %add3A_60 : i32
      "tpu.region"() ({
        %run_scoped3A = tpu.sem_alloc : memref<!tpu.dma_semaphore, #tpu.memory_space<semaphore_mem>>
        %dma_start3A_62 = arith.constant 0 : i32
        %dma_start3A_63 = tpu.memref_slice %arg9[%add3A_61, %dma_start3A_62] : memref<40x128xi32, #tpu.memory_space<vmem>> -> memref<1x128xi32, #tpu.memory_space<vmem>>
        %dma_start3A_64 = tpu.memref_squeeze %dma_start3A_63 : memref<1x128xi32, #tpu.memory_space<vmem>> -> memref<128xi32, #tpu.memory_space<vmem>>
        %dma_start3A_65 = arith.constant 0 : i32
        %dma_start3A_66 = arith.constant 0 : i32
        %dma_start3A_67 = tpu.memref_slice %arg7[%dma_start3A_65, %dma_start3A_66] : memref<10240x128xf32, #tpu.memory_space<vmem_shared>> -> memref<10240x128xf32, #tpu.memory_space<vmem_shared>>
        tpu.enqueue_indirect_dma source(%arg11 : memref<128x128xf32, #tpu.memory_space<vmem>>) target(%dma_start3A_67 : memref<10240x128xf32, #tpu.memory_space<vmem_shared>>) offsets(%dma_start3A_64 : memref<128xi32, #tpu.memory_space<vmem>>) semaphore(%run_scoped3A : memref<!tpu.dma_semaphore, #tpu.memory_space<semaphore_mem>>) {add = true}
        %dma_wait3A_68 = arith.constant 0 : i32
        %dma_wait3A_69 = tpu.memref_slice %arg9[%add3A_61, %dma_wait3A_68] : memref<40x128xi32, #tpu.memory_space<vmem>> -> memref<1x128xi32, #tpu.memory_space<vmem>>
        %dma_wait3A_70 = tpu.memref_squeeze %dma_wait3A_69 : memref<1x128xi32, #tpu.memory_space<vmem>> -> memref<128xi32, #tpu.memory_space<vmem>>
        %dma_wait3A_71 = arith.constant 0 : i32
        %dma_wait3A_72 = arith.constant 0 : i32
        %dma_wait3A_73 = tpu.memref_slice %arg7[%dma_wait3A_71, %dma_wait3A_72] : memref<10240x128xf32, #tpu.memory_space<vmem_shared>> -> memref<10240x128xf32, #tpu.memory_space<vmem_shared>>
        tpu.wait_indirect_dma semaphore(%run_scoped3A : memref<!tpu.dma_semaphore, #tpu.memory_space<semaphore_mem>>) src(%arg11 : memref<128x128xf32, #tpu.memory_space<vmem>>) dst(%dma_wait3A_73 : memref<10240x128xf32, #tpu.memory_space<vmem_shared>>)
        tpu.yield
      }) : () -> ()
    }
    %scan3A_26 = arith.constant 20 : i32
    %barrier3A_27 = arith.constant 0 : index
    tpu.barrier barrier_id(%barrier3A_27)
    %mul3A_28 = arith.constant 640 : i32
    %mul3A_29 = arith.muli %arg1, %mul3A_28 : i32
    %mul3A_30 = arith.constant 640 : i32
    %mul3A_31 = arith.muli %arg1, %mul3A_30 : i32
    "tpu.region"() ({
      %run_scoped3A = tpu.sem_alloc : memref<!tpu.dma_semaphore, #tpu.memory_space<semaphore_mem>>
      %dma_start3A_32 = arith.constant 0 : i32
      %dma_start3A_33 = tpu.memref_slice %arg6[%arg0, %mul3A_31, %dma_start3A_32] : memref<2x10240x128xf32, #tpu.memory_space<hbm>> -> memref<1x640x128xf32, #tpu.memory_space<hbm>>
      %dma_start3A_34 = tpu.memref_squeeze %dma_start3A_33 : memref<1x640x128xf32, #tpu.memory_space<hbm>> -> memref<640x128xf32, #tpu.memory_space<hbm>>
      %dma_start3A_35 = arith.constant 0 : i32
      %dma_start3A_36 = tpu.memref_slice %arg7[%mul3A_29, %dma_start3A_35] : memref<10240x128xf32, #tpu.memory_space<vmem_shared>> -> memref<640x128xf32, #tpu.memory_space<vmem_shared>>
      tpu.enqueue_dma source(%dma_start3A_36 : memref<640x128xf32, #tpu.memory_space<vmem_shared>>) target(%dma_start3A_34 : memref<640x128xf32, #tpu.memory_space<hbm>>) target_semaphore(%run_scoped3A : memref<!tpu.dma_semaphore, #tpu.memory_space<semaphore_mem>>)
      %dma_wait3A = arith.constant 0 : i32
      %dma_wait3A_37 = tpu.memref_slice %arg6[%arg0, %mul3A_31, %dma_wait3A] : memref<2x10240x128xf32, #tpu.memory_space<hbm>> -> memref<1x640x128xf32, #tpu.memory_space<hbm>>
      %dma_wait3A_38 = tpu.memref_squeeze %dma_wait3A_37 : memref<1x640x128xf32, #tpu.memory_space<hbm>> -> memref<640x128xf32, #tpu.memory_space<hbm>>
      %dma_wait3A_39 = arith.constant 0 : i32
      %dma_wait3A_40 = tpu.memref_slice %arg7[%mul3A_29, %dma_wait3A_39] : memref<10240x128xf32, #tpu.memory_space<vmem_shared>> -> memref<640x128xf32, #tpu.memory_space<vmem_shared>>
      tpu.wait_dma2 semaphore(%run_scoped3A : memref<!tpu.dma_semaphore, #tpu.memory_space<semaphore_mem>>) src(%dma_wait3A_40 : memref<640x128xf32, #tpu.memory_space<vmem_shared>>) dst(%dma_wait3A_38 : memref<640x128xf32, #tpu.memory_space<hbm>>)
      tpu.yield
    }) : () -> ()
    return
  }
}

#map = affine_map<(d0, d1) -> (0, 0, 0)>
#map1 = affine_map<(d0, d1) -> (0, 0)>
module attributes {stable_mosaic.version = 14 : i64} {
  func.func @_sc_deg(%arg0: i32, %arg1: i32, %arg2: memref<32x80x128xi32, #tpu.memory_space<hbm>>, %arg3: memref<640x128xf32, #tpu.memory_space<hbm>>, %arg4: memref<128x128xf32, #tpu.memory_space<hbm>>, %arg5: memref<2x10240x128xf32, #tpu.memory_space<hbm>>, %arg6: memref<10240x128xf32, #tpu.memory_space<vmem_shared>>, %arg7: memref<80x128xi32, #tpu.memory_space<vmem>>, %arg8: memref<128x128xf32, #tpu.memory_space<vmem>>) attributes {dimension_semantics = [#tpu.dimension_semantics<core_parallel>, #tpu.dimension_semantics<subcore_parallel>], iteration_bounds = array<i64: 2, 16>, scalar_prefetch = 0 : i64, scratch_operands = 3 : i64, tpu.core_type = #tpu.core_type<sc_vector_subcore>, window_params = [{transform_indices = #map}, {transform_indices = #map1}, {transform_indices = #map1}, {transform_indices = #map}]} {
    %mul3A = arith.constant 2 : i32
    %mul3A_0 = arith.muli %arg1, %mul3A : i32
    %add3A = arith.addi %mul3A_0, %arg0 : i32
    %mul3A_1 = arith.constant 640 : i32
    %mul3A_2 = arith.muli %arg1, %mul3A_1 : i32
    "tpu.region"() ({
      %run_scoped3A = tpu.sem_alloc : memref<!tpu.dma_semaphore, #tpu.memory_space<semaphore_mem>>
      %dma_start3A = arith.constant 0 : i32
      %dma_start3A_13 = tpu.memref_slice %arg6[%mul3A_2, %dma_start3A] : memref<10240x128xf32, #tpu.memory_space<vmem_shared>> -> memref<640x128xf32, #tpu.memory_space<vmem_shared>>
      tpu.enqueue_dma source(%arg3 : memref<640x128xf32, #tpu.memory_space<hbm>>) target(%dma_start3A_13 : memref<640x128xf32, #tpu.memory_space<vmem_shared>>) target_semaphore(%run_scoped3A : memref<!tpu.dma_semaphore, #tpu.memory_space<semaphore_mem>>)
      %dma_wait3A = arith.constant 0 : i32
      %dma_wait3A_14 = tpu.memref_slice %arg6[%mul3A_2, %dma_wait3A] : memref<10240x128xf32, #tpu.memory_space<vmem_shared>> -> memref<640x128xf32, #tpu.memory_space<vmem_shared>>
      tpu.wait_dma2 semaphore(%run_scoped3A : memref<!tpu.dma_semaphore, #tpu.memory_space<semaphore_mem>>) src(%arg3 : memref<640x128xf32, #tpu.memory_space<hbm>>) dst(%dma_wait3A_14 : memref<640x128xf32, #tpu.memory_space<vmem_shared>>)
      tpu.yield
    }) : () -> ()
    "tpu.region"() ({
      %run_scoped3A = tpu.sem_alloc : memref<!tpu.dma_semaphore, #tpu.memory_space<semaphore_mem>>
      %dma_start3A = arith.constant 0 : i32
      %dma_start3A_13 = arith.constant 0 : i32
      %dma_start3A_14 = tpu.memref_slice %arg2[%add3A, %dma_start3A, %dma_start3A_13] : memref<32x80x128xi32, #tpu.memory_space<hbm>> -> memref<1x80x128xi32, #tpu.memory_space<hbm>>
      %dma_start3A_15 = tpu.memref_squeeze %dma_start3A_14 : memref<1x80x128xi32, #tpu.memory_space<hbm>> -> memref<80x128xi32, #tpu.memory_space<hbm>>
      %dma_start3A_16 = arith.constant 0 : i32
      %dma_start3A_17 = arith.constant 0 : i32
      %dma_start3A_18 = tpu.memref_slice %arg2[%add3A, %dma_start3A_16, %dma_start3A_17] : memref<32x80x128xi32, #tpu.memory_space<hbm>> -> memref<1x80x128xi32, #tpu.memory_space<hbm>>
      %dma_start3A_19 = tpu.memref_squeeze %dma_start3A_18 : memref<1x80x128xi32, #tpu.memory_space<hbm>> -> memref<80x128xi32, #tpu.memory_space<hbm>>
      tpu.enqueue_dma source(%dma_start3A_19 : memref<80x128xi32, #tpu.memory_space<hbm>>) target(%arg7 : memref<80x128xi32, #tpu.memory_space<vmem>>) target_semaphore(%run_scoped3A : memref<!tpu.dma_semaphore, #tpu.memory_space<semaphore_mem>>)
      %dma_wait3A = arith.constant 0 : i32
      %dma_wait3A_20 = arith.constant 0 : i32
      %dma_wait3A_21 = tpu.memref_slice %arg2[%add3A, %dma_wait3A, %dma_wait3A_20] : memref<32x80x128xi32, #tpu.memory_space<hbm>> -> memref<1x80x128xi32, #tpu.memory_space<hbm>>
      %dma_wait3A_22 = tpu.memref_squeeze %dma_wait3A_21 : memref<1x80x128xi32, #tpu.memory_space<hbm>> -> memref<80x128xi32, #tpu.memory_space<hbm>>
      %dma_wait3A_23 = arith.constant 0 : i32
      %dma_wait3A_24 = arith.constant 0 : i32
      %dma_wait3A_25 = tpu.memref_slice %arg2[%add3A, %dma_wait3A_23, %dma_wait3A_24] : memref<32x80x128xi32, #tpu.memory_space<hbm>> -> memref<1x80x128xi32, #tpu.memory_space<hbm>>
      %dma_wait3A_26 = tpu.memref_squeeze %dma_wait3A_25 : memref<1x80x128xi32, #tpu.memory_space<hbm>> -> memref<80x128xi32, #tpu.memory_space<hbm>>
      tpu.wait_dma2 semaphore(%run_scoped3A : memref<!tpu.dma_semaphore, #tpu.memory_space<semaphore_mem>>) src(%dma_wait3A_26 : memref<80x128xi32, #tpu.memory_space<hbm>>) dst(%arg7 : memref<80x128xi32, #tpu.memory_space<vmem>>)
      tpu.yield
    }) : () -> ()
    "tpu.region"() ({
      %run_scoped3A = tpu.sem_alloc : memref<!tpu.dma_semaphore, #tpu.memory_space<semaphore_mem>>
      tpu.enqueue_dma source(%arg4 : memref<128x128xf32, #tpu.memory_space<hbm>>) target(%arg8 : memref<128x128xf32, #tpu.memory_space<vmem>>) target_semaphore(%run_scoped3A : memref<!tpu.dma_semaphore, #tpu.memory_space<semaphore_mem>>)
      tpu.wait_dma2 semaphore(%run_scoped3A : memref<!tpu.dma_semaphore, #tpu.memory_space<semaphore_mem>>) src(%arg4 : memref<128x128xf32, #tpu.memory_space<hbm>>) dst(%arg8 : memref<128x128xf32, #tpu.memory_space<vmem>>)
      tpu.yield
    }) : () -> ()
    %barrier3A = arith.constant 0 : index
    tpu.barrier barrier_id(%barrier3A)
    %scan3A = arith.constant 0 : i32
    %scan3A_3 = arith.constant 0 : i32
    %scan3A_4 = arith.constant 80 : i32
    %scan3A_5 = arith.addi %scan3A_3, %scan3A_4 : i32
    %scan3A_6 = arith.constant 1 : i32
    scf.for %scan3A_13 = %scan3A_3 to %scan3A_5 step %scan3A_6  : i32 {
      "tpu.region"() ({
        %run_scoped3A = tpu.sem_alloc : memref<!tpu.dma_semaphore, #tpu.memory_space<semaphore_mem>>
        %dma_start3A = arith.constant 0 : i32
        %dma_start3A_14 = tpu.memref_slice %arg7[%scan3A_13, %dma_start3A] : memref<80x128xi32, #tpu.memory_space<vmem>> -> memref<1x128xi32, #tpu.memory_space<vmem>>
        %dma_start3A_15 = tpu.memref_squeeze %dma_start3A_14 : memref<1x128xi32, #tpu.memory_space<vmem>> -> memref<128xi32, #tpu.memory_space<vmem>>
        %dma_start3A_16 = arith.constant 0 : i32
        %dma_start3A_17 = arith.constant 0 : i32
        %dma_start3A_18 = tpu.memref_slice %arg6[%dma_start3A_16, %dma_start3A_17] : memref<10240x128xf32, #tpu.memory_space<vmem_shared>> -> memref<10240x128xf32, #tpu.memory_space<vmem_shared>>
        tpu.enqueue_indirect_dma source(%arg8 : memref<128x128xf32, #tpu.memory_space<vmem>>) target(%dma_start3A_18 : memref<10240x128xf32, #tpu.memory_space<vmem_shared>>) offsets(%dma_start3A_15 : memref<128xi32, #tpu.memory_space<vmem>>) semaphore(%run_scoped3A : memref<!tpu.dma_semaphore, #tpu.memory_space<semaphore_mem>>) {add = true}
        %dma_wait3A = arith.constant 0 : i32
        %dma_wait3A_19 = tpu.memref_slice %arg7[%scan3A_13, %dma_wait3A] : memref<80x128xi32, #tpu.memory_space<vmem>> -> memref<1x128xi32, #tpu.memory_space<vmem>>
        %dma_wait3A_20 = tpu.memref_squeeze %dma_wait3A_19 : memref<1x128xi32, #tpu.memory_space<vmem>> -> memref<128xi32, #tpu.memory_space<vmem>>
        %dma_wait3A_21 = arith.constant 0 : i32
        %dma_wait3A_22 = arith.constant 0 : i32
        %dma_wait3A_23 = tpu.memref_slice %arg6[%dma_wait3A_21, %dma_wait3A_22] : memref<10240x128xf32, #tpu.memory_space<vmem_shared>> -> memref<10240x128xf32, #tpu.memory_space<vmem_shared>>
        tpu.wait_indirect_dma semaphore(%run_scoped3A : memref<!tpu.dma_semaphore, #tpu.memory_space<semaphore_mem>>) src(%arg8 : memref<128x128xf32, #tpu.memory_space<vmem>>) dst(%dma_wait3A_23 : memref<10240x128xf32, #tpu.memory_space<vmem_shared>>)
        tpu.yield
      }) : () -> ()
    }
    %scan3A_7 = arith.constant 80 : i32
    %barrier3A_8 = arith.constant 0 : index
    tpu.barrier barrier_id(%barrier3A_8)
    %mul3A_9 = arith.constant 640 : i32
    %mul3A_10 = arith.muli %arg1, %mul3A_9 : i32
    %mul3A_11 = arith.constant 640 : i32
    %mul3A_12 = arith.muli %arg1, %mul3A_11 : i32
    "tpu.region"() ({
      %run_scoped3A = tpu.sem_alloc : memref<!tpu.dma_semaphore, #tpu.memory_space<semaphore_mem>>
      %dma_start3A = arith.constant 0 : i32
      %dma_start3A_13 = tpu.memref_slice %arg5[%arg0, %mul3A_12, %dma_start3A] : memref<2x10240x128xf32, #tpu.memory_space<hbm>> -> memref<1x640x128xf32, #tpu.memory_space<hbm>>
      %dma_start3A_14 = tpu.memref_squeeze %dma_start3A_13 : memref<1x640x128xf32, #tpu.memory_space<hbm>> -> memref<640x128xf32, #tpu.memory_space<hbm>>
      %dma_start3A_15 = arith.constant 0 : i32
      %dma_start3A_16 = tpu.memref_slice %arg6[%mul3A_10, %dma_start3A_15] : memref<10240x128xf32, #tpu.memory_space<vmem_shared>> -> memref<640x128xf32, #tpu.memory_space<vmem_shared>>
      tpu.enqueue_dma source(%dma_start3A_16 : memref<640x128xf32, #tpu.memory_space<vmem_shared>>) target(%dma_start3A_14 : memref<640x128xf32, #tpu.memory_space<hbm>>) target_semaphore(%run_scoped3A : memref<!tpu.dma_semaphore, #tpu.memory_space<semaphore_mem>>)
      %dma_wait3A = arith.constant 0 : i32
      %dma_wait3A_17 = tpu.memref_slice %arg5[%arg0, %mul3A_12, %dma_wait3A] : memref<2x10240x128xf32, #tpu.memory_space<hbm>> -> memref<1x640x128xf32, #tpu.memory_space<hbm>>
      %dma_wait3A_18 = tpu.memref_squeeze %dma_wait3A_17 : memref<1x640x128xf32, #tpu.memory_space<hbm>> -> memref<640x128xf32, #tpu.memory_space<hbm>>
      %dma_wait3A_19 = arith.constant 0 : i32
      %dma_wait3A_20 = tpu.memref_slice %arg6[%mul3A_10, %dma_wait3A_19] : memref<10240x128xf32, #tpu.memory_space<vmem_shared>> -> memref<640x128xf32, #tpu.memory_space<vmem_shared>>
      tpu.wait_dma2 semaphore(%run_scoped3A : memref<!tpu.dma_semaphore, #tpu.memory_space<semaphore_mem>>) src(%dma_wait3A_20 : memref<640x128xf32, #tpu.memory_space<vmem_shared>>) dst(%dma_wait3A_18 : memref<640x128xf32, #tpu.memory_space<hbm>>)
      tpu.yield
    }) : () -> ()
    return
  }
}

#map = affine_map<(d0, d1) -> (0, 0, 0)>
#map1 = affine_map<(d0, d1) -> (0, 0)>
module attributes {stable_mosaic.version = 14 : i64} {
  func.func @_sc_prop(%arg0: i32, %arg1: i32, %arg2: memref<32x80x128xi32, #tpu.memory_space<hbm>>, %arg3: memref<32x80x128xi32, #tpu.memory_space<hbm>>, %arg4: memref<10000x128xf32, #tpu.memory_space<hbm>>, %arg5: memref<640x128xf32, #tpu.memory_space<hbm>>, %arg6: memref<2x10240x128xf32, #tpu.memory_space<hbm>>, %arg7: memref<10240x128xf32, #tpu.memory_space<vmem_shared>>, %arg8: memref<40x128xi32, #tpu.memory_space<vmem>>, %arg9: memref<40x128xi32, #tpu.memory_space<vmem>>, %arg10: memref<128x128xf32, #tpu.memory_space<vmem>>, %arg11: memref<128x128xf32, #tpu.memory_space<vmem>>, %arg12: memref<!tpu.dma_semaphore, #tpu.memory_space<semaphore_mem>>, %arg13: memref<!tpu.dma_semaphore, #tpu.memory_space<semaphore_mem>>) attributes {dimension_semantics = [#tpu.dimension_semantics<core_parallel>, #tpu.dimension_semantics<subcore_parallel>], iteration_bounds = array<i64: 2, 16>, scalar_prefetch = 0 : i64, scratch_operands = 7 : i64, tpu.core_type = #tpu.core_type<sc_vector_subcore>, window_params = [{transform_indices = #map}, {transform_indices = #map}, {transform_indices = #map1}, {transform_indices = #map1}, {transform_indices = #map}]} {
    %mul3A = arith.constant 2 : i32
    %mul3A_0 = arith.muli %arg1, %mul3A : i32
    %add3A = arith.addi %mul3A_0, %arg0 : i32
    %mul3A_1 = arith.constant 640 : i32
    %mul3A_2 = arith.muli %arg1, %mul3A_1 : i32
    "tpu.region"() ({
      %run_scoped3A = tpu.sem_alloc : memref<!tpu.dma_semaphore, #tpu.memory_space<semaphore_mem>>
      %dma_start3A_32 = arith.constant 0 : i32
      %dma_start3A_33 = tpu.memref_slice %arg7[%mul3A_2, %dma_start3A_32] : memref<10240x128xf32, #tpu.memory_space<vmem_shared>> -> memref<640x128xf32, #tpu.memory_space<vmem_shared>>
      tpu.enqueue_dma source(%arg5 : memref<640x128xf32, #tpu.memory_space<hbm>>) target(%dma_start3A_33 : memref<640x128xf32, #tpu.memory_space<vmem_shared>>) target_semaphore(%run_scoped3A : memref<!tpu.dma_semaphore, #tpu.memory_space<semaphore_mem>>)
      %dma_wait3A = arith.constant 0 : i32
      %dma_wait3A_34 = tpu.memref_slice %arg7[%mul3A_2, %dma_wait3A] : memref<10240x128xf32, #tpu.memory_space<vmem_shared>> -> memref<640x128xf32, #tpu.memory_space<vmem_shared>>
      tpu.wait_dma2 semaphore(%run_scoped3A : memref<!tpu.dma_semaphore, #tpu.memory_space<semaphore_mem>>) src(%arg5 : memref<640x128xf32, #tpu.memory_space<hbm>>) dst(%dma_wait3A_34 : memref<640x128xf32, #tpu.memory_space<vmem_shared>>)
      tpu.yield
    }) : () -> ()
    %barrier3A = arith.constant 0 : index
    tpu.barrier barrier_id(%barrier3A)
    "tpu.region"() ({
      %run_scoped3A = tpu.sem_alloc : memref<!tpu.dma_semaphore, #tpu.memory_space<semaphore_mem>>
      %dma_start3A_32 = arith.constant 0 : i32
      %dma_start3A_33 = arith.constant 0 : i32
      %dma_start3A_34 = tpu.memref_slice %arg2[%add3A, %dma_start3A_32, %dma_start3A_33] : memref<32x80x128xi32, #tpu.memory_space<hbm>> -> memref<1x40x128xi32, #tpu.memory_space<hbm>>
      %dma_start3A_35 = tpu.memref_squeeze %dma_start3A_34 : memref<1x40x128xi32, #tpu.memory_space<hbm>> -> memref<40x128xi32, #tpu.memory_space<hbm>>
      %dma_start3A_36 = arith.constant 0 : i32
      %dma_start3A_37 = arith.constant 0 : i32
      %dma_start3A_38 = tpu.memref_slice %arg2[%add3A, %dma_start3A_36, %dma_start3A_37] : memref<32x80x128xi32, #tpu.memory_space<hbm>> -> memref<1x40x128xi32, #tpu.memory_space<hbm>>
      %dma_start3A_39 = tpu.memref_squeeze %dma_start3A_38 : memref<1x40x128xi32, #tpu.memory_space<hbm>> -> memref<40x128xi32, #tpu.memory_space<hbm>>
      tpu.enqueue_dma source(%dma_start3A_39 : memref<40x128xi32, #tpu.memory_space<hbm>>) target(%arg8 : memref<40x128xi32, #tpu.memory_space<vmem>>) target_semaphore(%run_scoped3A : memref<!tpu.dma_semaphore, #tpu.memory_space<semaphore_mem>>)
      %dma_wait3A = arith.constant 0 : i32
      %dma_wait3A_40 = arith.constant 0 : i32
      %dma_wait3A_41 = tpu.memref_slice %arg2[%add3A, %dma_wait3A, %dma_wait3A_40] : memref<32x80x128xi32, #tpu.memory_space<hbm>> -> memref<1x40x128xi32, #tpu.memory_space<hbm>>
      %dma_wait3A_42 = tpu.memref_squeeze %dma_wait3A_41 : memref<1x40x128xi32, #tpu.memory_space<hbm>> -> memref<40x128xi32, #tpu.memory_space<hbm>>
      %dma_wait3A_43 = arith.constant 0 : i32
      %dma_wait3A_44 = arith.constant 0 : i32
      %dma_wait3A_45 = tpu.memref_slice %arg2[%add3A, %dma_wait3A_43, %dma_wait3A_44] : memref<32x80x128xi32, #tpu.memory_space<hbm>> -> memref<1x40x128xi32, #tpu.memory_space<hbm>>
      %dma_wait3A_46 = tpu.memref_squeeze %dma_wait3A_45 : memref<1x40x128xi32, #tpu.memory_space<hbm>> -> memref<40x128xi32, #tpu.memory_space<hbm>>
      tpu.wait_dma2 semaphore(%run_scoped3A : memref<!tpu.dma_semaphore, #tpu.memory_space<semaphore_mem>>) src(%dma_wait3A_46 : memref<40x128xi32, #tpu.memory_space<hbm>>) dst(%arg8 : memref<40x128xi32, #tpu.memory_space<vmem>>)
      tpu.yield
    }) : () -> ()
    "tpu.region"() ({
      %run_scoped3A = tpu.sem_alloc : memref<!tpu.dma_semaphore, #tpu.memory_space<semaphore_mem>>
      %dma_start3A_32 = arith.constant 0 : i32
      %dma_start3A_33 = arith.constant 0 : i32
      %dma_start3A_34 = tpu.memref_slice %arg3[%add3A, %dma_start3A_32, %dma_start3A_33] : memref<32x80x128xi32, #tpu.memory_space<hbm>> -> memref<1x40x128xi32, #tpu.memory_space<hbm>>
      %dma_start3A_35 = tpu.memref_squeeze %dma_start3A_34 : memref<1x40x128xi32, #tpu.memory_space<hbm>> -> memref<40x128xi32, #tpu.memory_space<hbm>>
      %dma_start3A_36 = arith.constant 0 : i32
      %dma_start3A_37 = arith.constant 0 : i32
      %dma_start3A_38 = tpu.memref_slice %arg3[%add3A, %dma_start3A_36, %dma_start3A_37] : memref<32x80x128xi32, #tpu.memory_space<hbm>> -> memref<1x40x128xi32, #tpu.memory_space<hbm>>
      %dma_start3A_39 = tpu.memref_squeeze %dma_start3A_38 : memref<1x40x128xi32, #tpu.memory_space<hbm>> -> memref<40x128xi32, #tpu.memory_space<hbm>>
      tpu.enqueue_dma source(%dma_start3A_39 : memref<40x128xi32, #tpu.memory_space<hbm>>) target(%arg9 : memref<40x128xi32, #tpu.memory_space<vmem>>) target_semaphore(%run_scoped3A : memref<!tpu.dma_semaphore, #tpu.memory_space<semaphore_mem>>)
      %dma_wait3A = arith.constant 0 : i32
      %dma_wait3A_40 = arith.constant 0 : i32
      %dma_wait3A_41 = tpu.memref_slice %arg3[%add3A, %dma_wait3A, %dma_wait3A_40] : memref<32x80x128xi32, #tpu.memory_space<hbm>> -> memref<1x40x128xi32, #tpu.memory_space<hbm>>
      %dma_wait3A_42 = tpu.memref_squeeze %dma_wait3A_41 : memref<1x40x128xi32, #tpu.memory_space<hbm>> -> memref<40x128xi32, #tpu.memory_space<hbm>>
      %dma_wait3A_43 = arith.constant 0 : i32
      %dma_wait3A_44 = arith.constant 0 : i32
      %dma_wait3A_45 = tpu.memref_slice %arg3[%add3A, %dma_wait3A_43, %dma_wait3A_44] : memref<32x80x128xi32, #tpu.memory_space<hbm>> -> memref<1x40x128xi32, #tpu.memory_space<hbm>>
      %dma_wait3A_46 = tpu.memref_squeeze %dma_wait3A_45 : memref<1x40x128xi32, #tpu.memory_space<hbm>> -> memref<40x128xi32, #tpu.memory_space<hbm>>
      tpu.wait_dma2 semaphore(%run_scoped3A : memref<!tpu.dma_semaphore, #tpu.memory_space<semaphore_mem>>) src(%dma_wait3A_46 : memref<40x128xi32, #tpu.memory_space<hbm>>) dst(%arg9 : memref<40x128xi32, #tpu.memory_space<vmem>>)
      tpu.yield
    }) : () -> ()
    %dma_start3A = arith.constant 0 : i32
    %dma_start3A_3 = arith.constant 0 : i32
    %dma_start3A_4 = tpu.memref_slice %arg8[%dma_start3A, %dma_start3A_3] : memref<40x128xi32, #tpu.memory_space<vmem>> -> memref<1x128xi32, #tpu.memory_space<vmem>>
    %dma_start3A_5 = tpu.memref_squeeze %dma_start3A_4 : memref<1x128xi32, #tpu.memory_space<vmem>> -> memref<128xi32, #tpu.memory_space<vmem>>
    %dma_start3A_6 = arith.constant 0 : i32
    %dma_start3A_7 = arith.constant 0 : i32
    %dma_start3A_8 = tpu.memref_slice %arg4[%dma_start3A_6, %dma_start3A_7] : memref<10000x128xf32, #tpu.memory_space<hbm>> -> memref<10000x128xf32, #tpu.memory_space<hbm>>
    tpu.enqueue_indirect_dma source(%dma_start3A_8 : memref<10000x128xf32, #tpu.memory_space<hbm>>) target(%arg10 : memref<128x128xf32, #tpu.memory_space<vmem>>) offsets(%dma_start3A_5 : memref<128xi32, #tpu.memory_space<vmem>>) semaphore(%arg12 : memref<!tpu.dma_semaphore, #tpu.memory_space<semaphore_mem>>)
    %scan3A = arith.constant 0 : i32
    %scan3A_9 = arith.constant 0 : i32
    %scan3A_10 = arith.constant 20 : i32
    %scan3A_11 = arith.addi %scan3A_9, %scan3A_10 : i32
    %scan3A_12 = arith.constant 1 : i32
    scf.for %scan3A_32 = %scan3A_9 to %scan3A_11 step %scan3A_12  : i32 {
      %mul3A_33 = arith.constant 2 : i32
      %mul3A_34 = arith.muli %scan3A_32, %mul3A_33 : i32
      %add3A_35 = arith.constant 1 : i32
      %add3A_36 = arith.addi %mul3A_34, %add3A_35 : i32
      %dma_start3A_37 = arith.constant 0 : i32
      %dma_start3A_38 = tpu.memref_slice %arg8[%add3A_36, %dma_start3A_37] : memref<40x128xi32, #tpu.memory_space<vmem>> -> memref<1x128xi32, #tpu.memory_space<vmem>>
      %dma_start3A_39 = tpu.memref_squeeze %dma_start3A_38 : memref<1x128xi32, #tpu.memory_space<vmem>> -> memref<128xi32, #tpu.memory_space<vmem>>
      %dma_start3A_40 = arith.constant 0 : i32
      %dma_start3A_41 = arith.constant 0 : i32
      %dma_start3A_42 = tpu.memref_slice %arg4[%dma_start3A_40, %dma_start3A_41] : memref<10000x128xf32, #tpu.memory_space<hbm>> -> memref<10000x128xf32, #tpu.memory_space<hbm>>
      tpu.enqueue_indirect_dma source(%dma_start3A_42 : memref<10000x128xf32, #tpu.memory_space<hbm>>) target(%arg11 : memref<128x128xf32, #tpu.memory_space<vmem>>) offsets(%dma_start3A_39 : memref<128xi32, #tpu.memory_space<vmem>>) semaphore(%arg13 : memref<!tpu.dma_semaphore, #tpu.memory_space<semaphore_mem>>)
      %dma_wait3A = arith.constant 0 : i32
      %dma_wait3A_43 = tpu.memref_slice %arg8[%mul3A_34, %dma_wait3A] : memref<40x128xi32, #tpu.memory_space<vmem>> -> memref<1x128xi32, #tpu.memory_space<vmem>>
      %dma_wait3A_44 = tpu.memref_squeeze %dma_wait3A_43 : memref<1x128xi32, #tpu.memory_space<vmem>> -> memref<128xi32, #tpu.memory_space<vmem>>
      %dma_wait3A_45 = arith.constant 0 : i32
      %dma_wait3A_46 = arith.constant 0 : i32
      %dma_wait3A_47 = tpu.memref_slice %arg4[%dma_wait3A_45, %dma_wait3A_46] : memref<10000x128xf32, #tpu.memory_space<hbm>> -> memref<10000x128xf32, #tpu.memory_space<hbm>>
      tpu.wait_indirect_dma semaphore(%arg12 : memref<!tpu.dma_semaphore, #tpu.memory_space<semaphore_mem>>) src(%dma_wait3A_47 : memref<10000x128xf32, #tpu.memory_space<hbm>>) dst(%arg10 : memref<128x128xf32, #tpu.memory_space<vmem>>)
      "tpu.region"() ({
        %run_scoped3A = tpu.sem_alloc : memref<!tpu.dma_semaphore, #tpu.memory_space<semaphore_mem>>
        %dma_start3A_62 = arith.constant 0 : i32
        %dma_start3A_63 = tpu.memref_slice %arg9[%mul3A_34, %dma_start3A_62] : memref<40x128xi32, #tpu.memory_space<vmem>> -> memref<1x128xi32, #tpu.memory_space<vmem>>
        %dma_start3A_64 = tpu.memref_squeeze %dma_start3A_63 : memref<1x128xi32, #tpu.memory_space<vmem>> -> memref<128xi32, #tpu.memory_space<vmem>>
        %dma_start3A_65 = arith.constant 0 : i32
        %dma_start3A_66 = arith.constant 0 : i32
        %dma_start3A_67 = tpu.memref_slice %arg7[%dma_start3A_65, %dma_start3A_66] : memref<10240x128xf32, #tpu.memory_space<vmem_shared>> -> memref<10240x128xf32, #tpu.memory_space<vmem_shared>>
        tpu.enqueue_indirect_dma source(%arg10 : memref<128x128xf32, #tpu.memory_space<vmem>>) target(%dma_start3A_67 : memref<10240x128xf32, #tpu.memory_space<vmem_shared>>) offsets(%dma_start3A_64 : memref<128xi32, #tpu.memory_space<vmem>>) semaphore(%run_scoped3A : memref<!tpu.dma_semaphore, #tpu.memory_space<semaphore_mem>>) {add = true}
        %dma_wait3A_68 = arith.constant 0 : i32
        %dma_wait3A_69 = tpu.memref_slice %arg9[%mul3A_34, %dma_wait3A_68] : memref<40x128xi32, #tpu.memory_space<vmem>> -> memref<1x128xi32, #tpu.memory_space<vmem>>
        %dma_wait3A_70 = tpu.memref_squeeze %dma_wait3A_69 : memref<1x128xi32, #tpu.memory_space<vmem>> -> memref<128xi32, #tpu.memory_space<vmem>>
        %dma_wait3A_71 = arith.constant 0 : i32
        %dma_wait3A_72 = arith.constant 0 : i32
        %dma_wait3A_73 = tpu.memref_slice %arg7[%dma_wait3A_71, %dma_wait3A_72] : memref<10240x128xf32, #tpu.memory_space<vmem_shared>> -> memref<10240x128xf32, #tpu.memory_space<vmem_shared>>
        tpu.wait_indirect_dma semaphore(%run_scoped3A : memref<!tpu.dma_semaphore, #tpu.memory_space<semaphore_mem>>) src(%arg10 : memref<128x128xf32, #tpu.memory_space<vmem>>) dst(%dma_wait3A_73 : memref<10240x128xf32, #tpu.memory_space<vmem_shared>>)
        tpu.yield
      }) : () -> ()
      %add3A_48 = arith.constant 2 : i32
      %add3A_49 = arith.addi %mul3A_34, %add3A_48 : i32
      %lt3A = arith.constant 40 : i32
      %lt3A_50 = arith.cmpi slt, %add3A_49, %lt3A : i32
      %convert_element_type3A = arith.extui %lt3A_50 : i1 to i32
      %cond3A = arith.constant 0 : i32
      %cond3A_51 = arith.cmpi ne, %convert_element_type3A, %cond3A : i32
      scf.if %cond3A_51 {
        %add3A_62 = arith.constant 2 : i32
        %add3A_63 = arith.addi %mul3A_34, %add3A_62 : i32
        %dma_start3A_64 = arith.constant 0 : i32
        %dma_start3A_65 = tpu.memref_slice %arg8[%add3A_63, %dma_start3A_64] : memref<40x128xi32, #tpu.memory_space<vmem>> -> memref<1x128xi32, #tpu.memory_space<vmem>>
        %dma_start3A_66 = tpu.memref_squeeze %dma_start3A_65 : memref<1x128xi32, #tpu.memory_space<vmem>> -> memref<128xi32, #tpu.memory_space<vmem>>
        %dma_start3A_67 = arith.constant 0 : i32
        %dma_start3A_68 = arith.constant 0 : i32
        %dma_start3A_69 = tpu.memref_slice %arg4[%dma_start3A_67, %dma_start3A_68] : memref<10000x128xf32, #tpu.memory_space<hbm>> -> memref<10000x128xf32, #tpu.memory_space<hbm>>
        tpu.enqueue_indirect_dma source(%dma_start3A_69 : memref<10000x128xf32, #tpu.memory_space<hbm>>) target(%arg10 : memref<128x128xf32, #tpu.memory_space<vmem>>) offsets(%dma_start3A_66 : memref<128xi32, #tpu.memory_space<vmem>>) semaphore(%arg12 : memref<!tpu.dma_semaphore, #tpu.memory_space<semaphore_mem>>)
      } else {
      }
      %add3A_52 = arith.constant 1 : i32
      %add3A_53 = arith.addi %mul3A_34, %add3A_52 : i32
      %dma_wait3A_54 = arith.constant 0 : i32
      %dma_wait3A_55 = tpu.memref_slice %arg8[%add3A_53, %dma_wait3A_54] : memref<40x128xi32, #tpu.memory_space<vmem>> -> memref<1x128xi32, #tpu.memory_space<vmem>>
      %dma_wait3A_56 = tpu.memref_squeeze %dma_wait3A_55 : memref<1x128xi32, #tpu.memory_space<vmem>> -> memref<128xi32, #tpu.memory_space<vmem>>
      %dma_wait3A_57 = arith.constant 0 : i32
      %dma_wait3A_58 = arith.constant 0 : i32
      %dma_wait3A_59 = tpu.memref_slice %arg4[%dma_wait3A_57, %dma_wait3A_58] : memref<10000x128xf32, #tpu.memory_space<hbm>> -> memref<10000x128xf32, #tpu.memory_space<hbm>>
      tpu.wait_indirect_dma semaphore(%arg13 : memref<!tpu.dma_semaphore, #tpu.memory_space<semaphore_mem>>) src(%dma_wait3A_59 : memref<10000x128xf32, #tpu.memory_space<hbm>>) dst(%arg11 : memref<128x128xf32, #tpu.memory_space<vmem>>)
      %add3A_60 = arith.constant 1 : i32
      %add3A_61 = arith.addi %mul3A_34, %add3A_60 : i32
      "tpu.region"() ({
        %run_scoped3A = tpu.sem_alloc : memref<!tpu.dma_semaphore, #tpu.memory_space<semaphore_mem>>
        %dma_start3A_62 = arith.constant 0 : i32
        %dma_start3A_63 = tpu.memref_slice %arg9[%add3A_61, %dma_start3A_62] : memref<40x128xi32, #tpu.memory_space<vmem>> -> memref<1x128xi32, #tpu.memory_space<vmem>>
        %dma_start3A_64 = tpu.memref_squeeze %dma_start3A_63 : memref<1x128xi32, #tpu.memory_space<vmem>> -> memref<128xi32, #tpu.memory_space<vmem>>
        %dma_start3A_65 = arith.constant 0 : i32
        %dma_start3A_66 = arith.constant 0 : i32
        %dma_start3A_67 = tpu.memref_slice %arg7[%dma_start3A_65, %dma_start3A_66] : memref<10240x128xf32, #tpu.memory_space<vmem_shared>> -> memref<10240x128xf32, #tpu.memory_space<vmem_shared>>
        tpu.enqueue_indirect_dma source(%arg11 : memref<128x128xf32, #tpu.memory_space<vmem>>) target(%dma_start3A_67 : memref<10240x128xf32, #tpu.memory_space<vmem_shared>>) offsets(%dma_start3A_64 : memref<128xi32, #tpu.memory_space<vmem>>) semaphore(%run_scoped3A : memref<!tpu.dma_semaphore, #tpu.memory_space<semaphore_mem>>) {add = true}
        %dma_wait3A_68 = arith.constant 0 : i32
        %dma_wait3A_69 = tpu.memref_slice %arg9[%add3A_61, %dma_wait3A_68] : memref<40x128xi32, #tpu.memory_space<vmem>> -> memref<1x128xi32, #tpu.memory_space<vmem>>
        %dma_wait3A_70 = tpu.memref_squeeze %dma_wait3A_69 : memref<1x128xi32, #tpu.memory_space<vmem>> -> memref<128xi32, #tpu.memory_space<vmem>>
        %dma_wait3A_71 = arith.constant 0 : i32
        %dma_wait3A_72 = arith.constant 0 : i32
        %dma_wait3A_73 = tpu.memref_slice %arg7[%dma_wait3A_71, %dma_wait3A_72] : memref<10240x128xf32, #tpu.memory_space<vmem_shared>> -> memref<10240x128xf32, #tpu.memory_space<vmem_shared>>
        tpu.wait_indirect_dma semaphore(%run_scoped3A : memref<!tpu.dma_semaphore, #tpu.memory_space<semaphore_mem>>) src(%arg11 : memref<128x128xf32, #tpu.memory_space<vmem>>) dst(%dma_wait3A_73 : memref<10240x128xf32, #tpu.memory_space<vmem_shared>>)
        tpu.yield
      }) : () -> ()
    }
    %scan3A_13 = arith.constant 20 : i32
    "tpu.region"() ({
      %run_scoped3A = tpu.sem_alloc : memref<!tpu.dma_semaphore, #tpu.memory_space<semaphore_mem>>
      %dma_start3A_32 = arith.constant 40 : i32
      %dma_start3A_33 = arith.constant 0 : i32
      %dma_start3A_34 = tpu.memref_slice %arg2[%add3A, %dma_start3A_32, %dma_start3A_33] : memref<32x80x128xi32, #tpu.memory_space<hbm>> -> memref<1x40x128xi32, #tpu.memory_space<hbm>>
      %dma_start3A_35 = tpu.memref_squeeze %dma_start3A_34 : memref<1x40x128xi32, #tpu.memory_space<hbm>> -> memref<40x128xi32, #tpu.memory_space<hbm>>
      %dma_start3A_36 = arith.constant 40 : i32
      %dma_start3A_37 = arith.constant 0 : i32
      %dma_start3A_38 = tpu.memref_slice %arg2[%add3A, %dma_start3A_36, %dma_start3A_37] : memref<32x80x128xi32, #tpu.memory_space<hbm>> -> memref<1x40x128xi32, #tpu.memory_space<hbm>>
      %dma_start3A_39 = tpu.memref_squeeze %dma_start3A_38 : memref<1x40x128xi32, #tpu.memory_space<hbm>> -> memref<40x128xi32, #tpu.memory_space<hbm>>
      tpu.enqueue_dma source(%dma_start3A_39 : memref<40x128xi32, #tpu.memory_space<hbm>>) target(%arg8 : memref<40x128xi32, #tpu.memory_space<vmem>>) target_semaphore(%run_scoped3A : memref<!tpu.dma_semaphore, #tpu.memory_space<semaphore_mem>>)
      %dma_wait3A = arith.constant 40 : i32
      %dma_wait3A_40 = arith.constant 0 : i32
      %dma_wait3A_41 = tpu.memref_slice %arg2[%add3A, %dma_wait3A, %dma_wait3A_40] : memref<32x80x128xi32, #tpu.memory_space<hbm>> -> memref<1x40x128xi32, #tpu.memory_space<hbm>>
      %dma_wait3A_42 = tpu.memref_squeeze %dma_wait3A_41 : memref<1x40x128xi32, #tpu.memory_space<hbm>> -> memref<40x128xi32, #tpu.memory_space<hbm>>
      %dma_wait3A_43 = arith.constant 40 : i32
      %dma_wait3A_44 = arith.constant 0 : i32
      %dma_wait3A_45 = tpu.memref_slice %arg2[%add3A, %dma_wait3A_43, %dma_wait3A_44] : memref<32x80x128xi32, #tpu.memory_space<hbm>> -> memref<1x40x128xi32, #tpu.memory_space<hbm>>
      %dma_wait3A_46 = tpu.memref_squeeze %dma_wait3A_45 : memref<1x40x128xi32, #tpu.memory_space<hbm>> -> memref<40x128xi32, #tpu.memory_space<hbm>>
      tpu.wait_dma2 semaphore(%run_scoped3A : memref<!tpu.dma_semaphore, #tpu.memory_space<semaphore_mem>>) src(%dma_wait3A_46 : memref<40x128xi32, #tpu.memory_space<hbm>>) dst(%arg8 : memref<40x128xi32, #tpu.memory_space<vmem>>)
      tpu.yield
    }) : () -> ()
    "tpu.region"() ({
      %run_scoped3A = tpu.sem_alloc : memref<!tpu.dma_semaphore, #tpu.memory_space<semaphore_mem>>
      %dma_start3A_32 = arith.constant 40 : i32
      %dma_start3A_33 = arith.constant 0 : i32
      %dma_start3A_34 = tpu.memref_slice %arg3[%add3A, %dma_start3A_32, %dma_start3A_33] : memref<32x80x128xi32, #tpu.memory_space<hbm>> -> memref<1x40x128xi32, #tpu.memory_space<hbm>>
      %dma_start3A_35 = tpu.memref_squeeze %dma_start3A_34 : memref<1x40x128xi32, #tpu.memory_space<hbm>> -> memref<40x128xi32, #tpu.memory_space<hbm>>
      %dma_start3A_36 = arith.constant 40 : i32
      %dma_start3A_37 = arith.constant 0 : i32
      %dma_start3A_38 = tpu.memref_slice %arg3[%add3A, %dma_start3A_36, %dma_start3A_37] : memref<32x80x128xi32, #tpu.memory_space<hbm>> -> memref<1x40x128xi32, #tpu.memory_space<hbm>>
      %dma_start3A_39 = tpu.memref_squeeze %dma_start3A_38 : memref<1x40x128xi32, #tpu.memory_space<hbm>> -> memref<40x128xi32, #tpu.memory_space<hbm>>
      tpu.enqueue_dma source(%dma_start3A_39 : memref<40x128xi32, #tpu.memory_space<hbm>>) target(%arg9 : memref<40x128xi32, #tpu.memory_space<vmem>>) target_semaphore(%run_scoped3A : memref<!tpu.dma_semaphore, #tpu.memory_space<semaphore_mem>>)
      %dma_wait3A = arith.constant 40 : i32
      %dma_wait3A_40 = arith.constant 0 : i32
      %dma_wait3A_41 = tpu.memref_slice %arg3[%add3A, %dma_wait3A, %dma_wait3A_40] : memref<32x80x128xi32, #tpu.memory_space<hbm>> -> memref<1x40x128xi32, #tpu.memory_space<hbm>>
      %dma_wait3A_42 = tpu.memref_squeeze %dma_wait3A_41 : memref<1x40x128xi32, #tpu.memory_space<hbm>> -> memref<40x128xi32, #tpu.memory_space<hbm>>
      %dma_wait3A_43 = arith.constant 40 : i32
      %dma_wait3A_44 = arith.constant 0 : i32
      %dma_wait3A_45 = tpu.memref_slice %arg3[%add3A, %dma_wait3A_43, %dma_wait3A_44] : memref<32x80x128xi32, #tpu.memory_space<hbm>> -> memref<1x40x128xi32, #tpu.memory_space<hbm>>
      %dma_wait3A_46 = tpu.memref_squeeze %dma_wait3A_45 : memref<1x40x128xi32, #tpu.memory_space<hbm>> -> memref<40x128xi32, #tpu.memory_space<hbm>>
      tpu.wait_dma2 semaphore(%run_scoped3A : memref<!tpu.dma_semaphore, #tpu.memory_space<semaphore_mem>>) src(%dma_wait3A_46 : memref<40x128xi32, #tpu.memory_space<hbm>>) dst(%arg9 : memref<40x128xi32, #tpu.memory_space<vmem>>)
      tpu.yield
    }) : () -> ()
    %dma_start3A_14 = arith.constant 0 : i32
    %dma_start3A_15 = arith.constant 0 : i32
    %dma_start3A_16 = tpu.memref_slice %arg8[%dma_start3A_14, %dma_start3A_15] : memref<40x128xi32, #tpu.memory_space<vmem>> -> memref<1x128xi32, #tpu.memory_space<vmem>>
    %dma_start3A_17 = tpu.memref_squeeze %dma_start3A_16 : memref<1x128xi32, #tpu.memory_space<vmem>> -> memref<128xi32, #tpu.memory_space<vmem>>
    %dma_start3A_18 = arith.constant 0 : i32
    %dma_start3A_19 = arith.constant 0 : i32
    %dma_start3A_20 = tpu.memref_slice %arg4[%dma_start3A_18, %dma_start3A_19] : memref<10000x128xf32, #tpu.memory_space<hbm>> -> memref<10000x128xf32, #tpu.memory_space<hbm>>
    tpu.enqueue_indirect_dma source(%dma_start3A_20 : memref<10000x128xf32, #tpu.memory_space<hbm>>) target(%arg10 : memref<128x128xf32, #tpu.memory_space<vmem>>) offsets(%dma_start3A_17 : memref<128xi32, #tpu.memory_space<vmem>>) semaphore(%arg12 : memref<!tpu.dma_semaphore, #tpu.memory_space<semaphore_mem>>)
    %scan3A_21 = arith.constant 0 : i32
    %scan3A_22 = arith.constant 0 : i32
    %scan3A_23 = arith.constant 20 : i32
    %scan3A_24 = arith.addi %scan3A_22, %scan3A_23 : i32
    %scan3A_25 = arith.constant 1 : i32
    scf.for %scan3A_32 = %scan3A_22 to %scan3A_24 step %scan3A_25  : i32 {
      %mul3A_33 = arith.constant 2 : i32
      %mul3A_34 = arith.muli %scan3A_32, %mul3A_33 : i32
      %add3A_35 = arith.constant 1 : i32
      %add3A_36 = arith.addi %mul3A_34, %add3A_35 : i32
      %dma_start3A_37 = arith.constant 0 : i32
      %dma_start3A_38 = tpu.memref_slice %arg8[%add3A_36, %dma_start3A_37] : memref<40x128xi32, #tpu.memory_space<vmem>> -> memref<1x128xi32, #tpu.memory_space<vmem>>
      %dma_start3A_39 = tpu.memref_squeeze %dma_start3A_38 : memref<1x128xi32, #tpu.memory_space<vmem>> -> memref<128xi32, #tpu.memory_space<vmem>>
      %dma_start3A_40 = arith.constant 0 : i32
      %dma_start3A_41 = arith.constant 0 : i32
      %dma_start3A_42 = tpu.memref_slice %arg4[%dma_start3A_40, %dma_start3A_41] : memref<10000x128xf32, #tpu.memory_space<hbm>> -> memref<10000x128xf32, #tpu.memory_space<hbm>>
      tpu.enqueue_indirect_dma source(%dma_start3A_42 : memref<10000x128xf32, #tpu.memory_space<hbm>>) target(%arg11 : memref<128x128xf32, #tpu.memory_space<vmem>>) offsets(%dma_start3A_39 : memref<128xi32, #tpu.memory_space<vmem>>) semaphore(%arg13 : memref<!tpu.dma_semaphore, #tpu.memory_space<semaphore_mem>>)
      %dma_wait3A = arith.constant 0 : i32
      %dma_wait3A_43 = tpu.memref_slice %arg8[%mul3A_34, %dma_wait3A] : memref<40x128xi32, #tpu.memory_space<vmem>> -> memref<1x128xi32, #tpu.memory_space<vmem>>
      %dma_wait3A_44 = tpu.memref_squeeze %dma_wait3A_43 : memref<1x128xi32, #tpu.memory_space<vmem>> -> memref<128xi32, #tpu.memory_space<vmem>>
      %dma_wait3A_45 = arith.constant 0 : i32
      %dma_wait3A_46 = arith.constant 0 : i32
      %dma_wait3A_47 = tpu.memref_slice %arg4[%dma_wait3A_45, %dma_wait3A_46] : memref<10000x128xf32, #tpu.memory_space<hbm>> -> memref<10000x128xf32, #tpu.memory_space<hbm>>
      tpu.wait_indirect_dma semaphore(%arg12 : memref<!tpu.dma_semaphore, #tpu.memory_space<semaphore_mem>>) src(%dma_wait3A_47 : memref<10000x128xf32, #tpu.memory_space<hbm>>) dst(%arg10 : memref<128x128xf32, #tpu.memory_space<vmem>>)
      "tpu.region"() ({
        %run_scoped3A = tpu.sem_alloc : memref<!tpu.dma_semaphore, #tpu.memory_space<semaphore_mem>>
        %dma_start3A_62 = arith.constant 0 : i32
        %dma_start3A_63 = tpu.memref_slice %arg9[%mul3A_34, %dma_start3A_62] : memref<40x128xi32, #tpu.memory_space<vmem>> -> memref<1x128xi32, #tpu.memory_space<vmem>>
        %dma_start3A_64 = tpu.memref_squeeze %dma_start3A_63 : memref<1x128xi32, #tpu.memory_space<vmem>> -> memref<128xi32, #tpu.memory_space<vmem>>
        %dma_start3A_65 = arith.constant 0 : i32
        %dma_start3A_66 = arith.constant 0 : i32
        %dma_start3A_67 = tpu.memref_slice %arg7[%dma_start3A_65, %dma_start3A_66] : memref<10240x128xf32, #tpu.memory_space<vmem_shared>> -> memref<10240x128xf32, #tpu.memory_space<vmem_shared>>
        tpu.enqueue_indirect_dma source(%arg10 : memref<128x128xf32, #tpu.memory_space<vmem>>) target(%dma_start3A_67 : memref<10240x128xf32, #tpu.memory_space<vmem_shared>>) offsets(%dma_start3A_64 : memref<128xi32, #tpu.memory_space<vmem>>) semaphore(%run_scoped3A : memref<!tpu.dma_semaphore, #tpu.memory_space<semaphore_mem>>) {add = true}
        %dma_wait3A_68 = arith.constant 0 : i32
        %dma_wait3A_69 = tpu.memref_slice %arg9[%mul3A_34, %dma_wait3A_68] : memref<40x128xi32, #tpu.memory_space<vmem>> -> memref<1x128xi32, #tpu.memory_space<vmem>>
        %dma_wait3A_70 = tpu.memref_squeeze %dma_wait3A_69 : memref<1x128xi32, #tpu.memory_space<vmem>> -> memref<128xi32, #tpu.memory_space<vmem>>
        %dma_wait3A_71 = arith.constant 0 : i32
        %dma_wait3A_72 = arith.constant 0 : i32
        %dma_wait3A_73 = tpu.memref_slice %arg7[%dma_wait3A_71, %dma_wait3A_72] : memref<10240x128xf32, #tpu.memory_space<vmem_shared>> -> memref<10240x128xf32, #tpu.memory_space<vmem_shared>>
        tpu.wait_indirect_dma semaphore(%run_scoped3A : memref<!tpu.dma_semaphore, #tpu.memory_space<semaphore_mem>>) src(%arg10 : memref<128x128xf32, #tpu.memory_space<vmem>>) dst(%dma_wait3A_73 : memref<10240x128xf32, #tpu.memory_space<vmem_shared>>)
        tpu.yield
      }) : () -> ()
      %add3A_48 = arith.constant 2 : i32
      %add3A_49 = arith.addi %mul3A_34, %add3A_48 : i32
      %lt3A = arith.constant 40 : i32
      %lt3A_50 = arith.cmpi slt, %add3A_49, %lt3A : i32
      %convert_element_type3A = arith.extui %lt3A_50 : i1 to i32
      %cond3A = arith.constant 0 : i32
      %cond3A_51 = arith.cmpi ne, %convert_element_type3A, %cond3A : i32
      scf.if %cond3A_51 {
        %add3A_62 = arith.constant 2 : i32
        %add3A_63 = arith.addi %mul3A_34, %add3A_62 : i32
        %dma_start3A_64 = arith.constant 0 : i32
        %dma_start3A_65 = tpu.memref_slice %arg8[%add3A_63, %dma_start3A_64] : memref<40x128xi32, #tpu.memory_space<vmem>> -> memref<1x128xi32, #tpu.memory_space<vmem>>
        %dma_start3A_66 = tpu.memref_squeeze %dma_start3A_65 : memref<1x128xi32, #tpu.memory_space<vmem>> -> memref<128xi32, #tpu.memory_space<vmem>>
        %dma_start3A_67 = arith.constant 0 : i32
        %dma_start3A_68 = arith.constant 0 : i32
        %dma_start3A_69 = tpu.memref_slice %arg4[%dma_start3A_67, %dma_start3A_68] : memref<10000x128xf32, #tpu.memory_space<hbm>> -> memref<10000x128xf32, #tpu.memory_space<hbm>>
        tpu.enqueue_indirect_dma source(%dma_start3A_69 : memref<10000x128xf32, #tpu.memory_space<hbm>>) target(%arg10 : memref<128x128xf32, #tpu.memory_space<vmem>>) offsets(%dma_start3A_66 : memref<128xi32, #tpu.memory_space<vmem>>) semaphore(%arg12 : memref<!tpu.dma_semaphore, #tpu.memory_space<semaphore_mem>>)
      } else {
      }
      %add3A_52 = arith.constant 1 : i32
      %add3A_53 = arith.addi %mul3A_34, %add3A_52 : i32
      %dma_wait3A_54 = arith.constant 0 : i32
      %dma_wait3A_55 = tpu.memref_slice %arg8[%add3A_53, %dma_wait3A_54] : memref<40x128xi32, #tpu.memory_space<vmem>> -> memref<1x128xi32, #tpu.memory_space<vmem>>
      %dma_wait3A_56 = tpu.memref_squeeze %dma_wait3A_55 : memref<1x128xi32, #tpu.memory_space<vmem>> -> memref<128xi32, #tpu.memory_space<vmem>>
      %dma_wait3A_57 = arith.constant 0 : i32
      %dma_wait3A_58 = arith.constant 0 : i32
      %dma_wait3A_59 = tpu.memref_slice %arg4[%dma_wait3A_57, %dma_wait3A_58] : memref<10000x128xf32, #tpu.memory_space<hbm>> -> memref<10000x128xf32, #tpu.memory_space<hbm>>
      tpu.wait_indirect_dma semaphore(%arg13 : memref<!tpu.dma_semaphore, #tpu.memory_space<semaphore_mem>>) src(%dma_wait3A_59 : memref<10000x128xf32, #tpu.memory_space<hbm>>) dst(%arg11 : memref<128x128xf32, #tpu.memory_space<vmem>>)
      %add3A_60 = arith.constant 1 : i32
      %add3A_61 = arith.addi %mul3A_34, %add3A_60 : i32
      "tpu.region"() ({
        %run_scoped3A = tpu.sem_alloc : memref<!tpu.dma_semaphore, #tpu.memory_space<semaphore_mem>>
        %dma_start3A_62 = arith.constant 0 : i32
        %dma_start3A_63 = tpu.memref_slice %arg9[%add3A_61, %dma_start3A_62] : memref<40x128xi32, #tpu.memory_space<vmem>> -> memref<1x128xi32, #tpu.memory_space<vmem>>
        %dma_start3A_64 = tpu.memref_squeeze %dma_start3A_63 : memref<1x128xi32, #tpu.memory_space<vmem>> -> memref<128xi32, #tpu.memory_space<vmem>>
        %dma_start3A_65 = arith.constant 0 : i32
        %dma_start3A_66 = arith.constant 0 : i32
        %dma_start3A_67 = tpu.memref_slice %arg7[%dma_start3A_65, %dma_start3A_66] : memref<10240x128xf32, #tpu.memory_space<vmem_shared>> -> memref<10240x128xf32, #tpu.memory_space<vmem_shared>>
        tpu.enqueue_indirect_dma source(%arg11 : memref<128x128xf32, #tpu.memory_space<vmem>>) target(%dma_start3A_67 : memref<10240x128xf32, #tpu.memory_space<vmem_shared>>) offsets(%dma_start3A_64 : memref<128xi32, #tpu.memory_space<vmem>>) semaphore(%run_scoped3A : memref<!tpu.dma_semaphore, #tpu.memory_space<semaphore_mem>>) {add = true}
        %dma_wait3A_68 = arith.constant 0 : i32
        %dma_wait3A_69 = tpu.memref_slice %arg9[%add3A_61, %dma_wait3A_68] : memref<40x128xi32, #tpu.memory_space<vmem>> -> memref<1x128xi32, #tpu.memory_space<vmem>>
        %dma_wait3A_70 = tpu.memref_squeeze %dma_wait3A_69 : memref<1x128xi32, #tpu.memory_space<vmem>> -> memref<128xi32, #tpu.memory_space<vmem>>
        %dma_wait3A_71 = arith.constant 0 : i32
        %dma_wait3A_72 = arith.constant 0 : i32
        %dma_wait3A_73 = tpu.memref_slice %arg7[%dma_wait3A_71, %dma_wait3A_72] : memref<10240x128xf32, #tpu.memory_space<vmem_shared>> -> memref<10240x128xf32, #tpu.memory_space<vmem_shared>>
        tpu.wait_indirect_dma semaphore(%run_scoped3A : memref<!tpu.dma_semaphore, #tpu.memory_space<semaphore_mem>>) src(%arg11 : memref<128x128xf32, #tpu.memory_space<vmem>>) dst(%dma_wait3A_73 : memref<10240x128xf32, #tpu.memory_space<vmem_shared>>)
        tpu.yield
      }) : () -> ()
    }
    %scan3A_26 = arith.constant 20 : i32
    %barrier3A_27 = arith.constant 0 : index
    tpu.barrier barrier_id(%barrier3A_27)
    %mul3A_28 = arith.constant 640 : i32
    %mul3A_29 = arith.muli %arg1, %mul3A_28 : i32
    %mul3A_30 = arith.constant 640 : i32
    %mul3A_31 = arith.muli %arg1, %mul3A_30 : i32
    "tpu.region"() ({
      %run_scoped3A = tpu.sem_alloc : memref<!tpu.dma_semaphore, #tpu.memory_space<semaphore_mem>>
      %dma_start3A_32 = arith.constant 0 : i32
      %dma_start3A_33 = tpu.memref_slice %arg6[%arg0, %mul3A_31, %dma_start3A_32] : memref<2x10240x128xf32, #tpu.memory_space<hbm>> -> memref<1x640x128xf32, #tpu.memory_space<hbm>>
      %dma_start3A_34 = tpu.memref_squeeze %dma_start3A_33 : memref<1x640x128xf32, #tpu.memory_space<hbm>> -> memref<640x128xf32, #tpu.memory_space<hbm>>
      %dma_start3A_35 = arith.constant 0 : i32
      %dma_start3A_36 = tpu.memref_slice %arg7[%mul3A_29, %dma_start3A_35] : memref<10240x128xf32, #tpu.memory_space<vmem_shared>> -> memref<640x128xf32, #tpu.memory_space<vmem_shared>>
      tpu.enqueue_dma source(%dma_start3A_36 : memref<640x128xf32, #tpu.memory_space<vmem_shared>>) target(%dma_start3A_34 : memref<640x128xf32, #tpu.memory_space<hbm>>) target_semaphore(%run_scoped3A : memref<!tpu.dma_semaphore, #tpu.memory_space<semaphore_mem>>)
      %dma_wait3A = arith.constant 0 : i32
      %dma_wait3A_37 = tpu.memref_slice %arg6[%arg0, %mul3A_31, %dma_wait3A] : memref<2x10240x128xf32, #tpu.memory_space<hbm>> -> memref<1x640x128xf32, #tpu.memory_space<hbm>>
      %dma_wait3A_38 = tpu.memref_squeeze %dma_wait3A_37 : memref<1x640x128xf32, #tpu.memory_space<hbm>> -> memref<640x128xf32, #tpu.memory_space<hbm>>
      %dma_wait3A_39 = arith.constant 0 : i32
      %dma_wait3A_40 = tpu.memref_slice %arg7[%mul3A_29, %dma_wait3A_39] : memref<10240x128xf32, #tpu.memory_space<vmem_shared>> -> memref<640x128xf32, #tpu.memory_space<vmem_shared>>
      tpu.wait_dma2 semaphore(%run_scoped3A : memref<!tpu.dma_semaphore, #tpu.memory_space<semaphore_mem>>) src(%dma_wait3A_40 : memref<640x128xf32, #tpu.memory_space<vmem_shared>>) dst(%dma_wait3A_38 : memref<640x128xf32, #tpu.memory_space<hbm>>)
      tpu.yield
    }) : () -> ()
    return
  }
}

#map = affine_map<(d0, d1) -> (0, 0, 0)>
#map1 = affine_map<(d0, d1) -> (0, 0)>
module attributes {stable_mosaic.version = 14 : i64} {
  func.func @_sc_prop(%arg0: i32, %arg1: i32, %arg2: memref<32x80x128xi32, #tpu.memory_space<hbm>>, %arg3: memref<32x80x128xi32, #tpu.memory_space<hbm>>, %arg4: memref<10000x128xf32, #tpu.memory_space<hbm>>, %arg5: memref<640x128xf32, #tpu.memory_space<hbm>>, %arg6: memref<2x10240x128xf32, #tpu.memory_space<hbm>>, %arg7: memref<10240x128xf32, #tpu.memory_space<vmem_shared>>, %arg8: memref<40x128xi32, #tpu.memory_space<vmem>>, %arg9: memref<40x128xi32, #tpu.memory_space<vmem>>, %arg10: memref<128x128xf32, #tpu.memory_space<vmem>>, %arg11: memref<128x128xf32, #tpu.memory_space<vmem>>, %arg12: memref<!tpu.dma_semaphore, #tpu.memory_space<semaphore_mem>>, %arg13: memref<!tpu.dma_semaphore, #tpu.memory_space<semaphore_mem>>) attributes {dimension_semantics = [#tpu.dimension_semantics<core_parallel>, #tpu.dimension_semantics<subcore_parallel>], iteration_bounds = array<i64: 2, 16>, scalar_prefetch = 0 : i64, scratch_operands = 7 : i64, tpu.core_type = #tpu.core_type<sc_vector_subcore>, window_params = [{transform_indices = #map}, {transform_indices = #map}, {transform_indices = #map1}, {transform_indices = #map1}, {transform_indices = #map}]} {
    %mul3A = arith.constant 2 : i32
    %mul3A_0 = arith.muli %arg1, %mul3A : i32
    %add3A = arith.addi %mul3A_0, %arg0 : i32
    %mul3A_1 = arith.constant 640 : i32
    %mul3A_2 = arith.muli %arg1, %mul3A_1 : i32
    "tpu.region"() ({
      %run_scoped3A = tpu.sem_alloc : memref<!tpu.dma_semaphore, #tpu.memory_space<semaphore_mem>>
      %dma_start3A_32 = arith.constant 0 : i32
      %dma_start3A_33 = tpu.memref_slice %arg7[%mul3A_2, %dma_start3A_32] : memref<10240x128xf32, #tpu.memory_space<vmem_shared>> -> memref<640x128xf32, #tpu.memory_space<vmem_shared>>
      tpu.enqueue_dma source(%arg5 : memref<640x128xf32, #tpu.memory_space<hbm>>) target(%dma_start3A_33 : memref<640x128xf32, #tpu.memory_space<vmem_shared>>) target_semaphore(%run_scoped3A : memref<!tpu.dma_semaphore, #tpu.memory_space<semaphore_mem>>)
      %dma_wait3A = arith.constant 0 : i32
      %dma_wait3A_34 = tpu.memref_slice %arg7[%mul3A_2, %dma_wait3A] : memref<10240x128xf32, #tpu.memory_space<vmem_shared>> -> memref<640x128xf32, #tpu.memory_space<vmem_shared>>
      tpu.wait_dma2 semaphore(%run_scoped3A : memref<!tpu.dma_semaphore, #tpu.memory_space<semaphore_mem>>) src(%arg5 : memref<640x128xf32, #tpu.memory_space<hbm>>) dst(%dma_wait3A_34 : memref<640x128xf32, #tpu.memory_space<vmem_shared>>)
      tpu.yield
    }) : () -> ()
    %barrier3A = arith.constant 0 : index
    tpu.barrier barrier_id(%barrier3A)
    "tpu.region"() ({
      %run_scoped3A = tpu.sem_alloc : memref<!tpu.dma_semaphore, #tpu.memory_space<semaphore_mem>>
      %dma_start3A_32 = arith.constant 0 : i32
      %dma_start3A_33 = arith.constant 0 : i32
      %dma_start3A_34 = tpu.memref_slice %arg2[%add3A, %dma_start3A_32, %dma_start3A_33] : memref<32x80x128xi32, #tpu.memory_space<hbm>> -> memref<1x40x128xi32, #tpu.memory_space<hbm>>
      %dma_start3A_35 = tpu.memref_squeeze %dma_start3A_34 : memref<1x40x128xi32, #tpu.memory_space<hbm>> -> memref<40x128xi32, #tpu.memory_space<hbm>>
      %dma_start3A_36 = arith.constant 0 : i32
      %dma_start3A_37 = arith.constant 0 : i32
      %dma_start3A_38 = tpu.memref_slice %arg2[%add3A, %dma_start3A_36, %dma_start3A_37] : memref<32x80x128xi32, #tpu.memory_space<hbm>> -> memref<1x40x128xi32, #tpu.memory_space<hbm>>
      %dma_start3A_39 = tpu.memref_squeeze %dma_start3A_38 : memref<1x40x128xi32, #tpu.memory_space<hbm>> -> memref<40x128xi32, #tpu.memory_space<hbm>>
      tpu.enqueue_dma source(%dma_start3A_39 : memref<40x128xi32, #tpu.memory_space<hbm>>) target(%arg8 : memref<40x128xi32, #tpu.memory_space<vmem>>) target_semaphore(%run_scoped3A : memref<!tpu.dma_semaphore, #tpu.memory_space<semaphore_mem>>)
      %dma_wait3A = arith.constant 0 : i32
      %dma_wait3A_40 = arith.constant 0 : i32
      %dma_wait3A_41 = tpu.memref_slice %arg2[%add3A, %dma_wait3A, %dma_wait3A_40] : memref<32x80x128xi32, #tpu.memory_space<hbm>> -> memref<1x40x128xi32, #tpu.memory_space<hbm>>
      %dma_wait3A_42 = tpu.memref_squeeze %dma_wait3A_41 : memref<1x40x128xi32, #tpu.memory_space<hbm>> -> memref<40x128xi32, #tpu.memory_space<hbm>>
      %dma_wait3A_43 = arith.constant 0 : i32
      %dma_wait3A_44 = arith.constant 0 : i32
      %dma_wait3A_45 = tpu.memref_slice %arg2[%add3A, %dma_wait3A_43, %dma_wait3A_44] : memref<32x80x128xi32, #tpu.memory_space<hbm>> -> memref<1x40x128xi32, #tpu.memory_space<hbm>>
      %dma_wait3A_46 = tpu.memref_squeeze %dma_wait3A_45 : memref<1x40x128xi32, #tpu.memory_space<hbm>> -> memref<40x128xi32, #tpu.memory_space<hbm>>
      tpu.wait_dma2 semaphore(%run_scoped3A : memref<!tpu.dma_semaphore, #tpu.memory_space<semaphore_mem>>) src(%dma_wait3A_46 : memref<40x128xi32, #tpu.memory_space<hbm>>) dst(%arg8 : memref<40x128xi32, #tpu.memory_space<vmem>>)
      tpu.yield
    }) : () -> ()
    "tpu.region"() ({
      %run_scoped3A = tpu.sem_alloc : memref<!tpu.dma_semaphore, #tpu.memory_space<semaphore_mem>>
      %dma_start3A_32 = arith.constant 0 : i32
      %dma_start3A_33 = arith.constant 0 : i32
      %dma_start3A_34 = tpu.memref_slice %arg3[%add3A, %dma_start3A_32, %dma_start3A_33] : memref<32x80x128xi32, #tpu.memory_space<hbm>> -> memref<1x40x128xi32, #tpu.memory_space<hbm>>
      %dma_start3A_35 = tpu.memref_squeeze %dma_start3A_34 : memref<1x40x128xi32, #tpu.memory_space<hbm>> -> memref<40x128xi32, #tpu.memory_space<hbm>>
      %dma_start3A_36 = arith.constant 0 : i32
      %dma_start3A_37 = arith.constant 0 : i32
      %dma_start3A_38 = tpu.memref_slice %arg3[%add3A, %dma_start3A_36, %dma_start3A_37] : memref<32x80x128xi32, #tpu.memory_space<hbm>> -> memref<1x40x128xi32, #tpu.memory_space<hbm>>
      %dma_start3A_39 = tpu.memref_squeeze %dma_start3A_38 : memref<1x40x128xi32, #tpu.memory_space<hbm>> -> memref<40x128xi32, #tpu.memory_space<hbm>>
      tpu.enqueue_dma source(%dma_start3A_39 : memref<40x128xi32, #tpu.memory_space<hbm>>) target(%arg9 : memref<40x128xi32, #tpu.memory_space<vmem>>) target_semaphore(%run_scoped3A : memref<!tpu.dma_semaphore, #tpu.memory_space<semaphore_mem>>)
      %dma_wait3A = arith.constant 0 : i32
      %dma_wait3A_40 = arith.constant 0 : i32
      %dma_wait3A_41 = tpu.memref_slice %arg3[%add3A, %dma_wait3A, %dma_wait3A_40] : memref<32x80x128xi32, #tpu.memory_space<hbm>> -> memref<1x40x128xi32, #tpu.memory_space<hbm>>
      %dma_wait3A_42 = tpu.memref_squeeze %dma_wait3A_41 : memref<1x40x128xi32, #tpu.memory_space<hbm>> -> memref<40x128xi32, #tpu.memory_space<hbm>>
      %dma_wait3A_43 = arith.constant 0 : i32
      %dma_wait3A_44 = arith.constant 0 : i32
      %dma_wait3A_45 = tpu.memref_slice %arg3[%add3A, %dma_wait3A_43, %dma_wait3A_44] : memref<32x80x128xi32, #tpu.memory_space<hbm>> -> memref<1x40x128xi32, #tpu.memory_space<hbm>>
      %dma_wait3A_46 = tpu.memref_squeeze %dma_wait3A_45 : memref<1x40x128xi32, #tpu.memory_space<hbm>> -> memref<40x128xi32, #tpu.memory_space<hbm>>
      tpu.wait_dma2 semaphore(%run_scoped3A : memref<!tpu.dma_semaphore, #tpu.memory_space<semaphore_mem>>) src(%dma_wait3A_46 : memref<40x128xi32, #tpu.memory_space<hbm>>) dst(%arg9 : memref<40x128xi32, #tpu.memory_space<vmem>>)
      tpu.yield
    }) : () -> ()
    %dma_start3A = arith.constant 0 : i32
    %dma_start3A_3 = arith.constant 0 : i32
    %dma_start3A_4 = tpu.memref_slice %arg8[%dma_start3A, %dma_start3A_3] : memref<40x128xi32, #tpu.memory_space<vmem>> -> memref<1x128xi32, #tpu.memory_space<vmem>>
    %dma_start3A_5 = tpu.memref_squeeze %dma_start3A_4 : memref<1x128xi32, #tpu.memory_space<vmem>> -> memref<128xi32, #tpu.memory_space<vmem>>
    %dma_start3A_6 = arith.constant 0 : i32
    %dma_start3A_7 = arith.constant 0 : i32
    %dma_start3A_8 = tpu.memref_slice %arg4[%dma_start3A_6, %dma_start3A_7] : memref<10000x128xf32, #tpu.memory_space<hbm>> -> memref<10000x128xf32, #tpu.memory_space<hbm>>
    tpu.enqueue_indirect_dma source(%dma_start3A_8 : memref<10000x128xf32, #tpu.memory_space<hbm>>) target(%arg10 : memref<128x128xf32, #tpu.memory_space<vmem>>) offsets(%dma_start3A_5 : memref<128xi32, #tpu.memory_space<vmem>>) semaphore(%arg12 : memref<!tpu.dma_semaphore, #tpu.memory_space<semaphore_mem>>)
    %scan3A = arith.constant 0 : i32
    %scan3A_9 = arith.constant 0 : i32
    %scan3A_10 = arith.constant 20 : i32
    %scan3A_11 = arith.addi %scan3A_9, %scan3A_10 : i32
    %scan3A_12 = arith.constant 1 : i32
    scf.for %scan3A_32 = %scan3A_9 to %scan3A_11 step %scan3A_12  : i32 {
      %mul3A_33 = arith.constant 2 : i32
      %mul3A_34 = arith.muli %scan3A_32, %mul3A_33 : i32
      %add3A_35 = arith.constant 1 : i32
      %add3A_36 = arith.addi %mul3A_34, %add3A_35 : i32
      %dma_start3A_37 = arith.constant 0 : i32
      %dma_start3A_38 = tpu.memref_slice %arg8[%add3A_36, %dma_start3A_37] : memref<40x128xi32, #tpu.memory_space<vmem>> -> memref<1x128xi32, #tpu.memory_space<vmem>>
      %dma_start3A_39 = tpu.memref_squeeze %dma_start3A_38 : memref<1x128xi32, #tpu.memory_space<vmem>> -> memref<128xi32, #tpu.memory_space<vmem>>
      %dma_start3A_40 = arith.constant 0 : i32
      %dma_start3A_41 = arith.constant 0 : i32
      %dma_start3A_42 = tpu.memref_slice %arg4[%dma_start3A_40, %dma_start3A_41] : memref<10000x128xf32, #tpu.memory_space<hbm>> -> memref<10000x128xf32, #tpu.memory_space<hbm>>
      tpu.enqueue_indirect_dma source(%dma_start3A_42 : memref<10000x128xf32, #tpu.memory_space<hbm>>) target(%arg11 : memref<128x128xf32, #tpu.memory_space<vmem>>) offsets(%dma_start3A_39 : memref<128xi32, #tpu.memory_space<vmem>>) semaphore(%arg13 : memref<!tpu.dma_semaphore, #tpu.memory_space<semaphore_mem>>)
      %dma_wait3A = arith.constant 0 : i32
      %dma_wait3A_43 = tpu.memref_slice %arg8[%mul3A_34, %dma_wait3A] : memref<40x128xi32, #tpu.memory_space<vmem>> -> memref<1x128xi32, #tpu.memory_space<vmem>>
      %dma_wait3A_44 = tpu.memref_squeeze %dma_wait3A_43 : memref<1x128xi32, #tpu.memory_space<vmem>> -> memref<128xi32, #tpu.memory_space<vmem>>
      %dma_wait3A_45 = arith.constant 0 : i32
      %dma_wait3A_46 = arith.constant 0 : i32
      %dma_wait3A_47 = tpu.memref_slice %arg4[%dma_wait3A_45, %dma_wait3A_46] : memref<10000x128xf32, #tpu.memory_space<hbm>> -> memref<10000x128xf32, #tpu.memory_space<hbm>>
      tpu.wait_indirect_dma semaphore(%arg12 : memref<!tpu.dma_semaphore, #tpu.memory_space<semaphore_mem>>) src(%dma_wait3A_47 : memref<10000x128xf32, #tpu.memory_space<hbm>>) dst(%arg10 : memref<128x128xf32, #tpu.memory_space<vmem>>)
      "tpu.region"() ({
        %run_scoped3A = tpu.sem_alloc : memref<!tpu.dma_semaphore, #tpu.memory_space<semaphore_mem>>
        %dma_start3A_62 = arith.constant 0 : i32
        %dma_start3A_63 = tpu.memref_slice %arg9[%mul3A_34, %dma_start3A_62] : memref<40x128xi32, #tpu.memory_space<vmem>> -> memref<1x128xi32, #tpu.memory_space<vmem>>
        %dma_start3A_64 = tpu.memref_squeeze %dma_start3A_63 : memref<1x128xi32, #tpu.memory_space<vmem>> -> memref<128xi32, #tpu.memory_space<vmem>>
        %dma_start3A_65 = arith.constant 0 : i32
        %dma_start3A_66 = arith.constant 0 : i32
        %dma_start3A_67 = tpu.memref_slice %arg7[%dma_start3A_65, %dma_start3A_66] : memref<10240x128xf32, #tpu.memory_space<vmem_shared>> -> memref<10240x128xf32, #tpu.memory_space<vmem_shared>>
        tpu.enqueue_indirect_dma source(%arg10 : memref<128x128xf32, #tpu.memory_space<vmem>>) target(%dma_start3A_67 : memref<10240x128xf32, #tpu.memory_space<vmem_shared>>) offsets(%dma_start3A_64 : memref<128xi32, #tpu.memory_space<vmem>>) semaphore(%run_scoped3A : memref<!tpu.dma_semaphore, #tpu.memory_space<semaphore_mem>>) {add = true}
        %dma_wait3A_68 = arith.constant 0 : i32
        %dma_wait3A_69 = tpu.memref_slice %arg9[%mul3A_34, %dma_wait3A_68] : memref<40x128xi32, #tpu.memory_space<vmem>> -> memref<1x128xi32, #tpu.memory_space<vmem>>
        %dma_wait3A_70 = tpu.memref_squeeze %dma_wait3A_69 : memref<1x128xi32, #tpu.memory_space<vmem>> -> memref<128xi32, #tpu.memory_space<vmem>>
        %dma_wait3A_71 = arith.constant 0 : i32
        %dma_wait3A_72 = arith.constant 0 : i32
        %dma_wait3A_73 = tpu.memref_slice %arg7[%dma_wait3A_71, %dma_wait3A_72] : memref<10240x128xf32, #tpu.memory_space<vmem_shared>> -> memref<10240x128xf32, #tpu.memory_space<vmem_shared>>
        tpu.wait_indirect_dma semaphore(%run_scoped3A : memref<!tpu.dma_semaphore, #tpu.memory_space<semaphore_mem>>) src(%arg10 : memref<128x128xf32, #tpu.memory_space<vmem>>) dst(%dma_wait3A_73 : memref<10240x128xf32, #tpu.memory_space<vmem_shared>>)
        tpu.yield
      }) : () -> ()
      %add3A_48 = arith.constant 2 : i32
      %add3A_49 = arith.addi %mul3A_34, %add3A_48 : i32
      %lt3A = arith.constant 40 : i32
      %lt3A_50 = arith.cmpi slt, %add3A_49, %lt3A : i32
      %convert_element_type3A = arith.extui %lt3A_50 : i1 to i32
      %cond3A = arith.constant 0 : i32
      %cond3A_51 = arith.cmpi ne, %convert_element_type3A, %cond3A : i32
      scf.if %cond3A_51 {
        %add3A_62 = arith.constant 2 : i32
        %add3A_63 = arith.addi %mul3A_34, %add3A_62 : i32
        %dma_start3A_64 = arith.constant 0 : i32
        %dma_start3A_65 = tpu.memref_slice %arg8[%add3A_63, %dma_start3A_64] : memref<40x128xi32, #tpu.memory_space<vmem>> -> memref<1x128xi32, #tpu.memory_space<vmem>>
        %dma_start3A_66 = tpu.memref_squeeze %dma_start3A_65 : memref<1x128xi32, #tpu.memory_space<vmem>> -> memref<128xi32, #tpu.memory_space<vmem>>
        %dma_start3A_67 = arith.constant 0 : i32
        %dma_start3A_68 = arith.constant 0 : i32
        %dma_start3A_69 = tpu.memref_slice %arg4[%dma_start3A_67, %dma_start3A_68] : memref<10000x128xf32, #tpu.memory_space<hbm>> -> memref<10000x128xf32, #tpu.memory_space<hbm>>
        tpu.enqueue_indirect_dma source(%dma_start3A_69 : memref<10000x128xf32, #tpu.memory_space<hbm>>) target(%arg10 : memref<128x128xf32, #tpu.memory_space<vmem>>) offsets(%dma_start3A_66 : memref<128xi32, #tpu.memory_space<vmem>>) semaphore(%arg12 : memref<!tpu.dma_semaphore, #tpu.memory_space<semaphore_mem>>)
      } else {
      }
      %add3A_52 = arith.constant 1 : i32
      %add3A_53 = arith.addi %mul3A_34, %add3A_52 : i32
      %dma_wait3A_54 = arith.constant 0 : i32
      %dma_wait3A_55 = tpu.memref_slice %arg8[%add3A_53, %dma_wait3A_54] : memref<40x128xi32, #tpu.memory_space<vmem>> -> memref<1x128xi32, #tpu.memory_space<vmem>>
      %dma_wait3A_56 = tpu.memref_squeeze %dma_wait3A_55 : memref<1x128xi32, #tpu.memory_space<vmem>> -> memref<128xi32, #tpu.memory_space<vmem>>
      %dma_wait3A_57 = arith.constant 0 : i32
      %dma_wait3A_58 = arith.constant 0 : i32
      %dma_wait3A_59 = tpu.memref_slice %arg4[%dma_wait3A_57, %dma_wait3A_58] : memref<10000x128xf32, #tpu.memory_space<hbm>> -> memref<10000x128xf32, #tpu.memory_space<hbm>>
      tpu.wait_indirect_dma semaphore(%arg13 : memref<!tpu.dma_semaphore, #tpu.memory_space<semaphore_mem>>) src(%dma_wait3A_59 : memref<10000x128xf32, #tpu.memory_space<hbm>>) dst(%arg11 : memref<128x128xf32, #tpu.memory_space<vmem>>)
      %add3A_60 = arith.constant 1 : i32
      %add3A_61 = arith.addi %mul3A_34, %add3A_60 : i32
      "tpu.region"() ({
        %run_scoped3A = tpu.sem_alloc : memref<!tpu.dma_semaphore, #tpu.memory_space<semaphore_mem>>
        %dma_start3A_62 = arith.constant 0 : i32
        %dma_start3A_63 = tpu.memref_slice %arg9[%add3A_61, %dma_start3A_62] : memref<40x128xi32, #tpu.memory_space<vmem>> -> memref<1x128xi32, #tpu.memory_space<vmem>>
        %dma_start3A_64 = tpu.memref_squeeze %dma_start3A_63 : memref<1x128xi32, #tpu.memory_space<vmem>> -> memref<128xi32, #tpu.memory_space<vmem>>
        %dma_start3A_65 = arith.constant 0 : i32
        %dma_start3A_66 = arith.constant 0 : i32
        %dma_start3A_67 = tpu.memref_slice %arg7[%dma_start3A_65, %dma_start3A_66] : memref<10240x128xf32, #tpu.memory_space<vmem_shared>> -> memref<10240x128xf32, #tpu.memory_space<vmem_shared>>
        tpu.enqueue_indirect_dma source(%arg11 : memref<128x128xf32, #tpu.memory_space<vmem>>) target(%dma_start3A_67 : memref<10240x128xf32, #tpu.memory_space<vmem_shared>>) offsets(%dma_start3A_64 : memref<128xi32, #tpu.memory_space<vmem>>) semaphore(%run_scoped3A : memref<!tpu.dma_semaphore, #tpu.memory_space<semaphore_mem>>) {add = true}
        %dma_wait3A_68 = arith.constant 0 : i32
        %dma_wait3A_69 = tpu.memref_slice %arg9[%add3A_61, %dma_wait3A_68] : memref<40x128xi32, #tpu.memory_space<vmem>> -> memref<1x128xi32, #tpu.memory_space<vmem>>
        %dma_wait3A_70 = tpu.memref_squeeze %dma_wait3A_69 : memref<1x128xi32, #tpu.memory_space<vmem>> -> memref<128xi32, #tpu.memory_space<vmem>>
        %dma_wait3A_71 = arith.constant 0 : i32
        %dma_wait3A_72 = arith.constant 0 : i32
        %dma_wait3A_73 = tpu.memref_slice %arg7[%dma_wait3A_71, %dma_wait3A_72] : memref<10240x128xf32, #tpu.memory_space<vmem_shared>> -> memref<10240x128xf32, #tpu.memory_space<vmem_shared>>
        tpu.wait_indirect_dma semaphore(%run_scoped3A : memref<!tpu.dma_semaphore, #tpu.memory_space<semaphore_mem>>) src(%arg11 : memref<128x128xf32, #tpu.memory_space<vmem>>) dst(%dma_wait3A_73 : memref<10240x128xf32, #tpu.memory_space<vmem_shared>>)
        tpu.yield
      }) : () -> ()
    }
    %scan3A_13 = arith.constant 20 : i32
    "tpu.region"() ({
      %run_scoped3A = tpu.sem_alloc : memref<!tpu.dma_semaphore, #tpu.memory_space<semaphore_mem>>
      %dma_start3A_32 = arith.constant 40 : i32
      %dma_start3A_33 = arith.constant 0 : i32
      %dma_start3A_34 = tpu.memref_slice %arg2[%add3A, %dma_start3A_32, %dma_start3A_33] : memref<32x80x128xi32, #tpu.memory_space<hbm>> -> memref<1x40x128xi32, #tpu.memory_space<hbm>>
      %dma_start3A_35 = tpu.memref_squeeze %dma_start3A_34 : memref<1x40x128xi32, #tpu.memory_space<hbm>> -> memref<40x128xi32, #tpu.memory_space<hbm>>
      %dma_start3A_36 = arith.constant 40 : i32
      %dma_start3A_37 = arith.constant 0 : i32
      %dma_start3A_38 = tpu.memref_slice %arg2[%add3A, %dma_start3A_36, %dma_start3A_37] : memref<32x80x128xi32, #tpu.memory_space<hbm>> -> memref<1x40x128xi32, #tpu.memory_space<hbm>>
      %dma_start3A_39 = tpu.memref_squeeze %dma_start3A_38 : memref<1x40x128xi32, #tpu.memory_space<hbm>> -> memref<40x128xi32, #tpu.memory_space<hbm>>
      tpu.enqueue_dma source(%dma_start3A_39 : memref<40x128xi32, #tpu.memory_space<hbm>>) target(%arg8 : memref<40x128xi32, #tpu.memory_space<vmem>>) target_semaphore(%run_scoped3A : memref<!tpu.dma_semaphore, #tpu.memory_space<semaphore_mem>>)
      %dma_wait3A = arith.constant 40 : i32
      %dma_wait3A_40 = arith.constant 0 : i32
      %dma_wait3A_41 = tpu.memref_slice %arg2[%add3A, %dma_wait3A, %dma_wait3A_40] : memref<32x80x128xi32, #tpu.memory_space<hbm>> -> memref<1x40x128xi32, #tpu.memory_space<hbm>>
      %dma_wait3A_42 = tpu.memref_squeeze %dma_wait3A_41 : memref<1x40x128xi32, #tpu.memory_space<hbm>> -> memref<40x128xi32, #tpu.memory_space<hbm>>
      %dma_wait3A_43 = arith.constant 40 : i32
      %dma_wait3A_44 = arith.constant 0 : i32
      %dma_wait3A_45 = tpu.memref_slice %arg2[%add3A, %dma_wait3A_43, %dma_wait3A_44] : memref<32x80x128xi32, #tpu.memory_space<hbm>> -> memref<1x40x128xi32, #tpu.memory_space<hbm>>
      %dma_wait3A_46 = tpu.memref_squeeze %dma_wait3A_45 : memref<1x40x128xi32, #tpu.memory_space<hbm>> -> memref<40x128xi32, #tpu.memory_space<hbm>>
      tpu.wait_dma2 semaphore(%run_scoped3A : memref<!tpu.dma_semaphore, #tpu.memory_space<semaphore_mem>>) src(%dma_wait3A_46 : memref<40x128xi32, #tpu.memory_space<hbm>>) dst(%arg8 : memref<40x128xi32, #tpu.memory_space<vmem>>)
      tpu.yield
    }) : () -> ()
    "tpu.region"() ({
      %run_scoped3A = tpu.sem_alloc : memref<!tpu.dma_semaphore, #tpu.memory_space<semaphore_mem>>
      %dma_start3A_32 = arith.constant 40 : i32
      %dma_start3A_33 = arith.constant 0 : i32
      %dma_start3A_34 = tpu.memref_slice %arg3[%add3A, %dma_start3A_32, %dma_start3A_33] : memref<32x80x128xi32, #tpu.memory_space<hbm>> -> memref<1x40x128xi32, #tpu.memory_space<hbm>>
      %dma_start3A_35 = tpu.memref_squeeze %dma_start3A_34 : memref<1x40x128xi32, #tpu.memory_space<hbm>> -> memref<40x128xi32, #tpu.memory_space<hbm>>
      %dma_start3A_36 = arith.constant 40 : i32
      %dma_start3A_37 = arith.constant 0 : i32
      %dma_start3A_38 = tpu.memref_slice %arg3[%add3A, %dma_start3A_36, %dma_start3A_37] : memref<32x80x128xi32, #tpu.memory_space<hbm>> -> memref<1x40x128xi32, #tpu.memory_space<hbm>>
      %dma_start3A_39 = tpu.memref_squeeze %dma_start3A_38 : memref<1x40x128xi32, #tpu.memory_space<hbm>> -> memref<40x128xi32, #tpu.memory_space<hbm>>
      tpu.enqueue_dma source(%dma_start3A_39 : memref<40x128xi32, #tpu.memory_space<hbm>>) target(%arg9 : memref<40x128xi32, #tpu.memory_space<vmem>>) target_semaphore(%run_scoped3A : memref<!tpu.dma_semaphore, #tpu.memory_space<semaphore_mem>>)
      %dma_wait3A = arith.constant 40 : i32
      %dma_wait3A_40 = arith.constant 0 : i32
      %dma_wait3A_41 = tpu.memref_slice %arg3[%add3A, %dma_wait3A, %dma_wait3A_40] : memref<32x80x128xi32, #tpu.memory_space<hbm>> -> memref<1x40x128xi32, #tpu.memory_space<hbm>>
      %dma_wait3A_42 = tpu.memref_squeeze %dma_wait3A_41 : memref<1x40x128xi32, #tpu.memory_space<hbm>> -> memref<40x128xi32, #tpu.memory_space<hbm>>
      %dma_wait3A_43 = arith.constant 40 : i32
      %dma_wait3A_44 = arith.constant 0 : i32
      %dma_wait3A_45 = tpu.memref_slice %arg3[%add3A, %dma_wait3A_43, %dma_wait3A_44] : memref<32x80x128xi32, #tpu.memory_space<hbm>> -> memref<1x40x128xi32, #tpu.memory_space<hbm>>
      %dma_wait3A_46 = tpu.memref_squeeze %dma_wait3A_45 : memref<1x40x128xi32, #tpu.memory_space<hbm>> -> memref<40x128xi32, #tpu.memory_space<hbm>>
      tpu.wait_dma2 semaphore(%run_scoped3A : memref<!tpu.dma_semaphore, #tpu.memory_space<semaphore_mem>>) src(%dma_wait3A_46 : memref<40x128xi32, #tpu.memory_space<hbm>>) dst(%arg9 : memref<40x128xi32, #tpu.memory_space<vmem>>)
      tpu.yield
    }) : () -> ()
    %dma_start3A_14 = arith.constant 0 : i32
    %dma_start3A_15 = arith.constant 0 : i32
    %dma_start3A_16 = tpu.memref_slice %arg8[%dma_start3A_14, %dma_start3A_15] : memref<40x128xi32, #tpu.memory_space<vmem>> -> memref<1x128xi32, #tpu.memory_space<vmem>>
    %dma_start3A_17 = tpu.memref_squeeze %dma_start3A_16 : memref<1x128xi32, #tpu.memory_space<vmem>> -> memref<128xi32, #tpu.memory_space<vmem>>
    %dma_start3A_18 = arith.constant 0 : i32
    %dma_start3A_19 = arith.constant 0 : i32
    %dma_start3A_20 = tpu.memref_slice %arg4[%dma_start3A_18, %dma_start3A_19] : memref<10000x128xf32, #tpu.memory_space<hbm>> -> memref<10000x128xf32, #tpu.memory_space<hbm>>
    tpu.enqueue_indirect_dma source(%dma_start3A_20 : memref<10000x128xf32, #tpu.memory_space<hbm>>) target(%arg10 : memref<128x128xf32, #tpu.memory_space<vmem>>) offsets(%dma_start3A_17 : memref<128xi32, #tpu.memory_space<vmem>>) semaphore(%arg12 : memref<!tpu.dma_semaphore, #tpu.memory_space<semaphore_mem>>)
    %scan3A_21 = arith.constant 0 : i32
    %scan3A_22 = arith.constant 0 : i32
    %scan3A_23 = arith.constant 20 : i32
    %scan3A_24 = arith.addi %scan3A_22, %scan3A_23 : i32
    %scan3A_25 = arith.constant 1 : i32
    scf.for %scan3A_32 = %scan3A_22 to %scan3A_24 step %scan3A_25  : i32 {
      %mul3A_33 = arith.constant 2 : i32
      %mul3A_34 = arith.muli %scan3A_32, %mul3A_33 : i32
      %add3A_35 = arith.constant 1 : i32
      %add3A_36 = arith.addi %mul3A_34, %add3A_35 : i32
      %dma_start3A_37 = arith.constant 0 : i32
      %dma_start3A_38 = tpu.memref_slice %arg8[%add3A_36, %dma_start3A_37] : memref<40x128xi32, #tpu.memory_space<vmem>> -> memref<1x128xi32, #tpu.memory_space<vmem>>
      %dma_start3A_39 = tpu.memref_squeeze %dma_start3A_38 : memref<1x128xi32, #tpu.memory_space<vmem>> -> memref<128xi32, #tpu.memory_space<vmem>>
      %dma_start3A_40 = arith.constant 0 : i32
      %dma_start3A_41 = arith.constant 0 : i32
      %dma_start3A_42 = tpu.memref_slice %arg4[%dma_start3A_40, %dma_start3A_41] : memref<10000x128xf32, #tpu.memory_space<hbm>> -> memref<10000x128xf32, #tpu.memory_space<hbm>>
      tpu.enqueue_indirect_dma source(%dma_start3A_42 : memref<10000x128xf32, #tpu.memory_space<hbm>>) target(%arg11 : memref<128x128xf32, #tpu.memory_space<vmem>>) offsets(%dma_start3A_39 : memref<128xi32, #tpu.memory_space<vmem>>) semaphore(%arg13 : memref<!tpu.dma_semaphore, #tpu.memory_space<semaphore_mem>>)
      %dma_wait3A = arith.constant 0 : i32
      %dma_wait3A_43 = tpu.memref_slice %arg8[%mul3A_34, %dma_wait3A] : memref<40x128xi32, #tpu.memory_space<vmem>> -> memref<1x128xi32, #tpu.memory_space<vmem>>
      %dma_wait3A_44 = tpu.memref_squeeze %dma_wait3A_43 : memref<1x128xi32, #tpu.memory_space<vmem>> -> memref<128xi32, #tpu.memory_space<vmem>>
      %dma_wait3A_45 = arith.constant 0 : i32
      %dma_wait3A_46 = arith.constant 0 : i32
      %dma_wait3A_47 = tpu.memref_slice %arg4[%dma_wait3A_45, %dma_wait3A_46] : memref<10000x128xf32, #tpu.memory_space<hbm>> -> memref<10000x128xf32, #tpu.memory_space<hbm>>
      tpu.wait_indirect_dma semaphore(%arg12 : memref<!tpu.dma_semaphore, #tpu.memory_space<semaphore_mem>>) src(%dma_wait3A_47 : memref<10000x128xf32, #tpu.memory_space<hbm>>) dst(%arg10 : memref<128x128xf32, #tpu.memory_space<vmem>>)
      "tpu.region"() ({
        %run_scoped3A = tpu.sem_alloc : memref<!tpu.dma_semaphore, #tpu.memory_space<semaphore_mem>>
        %dma_start3A_62 = arith.constant 0 : i32
        %dma_start3A_63 = tpu.memref_slice %arg9[%mul3A_34, %dma_start3A_62] : memref<40x128xi32, #tpu.memory_space<vmem>> -> memref<1x128xi32, #tpu.memory_space<vmem>>
        %dma_start3A_64 = tpu.memref_squeeze %dma_start3A_63 : memref<1x128xi32, #tpu.memory_space<vmem>> -> memref<128xi32, #tpu.memory_space<vmem>>
        %dma_start3A_65 = arith.constant 0 : i32
        %dma_start3A_66 = arith.constant 0 : i32
        %dma_start3A_67 = tpu.memref_slice %arg7[%dma_start3A_65, %dma_start3A_66] : memref<10240x128xf32, #tpu.memory_space<vmem_shared>> -> memref<10240x128xf32, #tpu.memory_space<vmem_shared>>
        tpu.enqueue_indirect_dma source(%arg10 : memref<128x128xf32, #tpu.memory_space<vmem>>) target(%dma_start3A_67 : memref<10240x128xf32, #tpu.memory_space<vmem_shared>>) offsets(%dma_start3A_64 : memref<128xi32, #tpu.memory_space<vmem>>) semaphore(%run_scoped3A : memref<!tpu.dma_semaphore, #tpu.memory_space<semaphore_mem>>) {add = true}
        %dma_wait3A_68 = arith.constant 0 : i32
        %dma_wait3A_69 = tpu.memref_slice %arg9[%mul3A_34, %dma_wait3A_68] : memref<40x128xi32, #tpu.memory_space<vmem>> -> memref<1x128xi32, #tpu.memory_space<vmem>>
        %dma_wait3A_70 = tpu.memref_squeeze %dma_wait3A_69 : memref<1x128xi32, #tpu.memory_space<vmem>> -> memref<128xi32, #tpu.memory_space<vmem>>
        %dma_wait3A_71 = arith.constant 0 : i32
        %dma_wait3A_72 = arith.constant 0 : i32
        %dma_wait3A_73 = tpu.memref_slice %arg7[%dma_wait3A_71, %dma_wait3A_72] : memref<10240x128xf32, #tpu.memory_space<vmem_shared>> -> memref<10240x128xf32, #tpu.memory_space<vmem_shared>>
        tpu.wait_indirect_dma semaphore(%run_scoped3A : memref<!tpu.dma_semaphore, #tpu.memory_space<semaphore_mem>>) src(%arg10 : memref<128x128xf32, #tpu.memory_space<vmem>>) dst(%dma_wait3A_73 : memref<10240x128xf32, #tpu.memory_space<vmem_shared>>)
        tpu.yield
      }) : () -> ()
      %add3A_48 = arith.constant 2 : i32
      %add3A_49 = arith.addi %mul3A_34, %add3A_48 : i32
      %lt3A = arith.constant 40 : i32
      %lt3A_50 = arith.cmpi slt, %add3A_49, %lt3A : i32
      %convert_element_type3A = arith.extui %lt3A_50 : i1 to i32
      %cond3A = arith.constant 0 : i32
      %cond3A_51 = arith.cmpi ne, %convert_element_type3A, %cond3A : i32
      scf.if %cond3A_51 {
        %add3A_62 = arith.constant 2 : i32
        %add3A_63 = arith.addi %mul3A_34, %add3A_62 : i32
        %dma_start3A_64 = arith.constant 0 : i32
        %dma_start3A_65 = tpu.memref_slice %arg8[%add3A_63, %dma_start3A_64] : memref<40x128xi32, #tpu.memory_space<vmem>> -> memref<1x128xi32, #tpu.memory_space<vmem>>
        %dma_start3A_66 = tpu.memref_squeeze %dma_start3A_65 : memref<1x128xi32, #tpu.memory_space<vmem>> -> memref<128xi32, #tpu.memory_space<vmem>>
        %dma_start3A_67 = arith.constant 0 : i32
        %dma_start3A_68 = arith.constant 0 : i32
        %dma_start3A_69 = tpu.memref_slice %arg4[%dma_start3A_67, %dma_start3A_68] : memref<10000x128xf32, #tpu.memory_space<hbm>> -> memref<10000x128xf32, #tpu.memory_space<hbm>>
        tpu.enqueue_indirect_dma source(%dma_start3A_69 : memref<10000x128xf32, #tpu.memory_space<hbm>>) target(%arg10 : memref<128x128xf32, #tpu.memory_space<vmem>>) offsets(%dma_start3A_66 : memref<128xi32, #tpu.memory_space<vmem>>) semaphore(%arg12 : memref<!tpu.dma_semaphore, #tpu.memory_space<semaphore_mem>>)
      } else {
      }
      %add3A_52 = arith.constant 1 : i32
      %add3A_53 = arith.addi %mul3A_34, %add3A_52 : i32
      %dma_wait3A_54 = arith.constant 0 : i32
      %dma_wait3A_55 = tpu.memref_slice %arg8[%add3A_53, %dma_wait3A_54] : memref<40x128xi32, #tpu.memory_space<vmem>> -> memref<1x128xi32, #tpu.memory_space<vmem>>
      %dma_wait3A_56 = tpu.memref_squeeze %dma_wait3A_55 : memref<1x128xi32, #tpu.memory_space<vmem>> -> memref<128xi32, #tpu.memory_space<vmem>>
      %dma_wait3A_57 = arith.constant 0 : i32
      %dma_wait3A_58 = arith.constant 0 : i32
      %dma_wait3A_59 = tpu.memref_slice %arg4[%dma_wait3A_57, %dma_wait3A_58] : memref<10000x128xf32, #tpu.memory_space<hbm>> -> memref<10000x128xf32, #tpu.memory_space<hbm>>
      tpu.wait_indirect_dma semaphore(%arg13 : memref<!tpu.dma_semaphore, #tpu.memory_space<semaphore_mem>>) src(%dma_wait3A_59 : memref<10000x128xf32, #tpu.memory_space<hbm>>) dst(%arg11 : memref<128x128xf32, #tpu.memory_space<vmem>>)
      %add3A_60 = arith.constant 1 : i32
      %add3A_61 = arith.addi %mul3A_34, %add3A_60 : i32
      "tpu.region"() ({
        %run_scoped3A = tpu.sem_alloc : memref<!tpu.dma_semaphore, #tpu.memory_space<semaphore_mem>>
        %dma_start3A_62 = arith.constant 0 : i32
        %dma_start3A_63 = tpu.memref_slice %arg9[%add3A_61, %dma_start3A_62] : memref<40x128xi32, #tpu.memory_space<vmem>> -> memref<1x128xi32, #tpu.memory_space<vmem>>
        %dma_start3A_64 = tpu.memref_squeeze %dma_start3A_63 : memref<1x128xi32, #tpu.memory_space<vmem>> -> memref<128xi32, #tpu.memory_space<vmem>>
        %dma_start3A_65 = arith.constant 0 : i32
        %dma_start3A_66 = arith.constant 0 : i32
        %dma_start3A_67 = tpu.memref_slice %arg7[%dma_start3A_65, %dma_start3A_66] : memref<10240x128xf32, #tpu.memory_space<vmem_shared>> -> memref<10240x128xf32, #tpu.memory_space<vmem_shared>>
        tpu.enqueue_indirect_dma source(%arg11 : memref<128x128xf32, #tpu.memory_space<vmem>>) target(%dma_start3A_67 : memref<10240x128xf32, #tpu.memory_space<vmem_shared>>) offsets(%dma_start3A_64 : memref<128xi32, #tpu.memory_space<vmem>>) semaphore(%run_scoped3A : memref<!tpu.dma_semaphore, #tpu.memory_space<semaphore_mem>>) {add = true}
        %dma_wait3A_68 = arith.constant 0 : i32
        %dma_wait3A_69 = tpu.memref_slice %arg9[%add3A_61, %dma_wait3A_68] : memref<40x128xi32, #tpu.memory_space<vmem>> -> memref<1x128xi32, #tpu.memory_space<vmem>>
        %dma_wait3A_70 = tpu.memref_squeeze %dma_wait3A_69 : memref<1x128xi32, #tpu.memory_space<vmem>> -> memref<128xi32, #tpu.memory_space<vmem>>
        %dma_wait3A_71 = arith.constant 0 : i32
        %dma_wait3A_72 = arith.constant 0 : i32
        %dma_wait3A_73 = tpu.memref_slice %arg7[%dma_wait3A_71, %dma_wait3A_72] : memref<10240x128xf32, #tpu.memory_space<vmem_shared>> -> memref<10240x128xf32, #tpu.memory_space<vmem_shared>>
        tpu.wait_indirect_dma semaphore(%run_scoped3A : memref<!tpu.dma_semaphore, #tpu.memory_space<semaphore_mem>>) src(%arg11 : memref<128x128xf32, #tpu.memory_space<vmem>>) dst(%dma_wait3A_73 : memref<10240x128xf32, #tpu.memory_space<vmem_shared>>)
        tpu.yield
      }) : () -> ()
    }
    %scan3A_26 = arith.constant 20 : i32
    %barrier3A_27 = arith.constant 0 : index
    tpu.barrier barrier_id(%barrier3A_27)
    %mul3A_28 = arith.constant 640 : i32
    %mul3A_29 = arith.muli %arg1, %mul3A_28 : i32
    %mul3A_30 = arith.constant 640 : i32
    %mul3A_31 = arith.muli %arg1, %mul3A_30 : i32
    "tpu.region"() ({
      %run_scoped3A = tpu.sem_alloc : memref<!tpu.dma_semaphore, #tpu.memory_space<semaphore_mem>>
      %dma_start3A_32 = arith.constant 0 : i32
      %dma_start3A_33 = tpu.memref_slice %arg6[%arg0, %mul3A_31, %dma_start3A_32] : memref<2x10240x128xf32, #tpu.memory_space<hbm>> -> memref<1x640x128xf32, #tpu.memory_space<hbm>>
      %dma_start3A_34 = tpu.memref_squeeze %dma_start3A_33 : memref<1x640x128xf32, #tpu.memory_space<hbm>> -> memref<640x128xf32, #tpu.memory_space<hbm>>
      %dma_start3A_35 = arith.constant 0 : i32
      %dma_start3A_36 = tpu.memref_slice %arg7[%mul3A_29, %dma_start3A_35] : memref<10240x128xf32, #tpu.memory_space<vmem_shared>> -> memref<640x128xf32, #tpu.memory_space<vmem_shared>>
      tpu.enqueue_dma source(%dma_start3A_36 : memref<640x128xf32, #tpu.memory_space<vmem_shared>>) target(%dma_start3A_34 : memref<640x128xf32, #tpu.memory_space<hbm>>) target_semaphore(%run_scoped3A : memref<!tpu.dma_semaphore, #tpu.memory_space<semaphore_mem>>)
      %dma_wait3A = arith.constant 0 : i32
      %dma_wait3A_37 = tpu.memref_slice %arg6[%arg0, %mul3A_31, %dma_wait3A] : memref<2x10240x128xf32, #tpu.memory_space<hbm>> -> memref<1x640x128xf32, #tpu.memory_space<hbm>>
      %dma_wait3A_38 = tpu.memref_squeeze %dma_wait3A_37 : memref<1x640x128xf32, #tpu.memory_space<hbm>> -> memref<640x128xf32, #tpu.memory_space<hbm>>
      %dma_wait3A_39 = arith.constant 0 : i32
      %dma_wait3A_40 = tpu.memref_slice %arg7[%mul3A_29, %dma_wait3A_39] : memref<10240x128xf32, #tpu.memory_space<vmem_shared>> -> memref<640x128xf32, #tpu.memory_space<vmem_shared>>
      tpu.wait_dma2 semaphore(%run_scoped3A : memref<!tpu.dma_semaphore, #tpu.memory_space<semaphore_mem>>) src(%dma_wait3A_40 : memref<640x128xf32, #tpu.memory_space<vmem_shared>>) dst(%dma_wait3A_38 : memref<640x128xf32, #tpu.memory_space<hbm>>)
      tpu.yield
    }) : () -> ()
    return
  }
}

#map = affine_map<(d0, d1) -> (0, 0, 0)>
#map1 = affine_map<(d0, d1) -> (0, 0)>
module attributes {stable_mosaic.version = 14 : i64} {
  func.func @_sc_lgather(%arg0: i32, %arg1: i32, %arg2: memref<32x8x128xi32, #tpu.memory_space<hbm>>, %arg3: memref<32x8x128xi32, #tpu.memory_space<hbm>>, %arg4: memref<10000x128xf32, #tpu.memory_space<hbm>>, %arg5: memref<10000x128xf32, #tpu.memory_space<hbm>>, %arg6: memref<32768x128xf32, #tpu.memory_space<hbm>>, %arg7: memref<32768x128xf32, #tpu.memory_space<hbm>>, %arg8: memref<8x128xi32, #tpu.memory_space<vmem>>, %arg9: memref<8x128xi32, #tpu.memory_space<vmem>>, %arg10: memref<128x128xf32, #tpu.memory_space<vmem>>, %arg11: memref<128x128xf32, #tpu.memory_space<vmem>>, %arg12: memref<!tpu.dma_semaphore, #tpu.memory_space<semaphore_mem>>, %arg13: memref<!tpu.dma_semaphore, #tpu.memory_space<semaphore_mem>>) attributes {dimension_semantics = [#tpu.dimension_semantics<core_parallel>, #tpu.dimension_semantics<subcore_parallel>], iteration_bounds = array<i64: 2, 16>, scalar_prefetch = 0 : i64, scratch_operands = 6 : i64, tpu.core_type = #tpu.core_type<sc_vector_subcore>, window_params = [{transform_indices = #map}, {transform_indices = #map}, {transform_indices = #map1}, {transform_indices = #map1}, {transform_indices = #map1}, {transform_indices = #map1}]} {
    %mul3A = arith.constant 2 : i32
    %mul3A_0 = arith.muli %arg1, %mul3A : i32
    %add3A = arith.addi %mul3A_0, %arg0 : i32
    %mul3A_1 = arith.constant 1024 : i32
    %mul3A_2 = arith.muli %add3A, %mul3A_1 : i32
    "tpu.region"() ({
      %run_scoped3A = tpu.sem_alloc : memref<!tpu.dma_semaphore, #tpu.memory_space<semaphore_mem>>
      %dma_start3A = arith.constant 0 : i32
      %dma_start3A_8 = arith.constant 0 : i32
      %dma_start3A_9 = tpu.memref_slice %arg2[%add3A, %dma_start3A, %dma_start3A_8] : memref<32x8x128xi32, #tpu.memory_space<hbm>> -> memref<1x8x128xi32, #tpu.memory_space<hbm>>
      %dma_start3A_10 = tpu.memref_squeeze %dma_start3A_9 : memref<1x8x128xi32, #tpu.memory_space<hbm>> -> memref<8x128xi32, #tpu.memory_space<hbm>>
      %dma_start3A_11 = arith.constant 0 : i32
      %dma_start3A_12 = arith.constant 0 : i32
      %dma_start3A_13 = tpu.memref_slice %arg2[%add3A, %dma_start3A_11, %dma_start3A_12] : memref<32x8x128xi32, #tpu.memory_space<hbm>> -> memref<1x8x128xi32, #tpu.memory_space<hbm>>
      %dma_start3A_14 = tpu.memref_squeeze %dma_start3A_13 : memref<1x8x128xi32, #tpu.memory_space<hbm>> -> memref<8x128xi32, #tpu.memory_space<hbm>>
      tpu.enqueue_dma source(%dma_start3A_14 : memref<8x128xi32, #tpu.memory_space<hbm>>) target(%arg8 : memref<8x128xi32, #tpu.memory_space<vmem>>) target_semaphore(%run_scoped3A : memref<!tpu.dma_semaphore, #tpu.memory_space<semaphore_mem>>)
      %dma_wait3A = arith.constant 0 : i32
      %dma_wait3A_15 = arith.constant 0 : i32
      %dma_wait3A_16 = tpu.memref_slice %arg2[%add3A, %dma_wait3A, %dma_wait3A_15] : memref<32x8x128xi32, #tpu.memory_space<hbm>> -> memref<1x8x128xi32, #tpu.memory_space<hbm>>
      %dma_wait3A_17 = tpu.memref_squeeze %dma_wait3A_16 : memref<1x8x128xi32, #tpu.memory_space<hbm>> -> memref<8x128xi32, #tpu.memory_space<hbm>>
      %dma_wait3A_18 = arith.constant 0 : i32
      %dma_wait3A_19 = arith.constant 0 : i32
      %dma_wait3A_20 = tpu.memref_slice %arg2[%add3A, %dma_wait3A_18, %dma_wait3A_19] : memref<32x8x128xi32, #tpu.memory_space<hbm>> -> memref<1x8x128xi32, #tpu.memory_space<hbm>>
      %dma_wait3A_21 = tpu.memref_squeeze %dma_wait3A_20 : memref<1x8x128xi32, #tpu.memory_space<hbm>> -> memref<8x128xi32, #tpu.memory_space<hbm>>
      tpu.wait_dma2 semaphore(%run_scoped3A : memref<!tpu.dma_semaphore, #tpu.memory_space<semaphore_mem>>) src(%dma_wait3A_21 : memref<8x128xi32, #tpu.memory_space<hbm>>) dst(%arg8 : memref<8x128xi32, #tpu.memory_space<vmem>>)
      tpu.yield
    }) : () -> ()
    "tpu.region"() ({
      %run_scoped3A = tpu.sem_alloc : memref<!tpu.dma_semaphore, #tpu.memory_space<semaphore_mem>>
      %dma_start3A = arith.constant 0 : i32
      %dma_start3A_8 = arith.constant 0 : i32
      %dma_start3A_9 = tpu.memref_slice %arg3[%add3A, %dma_start3A, %dma_start3A_8] : memref<32x8x128xi32, #tpu.memory_space<hbm>> -> memref<1x8x128xi32, #tpu.memory_space<hbm>>
      %dma_start3A_10 = tpu.memref_squeeze %dma_start3A_9 : memref<1x8x128xi32, #tpu.memory_space<hbm>> -> memref<8x128xi32, #tpu.memory_space<hbm>>
      %dma_start3A_11 = arith.constant 0 : i32
      %dma_start3A_12 = arith.constant 0 : i32
      %dma_start3A_13 = tpu.memref_slice %arg3[%add3A, %dma_start3A_11, %dma_start3A_12] : memref<32x8x128xi32, #tpu.memory_space<hbm>> -> memref<1x8x128xi32, #tpu.memory_space<hbm>>
      %dma_start3A_14 = tpu.memref_squeeze %dma_start3A_13 : memref<1x8x128xi32, #tpu.memory_space<hbm>> -> memref<8x128xi32, #tpu.memory_space<hbm>>
      tpu.enqueue_dma source(%dma_start3A_14 : memref<8x128xi32, #tpu.memory_space<hbm>>) target(%arg9 : memref<8x128xi32, #tpu.memory_space<vmem>>) target_semaphore(%run_scoped3A : memref<!tpu.dma_semaphore, #tpu.memory_space<semaphore_mem>>)
      %dma_wait3A = arith.constant 0 : i32
      %dma_wait3A_15 = arith.constant 0 : i32
      %dma_wait3A_16 = tpu.memref_slice %arg3[%add3A, %dma_wait3A, %dma_wait3A_15] : memref<32x8x128xi32, #tpu.memory_space<hbm>> -> memref<1x8x128xi32, #tpu.memory_space<hbm>>
      %dma_wait3A_17 = tpu.memref_squeeze %dma_wait3A_16 : memref<1x8x128xi32, #tpu.memory_space<hbm>> -> memref<8x128xi32, #tpu.memory_space<hbm>>
      %dma_wait3A_18 = arith.constant 0 : i32
      %dma_wait3A_19 = arith.constant 0 : i32
      %dma_wait3A_20 = tpu.memref_slice %arg3[%add3A, %dma_wait3A_18, %dma_wait3A_19] : memref<32x8x128xi32, #tpu.memory_space<hbm>> -> memref<1x8x128xi32, #tpu.memory_space<hbm>>
      %dma_wait3A_21 = tpu.memref_squeeze %dma_wait3A_20 : memref<1x8x128xi32, #tpu.memory_space<hbm>> -> memref<8x128xi32, #tpu.memory_space<hbm>>
      tpu.wait_dma2 semaphore(%run_scoped3A : memref<!tpu.dma_semaphore, #tpu.memory_space<semaphore_mem>>) src(%dma_wait3A_21 : memref<8x128xi32, #tpu.memory_space<hbm>>) dst(%arg9 : memref<8x128xi32, #tpu.memory_space<vmem>>)
      tpu.yield
    }) : () -> ()
    %scan3A = arith.constant 0 : i32
    %scan3A_3 = arith.constant 0 : i32
    %scan3A_4 = arith.constant 8 : i32
    %scan3A_5 = arith.addi %scan3A_3, %scan3A_4 : i32
    %scan3A_6 = arith.constant 1 : i32
    scf.for %scan3A_8 = %scan3A_3 to %scan3A_5 step %scan3A_6  : i32 {
      %dma_start3A = arith.constant 0 : i32
      %dma_start3A_9 = tpu.memref_slice %arg8[%scan3A_8, %dma_start3A] : memref<8x128xi32, #tpu.memory_space<vmem>> -> memref<1x128xi32, #tpu.memory_space<vmem>>
      %dma_start3A_10 = tpu.memref_squeeze %dma_start3A_9 : memref<1x128xi32, #tpu.memory_space<vmem>> -> memref<128xi32, #tpu.memory_space<vmem>>
      %dma_start3A_11 = arith.constant 0 : i32
      %dma_start3A_12 = arith.constant 0 : i32
      %dma_start3A_13 = tpu.memref_slice %arg4[%dma_start3A_11, %dma_start3A_12] : memref<10000x128xf32, #tpu.memory_space<hbm>> -> memref<10000x128xf32, #tpu.memory_space<hbm>>
      tpu.enqueue_indirect_dma source(%dma_start3A_13 : memref<10000x128xf32, #tpu.memory_space<hbm>>) target(%arg10 : memref<128x128xf32, #tpu.memory_space<vmem>>) offsets(%dma_start3A_10 : memref<128xi32, #tpu.memory_space<vmem>>) semaphore(%arg12 : memref<!tpu.dma_semaphore, #tpu.memory_space<semaphore_mem>>)
      %dma_wait3A = arith.constant 0 : i32
      %dma_wait3A_14 = tpu.memref_slice %arg8[%scan3A_8, %dma_wait3A] : memref<8x128xi32, #tpu.memory_space<vmem>> -> memref<1x128xi32, #tpu.memory_space<vmem>>
      %dma_wait3A_15 = tpu.memref_squeeze %dma_wait3A_14 : memref<1x128xi32, #tpu.memory_space<vmem>> -> memref<128xi32, #tpu.memory_space<vmem>>
      %dma_wait3A_16 = arith.constant 0 : i32
      %dma_wait3A_17 = arith.constant 0 : i32
      %dma_wait3A_18 = tpu.memref_slice %arg4[%dma_wait3A_16, %dma_wait3A_17] : memref<10000x128xf32, #tpu.memory_space<hbm>> -> memref<10000x128xf32, #tpu.memory_space<hbm>>
      tpu.wait_indirect_dma semaphore(%arg12 : memref<!tpu.dma_semaphore, #tpu.memory_space<semaphore_mem>>) src(%dma_wait3A_18 : memref<10000x128xf32, #tpu.memory_space<hbm>>) dst(%arg10 : memref<128x128xf32, #tpu.memory_space<vmem>>)
      %mul3A_19 = arith.constant 128 : i32
      %mul3A_20 = arith.muli %scan3A_8, %mul3A_19 : i32
      %add3A_21 = arith.addi %mul3A_2, %mul3A_20 : i32
      "tpu.region"() ({
        %run_scoped3A = tpu.sem_alloc : memref<!tpu.dma_semaphore, #tpu.memory_space<semaphore_mem>>
        %dma_start3A_37 = arith.constant 0 : i32
        %dma_start3A_38 = tpu.memref_slice %arg6[%add3A_21, %dma_start3A_37] : memref<32768x128xf32, #tpu.memory_space<hbm>> -> memref<128x128xf32, #tpu.memory_space<hbm>>
        %dma_start3A_39 = arith.constant 0 : i32
        %dma_start3A_40 = tpu.memref_slice %arg6[%add3A_21, %dma_start3A_39] : memref<32768x128xf32, #tpu.memory_space<hbm>> -> memref<128x128xf32, #tpu.memory_space<hbm>>
        tpu.enqueue_dma source(%arg10 : memref<128x128xf32, #tpu.memory_space<vmem>>) target(%dma_start3A_40 : memref<128x128xf32, #tpu.memory_space<hbm>>) target_semaphore(%run_scoped3A : memref<!tpu.dma_semaphore, #tpu.memory_space<semaphore_mem>>)
        %dma_wait3A_41 = arith.constant 0 : i32
        %dma_wait3A_42 = tpu.memref_slice %arg6[%add3A_21, %dma_wait3A_41] : memref<32768x128xf32, #tpu.memory_space<hbm>> -> memref<128x128xf32, #tpu.memory_space<hbm>>
        %dma_wait3A_43 = arith.constant 0 : i32
        %dma_wait3A_44 = tpu.memref_slice %arg6[%add3A_21, %dma_wait3A_43] : memref<32768x128xf32, #tpu.memory_space<hbm>> -> memref<128x128xf32, #tpu.memory_space<hbm>>
        tpu.wait_dma2 semaphore(%run_scoped3A : memref<!tpu.dma_semaphore, #tpu.memory_space<semaphore_mem>>) src(%arg10 : memref<128x128xf32, #tpu.memory_space<vmem>>) dst(%dma_wait3A_44 : memref<128x128xf32, #tpu.memory_space<hbm>>)
        tpu.yield
      }) : () -> ()
      %dma_start3A_22 = arith.constant 0 : i32
      %dma_start3A_23 = tpu.memref_slice %arg9[%scan3A_8, %dma_start3A_22] : memref<8x128xi32, #tpu.memory_space<vmem>> -> memref<1x128xi32, #tpu.memory_space<vmem>>
      %dma_start3A_24 = tpu.memref_squeeze %dma_start3A_23 : memref<1x128xi32, #tpu.memory_space<vmem>> -> memref<128xi32, #tpu.memory_space<vmem>>
      %dma_start3A_25 = arith.constant 0 : i32
      %dma_start3A_26 = arith.constant 0 : i32
      %dma_start3A_27 = tpu.memref_slice %arg5[%dma_start3A_25, %dma_start3A_26] : memref<10000x128xf32, #tpu.memory_space<hbm>> -> memref<10000x128xf32, #tpu.memory_space<hbm>>
      tpu.enqueue_indirect_dma source(%dma_start3A_27 : memref<10000x128xf32, #tpu.memory_space<hbm>>) target(%arg11 : memref<128x128xf32, #tpu.memory_space<vmem>>) offsets(%dma_start3A_24 : memref<128xi32, #tpu.memory_space<vmem>>) semaphore(%arg13 : memref<!tpu.dma_semaphore, #tpu.memory_space<semaphore_mem>>)
      %dma_wait3A_28 = arith.constant 0 : i32
      %dma_wait3A_29 = tpu.memref_slice %arg9[%scan3A_8, %dma_wait3A_28] : memref<8x128xi32, #tpu.memory_space<vmem>> -> memref<1x128xi32, #tpu.memory_space<vmem>>
      %dma_wait3A_30 = tpu.memref_squeeze %dma_wait3A_29 : memref<1x128xi32, #tpu.memory_space<vmem>> -> memref<128xi32, #tpu.memory_space<vmem>>
      %dma_wait3A_31 = arith.constant 0 : i32
      %dma_wait3A_32 = arith.constant 0 : i32
      %dma_wait3A_33 = tpu.memref_slice %arg5[%dma_wait3A_31, %dma_wait3A_32] : memref<10000x128xf32, #tpu.memory_space<hbm>> -> memref<10000x128xf32, #tpu.memory_space<hbm>>
      tpu.wait_indirect_dma semaphore(%arg13 : memref<!tpu.dma_semaphore, #tpu.memory_space<semaphore_mem>>) src(%dma_wait3A_33 : memref<10000x128xf32, #tpu.memory_space<hbm>>) dst(%arg11 : memref<128x128xf32, #tpu.memory_space<vmem>>)
      %mul3A_34 = arith.constant 128 : i32
      %mul3A_35 = arith.muli %scan3A_8, %mul3A_34 : i32
      %add3A_36 = arith.addi %mul3A_2, %mul3A_35 : i32
      "tpu.region"() ({
        %run_scoped3A = tpu.sem_alloc : memref<!tpu.dma_semaphore, #tpu.memory_space<semaphore_mem>>
        %dma_start3A_37 = arith.constant 0 : i32
        %dma_start3A_38 = tpu.memref_slice %arg7[%add3A_36, %dma_start3A_37] : memref<32768x128xf32, #tpu.memory_space<hbm>> -> memref<128x128xf32, #tpu.memory_space<hbm>>
        %dma_start3A_39 = arith.constant 0 : i32
        %dma_start3A_40 = tpu.memref_slice %arg7[%add3A_36, %dma_start3A_39] : memref<32768x128xf32, #tpu.memory_space<hbm>> -> memref<128x128xf32, #tpu.memory_space<hbm>>
        tpu.enqueue_dma source(%arg11 : memref<128x128xf32, #tpu.memory_space<vmem>>) target(%dma_start3A_40 : memref<128x128xf32, #tpu.memory_space<hbm>>) target_semaphore(%run_scoped3A : memref<!tpu.dma_semaphore, #tpu.memory_space<semaphore_mem>>)
        %dma_wait3A_41 = arith.constant 0 : i32
        %dma_wait3A_42 = tpu.memref_slice %arg7[%add3A_36, %dma_wait3A_41] : memref<32768x128xf32, #tpu.memory_space<hbm>> -> memref<128x128xf32, #tpu.memory_space<hbm>>
        %dma_wait3A_43 = arith.constant 0 : i32
        %dma_wait3A_44 = tpu.memref_slice %arg7[%add3A_36, %dma_wait3A_43] : memref<32768x128xf32, #tpu.memory_space<hbm>> -> memref<128x128xf32, #tpu.memory_space<hbm>>
        tpu.wait_dma2 semaphore(%run_scoped3A : memref<!tpu.dma_semaphore, #tpu.memory_space<semaphore_mem>>) src(%arg11 : memref<128x128xf32, #tpu.memory_space<vmem>>) dst(%dma_wait3A_44 : memref<128x128xf32, #tpu.memory_space<hbm>>)
        tpu.yield
      }) : () -> ()
    }
    %scan3A_7 = arith.constant 8 : i32
    return
  }
}

module attributes {stable_mosaic.version = 14 : i64} {
  func.func @_ka_body(%arg0: i32, %arg1: memref<2x256x128xf32, #tpu.memory_space<vmem>>, %arg2: memref<256x128xf32, #tpu.memory_space<vmem>>, %arg3: memref<128x128xf32, #tpu.memory_space<vmem>>, %arg4: memref<256x128xf32, #tpu.memory_space<vmem>>) attributes {dimension_semantics = [#tpu.dimension_semantics<arbitrary>], iteration_bounds = array<i64: 40>, scalar_prefetch = 0 : i64, scratch_operands = 0 : i64, tpu.core_type = #tpu.core_type<tc>, window_params = [{transform_indices = @transform_0, window_bounds = array<i64: 2, 256, 128>}, {transform_indices = @transform_1, window_bounds = array<i64: 256, 128>}, {pipeline_mode = #tpu.pipeline_mode<synchronous>, transform_indices = @transform_2, window_bounds = array<i64: 128, 128>}, {transform_indices = @transform_3, window_bounds = array<i64: 256, 128>}]} {
    %get3A = arith.constant 0 : index
    %get3A_0 = arith.constant 0 : index
    %get3A_1 = arith.constant 0 : index
    %get3A_2 = vector.load %arg1[%get3A, %get3A_0, %get3A_1] : memref<2x256x128xf32, #tpu.memory_space<vmem>>, vector<1x256x1xf32>
    %get3A_3 = vector.shape_cast %get3A_2 : vector<1x256x1xf32> to vector<256x1xf32>
    %get3A_4 = arith.constant 1 : index
    %get3A_5 = arith.constant 0 : index
    %get3A_6 = arith.constant 0 : index
    %get3A_7 = vector.load %arg1[%get3A_4, %get3A_5, %get3A_6] : memref<2x256x128xf32, #tpu.memory_space<vmem>>, vector<1x256x1xf32>
    %get3A_8 = vector.shape_cast %get3A_7 : vector<1x256x1xf32> to vector<256x1xf32>
    %add3A = arith.addf %get3A_3, %get3A_8 : vector<256x1xf32>
    %add3A_9 = arith.constant 1.000000e+00 : f32
    %add3A_10 = vector.broadcast %add3A_9 : f32 to vector<256x1xf32>
    %add3A_11 = arith.addf %add3A, %add3A_10 : vector<256x1xf32>
    %rsqrt3A = math.rsqrt %add3A_11 : vector<256x1xf32>
    %get3A_12 = arith.constant 0 : index
    %get3A_13 = arith.constant 0 : index
    %get3A_14 = vector.load %arg2[%get3A_12, %get3A_13] : memref<256x128xf32, #tpu.memory_space<vmem>>, vector<256x128xf32>
    %get3A_15 = arith.constant 0 : index
    %get3A_16 = arith.constant 0 : index
    %get3A_17 = vector.load %arg3[%get3A_15, %get3A_16] : memref<128x128xf32, #tpu.memory_space<vmem>>, vector<128x128xf32>
    %dot_general3A = arith.constant dense<0.000000e+00> : vector<256x128xf32>
    %dot_general3A_18 = tpu.matmul %get3A_14, %get3A_17, %dot_general3A {dimension_numbers = #tpu.dot_dimension_numbers<[1], [0], [0], [1], [0, 0, 1, 1], [], []>, transpose_lhs_hint = false} : vector<256x128xf32>, vector<128x128xf32>, vector<256x128xf32> -> vector<256x128xf32>
    %mul3A = vector.broadcast %rsqrt3A : vector<256x1xf32> to vector<256x128xf32>
    %mul3A_19 = arith.mulf %dot_general3A_18, %mul3A : vector<256x128xf32>
    %swap3A = arith.constant 0 : index
    %swap3A_20 = arith.constant 0 : index
    %swap3A_21 = vector.load %arg4[%swap3A, %swap3A_20] : memref<256x128xf32, #tpu.memory_space<vmem>>, vector<256x128xf32>
    tpu.vector_store %arg4[%swap3A, %swap3A_20], %mul3A_19 {strides = array<i32>} : memref<256x128xf32, #tpu.memory_space<vmem>>, vector<256x128xf32>,
    return
  }
  func.func @transform_0(%arg0: i32) -> (i32, i32, i32) {
    %c0_i32 = arith.constant 0 : i32
    %c0_i32_0 = arith.constant 0 : i32
    %c0_i32_1 = arith.constant 0 : i32
    return %c0_i32, %arg0, %c0_i32_0 : i32, i32, i32
  }
  func.func @transform_1(%arg0: i32) -> (i32, i32) {
    %c0_i32 = arith.constant 0 : i32
    %c0_i32_0 = arith.constant 0 : i32
    return %arg0, %c0_i32 : i32, i32
  }
  func.func @transform_2(%arg0: i32) -> (i32, i32) {
    %c0_i32 = arith.constant 0 : i32
    %c0_i32_0 = arith.constant 0 : i32
    %c0_i32_1 = arith.constant 0 : i32
    return %c0_i32, %c0_i32_0 : i32, i32
  }
  func.func @transform_3(%arg0: i32) -> (i32, i32) {
    %c0_i32 = arith.constant 0 : i32
    %c0_i32_0 = arith.constant 0 : i32
    return %arg0, %c0_i32 : i32, i32
  }
}

module attributes {stable_mosaic.version = 14 : i64} {
  func.func @_kb1_body(%arg0: i32, %arg1: memref<2x256x128xf32, #tpu.memory_space<vmem>>, %arg2: memref<2x256x128xf32, #tpu.memory_space<vmem>>, %arg3: memref<256x128xf32, #tpu.memory_space<vmem>>, %arg4: memref<1x128xf32, #tpu.memory_space<vmem>>, %arg5: memref<1x128xf32, #tpu.memory_space<vmem>>, %arg6: memref<1x128xf32, #tpu.memory_space<vmem>>, %arg7: memref<1x128xf32, #tpu.memory_space<vmem>>, %arg8: memref<1x128xf32, #tpu.memory_space<vmem>>, %arg9: memref<256x128xf32, #tpu.memory_space<vmem>>, %arg10: memref<256x128xf32, #tpu.memory_space<vmem>>) attributes {dimension_semantics = [#tpu.dimension_semantics<arbitrary>], iteration_bounds = array<i64: 40>, scalar_prefetch = 0 : i64, scratch_operands = 0 : i64, tpu.core_type = #tpu.core_type<tc>, window_params = [{transform_indices = @transform_0, window_bounds = array<i64: 2, 256, 128>}, {transform_indices = @transform_1, window_bounds = array<i64: 2, 256, 128>}, {transform_indices = @transform_2, window_bounds = array<i64: 256, 128>}, {pipeline_mode = #tpu.pipeline_mode<synchronous>, transform_indices = @transform_3, window_bounds = array<i64: 1, 128>}, {pipeline_mode = #tpu.pipeline_mode<synchronous>, transform_indices = @transform_4, window_bounds = array<i64: 1, 128>}, {pipeline_mode = #tpu.pipeline_mode<synchronous>, transform_indices = @transform_5, window_bounds = array<i64: 1, 128>}, {pipeline_mode = #tpu.pipeline_mode<synchronous>, transform_indices = @transform_6, window_bounds = array<i64: 1, 128>}, {pipeline_mode = #tpu.pipeline_mode<synchronous>, transform_indices = @transform_7, window_bounds = array<i64: 1, 128>}, {transform_indices = @transform_8, window_bounds = array<i64: 256, 128>}, {transform_indices = @transform_9, window_bounds = array<i64: 256, 128>}]} {
    %get3A = arith.constant 0 : index
    %get3A_0 = arith.constant 0 : index
    %get3A_1 = arith.constant 0 : index
    %get3A_2 = vector.load %arg1[%get3A, %get3A_0, %get3A_1] : memref<2x256x128xf32, #tpu.memory_space<vmem>>, vector<1x256x1xf32>
    %get3A_3 = vector.shape_cast %get3A_2 : vector<1x256x1xf32> to vector<256x1xf32>
    %get3A_4 = arith.constant 1 : index
    %get3A_5 = arith.constant 0 : index
    %get3A_6 = arith.constant 0 : index
    %get3A_7 = vector.load %arg1[%get3A_4, %get3A_5, %get3A_6] : memref<2x256x128xf32, #tpu.memory_space<vmem>>, vector<1x256x1xf32>
    %get3A_8 = vector.shape_cast %get3A_7 : vector<1x256x1xf32> to vector<256x1xf32>
    %add3A = arith.addf %get3A_3, %get3A_8 : vector<256x1xf32>
    %add3A_9 = arith.constant 1.000000e+00 : f32
    %add3A_10 = vector.broadcast %add3A_9 : f32 to vector<256x1xf32>
    %add3A_11 = arith.addf %add3A, %add3A_10 : vector<256x1xf32>
    %rsqrt3A = math.rsqrt %add3A_11 : vector<256x1xf32>
    %get3A_12 = arith.constant 0 : index
    %get3A_13 = arith.constant 0 : index
    %get3A_14 = arith.constant 0 : index
    %get3A_15 = vector.load %arg2[%get3A_12, %get3A_13, %get3A_14] : memref<2x256x128xf32, #tpu.memory_space<vmem>>, vector<1x256x128xf32>
    %get3A_16 = vector.shape_cast %get3A_15 : vector<1x256x128xf32> to vector<256x128xf32>
    %get3A_17 = arith.constant 1 : index
    %get3A_18 = arith.constant 0 : index
    %get3A_19 = arith.constant 0 : index
    %get3A_20 = vector.load %arg2[%get3A_17, %get3A_18, %get3A_19] : memref<2x256x128xf32, #tpu.memory_space<vmem>>, vector<1x256x128xf32>
    %get3A_21 = vector.shape_cast %get3A_20 : vector<1x256x128xf32> to vector<256x128xf32>
    %add3A_22 = arith.addf %get3A_16, %get3A_21 : vector<256x128xf32>
    %get3A_23 = arith.constant 0 : index
    %get3A_24 = arith.constant 0 : index
    %get3A_25 = vector.load %arg3[%get3A_23, %get3A_24] : memref<256x128xf32, #tpu.memory_space<vmem>>, vector<256x128xf32>
    %add3A_26 = arith.addf %add3A_22, %get3A_25 : vector<256x128xf32>
    %mul3A = vector.broadcast %rsqrt3A : vector<256x1xf32> to vector<256x128xf32>
    %mul3A_27 = arith.mulf %add3A_26, %mul3A : vector<256x128xf32>
    %get3A_28 = arith.constant 0 : index
    %get3A_29 = arith.constant 0 : index
    %get3A_30 = vector.load %arg4[%get3A_28, %get3A_29] : memref<1x128xf32, #tpu.memory_space<vmem>>, vector<1x128xf32>
    %add3A_31 = vector.broadcast %get3A_30 : vector<1x128xf32> to vector<256x128xf32>
    %add3A_32 = arith.addf %mul3A_27, %add3A_31 : vector<256x128xf32>
    %max3A = arith.constant 0.000000e+00 : f32
    %max3A_33 = vector.broadcast %max3A : f32 to vector<256x128xf32>
    %max3A_34 = arith.maximumf %add3A_32, %max3A_33 : vector<256x128xf32>
    %get3A_35 = arith.constant 0 : index
    %get3A_36 = arith.constant 0 : index
    %get3A_37 = vector.load %arg5[%get3A_35, %get3A_36] : memref<1x128xf32, #tpu.memory_space<vmem>>, vector<1x128xf32>
    %get3A_38 = arith.constant 0 : index
    %get3A_39 = arith.constant 0 : index
    %get3A_40 = vector.load %arg6[%get3A_38, %get3A_39] : memref<1x128xf32, #tpu.memory_space<vmem>>, vector<1x128xf32>
    %get3A_41 = arith.constant 0 : index
    %get3A_42 = arith.constant 0 : index
    %get3A_43 = vector.load %arg7[%get3A_41, %get3A_42] : memref<1x128xf32, #tpu.memory_space<vmem>>, vector<1x128xf32>
    %get3A_44 = arith.constant 0 : index
    %get3A_45 = arith.constant 0 : index
    %get3A_46 = vector.load %arg8[%get3A_44, %get3A_45] : memref<1x128xf32, #tpu.memory_space<vmem>>, vector<1x128xf32>
    %sub3A = vector.broadcast %get3A_43 : vector<1x128xf32> to vector<256x128xf32>
    %sub3A_47 = arith.subf %max3A_34, %sub3A : vector<256x128xf32>
    %add3A_48 = arith.constant 9.99999974E-6 : f32
    %add3A_49 = vector.broadcast %add3A_48 : f32 to vector<1x128xf32>
    %add3A_50 = arith.addf %get3A_46, %add3A_49 : vector<1x128xf32>
    %rsqrt3A_51 = math.rsqrt %add3A_50 : vector<1x128xf32>
    %mul3A_52 = vector.broadcast %rsqrt3A_51 : vector<1x128xf32> to vector<256x128xf32>
    %mul3A_53 = arith.mulf %sub3A_47, %mul3A_52 : vector<256x128xf32>
    %mul3A_54 = vector.broadcast %get3A_37 : vector<1x128xf32> to vector<256x128xf32>
    %mul3A_55 = arith.mulf %mul3A_53, %mul3A_54 : vector<256x128xf32>
    %add3A_56 = vector.broadcast %get3A_40 : vector<1x128xf32> to vector<256x128xf32>
    %add3A_57 = arith.addf %mul3A_55, %add3A_56 : vector<256x128xf32>
    %swap3A = arith.constant 0 : index
    %swap3A_58 = arith.constant 0 : index
    %swap3A_59 = vector.load %arg9[%swap3A, %swap3A_58] : memref<256x128xf32, #tpu.memory_space<vmem>>, vector<256x128xf32>
    tpu.vector_store %arg9[%swap3A, %swap3A_58], %add3A_57 {strides = array<i32>} : memref<256x128xf32, #tpu.memory_space<vmem>>, vector<256x128xf32>,
    %mul3A_60 = vector.broadcast %rsqrt3A : vector<256x1xf32> to vector<256x128xf32>
    %mul3A_61 = arith.mulf %add3A_57, %mul3A_60 : vector<256x128xf32>
    %swap3A_62 = arith.constant 0 : index
    %swap3A_63 = arith.constant 0 : index
    %swap3A_64 = vector.load %arg10[%swap3A_62, %swap3A_63] : memref<256x128xf32, #tpu.memory_space<vmem>>, vector<256x128xf32>
    tpu.vector_store %arg10[%swap3A_62, %swap3A_63], %mul3A_61 {strides = array<i32>} : memref<256x128xf32, #tpu.memory_space<vmem>>, vector<256x128xf32>,
    return
  }
  func.func @transform_0(%arg0: i32) -> (i32, i32, i32) {
    %c0_i32 = arith.constant 0 : i32
    %c0_i32_0 = arith.constant 0 : i32
    %c0_i32_1 = arith.constant 0 : i32
    return %c0_i32, %arg0, %c0_i32_0 : i32, i32, i32
  }
  func.func @transform_1(%arg0: i32) -> (i32, i32, i32) {
    %c0_i32 = arith.constant 0 : i32
    %c0_i32_0 = arith.constant 0 : i32
    %c0_i32_1 = arith.constant 0 : i32
    return %c0_i32, %arg0, %c0_i32_0 : i32, i32, i32
  }
  func.func @transform_2(%arg0: i32) -> (i32, i32) {
    %c0_i32 = arith.constant 0 : i32
    %c0_i32_0 = arith.constant 0 : i32
    return %arg0, %c0_i32 : i32, i32
  }
  func.func @transform_3(%arg0: i32) -> (i32, i32) {
    %c0_i32 = arith.constant 0 : i32
    %c0_i32_0 = arith.constant 0 : i32
    %c0_i32_1 = arith.constant 0 : i32
    return %c0_i32, %c0_i32_0 : i32, i32
  }
  func.func @transform_4(%arg0: i32) -> (i32, i32) {
    %c0_i32 = arith.constant 0 : i32
    %c0_i32_0 = arith.constant 0 : i32
    %c0_i32_1 = arith.constant 0 : i32
    return %c0_i32, %c0_i32_0 : i32, i32
  }
  func.func @transform_5(%arg0: i32) -> (i32, i32) {
    %c0_i32 = arith.constant 0 : i32
    %c0_i32_0 = arith.constant 0 : i32
    %c0_i32_1 = arith.constant 0 : i32
    return %c0_i32, %c0_i32_0 : i32, i32
  }
  func.func @transform_6(%arg0: i32) -> (i32, i32) {
    %c0_i32 = arith.constant 0 : i32
    %c0_i32_0 = arith.constant 0 : i32
    %c0_i32_1 = arith.constant 0 : i32
    return %c0_i32, %c0_i32_0 : i32, i32
  }
  func.func @transform_7(%arg0: i32) -> (i32, i32) {
    %c0_i32 = arith.constant 0 : i32
    %c0_i32_0 = arith.constant 0 : i32
    %c0_i32_1 = arith.constant 0 : i32
    return %c0_i32, %c0_i32_0 : i32, i32
  }
  func.func @transform_8(%arg0: i32) -> (i32, i32) {
    %c0_i32 = arith.constant 0 : i32
    %c0_i32_0 = arith.constant 0 : i32
    return %arg0, %c0_i32 : i32, i32
  }
  func.func @transform_9(%arg0: i32) -> (i32, i32) {
    %c0_i32 = arith.constant 0 : i32
    %c0_i32_0 = arith.constant 0 : i32
    return %arg0, %c0_i32 : i32, i32
  }
}

module attributes {stable_mosaic.version = 14 : i64} {
  func.func @_kb2_body(%arg0: i32, %arg1: memref<2x256x128xf32, #tpu.memory_space<vmem>>, %arg2: memref<2x256x128xf32, #tpu.memory_space<vmem>>, %arg3: memref<256x128xf32, #tpu.memory_space<vmem>>, %arg4: memref<128x128xf32, #tpu.memory_space<vmem>>, %arg5: memref<1x128xf32, #tpu.memory_space<vmem>>, %arg6: memref<1x128xf32, #tpu.memory_space<vmem>>, %arg7: memref<1x128xf32, #tpu.memory_space<vmem>>, %arg8: memref<1x128xf32, #tpu.memory_space<vmem>>, %arg9: memref<1x128xf32, #tpu.memory_space<vmem>>, %arg10: memref<256x128xf32, #tpu.memory_space<vmem>>, %arg11: memref<256x128xf32, #tpu.memory_space<vmem>>) attributes {dimension_semantics = [#tpu.dimension_semantics<arbitrary>], iteration_bounds = array<i64: 40>, scalar_prefetch = 0 : i64, scratch_operands = 0 : i64, tpu.core_type = #tpu.core_type<tc>, window_params = [{transform_indices = @transform_0, window_bounds = array<i64: 2, 256, 128>}, {transform_indices = @transform_1, window_bounds = array<i64: 2, 256, 128>}, {transform_indices = @transform_2, window_bounds = array<i64: 256, 128>}, {pipeline_mode = #tpu.pipeline_mode<synchronous>, transform_indices = @transform_3, window_bounds = array<i64: 128, 128>}, {pipeline_mode = #tpu.pipeline_mode<synchronous>, transform_indices = @transform_4, window_bounds = array<i64: 1, 128>}, {pipeline_mode = #tpu.pipeline_mode<synchronous>, transform_indices = @transform_5, window_bounds = array<i64: 1, 128>}, {pipeline_mode = #tpu.pipeline_mode<synchronous>, transform_indices = @transform_6, window_bounds = array<i64: 1, 128>}, {pipeline_mode = #tpu.pipeline_mode<synchronous>, transform_indices = @transform_7, window_bounds = array<i64: 1, 128>}, {pipeline_mode = #tpu.pipeline_mode<synchronous>, transform_indices = @transform_8, window_bounds = array<i64: 1, 128>}, {transform_indices = @transform_9, window_bounds = array<i64: 256, 128>}, {transform_indices = @transform_10, window_bounds = array<i64: 256, 128>}]} {
    %get3A = arith.constant 0 : index
    %get3A_0 = arith.constant 0 : index
    %get3A_1 = arith.constant 0 : index
    %get3A_2 = vector.load %arg1[%get3A, %get3A_0, %get3A_1] : memref<2x256x128xf32, #tpu.memory_space<vmem>>, vector<1x256x1xf32>
    %get3A_3 = vector.shape_cast %get3A_2 : vector<1x256x1xf32> to vector<256x1xf32>
    %get3A_4 = arith.constant 1 : index
    %get3A_5 = arith.constant 0 : index
    %get3A_6 = arith.constant 0 : index
    %get3A_7 = vector.load %arg1[%get3A_4, %get3A_5, %get3A_6] : memref<2x256x128xf32, #tpu.memory_space<vmem>>, vector<1x256x1xf32>
    %get3A_8 = vector.shape_cast %get3A_7 : vector<1x256x1xf32> to vector<256x1xf32>
    %add3A = arith.addf %get3A_3, %get3A_8 : vector<256x1xf32>
    %add3A_9 = arith.constant 1.000000e+00 : f32
    %add3A_10 = vector.broadcast %add3A_9 : f32 to vector<256x1xf32>
    %add3A_11 = arith.addf %add3A, %add3A_10 : vector<256x1xf32>
    %rsqrt3A = math.rsqrt %add3A_11 : vector<256x1xf32>
    %get3A_12 = arith.constant 0 : index
    %get3A_13 = arith.constant 0 : index
    %get3A_14 = arith.constant 0 : index
    %get3A_15 = vector.load %arg2[%get3A_12, %get3A_13, %get3A_14] : memref<2x256x128xf32, #tpu.memory_space<vmem>>, vector<1x256x128xf32>
    %get3A_16 = vector.shape_cast %get3A_15 : vector<1x256x128xf32> to vector<256x128xf32>
    %get3A_17 = arith.constant 1 : index
    %get3A_18 = arith.constant 0 : index
    %get3A_19 = arith.constant 0 : index
    %get3A_20 = vector.load %arg2[%get3A_17, %get3A_18, %get3A_19] : memref<2x256x128xf32, #tpu.memory_space<vmem>>, vector<1x256x128xf32>
    %get3A_21 = vector.shape_cast %get3A_20 : vector<1x256x128xf32> to vector<256x128xf32>
    %add3A_22 = arith.addf %get3A_16, %get3A_21 : vector<256x128xf32>
    %get3A_23 = arith.constant 0 : index
    %get3A_24 = arith.constant 0 : index
    %get3A_25 = vector.load %arg3[%get3A_23, %get3A_24] : memref<256x128xf32, #tpu.memory_space<vmem>>, vector<256x128xf32>
    %add3A_26 = arith.addf %add3A_22, %get3A_25 : vector<256x128xf32>
    %mul3A = vector.broadcast %rsqrt3A : vector<256x1xf32> to vector<256x128xf32>
    %mul3A_27 = arith.mulf %add3A_26, %mul3A : vector<256x128xf32>
    %get3A_28 = arith.constant 0 : index
    %get3A_29 = arith.constant 0 : index
    %get3A_30 = vector.load %arg4[%get3A_28, %get3A_29] : memref<128x128xf32, #tpu.memory_space<vmem>>, vector<128x128xf32>
    %dot_general3A = arith.constant dense<0.000000e+00> : vector<256x128xf32>
    %dot_general3A_31 = tpu.matmul %mul3A_27, %get3A_30, %dot_general3A {dimension_numbers = #tpu.dot_dimension_numbers<[1], [0], [0], [1], [0, 0, 1, 1], [], []>, transpose_lhs_hint = false} : vector<256x128xf32>, vector<128x128xf32>, vector<256x128xf32> -> vector<256x128xf32>
    %get3A_32 = arith.constant 0 : index
    %get3A_33 = arith.constant 0 : index
    %get3A_34 = vector.load %arg5[%get3A_32, %get3A_33] : memref<1x128xf32, #tpu.memory_space<vmem>>, vector<1x128xf32>
    %add3A_35 = vector.broadcast %get3A_34 : vector<1x128xf32> to vector<256x128xf32>
    %add3A_36 = arith.addf %dot_general3A_31, %add3A_35 : vector<256x128xf32>
    %max3A = arith.constant 0.000000e+00 : f32
    %max3A_37 = vector.broadcast %max3A : f32 to vector<256x128xf32>
    %max3A_38 = arith.maximumf %add3A_36, %max3A_37 : vector<256x128xf32>
    %get3A_39 = arith.constant 0 : index
    %get3A_40 = arith.constant 0 : index
    %get3A_41 = vector.load %arg6[%get3A_39, %get3A_40] : memref<1x128xf32, #tpu.memory_space<vmem>>, vector<1x128xf32>
    %get3A_42 = arith.constant 0 : index
    %get3A_43 = arith.constant 0 : index
    %get3A_44 = vector.load %arg7[%get3A_42, %get3A_43] : memref<1x128xf32, #tpu.memory_space<vmem>>, vector<1x128xf32>
    %get3A_45 = arith.constant 0 : index
    %get3A_46 = arith.constant 0 : index
    %get3A_47 = vector.load %arg8[%get3A_45, %get3A_46] : memref<1x128xf32, #tpu.memory_space<vmem>>, vector<1x128xf32>
    %get3A_48 = arith.constant 0 : index
    %get3A_49 = arith.constant 0 : index
    %get3A_50 = vector.load %arg9[%get3A_48, %get3A_49] : memref<1x128xf32, #tpu.memory_space<vmem>>, vector<1x128xf32>
    %sub3A = vector.broadcast %get3A_47 : vector<1x128xf32> to vector<256x128xf32>
    %sub3A_51 = arith.subf %max3A_38, %sub3A : vector<256x128xf32>
    %add3A_52 = arith.constant 9.99999974E-6 : f32
    %add3A_53 = vector.broadcast %add3A_52 : f32 to vector<1x128xf32>
    %add3A_54 = arith.addf %get3A_50, %add3A_53 : vector<1x128xf32>
    %rsqrt3A_55 = math.rsqrt %add3A_54 : vector<1x128xf32>
    %mul3A_56 = vector.broadcast %rsqrt3A_55 : vector<1x128xf32> to vector<256x128xf32>
    %mul3A_57 = arith.mulf %sub3A_51, %mul3A_56 : vector<256x128xf32>
    %mul3A_58 = vector.broadcast %get3A_41 : vector<1x128xf32> to vector<256x128xf32>
    %mul3A_59 = arith.mulf %mul3A_57, %mul3A_58 : vector<256x128xf32>
    %add3A_60 = vector.broadcast %get3A_44 : vector<1x128xf32> to vector<256x128xf32>
    %add3A_61 = arith.addf %mul3A_59, %add3A_60 : vector<256x128xf32>
    %swap3A = arith.constant 0 : index
    %swap3A_62 = arith.constant 0 : index
    %swap3A_63 = vector.load %arg10[%swap3A, %swap3A_62] : memref<256x128xf32, #tpu.memory_space<vmem>>, vector<256x128xf32>
    tpu.vector_store %arg10[%swap3A, %swap3A_62], %add3A_61 {strides = array<i32>} : memref<256x128xf32, #tpu.memory_space<vmem>>, vector<256x128xf32>,
    %mul3A_64 = vector.broadcast %rsqrt3A : vector<256x1xf32> to vector<256x128xf32>
    %mul3A_65 = arith.mulf %add3A_61, %mul3A_64 : vector<256x128xf32>
    %swap3A_66 = arith.constant 0 : index
    %swap3A_67 = arith.constant 0 : index
    %swap3A_68 = vector.load %arg11[%swap3A_66, %swap3A_67] : memref<256x128xf32, #tpu.memory_space<vmem>>, vector<256x128xf32>
    tpu.vector_store %arg11[%swap3A_66, %swap3A_67], %mul3A_65 {strides = array<i32>} : memref<256x128xf32, #tpu.memory_space<vmem>>, vector<256x128xf32>,
    return
  }
  func.func @transform_0(%arg0: i32) -> (i32, i32, i32) {
    %c0_i32 = arith.constant 0 : i32
    %c0_i32_0 = arith.constant 0 : i32
    %c0_i32_1 = arith.constant 0 : i32
    return %c0_i32, %arg0, %c0_i32_0 : i32, i32, i32
  }
  func.func @transform_1(%arg0: i32) -> (i32, i32, i32) {
    %c0_i32 = arith.constant 0 : i32
    %c0_i32_0 = arith.constant 0 : i32
    %c0_i32_1 = arith.constant 0 : i32
    return %c0_i32, %arg0, %c0_i32_0 : i32, i32, i32
  }
  func.func @transform_2(%arg0: i32) -> (i32, i32) {
    %c0_i32 = arith.constant 0 : i32
    %c0_i32_0 = arith.constant 0 : i32
    return %arg0, %c0_i32 : i32, i32
  }
  func.func @transform_3(%arg0: i32) -> (i32, i32) {
    %c0_i32 = arith.constant 0 : i32
    %c0_i32_0 = arith.constant 0 : i32
    %c0_i32_1 = arith.constant 0 : i32
    return %c0_i32, %c0_i32_0 : i32, i32
  }
  func.func @transform_4(%arg0: i32) -> (i32, i32) {
    %c0_i32 = arith.constant 0 : i32
    %c0_i32_0 = arith.constant 0 : i32
    %c0_i32_1 = arith.constant 0 : i32
    return %c0_i32, %c0_i32_0 : i32, i32
  }
  func.func @transform_5(%arg0: i32) -> (i32, i32) {
    %c0_i32 = arith.constant 0 : i32
    %c0_i32_0 = arith.constant 0 : i32
    %c0_i32_1 = arith.constant 0 : i32
    return %c0_i32, %c0_i32_0 : i32, i32
  }
  func.func @transform_6(%arg0: i32) -> (i32, i32) {
    %c0_i32 = arith.constant 0 : i32
    %c0_i32_0 = arith.constant 0 : i32
    %c0_i32_1 = arith.constant 0 : i32
    return %c0_i32, %c0_i32_0 : i32, i32
  }
  func.func @transform_7(%arg0: i32) -> (i32, i32) {
    %c0_i32 = arith.constant 0 : i32
    %c0_i32_0 = arith.constant 0 : i32
    %c0_i32_1 = arith.constant 0 : i32
    return %c0_i32, %c0_i32_0 : i32, i32
  }
  func.func @transform_8(%arg0: i32) -> (i32, i32) {
    %c0_i32 = arith.constant 0 : i32
    %c0_i32_0 = arith.constant 0 : i32
    %c0_i32_1 = arith.constant 0 : i32
    return %c0_i32, %c0_i32_0 : i32, i32
  }
  func.func @transform_9(%arg0: i32) -> (i32, i32) {
    %c0_i32 = arith.constant 0 : i32
    %c0_i32_0 = arith.constant 0 : i32
    return %arg0, %c0_i32 : i32, i32
  }
  func.func @transform_10(%arg0: i32) -> (i32, i32) {
    %c0_i32 = arith.constant 0 : i32
    %c0_i32_0 = arith.constant 0 : i32
    return %arg0, %c0_i32 : i32, i32
  }
}

module attributes {stable_mosaic.version = 14 : i64} {
  func.func @_kd_body(%arg0: i32, %arg1: memref<1024x128xf32, #tpu.memory_space<vmem>>, %arg2: memref<1024x128xf32, #tpu.memory_space<vmem>>, %arg3: memref<1x128xf32, #tpu.memory_space<vmem>>, %arg4: memref<1x128xf32, #tpu.memory_space<vmem>>, %arg5: memref<1x128xf32, #tpu.memory_space<vmem>>, %arg6: memref<1x128xf32, #tpu.memory_space<vmem>>, %arg7: memref<128x1xf32, #tpu.memory_space<vmem>>, %arg8: memref<1x1xf32, #tpu.memory_space<vmem>>, %arg9: memref<1024x1xf32, #tpu.memory_space<vmem>>) attributes {dimension_semantics = [#tpu.dimension_semantics<arbitrary>], iteration_bounds = array<i64: 32>, scalar_prefetch = 0 : i64, scratch_operands = 0 : i64, tpu.core_type = #tpu.core_type<tc>, window_params = [{transform_indices = @transform_0, window_bounds = array<i64: 1024, 128>}, {transform_indices = @transform_1, window_bounds = array<i64: 1024, 128>}, {pipeline_mode = #tpu.pipeline_mode<synchronous>, transform_indices = @transform_2, window_bounds = array<i64: 1, 128>}, {pipeline_mode = #tpu.pipeline_mode<synchronous>, transform_indices = @transform_3, window_bounds = array<i64: 1, 128>}, {pipeline_mode = #tpu.pipeline_mode<synchronous>, transform_indices = @transform_4, window_bounds = array<i64: 1, 128>}, {pipeline_mode = #tpu.pipeline_mode<synchronous>, transform_indices = @transform_5, window_bounds = array<i64: 1, 128>}, {pipeline_mode = #tpu.pipeline_mode<synchronous>, transform_indices = @transform_6, window_bounds = array<i64: 128, 1>}, {pipeline_mode = #tpu.pipeline_mode<synchronous>, transform_indices = @transform_7, window_bounds = array<i64: 1, 1>}, {transform_indices = @transform_8, window_bounds = array<i64: 1024, 1>}]} {
    %get3A = arith.constant 0 : index
    %get3A_0 = arith.constant 0 : index
    %get3A_1 = vector.load %arg1[%get3A, %get3A_0] : memref<1024x128xf32, #tpu.memory_space<vmem>>, vector<1024x128xf32>
    %get3A_2 = arith.constant 0 : index
    %get3A_3 = arith.constant 0 : index
    %get3A_4 = vector.load %arg2[%get3A_2, %get3A_3] : memref<1024x128xf32, #tpu.memory_space<vmem>>, vector<1024x128xf32>
    %add3A = arith.addf %get3A_1, %get3A_4 : vector<1024x128xf32>
    %max3A = arith.constant 0.000000e+00 : f32
    %max3A_5 = vector.broadcast %max3A : f32 to vector<1024x128xf32>
    %max3A_6 = arith.maximumf %add3A, %max3A_5 : vector<1024x128xf32>
    %get3A_7 = arith.constant 0 : index
    %get3A_8 = arith.constant 0 : index
    %get3A_9 = vector.load %arg3[%get3A_7, %get3A_8] : memref<1x128xf32, #tpu.memory_space<vmem>>, vector<1x128xf32>
    %get3A_10 = arith.constant 0 : index
    %get3A_11 = arith.constant 0 : index
    %get3A_12 = vector.load %arg4[%get3A_10, %get3A_11] : memref<1x128xf32, #tpu.memory_space<vmem>>, vector<1x128xf32>
    %get3A_13 = arith.constant 0 : index
    %get3A_14 = arith.constant 0 : index
    %get3A_15 = vector.load %arg5[%get3A_13, %get3A_14] : memref<1x128xf32, #tpu.memory_space<vmem>>, vector<1x128xf32>
    %get3A_16 = arith.constant 0 : index
    %get3A_17 = arith.constant 0 : index
    %get3A_18 = vector.load %arg6[%get3A_16, %get3A_17] : memref<1x128xf32, #tpu.memory_space<vmem>>, vector<1x128xf32>
    %sub3A = vector.broadcast %get3A_15 : vector<1x128xf32> to vector<1024x128xf32>
    %sub3A_19 = arith.subf %max3A_6, %sub3A : vector<1024x128xf32>
    %add3A_20 = arith.constant 9.99999974E-6 : f32
    %add3A_21 = vector.broadcast %add3A_20 : f32 to vector<1x128xf32>
    %add3A_22 = arith.addf %get3A_18, %add3A_21 : vector<1x128xf32>
    %rsqrt3A = math.rsqrt %add3A_22 : vector<1x128xf32>
    %mul3A = vector.broadcast %rsqrt3A : vector<1x128xf32> to vector<1024x128xf32>
    %mul3A_23 = arith.mulf %sub3A_19, %mul3A : vector<1024x128xf32>
    %mul3A_24 = vector.broadcast %get3A_9 : vector<1x128xf32> to vector<1024x128xf32>
    %mul3A_25 = arith.mulf %mul3A_23, %mul3A_24 : vector<1024x128xf32>
    %add3A_26 = vector.broadcast %get3A_12 : vector<1x128xf32> to vector<1024x128xf32>
    %add3A_27 = arith.addf %mul3A_25, %add3A_26 : vector<1024x128xf32>
    %get3A_28 = arith.constant 0 : index
    %get3A_29 = arith.constant 0 : index
    %get3A_30 = vector.load %arg7[%get3A_28, %get3A_29] : memref<128x1xf32, #tpu.memory_space<vmem>>, vector<128x1xf32>
    %dot_general3A = arith.constant dense<0.000000e+00> : vector<1024x1xf32>
    %dot_general3A_31 = tpu.matmul %add3A_27, %get3A_30, %dot_general3A {dimension_numbers = #tpu.dot_dimension_numbers<[1], [0], [0], [1], [0, 0, 1, 1], [], []>, transpose_lhs_hint = false} : vector<1024x128xf32>, vector<128x1xf32>, vector<1024x1xf32> -> vector<1024x1xf32>
    %get3A_32 = arith.constant 0 : index
    %get3A_33 = arith.constant 0 : index
    %get3A_34 = vector.load %arg8[%get3A_32, %get3A_33] : memref<1x1xf32, #tpu.memory_space<vmem>>, vector<1x1xf32>
    %add3A_35 = vector.broadcast %get3A_34 : vector<1x1xf32> to vector<1024x1xf32>
    %add3A_36 = arith.addf %dot_general3A_31, %add3A_35 : vector<1024x1xf32>
    %logistic3A = arith.negf %add3A_36 : vector<1024x1xf32>
    %logistic3A_37 = math.exp %logistic3A : vector<1024x1xf32>
    %logistic3A_38 = arith.constant 1.000000e+00 : f32
    %logistic3A_39 = vector.broadcast %logistic3A_38 : f32 to vector<1024x1xf32>
    %logistic3A_40 = arith.addf %logistic3A_39, %logistic3A_37 : vector<1024x1xf32>
    %logistic3A_41 = arith.divf %logistic3A_39, %logistic3A_40 : vector<1024x1xf32>
    %swap3A = arith.constant 0 : index
    %swap3A_42 = arith.constant 0 : index
    %swap3A_43 = vector.load %arg9[%swap3A, %swap3A_42] : memref<1024x1xf32, #tpu.memory_space<vmem>>, vector<1024x1xf32>
    tpu.vector_store %arg9[%swap3A, %swap3A_42], %logistic3A_41 {strides = array<i32>} : memref<1024x1xf32, #tpu.memory_space<vmem>>, vector<1024x1xf32>,
    return
  }
  func.func @transform_0(%arg0: i32) -> (i32, i32) {
    %c0_i32 = arith.constant 0 : i32
    %c0_i32_0 = arith.constant 0 : i32
    return %arg0, %c0_i32 : i32, i32
  }
  func.func @transform_1(%arg0: i32) -> (i32, i32) {
    %c0_i32 = arith.constant 0 : i32
    %c0_i32_0 = arith.constant 0 : i32
    return %arg0, %c0_i32 : i32, i32
  }
  func.func @transform_2(%arg0: i32) -> (i32, i32) {
    %c0_i32 = arith.constant 0 : i32
    %c0_i32_0 = arith.constant 0 : i32
    %c0_i32_1 = arith.constant 0 : i32
    return %c0_i32, %c0_i32_0 : i32, i32
  }
  func.func @transform_3(%arg0: i32) -> (i32, i32) {
    %c0_i32 = arith.constant 0 : i32
    %c0_i32_0 = arith.constant 0 : i32
    %c0_i32_1 = arith.constant 0 : i32
    return %c0_i32, %c0_i32_0 : i32, i32
  }
  func.func @transform_4(%arg0: i32) -> (i32, i32) {
    %c0_i32 = arith.constant 0 : i32
    %c0_i32_0 = arith.constant 0 : i32
    %c0_i32_1 = arith.constant 0 : i32
    return %c0_i32, %c0_i32_0 : i32, i32
  }
  func.func @transform_5(%arg0: i32) -> (i32, i32) {
    %c0_i32 = arith.constant 0 : i32
    %c0_i32_0 = arith.constant 0 : i32
    %c0_i32_1 = arith.constant 0 : i32
    return %c0_i32, %c0_i32_0 : i32, i32
  }
  func.func @transform_6(%arg0: i32) -> (i32, i32) {
    %c0_i32 = arith.constant 0 : i32
    %c0_i32_0 = arith.constant 0 : i32
    %c0_i32_1 = arith.constant 0 : i32
    return %c0_i32, %c0_i32_0 : i32, i32
  }
  func.func @transform_7(%arg0: i32) -> (i32, i32) {
    %c0_i32 = arith.constant 0 : i32
    %c0_i32_0 = arith.constant 0 : i32
    %c0_i32_1 = arith.constant 0 : i32
    return %c0_i32, %c0_i32_0 : i32, i32
  }
  func.func @transform_8(%arg0: i32) -> (i32, i32) {
    %c0_i32 = arith.constant 0 : i32
    %c0_i32_0 = arith.constant 0 : i32
    return %arg0, %c0_i32 : i32, i32
  }
}

module attributes {stable_mosaic.version = 14 : i64} {
  func.func @_kbc_body(%arg0: i32, %arg1: memref<2x256x128xf32, #tpu.memory_space<vmem>>, %arg2: memref<2x256x128xf32, #tpu.memory_space<vmem>>, %arg3: memref<256x128xf32, #tpu.memory_space<vmem>>, %arg4: memref<256x128xf32, #tpu.memory_space<vmem>>, %arg5: memref<256x128xf32, #tpu.memory_space<vmem>>, %arg6: memref<128x128xf32, #tpu.memory_space<vmem>>, %arg7: memref<1x128xf32, #tpu.memory_space<vmem>>, %arg8: memref<128x1024xf32, #tpu.memory_space<vmem>>, %arg9: memref<256x1024xf32, #tpu.memory_space<vmem>>, %arg10: memref<1x1024xf32, #tpu.memory_space<vmem>>, %arg11: memref<128x1024xf32, #tpu.memory_space<vmem>>, %arg12: memref<256x1024xf32, #tpu.memory_space<vmem>>, %arg13: memref<1x1024xf32, #tpu.memory_space<vmem>>, %arg14: memref<256x1xf32, #tpu.memory_space<vmem>>, %arg15: memref<256x1xf32, #tpu.memory_space<vmem>>, %arg16: memref<1x1xf32, #tpu.memory_space<vmem>>, %arg17: memref<128x128xf32, #tpu.memory_space<vmem>>, %arg18: memref<128x128xf32, #tpu.memory_space<vmem>>, %arg19: memref<1x128xf32, #tpu.memory_space<vmem>>, %arg20: memref<256x128xf32, #tpu.memory_space<vmem>>, %arg21: memref<256x128xf32, #tpu.memory_space<vmem>>) attributes {dimension_semantics = [#tpu.dimension_semantics<arbitrary>], iteration_bounds = array<i64: 40>, scalar_prefetch = 0 : i64, scratch_operands = 0 : i64, tpu.core_type = #tpu.core_type<tc>, window_params = [{transform_indices = @transform_0, window_bounds = array<i64: 2, 256, 128>}, {transform_indices = @transform_1, window_bounds = array<i64: 2, 256, 128>}, {transform_indices = @transform_2, window_bounds = array<i64: 256, 128>}, {transform_indices = @transform_3, window_bounds = array<i64: 256, 128>}, {transform_indices = @transform_4, window_bounds = array<i64: 256, 128>}, {pipeline_mode = #tpu.pipeline_mode<synchronous>, transform_indices = @transform_5, window_bounds = array<i64: 128, 128>}, {pipeline_mode = #tpu.pipeline_mode<synchronous>, transform_indices = @transform_6, window_bounds = array<i64: 1, 128>}, {pipeline_mode = #tpu.pipeline_mode<synchronous>, transform_indices = @transform_7, window_bounds = array<i64: 128, 1024>}, {pipeline_mode = #tpu.pipeline_mode<synchronous>, transform_indices = @transform_8, window_bounds = array<i64: 256, 1024>}, {pipeline_mode = #tpu.pipeline_mode<synchronous>, transform_indices = @transform_9, window_bounds = array<i64: 1, 1024>}, {pipeline_mode = #tpu.pipeline_mode<synchronous>, transform_indices = @transform_10, window_bounds = array<i64: 128, 1024>}, {pipeline_mode = #tpu.pipeline_mode<synchronous>, transform_indices = @transform_11, window_bounds = array<i64: 256, 1024>}, {pipeline_mode = #tpu.pipeline_mode<synchronous>, transform_indices = @transform_12, window_bounds = array<i64: 1, 1024>}, {pipeline_mode = #tpu.pipeline_mode<synchronous>, transform_indices = @transform_13, window_bounds = array<i64: 256, 1>}, {pipeline_mode = #tpu.pipeline_mode<synchronous>, transform_indices = @transform_14, window_bounds = array<i64: 256, 1>}, {pipeline_mode = #tpu.pipeline_mode<synchronous>, transform_indices = @transform_15, window_bounds = array<i64: 1, 1>}, {pipeline_mode = #tpu.pipeline_mode<synchronous>, transform_indices = @transform_16, window_bounds = array<i64: 128, 128>}, {pipeline_mode = #tpu.pipeline_mode<synchronous>, transform_indices = @transform_17, window_bounds = array<i64: 128, 128>}, {pipeline_mode = #tpu.pipeline_mode<synchronous>, transform_indices = @transform_18, window_bounds = array<i64: 1, 128>}, {transform_indices = @transform_19, window_bounds = array<i64: 256, 128>}, {transform_indices = @transform_20, window_bounds = array<i64: 256, 128>}]} {
    %get3A = arith.constant 0 : index
    %get3A_0 = arith.constant 0 : index
    %get3A_1 = arith.constant 0 : index
    %get3A_2 = vector.load %arg1[%get3A, %get3A_0, %get3A_1] : memref<2x256x128xf32, #tpu.memory_space<vmem>>, vector<1x256x1xf32>
    %get3A_3 = vector.shape_cast %get3A_2 : vector<1x256x1xf32> to vector<256x1xf32>
    %get3A_4 = arith.constant 1 : index
    %get3A_5 = arith.constant 0 : index
    %get3A_6 = arith.constant 0 : index
    %get3A_7 = vector.load %arg1[%get3A_4, %get3A_5, %get3A_6] : memref<2x256x128xf32, #tpu.memory_space<vmem>>, vector<1x256x1xf32>
    %get3A_8 = vector.shape_cast %get3A_7 : vector<1x256x1xf32> to vector<256x1xf32>
    %add3A = arith.addf %get3A_3, %get3A_8 : vector<256x1xf32>
    %add3A_9 = arith.constant 1.000000e+00 : f32
    %add3A_10 = vector.broadcast %add3A_9 : f32 to vector<256x1xf32>
    %add3A_11 = arith.addf %add3A, %add3A_10 : vector<256x1xf32>
    %rsqrt3A = math.rsqrt %add3A_11 : vector<256x1xf32>
    %get3A_12 = arith.constant 0 : index
    %get3A_13 = arith.constant 0 : index
    %get3A_14 = arith.constant 0 : index
    %get3A_15 = vector.load %arg2[%get3A_12, %get3A_13, %get3A_14] : memref<2x256x128xf32, #tpu.memory_space<vmem>>, vector<1x256x128xf32>
    %get3A_16 = vector.shape_cast %get3A_15 : vector<1x256x128xf32> to vector<256x128xf32>
    %get3A_17 = arith.constant 1 : index
    %get3A_18 = arith.constant 0 : index
    %get3A_19 = arith.constant 0 : index
    %get3A_20 = vector.load %arg2[%get3A_17, %get3A_18, %get3A_19] : memref<2x256x128xf32, #tpu.memory_space<vmem>>, vector<1x256x128xf32>
    %get3A_21 = vector.shape_cast %get3A_20 : vector<1x256x128xf32> to vector<256x128xf32>
    %add3A_22 = arith.addf %get3A_16, %get3A_21 : vector<256x128xf32>
    %get3A_23 = arith.constant 0 : index
    %get3A_24 = arith.constant 0 : index
    %get3A_25 = vector.load %arg3[%get3A_23, %get3A_24] : memref<256x128xf32, #tpu.memory_space<vmem>>, vector<256x128xf32>
    %add3A_26 = arith.addf %add3A_22, %get3A_25 : vector<256x128xf32>
    %mul3A = vector.broadcast %rsqrt3A : vector<256x1xf32> to vector<256x128xf32>
    %mul3A_27 = arith.mulf %add3A_26, %mul3A : vector<256x128xf32>
    %get3A_28 = arith.constant 0 : index
    %get3A_29 = arith.constant 0 : index
    %get3A_30 = vector.load %arg6[%get3A_28, %get3A_29] : memref<128x128xf32, #tpu.memory_space<vmem>>, vector<128x128xf32>
    %dot_general3A = arith.constant dense<0.000000e+00> : vector<256x128xf32>
    %dot_general3A_31 = tpu.matmul %mul3A_27, %get3A_30, %dot_general3A {dimension_numbers = #tpu.dot_dimension_numbers<[1], [0], [0], [1], [0, 0, 1, 1], [], []>, transpose_lhs_hint = false} : vector<256x128xf32>, vector<128x128xf32>, vector<256x128xf32> -> vector<256x128xf32>
    %get3A_32 = arith.constant 0 : index
    %get3A_33 = arith.constant 0 : index
    %get3A_34 = vector.load %arg7[%get3A_32, %get3A_33] : memref<1x128xf32, #tpu.memory_space<vmem>>, vector<1x128xf32>
    %add3A_35 = vector.broadcast %get3A_34 : vector<1x128xf32> to vector<256x128xf32>
    %add3A_36 = arith.addf %dot_general3A_31, %add3A_35 : vector<256x128xf32>
    %get3A_37 = arith.constant 0 : index
    %get3A_38 = arith.constant 0 : index
    %get3A_39 = vector.load %arg4[%get3A_37, %get3A_38] : memref<256x128xf32, #tpu.memory_space<vmem>>, vector<256x128xf32>
    %get3A_40 = arith.constant 0 : index
    %get3A_41 = arith.constant 0 : index
    %get3A_42 = vector.load %arg5[%get3A_40, %get3A_41] : memref<256x128xf32, #tpu.memory_space<vmem>>, vector<256x128xf32>
    %broadcast_in_dim3A = arith.constant 0.000000e+00 : f32
    %broadcast_in_dim3A_43 = vector.broadcast %broadcast_in_dim3A : f32 to vector<256x256xf32>
    %get3A_44 = arith.constant 0 : index
    %get3A_45 = arith.constant 0 : index
    %get3A_46 = vector.load %arg8[%get3A_44, %get3A_45] : memref<128x1024xf32, #tpu.memory_space<vmem>>, vector<128x1024xf32>
    %get3A_47 = arith.constant 0 : index
    %get3A_48 = arith.constant 0 : index
    %get3A_49 = vector.load %arg9[%get3A_47, %get3A_48] : memref<256x1024xf32, #tpu.memory_space<vmem>>, vector<256x1024xf32>
    %get3A_50 = arith.constant 0 : index
    %get3A_51 = arith.constant 0 : index
    %get3A_52 = vector.load %arg10[%get3A_50, %get3A_51] : memref<1x1024xf32, #tpu.memory_space<vmem>>, vector<1x1024xf32>
    %dot_general3A_53 = arith.constant dense<0.000000e+00> : vector<256x1024xf32>
    %dot_general3A_54 = tpu.matmul %get3A_39, %get3A_46, %dot_general3A_53 {dimension_numbers = #tpu.dot_dimension_numbers<[1], [0], [0], [1], [0, 0, 1, 1], [], []>, transpose_lhs_hint = false} : vector<256x128xf32>, vector<128x1024xf32>, vector<256x1024xf32> -> vector<256x1024xf32>
    %dot_general3A_55 = arith.constant dense<0.000000e+00> : vector<256x1024xf32>
    %dot_general3A_56 = tpu.matmul %broadcast_in_dim3A_43, %get3A_49, %dot_general3A_55 {dimension_numbers = #tpu.dot_dimension_numbers<[1], [0], [0], [1], [0, 0, 1, 1], [], []>, transpose_lhs_hint = false} : vector<256x256xf32>, vector<256x1024xf32>, vector<256x1024xf32> -> vector<256x1024xf32>
    %add3A_57 = arith.addf %dot_general3A_54, %dot_general3A_56 : vector<256x1024xf32>
    %add3A_58 = vector.broadcast %get3A_52 : vector<1x1024xf32> to vector<256x1024xf32>
    %add3A_59 = arith.addf %add3A_57, %add3A_58 : vector<256x1024xf32>
    %slice3A = vector.extract_strided_slice %add3A_59 {offsets = [0, 0], sizes = [256, 256], strides = [1, 1]} : vector<256x1024xf32> to vector<256x256xf32>
    %logistic3A = arith.negf %slice3A : vector<256x256xf32>
    %logistic3A_60 = math.exp %logistic3A : vector<256x256xf32>
    %logistic3A_61 = arith.constant 1.000000e+00 : f32
    %logistic3A_62 = vector.broadcast %logistic3A_61 : f32 to vector<256x256xf32>
    %logistic3A_63 = arith.addf %logistic3A_62, %logistic3A_60 : vector<256x256xf32>
    %logistic3A_64 = arith.divf %logistic3A_62, %logistic3A_63 : vector<256x256xf32>
    %slice3A_65 = vector.extract_strided_slice %add3A_59 {offsets = [0, 256], sizes = [256, 256], strides = [1, 1]} : vector<256x1024xf32> to vector<256x256xf32>
    %logistic3A_66 = arith.negf %slice3A_65 : vector<256x256xf32>
    %logistic3A_67 = math.exp %logistic3A_66 : vector<256x256xf32>
    %logistic3A_68 = arith.constant 1.000000e+00 : f32
    %logistic3A_69 = vector.broadcast %logistic3A_68 : f32 to vector<256x256xf32>
    %logistic3A_70 = arith.addf %logistic3A_69, %logistic3A_67 : vector<256x256xf32>
    %logistic3A_71 = arith.divf %logistic3A_69, %logistic3A_70 : vector<256x256xf32>
    %slice3A_72 = vector.extract_strided_slice %add3A_59 {offsets = [0, 512], sizes = [256, 256], strides = [1, 1]} : vector<256x1024xf32> to vector<256x256xf32>
    %tanh3A = math.tanh %slice3A_72 : vector<256x256xf32>
    %slice3A_73 = vector.extract_strided_slice %add3A_59 {offsets = [0, 768], sizes = [256, 256], strides = [1, 1]} : vector<256x1024xf32> to vector<256x256xf32>
    %logistic3A_74 = arith.negf %slice3A_73 : vector<256x256xf32>
    %logistic3A_75 = math.exp %logistic3A_74 : vector<256x256xf32>
    %logistic3A_76 = arith.constant 1.000000e+00 : f32
    %logistic3A_77 = vector.broadcast %logistic3A_76 : f32 to vector<256x256xf32>
    %logistic3A_78 = arith.addf %logistic3A_77, %logistic3A_75 : vector<256x256xf32>
    %logistic3A_79 = arith.divf %logistic3A_77, %logistic3A_78 : vector<256x256xf32>
    %mul3A_80 = arith.mulf %logistic3A_71, %broadcast_in_dim3A_43 : vector<256x256xf32>
    %mul3A_81 = arith.mulf %logistic3A_64, %tanh3A : vector<256x256xf32>
    %add3A_82 = arith.addf %mul3A_80, %mul3A_81 : vector<256x256xf32>
    %tanh3A_83 = math.tanh %add3A_82 : vector<256x256xf32>
    %mul3A_84 = arith.mulf %logistic3A_79, %tanh3A_83 : vector<256x256xf32>
    %get3A_85 = arith.constant 0 : index
    %get3A_86 = arith.constant 0 : index
    %get3A_87 = vector.load %arg8[%get3A_85, %get3A_86] : memref<128x1024xf32, #tpu.memory_space<vmem>>, vector<128x1024xf32>
    %get3A_88 = arith.constant 0 : index
    %get3A_89 = arith.constant 0 : index
    %get3A_90 = vector.load %arg9[%get3A_88, %get3A_89] : memref<256x1024xf32, #tpu.memory_space<vmem>>, vector<256x1024xf32>
    %get3A_91 = arith.constant 0 : index
    %get3A_92 = arith.constant 0 : index
    %get3A_93 = vector.load %arg10[%get3A_91, %get3A_92] : memref<1x1024xf32, #tpu.memory_space<vmem>>, vector<1x1024xf32>
    %dot_general3A_94 = arith.constant dense<0.000000e+00> : vector<256x1024xf32>
    %dot_general3A_95 = tpu.matmul %get3A_42, %get3A_87, %dot_general3A_94 {dimension_numbers = #tpu.dot_dimension_numbers<[1], [0], [0], [1], [0, 0, 1, 1], [], []>, transpose_lhs_hint = false} : vector<256x128xf32>, vector<128x1024xf32>, vector<256x1024xf32> -> vector<256x1024xf32>
    %dot_general3A_96 = arith.constant dense<0.000000e+00> : vector<256x1024xf32>
    %dot_general3A_97 = tpu.matmul %mul3A_84, %get3A_90, %dot_general3A_96 {dimension_numbers = #tpu.dot_dimension_numbers<[1], [0], [0], [1], [0, 0, 1, 1], [], []>, transpose_lhs_hint = false} : vector<256x256xf32>, vector<256x1024xf32>, vector<256x1024xf32> -> vector<256x1024xf32>
    %add3A_98 = arith.addf %dot_general3A_95, %dot_general3A_97 : vector<256x1024xf32>
    %add3A_99 = vector.broadcast %get3A_93 : vector<1x1024xf32> to vector<256x1024xf32>
    %add3A_100 = arith.addf %add3A_98, %add3A_99 : vector<256x1024xf32>
    %slice3A_101 = vector.extract_strided_slice %add3A_100 {offsets = [0, 0], sizes = [256, 256], strides = [1, 1]} : vector<256x1024xf32> to vector<256x256xf32>
    %logistic3A_102 = arith.negf %slice3A_101 : vector<256x256xf32>
    %logistic3A_103 = math.exp %logistic3A_102 : vector<256x256xf32>
    %logistic3A_104 = arith.constant 1.000000e+00 : f32
    %logistic3A_105 = vector.broadcast %logistic3A_104 : f32 to vector<256x256xf32>
    %logistic3A_106 = arith.addf %logistic3A_105, %logistic3A_103 : vector<256x256xf32>
    %logistic3A_107 = arith.divf %logistic3A_105, %logistic3A_106 : vector<256x256xf32>
    %slice3A_108 = vector.extract_strided_slice %add3A_100 {offsets = [0, 256], sizes = [256, 256], strides = [1, 1]} : vector<256x1024xf32> to vector<256x256xf32>
    %logistic3A_109 = arith.negf %slice3A_108 : vector<256x256xf32>
    %logistic3A_110 = math.exp %logistic3A_109 : vector<256x256xf32>
    %logistic3A_111 = arith.constant 1.000000e+00 : f32
    %logistic3A_112 = vector.broadcast %logistic3A_111 : f32 to vector<256x256xf32>
    %logistic3A_113 = arith.addf %logistic3A_112, %logistic3A_110 : vector<256x256xf32>
    %logistic3A_114 = arith.divf %logistic3A_112, %logistic3A_113 : vector<256x256xf32>
    %slice3A_115 = vector.extract_strided_slice %add3A_100 {offsets = [0, 512], sizes = [256, 256], strides = [1, 1]} : vector<256x1024xf32> to vector<256x256xf32>
    %tanh3A_116 = math.tanh %slice3A_115 : vector<256x256xf32>
    %slice3A_117 = vector.extract_strided_slice %add3A_100 {offsets = [0, 768], sizes = [256, 256], strides = [1, 1]} : vector<256x1024xf32> to vector<256x256xf32>
    %logistic3A_118 = arith.negf %slice3A_117 : vector<256x256xf32>
    %logistic3A_119 = math.exp %logistic3A_118 : vector<256x256xf32>
    %logistic3A_120 = arith.constant 1.000000e+00 : f32
    %logistic3A_121 = vector.broadcast %logistic3A_120 : f32 to vector<256x256xf32>
    %logistic3A_122 = arith.addf %logistic3A_121, %logistic3A_119 : vector<256x256xf32>
    %logistic3A_123 = arith.divf %logistic3A_121, %logistic3A_122 : vector<256x256xf32>
    %mul3A_124 = arith.mulf %logistic3A_114, %add3A_82 : vector<256x256xf32>
    %mul3A_125 = arith.mulf %logistic3A_107, %tanh3A_116 : vector<256x256xf32>
    %add3A_126 = arith.addf %mul3A_124, %mul3A_125 : vector<256x256xf32>
    %tanh3A_127 = math.tanh %add3A_126 : vector<256x256xf32>
    %mul3A_128 = arith.mulf %logistic3A_123, %tanh3A_127 : vector<256x256xf32>
    %get3A_129 = arith.constant 0 : index
    %get3A_130 = arith.constant 0 : index
    %get3A_131 = vector.load %arg8[%get3A_129, %get3A_130] : memref<128x1024xf32, #tpu.memory_space<vmem>>, vector<128x1024xf32>
    %get3A_132 = arith.constant 0 : index
    %get3A_133 = arith.constant 0 : index
    %get3A_134 = vector.load %arg9[%get3A_132, %get3A_133] : memref<256x1024xf32, #tpu.memory_space<vmem>>, vector<256x1024xf32>
    %get3A_135 = arith.constant 0 : index
    %get3A_136 = arith.constant 0 : index
    %get3A_137 = vector.load %arg10[%get3A_135, %get3A_136] : memref<1x1024xf32, #tpu.memory_space<vmem>>, vector<1x1024xf32>
    %dot_general3A_138 = arith.constant dense<0.000000e+00> : vector<256x1024xf32>
    %dot_general3A_139 = tpu.matmul %add3A_36, %get3A_131, %dot_general3A_138 {dimension_numbers = #tpu.dot_dimension_numbers<[1], [0], [0], [1], [0, 0, 1, 1], [], []>, transpose_lhs_hint = false} : vector<256x128xf32>, vector<128x1024xf32>, vector<256x1024xf32> -> vector<256x1024xf32>
    %dot_general3A_140 = arith.constant dense<0.000000e+00> : vector<256x1024xf32>
    %dot_general3A_141 = tpu.matmul %mul3A_128, %get3A_134, %dot_general3A_140 {dimension_numbers = #tpu.dot_dimension_numbers<[1], [0], [0], [1], [0, 0, 1, 1], [], []>, transpose_lhs_hint = false} : vector<256x256xf32>, vector<256x1024xf32>, vector<256x1024xf32> -> vector<256x1024xf32>
    %add3A_142 = arith.addf %dot_general3A_139, %dot_general3A_141 : vector<256x1024xf32>
    %add3A_143 = vector.broadcast %get3A_137 : vector<1x1024xf32> to vector<256x1024xf32>
    %add3A_144 = arith.addf %add3A_142, %add3A_143 : vector<256x1024xf32>
    %slice3A_145 = vector.extract_strided_slice %add3A_144 {offsets = [0, 0], sizes = [256, 256], strides = [1, 1]} : vector<256x1024xf32> to vector<256x256xf32>
    %logistic3A_146 = arith.negf %slice3A_145 : vector<256x256xf32>
    %logistic3A_147 = math.exp %logistic3A_146 : vector<256x256xf32>
    %logistic3A_148 = arith.constant 1.000000e+00 : f32
    %logistic3A_149 = vector.broadcast %logistic3A_148 : f32 to vector<256x256xf32>
    %logistic3A_150 = arith.addf %logistic3A_149, %logistic3A_147 : vector<256x256xf32>
    %logistic3A_151 = arith.divf %logistic3A_149, %logistic3A_150 : vector<256x256xf32>
    %slice3A_152 = vector.extract_strided_slice %add3A_144 {offsets = [0, 256], sizes = [256, 256], strides = [1, 1]} : vector<256x1024xf32> to vector<256x256xf32>
    %logistic3A_153 = arith.negf %slice3A_152 : vector<256x256xf32>
    %logistic3A_154 = math.exp %logistic3A_153 : vector<256x256xf32>
    %logistic3A_155 = arith.constant 1.000000e+00 : f32
    %logistic3A_156 = vector.broadcast %logistic3A_155 : f32 to vector<256x256xf32>
    %logistic3A_157 = arith.addf %logistic3A_156, %logistic3A_154 : vector<256x256xf32>
    %logistic3A_158 = arith.divf %logistic3A_156, %logistic3A_157 : vector<256x256xf32>
    %slice3A_159 = vector.extract_strided_slice %add3A_144 {offsets = [0, 512], sizes = [256, 256], strides = [1, 1]} : vector<256x1024xf32> to vector<256x256xf32>
    %tanh3A_160 = math.tanh %slice3A_159 : vector<256x256xf32>
    %slice3A_161 = vector.extract_strided_slice %add3A_144 {offsets = [0, 768], sizes = [256, 256], strides = [1, 1]} : vector<256x1024xf32> to vector<256x256xf32>
    %logistic3A_162 = arith.negf %slice3A_161 : vector<256x256xf32>
    %logistic3A_163 = math.exp %logistic3A_162 : vector<256x256xf32>
    %logistic3A_164 = arith.constant 1.000000e+00 : f32
    %logistic3A_165 = vector.broadcast %logistic3A_164 : f32 to vector<256x256xf32>
    %logistic3A_166 = arith.addf %logistic3A_165, %logistic3A_163 : vector<256x256xf32>
    %logistic3A_167 = arith.divf %logistic3A_165, %logistic3A_166 : vector<256x256xf32>
    %mul3A_168 = arith.mulf %logistic3A_158, %add3A_126 : vector<256x256xf32>
    %mul3A_169 = arith.mulf %logistic3A_151, %tanh3A_160 : vector<256x256xf32>
    %add3A_170 = arith.addf %mul3A_168, %mul3A_169 : vector<256x256xf32>
    %tanh3A_171 = math.tanh %add3A_170 : vector<256x256xf32>
    %mul3A_172 = arith.mulf %logistic3A_167, %tanh3A_171 : vector<256x256xf32>
    %get3A_173 = arith.constant 0 : index
    %get3A_174 = arith.constant 0 : index
    %get3A_175 = vector.load %arg11[%get3A_173, %get3A_174] : memref<128x1024xf32, #tpu.memory_space<vmem>>, vector<128x1024xf32>
    %get3A_176 = arith.constant 0 : index
    %get3A_177 = arith.constant 0 : index
    %get3A_178 = vector.load %arg12[%get3A_176, %get3A_177] : memref<256x1024xf32, #tpu.memory_space<vmem>>, vector<256x1024xf32>
    %get3A_179 = arith.constant 0 : index
    %get3A_180 = arith.constant 0 : index
    %get3A_181 = vector.load %arg13[%get3A_179, %get3A_180] : memref<1x1024xf32, #tpu.memory_space<vmem>>, vector<1x1024xf32>
    %dot_general3A_182 = arith.constant dense<0.000000e+00> : vector<256x1024xf32>
    %dot_general3A_183 = tpu.matmul %add3A_36, %get3A_175, %dot_general3A_182 {dimension_numbers = #tpu.dot_dimension_numbers<[1], [0], [0], [1], [0, 0, 1, 1], [], []>, transpose_lhs_hint = false} : vector<256x128xf32>, vector<128x1024xf32>, vector<256x1024xf32> -> vector<256x1024xf32>
    %dot_general3A_184 = arith.constant dense<0.000000e+00> : vector<256x1024xf32>
    %dot_general3A_185 = tpu.matmul %broadcast_in_dim3A_43, %get3A_178, %dot_general3A_184 {dimension_numbers = #tpu.dot_dimension_numbers<[1], [0], [0], [1], [0, 0, 1, 1], [], []>, transpose_lhs_hint = false} : vector<256x256xf32>, vector<256x1024xf32>, vector<256x1024xf32> -> vector<256x1024xf32>
    %add3A_186 = arith.addf %dot_general3A_183, %dot_general3A_185 : vector<256x1024xf32>
    %add3A_187 = vector.broadcast %get3A_181 : vector<1x1024xf32> to vector<256x1024xf32>
    %add3A_188 = arith.addf %add3A_186, %add3A_187 : vector<256x1024xf32>
    %slice3A_189 = vector.extract_strided_slice %add3A_188 {offsets = [0, 0], sizes = [256, 256], strides = [1, 1]} : vector<256x1024xf32> to vector<256x256xf32>
    %logistic3A_190 = arith.negf %slice3A_189 : vector<256x256xf32>
    %logistic3A_191 = math.exp %logistic3A_190 : vector<256x256xf32>
    %logistic3A_192 = arith.constant 1.000000e+00 : f32
    %logistic3A_193 = vector.broadcast %logistic3A_192 : f32 to vector<256x256xf32>
    %logistic3A_194 = arith.addf %logistic3A_193, %logistic3A_191 : vector<256x256xf32>
    %logistic3A_195 = arith.divf %logistic3A_193, %logistic3A_194 : vector<256x256xf32>
    %slice3A_196 = vector.extract_strided_slice %add3A_188 {offsets = [0, 256], sizes = [256, 256], strides = [1, 1]} : vector<256x1024xf32> to vector<256x256xf32>
    %logistic3A_197 = arith.negf %slice3A_196 : vector<256x256xf32>
    %logistic3A_198 = math.exp %logistic3A_197 : vector<256x256xf32>
    %logistic3A_199 = arith.constant 1.000000e+00 : f32
    %logistic3A_200 = vector.broadcast %logistic3A_199 : f32 to vector<256x256xf32>
    %logistic3A_201 = arith.addf %logistic3A_200, %logistic3A_198 : vector<256x256xf32>
    %logistic3A_202 = arith.divf %logistic3A_200, %logistic3A_201 : vector<256x256xf32>
    %slice3A_203 = vector.extract_strided_slice %add3A_188 {offsets = [0, 512], sizes = [256, 256], strides = [1, 1]} : vector<256x1024xf32> to vector<256x256xf32>
    %tanh3A_204 = math.tanh %slice3A_203 : vector<256x256xf32>
    %slice3A_205 = vector.extract_strided_slice %add3A_188 {offsets = [0, 768], sizes = [256, 256], strides = [1, 1]} : vector<256x1024xf32> to vector<256x256xf32>
    %logistic3A_206 = arith.negf %slice3A_205 : vector<256x256xf32>
    %logistic3A_207 = math.exp %logistic3A_206 : vector<256x256xf32>
    %logistic3A_208 = arith.constant 1.000000e+00 : f32
    %logistic3A_209 = vector.broadcast %logistic3A_208 : f32 to vector<256x256xf32>
    %logistic3A_210 = arith.addf %logistic3A_209, %logistic3A_207 : vector<256x256xf32>
    %logistic3A_211 = arith.divf %logistic3A_209, %logistic3A_210 : vector<256x256xf32>
    %mul3A_212 = arith.mulf %logistic3A_202, %broadcast_in_dim3A_43 : vector<256x256xf32>
    %mul3A_213 = arith.mulf %logistic3A_195, %tanh3A_204 : vector<256x256xf32>
    %add3A_214 = arith.addf %mul3A_212, %mul3A_213 : vector<256x256xf32>
    %tanh3A_215 = math.tanh %add3A_214 : vector<256x256xf32>
    %mul3A_216 = arith.mulf %logistic3A_211, %tanh3A_215 : vector<256x256xf32>
    %get3A_217 = arith.constant 0 : index
    %get3A_218 = arith.constant 0 : index
    %get3A_219 = vector.load %arg11[%get3A_217, %get3A_218] : memref<128x1024xf32, #tpu.memory_space<vmem>>, vector<128x1024xf32>
    %get3A_220 = arith.constant 0 : index
    %get3A_221 = arith.constant 0 : index
    %get3A_222 = vector.load %arg12[%get3A_220, %get3A_221] : memref<256x1024xf32, #tpu.memory_space<vmem>>, vector<256x1024xf32>
    %get3A_223 = arith.constant 0 : index
    %get3A_224 = arith.constant 0 : index
    %get3A_225 = vector.load %arg13[%get3A_223, %get3A_224] : memref<1x1024xf32, #tpu.memory_space<vmem>>, vector<1x1024xf32>
    %dot_general3A_226 = arith.constant dense<0.000000e+00> : vector<256x1024xf32>
    %dot_general3A_227 = tpu.matmul %get3A_42, %get3A_219, %dot_general3A_226 {dimension_numbers = #tpu.dot_dimension_numbers<[1], [0], [0], [1], [0, 0, 1, 1], [], []>, transpose_lhs_hint = false} : vector<256x128xf32>, vector<128x1024xf32>, vector<256x1024xf32> -> vector<256x1024xf32>
    %dot_general3A_228 = arith.constant dense<0.000000e+00> : vector<256x1024xf32>
    %dot_general3A_229 = tpu.matmul %mul3A_216, %get3A_222, %dot_general3A_228 {dimension_numbers = #tpu.dot_dimension_numbers<[1], [0], [0], [1], [0, 0, 1, 1], [], []>, transpose_lhs_hint = false} : vector<256x256xf32>, vector<256x1024xf32>, vector<256x1024xf32> -> vector<256x1024xf32>
    %add3A_230 = arith.addf %dot_general3A_227, %dot_general3A_229 : vector<256x1024xf32>
    %add3A_231 = vector.broadcast %get3A_225 : vector<1x1024xf32> to vector<256x1024xf32>
    %add3A_232 = arith.addf %add3A_230, %add3A_231 : vector<256x1024xf32>
    %slice3A_233 = vector.extract_strided_slice %add3A_232 {offsets = [0, 0], sizes = [256, 256], strides = [1, 1]} : vector<256x1024xf32> to vector<256x256xf32>
    %logistic3A_234 = arith.negf %slice3A_233 : vector<256x256xf32>
    %logistic3A_235 = math.exp %logistic3A_234 : vector<256x256xf32>
    %logistic3A_236 = arith.constant 1.000000e+00 : f32
    %logistic3A_237 = vector.broadcast %logistic3A_236 : f32 to vector<256x256xf32>
    %logistic3A_238 = arith.addf %logistic3A_237, %logistic3A_235 : vector<256x256xf32>
    %logistic3A_239 = arith.divf %logistic3A_237, %logistic3A_238 : vector<256x256xf32>
    %slice3A_240 = vector.extract_strided_slice %add3A_232 {offsets = [0, 256], sizes = [256, 256], strides = [1, 1]} : vector<256x1024xf32> to vector<256x256xf32>
    %logistic3A_241 = arith.negf %slice3A_240 : vector<256x256xf32>
    %logistic3A_242 = math.exp %logistic3A_241 : vector<256x256xf32>
    %logistic3A_243 = arith.constant 1.000000e+00 : f32
    %logistic3A_244 = vector.broadcast %logistic3A_243 : f32 to vector<256x256xf32>
    %logistic3A_245 = arith.addf %logistic3A_244, %logistic3A_242 : vector<256x256xf32>
    %logistic3A_246 = arith.divf %logistic3A_244, %logistic3A_245 : vector<256x256xf32>
    %slice3A_247 = vector.extract_strided_slice %add3A_232 {offsets = [0, 512], sizes = [256, 256], strides = [1, 1]} : vector<256x1024xf32> to vector<256x256xf32>
    %tanh3A_248 = math.tanh %slice3A_247 : vector<256x256xf32>
    %slice3A_249 = vector.extract_strided_slice %add3A_232 {offsets = [0, 768], sizes = [256, 256], strides = [1, 1]} : vector<256x1024xf32> to vector<256x256xf32>
    %logistic3A_250 = arith.negf %slice3A_249 : vector<256x256xf32>
    %logistic3A_251 = math.exp %logistic3A_250 : vector<256x256xf32>
    %logistic3A_252 = arith.constant 1.000000e+00 : f32
    %logistic3A_253 = vector.broadcast %logistic3A_252 : f32 to vector<256x256xf32>
    %logistic3A_254 = arith.addf %logistic3A_253, %logistic3A_251 : vector<256x256xf32>
    %logistic3A_255 = arith.divf %logistic3A_253, %logistic3A_254 : vector<256x256xf32>
    %mul3A_256 = arith.mulf %logistic3A_246, %add3A_214 : vector<256x256xf32>
    %mul3A_257 = arith.mulf %logistic3A_239, %tanh3A_248 : vector<256x256xf32>
    %add3A_258 = arith.addf %mul3A_256, %mul3A_257 : vector<256x256xf32>
    %tanh3A_259 = math.tanh %add3A_258 : vector<256x256xf32>
    %mul3A_260 = arith.mulf %logistic3A_255, %tanh3A_259 : vector<256x256xf32>
    %get3A_261 = arith.constant 0 : index
    %get3A_262 = arith.constant 0 : index
    %get3A_263 = vector.load %arg11[%get3A_261, %get3A_262] : memref<128x1024xf32, #tpu.memory_space<vmem>>, vector<128x1024xf32>
    %get3A_264 = arith.constant 0 : index
    %get3A_265 = arith.constant 0 : index
    %get3A_266 = vector.load %arg12[%get3A_264, %get3A_265] : memref<256x1024xf32, #tpu.memory_space<vmem>>, vector<256x1024xf32>
    %get3A_267 = arith.constant 0 : index
    %get3A_268 = arith.constant 0 : index
    %get3A_269 = vector.load %arg13[%get3A_267, %get3A_268] : memref<1x1024xf32, #tpu.memory_space<vmem>>, vector<1x1024xf32>
    %dot_general3A_270 = arith.constant dense<0.000000e+00> : vector<256x1024xf32>
    %dot_general3A_271 = tpu.matmul %get3A_39, %get3A_263, %dot_general3A_270 {dimension_numbers = #tpu.dot_dimension_numbers<[1], [0], [0], [1], [0, 0, 1, 1], [], []>, transpose_lhs_hint = false} : vector<256x128xf32>, vector<128x1024xf32>, vector<256x1024xf32> -> vector<256x1024xf32>
    %dot_general3A_272 = arith.constant dense<0.000000e+00> : vector<256x1024xf32>
    %dot_general3A_273 = tpu.matmul %mul3A_260, %get3A_266, %dot_general3A_272 {dimension_numbers = #tpu.dot_dimension_numbers<[1], [0], [0], [1], [0, 0, 1, 1], [], []>, transpose_lhs_hint = false} : vector<256x256xf32>, vector<256x1024xf32>, vector<256x1024xf32> -> vector<256x1024xf32>
    %add3A_274 = arith.addf %dot_general3A_271, %dot_general3A_273 : vector<256x1024xf32>
    %add3A_275 = vector.broadcast %get3A_269 : vector<1x1024xf32> to vector<256x1024xf32>
    %add3A_276 = arith.addf %add3A_274, %add3A_275 : vector<256x1024xf32>
    %slice3A_277 = vector.extract_strided_slice %add3A_276 {offsets = [0, 0], sizes = [256, 256], strides = [1, 1]} : vector<256x1024xf32> to vector<256x256xf32>
    %logistic3A_278 = arith.negf %slice3A_277 : vector<256x256xf32>
    %logistic3A_279 = math.exp %logistic3A_278 : vector<256x256xf32>
    %logistic3A_280 = arith.constant 1.000000e+00 : f32
    %logistic3A_281 = vector.broadcast %logistic3A_280 : f32 to vector<256x256xf32>
    %logistic3A_282 = arith.addf %logistic3A_281, %logistic3A_279 : vector<256x256xf32>
    %logistic3A_283 = arith.divf %logistic3A_281, %logistic3A_282 : vector<256x256xf32>
    %slice3A_284 = vector.extract_strided_slice %add3A_276 {offsets = [0, 256], sizes = [256, 256], strides = [1, 1]} : vector<256x1024xf32> to vector<256x256xf32>
    %logistic3A_285 = arith.negf %slice3A_284 : vector<256x256xf32>
    %logistic3A_286 = math.exp %logistic3A_285 : vector<256x256xf32>
    %logistic3A_287 = arith.constant 1.000000e+00 : f32
    %logistic3A_288 = vector.broadcast %logistic3A_287 : f32 to vector<256x256xf32>
    %logistic3A_289 = arith.addf %logistic3A_288, %logistic3A_286 : vector<256x256xf32>
    %logistic3A_290 = arith.divf %logistic3A_288, %logistic3A_289 : vector<256x256xf32>
    %slice3A_291 = vector.extract_strided_slice %add3A_276 {offsets = [0, 512], sizes = [256, 256], strides = [1, 1]} : vector<256x1024xf32> to vector<256x256xf32>
    %tanh3A_292 = math.tanh %slice3A_291 : vector<256x256xf32>
    %slice3A_293 = vector.extract_strided_slice %add3A_276 {offsets = [0, 768], sizes = [256, 256], strides = [1, 1]} : vector<256x1024xf32> to vector<256x256xf32>
    %logistic3A_294 = arith.negf %slice3A_293 : vector<256x256xf32>
    %logistic3A_295 = math.exp %logistic3A_294 : vector<256x256xf32>
    %logistic3A_296 = arith.constant 1.000000e+00 : f32
    %logistic3A_297 = vector.broadcast %logistic3A_296 : f32 to vector<256x256xf32>
    %logistic3A_298 = arith.addf %logistic3A_297, %logistic3A_295 : vector<256x256xf32>
    %logistic3A_299 = arith.divf %logistic3A_297, %logistic3A_298 : vector<256x256xf32>
    %mul3A_300 = arith.mulf %logistic3A_290, %add3A_258 : vector<256x256xf32>
    %mul3A_301 = arith.mulf %logistic3A_283, %tanh3A_292 : vector<256x256xf32>
    %add3A_302 = arith.addf %mul3A_300, %mul3A_301 : vector<256x256xf32>
    %tanh3A_303 = math.tanh %add3A_302 : vector<256x256xf32>
    %mul3A_304 = arith.mulf %logistic3A_299, %tanh3A_303 : vector<256x256xf32>
    %get3A_305 = arith.constant 0 : index
    %get3A_306 = arith.constant 0 : index
    %get3A_307 = vector.load %arg14[%get3A_305, %get3A_306] : memref<256x1xf32, #tpu.memory_space<vmem>>, vector<256x1xf32>
    %dot_general3A_308 = arith.constant dense<0.000000e+00> : vector<256x1xf32>
    %dot_general3A_309 = tpu.matmul %mul3A_84, %get3A_307, %dot_general3A_308 {dimension_numbers = #tpu.dot_dimension_numbers<[1], [0], [0], [1], [0, 0, 1, 1], [], []>, transpose_lhs_hint = false} : vector<256x256xf32>, vector<256x1xf32>, vector<256x1xf32> -> vector<256x1xf32>
    %get3A_310 = arith.constant 0 : index
    %get3A_311 = arith.constant 0 : index
    %get3A_312 = vector.load %arg15[%get3A_310, %get3A_311] : memref<256x1xf32, #tpu.memory_space<vmem>>, vector<256x1xf32>
    %dot_general3A_313 = arith.constant dense<0.000000e+00> : vector<256x1xf32>
    %dot_general3A_314 = tpu.matmul %mul3A_304, %get3A_312, %dot_general3A_313 {dimension_numbers = #tpu.dot_dimension_numbers<[1], [0], [0], [1], [0, 0, 1, 1], [], []>, transpose_lhs_hint = false} : vector<256x256xf32>, vector<256x1xf32>, vector<256x1xf32> -> vector<256x1xf32>
    %add3A_315 = arith.addf %dot_general3A_309, %dot_general3A_314 : vector<256x1xf32>
    %get3A_316 = arith.constant 0 : index
    %get3A_317 = arith.constant 0 : index
    %get3A_318 = vector.load %arg16[%get3A_316, %get3A_317] : memref<1x1xf32, #tpu.memory_space<vmem>>, vector<1x1xf32>
    %add3A_319 = vector.broadcast %get3A_318 : vector<1x1xf32> to vector<256x1xf32>
    %add3A_320 = arith.addf %add3A_315, %add3A_319 : vector<256x1xf32>
    %get3A_321 = arith.constant 0 : index
    %get3A_322 = arith.constant 0 : index
    %get3A_323 = vector.load %arg14[%get3A_321, %get3A_322] : memref<256x1xf32, #tpu.memory_space<vmem>>, vector<256x1xf32>
    %dot_general3A_324 = arith.constant dense<0.000000e+00> : vector<256x1xf32>
    %dot_general3A_325 = tpu.matmul %mul3A_128, %get3A_323, %dot_general3A_324 {dimension_numbers = #tpu.dot_dimension_numbers<[1], [0], [0], [1], [0, 0, 1, 1], [], []>, transpose_lhs_hint = false} : vector<256x256xf32>, vector<256x1xf32>, vector<256x1xf32> -> vector<256x1xf32>
    %get3A_326 = arith.constant 0 : index
    %get3A_327 = arith.constant 0 : index
    %get3A_328 = vector.load %arg15[%get3A_326, %get3A_327] : memref<256x1xf32, #tpu.memory_space<vmem>>, vector<256x1xf32>
    %dot_general3A_329 = arith.constant dense<0.000000e+00> : vector<256x1xf32>
    %dot_general3A_330 = tpu.matmul %mul3A_260, %get3A_328, %dot_general3A_329 {dimension_numbers = #tpu.dot_dimension_numbers<[1], [0], [0], [1], [0, 0, 1, 1], [], []>, transpose_lhs_hint = false} : vector<256x256xf32>, vector<256x1xf32>, vector<256x1xf32> -> vector<256x1xf32>
    %add3A_331 = arith.addf %dot_general3A_325, %dot_general3A_330 : vector<256x1xf32>
    %get3A_332 = arith.constant 0 : index
    %get3A_333 = arith.constant 0 : index
    %get3A_334 = vector.load %arg16[%get3A_332, %get3A_333] : memref<1x1xf32, #tpu.memory_space<vmem>>, vector<1x1xf32>
    %add3A_335 = vector.broadcast %get3A_334 : vector<1x1xf32> to vector<256x1xf32>
    %add3A_336 = arith.addf %add3A_331, %add3A_335 : vector<256x1xf32>
    %get3A_337 = arith.constant 0 : index
    %get3A_338 = arith.constant 0 : index
    %get3A_339 = vector.load %arg14[%get3A_337, %get3A_338] : memref<256x1xf32, #tpu.memory_space<vmem>>, vector<256x1xf32>
    %dot_general3A_340 = arith.constant dense<0.000000e+00> : vector<256x1xf32>
    %dot_general3A_341 = tpu.matmul %mul3A_172, %get3A_339, %dot_general3A_340 {dimension_numbers = #tpu.dot_dimension_numbers<[1], [0], [0], [1], [0, 0, 1, 1], [], []>, transpose_lhs_hint = false} : vector<256x256xf32>, vector<256x1xf32>, vector<256x1xf32> -> vector<256x1xf32>
    %get3A_342 = arith.constant 0 : index
    %get3A_343 = arith.constant 0 : index
    %get3A_344 = vector.load %arg15[%get3A_342, %get3A_343] : memref<256x1xf32, #tpu.memory_space<vmem>>, vector<256x1xf32>
    %dot_general3A_345 = arith.constant dense<0.000000e+00> : vector<256x1xf32>
    %dot_general3A_346 = tpu.matmul %mul3A_216, %get3A_344, %dot_general3A_345 {dimension_numbers = #tpu.dot_dimension_numbers<[1], [0], [0], [1], [0, 0, 1, 1], [], []>, transpose_lhs_hint = false} : vector<256x256xf32>, vector<256x1xf32>, vector<256x1xf32> -> vector<256x1xf32>
    %add3A_347 = arith.addf %dot_general3A_341, %dot_general3A_346 : vector<256x1xf32>
    %get3A_348 = arith.constant 0 : index
    %get3A_349 = arith.constant 0 : index
    %get3A_350 = vector.load %arg16[%get3A_348, %get3A_349] : memref<1x1xf32, #tpu.memory_space<vmem>>, vector<1x1xf32>
    %add3A_351 = vector.broadcast %get3A_350 : vector<1x1xf32> to vector<256x1xf32>
    %add3A_352 = arith.addf %add3A_347, %add3A_351 : vector<256x1xf32>
    %max3A = arith.maximumf %add3A_320, %add3A_336 : vector<256x1xf32>
    %max3A_353 = arith.maximumf %max3A, %add3A_352 : vector<256x1xf32>
    %sub3A = arith.subf %add3A_320, %max3A_353 : vector<256x1xf32>
    %exp3A = math.exp %sub3A : vector<256x1xf32>
    %sub3A_354 = arith.subf %add3A_336, %max3A_353 : vector<256x1xf32>
    %exp3A_355 = math.exp %sub3A_354 : vector<256x1xf32>
    %sub3A_356 = arith.subf %add3A_352, %max3A_353 : vector<256x1xf32>
    %exp3A_357 = math.exp %sub3A_356 : vector<256x1xf32>
    %add3A_358 = arith.addf %exp3A, %exp3A_355 : vector<256x1xf32>
    %add3A_359 = arith.addf %add3A_358, %exp3A_357 : vector<256x1xf32>
    %mul3A_360 = vector.broadcast %exp3A : vector<256x1xf32> to vector<256x128xf32>
    %mul3A_361 = arith.mulf %mul3A_360, %get3A_39 : vector<256x128xf32>
    %mul3A_362 = vector.broadcast %exp3A_355 : vector<256x1xf32> to vector<256x128xf32>
    %mul3A_363 = arith.mulf %mul3A_362, %get3A_42 : vector<256x128xf32>
    %add3A_364 = arith.addf %mul3A_361, %mul3A_363 : vector<256x128xf32>
    %mul3A_365 = vector.broadcast %exp3A_357 : vector<256x1xf32> to vector<256x128xf32>
    %mul3A_366 = arith.mulf %mul3A_365, %add3A_36 : vector<256x128xf32>
    %add3A_367 = arith.addf %add3A_364, %mul3A_366 : vector<256x128xf32>
    %div3A = vector.broadcast %add3A_359 : vector<256x1xf32> to vector<256x128xf32>
    %div3A_368 = arith.divf %add3A_367, %div3A : vector<256x128xf32>
    %get3A_369 = arith.constant 0 : index
    %get3A_370 = arith.constant 0 : index
    %get3A_371 = vector.load %arg17[%get3A_369, %get3A_370] : memref<128x128xf32, #tpu.memory_space<vmem>>, vector<128x128xf32>
    %dot_general3A_372 = arith.constant dense<0.000000e+00> : vector<256x128xf32>
    %dot_general3A_373 = tpu.matmul %div3A_368, %get3A_371, %dot_general3A_372 {dimension_numbers = #tpu.dot_dimension_numbers<[1], [0], [0], [1], [0, 0, 1, 1], [], []>, transpose_lhs_hint = false} : vector<256x128xf32>, vector<128x128xf32>, vector<256x128xf32> -> vector<256x128xf32>
    %get3A_374 = arith.constant 0 : index
    %get3A_375 = arith.constant 0 : index
    %get3A_376 = vector.load %arg19[%get3A_374, %get3A_375] : memref<1x128xf32, #tpu.memory_space<vmem>>, vector<1x128xf32>
    %add3A_377 = vector.broadcast %get3A_376 : vector<1x128xf32> to vector<256x128xf32>
    %add3A_378 = arith.addf %dot_general3A_373, %add3A_377 : vector<256x128xf32>
    %swap3A = arith.constant 0 : index
    %swap3A_379 = arith.constant 0 : index
    %swap3A_380 = vector.load %arg20[%swap3A, %swap3A_379] : memref<256x128xf32, #tpu.memory_space<vmem>>, vector<256x128xf32>
    tpu.vector_store %arg20[%swap3A, %swap3A_379], %add3A_378 {strides = array<i32>} : memref<256x128xf32, #tpu.memory_space<vmem>>, vector<256x128xf32>,
    %get3A_381 = arith.constant 0 : index
    %get3A_382 = arith.constant 0 : index
    %get3A_383 = vector.load %arg18[%get3A_381, %get3A_382] : memref<128x128xf32, #tpu.memory_space<vmem>>, vector<128x128xf32>
    %dot_general3A_384 = arith.constant dense<0.000000e+00> : vector<256x128xf32>
    %dot_general3A_385 = tpu.matmul %div3A_368, %get3A_383, %dot_general3A_384 {dimension_numbers = #tpu.dot_dimension_numbers<[1], [0], [0], [1], [0, 0, 1, 1], [], []>, transpose_lhs_hint = false} : vector<256x128xf32>, vector<128x128xf32>, vector<256x128xf32> -> vector<256x128xf32>
    %swap3A_386 = arith.constant 0 : index
    %swap3A_387 = arith.constant 0 : index
    %swap3A_388 = vector.load %arg21[%swap3A_386, %swap3A_387] : memref<256x128xf32, #tpu.memory_space<vmem>>, vector<256x128xf32>
    tpu.vector_store %arg21[%swap3A_386, %swap3A_387], %dot_general3A_385 {strides = array<i32>} : memref<256x128xf32, #tpu.memory_space<vmem>>, vector<256x128xf32>,
    return
  }
  func.func @transform_0(%arg0: i32) -> (i32, i32, i32) {
    %c0_i32 = arith.constant 0 : i32
    %c0_i32_0 = arith.constant 0 : i32
    %c0_i32_1 = arith.constant 0 : i32
    return %c0_i32, %arg0, %c0_i32_0 : i32, i32, i32
  }
  func.func @transform_1(%arg0: i32) -> (i32, i32, i32) {
    %c0_i32 = arith.constant 0 : i32
    %c0_i32_0 = arith.constant 0 : i32
    %c0_i32_1 = arith.constant 0 : i32
    return %c0_i32, %arg0, %c0_i32_0 : i32, i32, i32
  }
  func.func @transform_2(%arg0: i32) -> (i32, i32) {
    %c0_i32 = arith.constant 0 : i32
    %c0_i32_0 = arith.constant 0 : i32
    return %arg0, %c0_i32 : i32, i32
  }
  func.func @transform_3(%arg0: i32) -> (i32, i32) {
    %c0_i32 = arith.constant 0 : i32
    %c0_i32_0 = arith.constant 0 : i32
    return %arg0, %c0_i32 : i32, i32
  }
  func.func @transform_4(%arg0: i32) -> (i32, i32) {
    %c0_i32 = arith.constant 0 : i32
    %c0_i32_0 = arith.constant 0 : i32
    return %arg0, %c0_i32 : i32, i32
  }
  func.func @transform_5(%arg0: i32) -> (i32, i32) {
    %c0_i32 = arith.constant 0 : i32
    %c0_i32_0 = arith.constant 0 : i32
    %c0_i32_1 = arith.constant 0 : i32
    return %c0_i32, %c0_i32_0 : i32, i32
  }
  func.func @transform_6(%arg0: i32) -> (i32, i32) {
    %c0_i32 = arith.constant 0 : i32
    %c0_i32_0 = arith.constant 0 : i32
    %c0_i32_1 = arith.constant 0 : i32
    return %c0_i32, %c0_i32_0 : i32, i32
  }
  func.func @transform_7(%arg0: i32) -> (i32, i32) {
    %c0_i32 = arith.constant 0 : i32
    %c0_i32_0 = arith.constant 0 : i32
    %c0_i32_1 = arith.constant 0 : i32
    return %c0_i32, %c0_i32_0 : i32, i32
  }
  func.func @transform_8(%arg0: i32) -> (i32, i32) {
    %c0_i32 = arith.constant 0 : i32
    %c0_i32_0 = arith.constant 0 : i32
    %c0_i32_1 = arith.constant 0 : i32
    return %c0_i32, %c0_i32_0 : i32, i32
  }
  func.func @transform_9(%arg0: i32) -> (i32, i32) {
    %c0_i32 = arith.constant 0 : i32
    %c0_i32_0 = arith.constant 0 : i32
    %c0_i32_1 = arith.constant 0 : i32
    return %c0_i32, %c0_i32_0 : i32, i32
  }
  func.func @transform_10(%arg0: i32) -> (i32, i32) {
    %c0_i32 = arith.constant 0 : i32
    %c0_i32_0 = arith.constant 0 : i32
    %c0_i32_1 = arith.constant 0 : i32
    return %c0_i32, %c0_i32_0 : i32, i32
  }
  func.func @transform_11(%arg0: i32) -> (i32, i32) {
    %c0_i32 = arith.constant 0 : i32
    %c0_i32_0 = arith.constant 0 : i32
    %c0_i32_1 = arith.constant 0 : i32
    return %c0_i32, %c0_i32_0 : i32, i32
  }
  func.func @transform_12(%arg0: i32) -> (i32, i32) {
    %c0_i32 = arith.constant 0 : i32
    %c0_i32_0 = arith.constant 0 : i32
    %c0_i32_1 = arith.constant 0 : i32
    return %c0_i32, %c0_i32_0 : i32, i32
  }
  func.func @transform_13(%arg0: i32) -> (i32, i32) {
    %c0_i32 = arith.constant 0 : i32
    %c0_i32_0 = arith.constant 0 : i32
    %c0_i32_1 = arith.constant 0 : i32
    return %c0_i32, %c0_i32_0 : i32, i32
  }
  func.func @transform_14(%arg0: i32) -> (i32, i32) {
    %c0_i32 = arith.constant 0 : i32
    %c0_i32_0 = arith.constant 0 : i32
    %c0_i32_1 = arith.constant 0 : i32
    return %c0_i32, %c0_i32_0 : i32, i32
  }
  func.func @transform_15(%arg0: i32) -> (i32, i32) {
    %c0_i32 = arith.constant 0 : i32
    %c0_i32_0 = arith.constant 0 : i32
    %c0_i32_1 = arith.constant 0 : i32
    return %c0_i32, %c0_i32_0 : i32, i32
  }
  func.func @transform_16(%arg0: i32) -> (i32, i32) {
    %c0_i32 = arith.constant 0 : i32
    %c0_i32_0 = arith.constant 0 : i32
    %c0_i32_1 = arith.constant 0 : i32
    return %c0_i32, %c0_i32_0 : i32, i32
  }
  func.func @transform_17(%arg0: i32) -> (i32, i32) {
    %c0_i32 = arith.constant 0 : i32
    %c0_i32_0 = arith.constant 0 : i32
    %c0_i32_1 = arith.constant 0 : i32
    return %c0_i32, %c0_i32_0 : i32, i32
  }
  func.func @transform_18(%arg0: i32) -> (i32, i32) {
    %c0_i32 = arith.constant 0 : i32
    %c0_i32_0 = arith.constant 0 : i32
    %c0_i32_1 = arith.constant 0 : i32
    return %c0_i32, %c0_i32_0 : i32, i32
  }
  func.func @transform_19(%arg0: i32) -> (i32, i32) {
    %c0_i32 = arith.constant 0 : i32
    %c0_i32_0 = arith.constant 0 : i32
    return %arg0, %c0_i32 : i32, i32
  }
  func.func @transform_20(%arg0: i32) -> (i32, i32) {
    %c0_i32 = arith.constant 0 : i32
    %c0_i32_0 = arith.constant 0 : i32
    return %arg0, %c0_i32 : i32, i32
  }
}

</mosaic_0001>

<sc_bundles>
// kernel: kernel.12.cloned.1.call-start
scs
__scs_entry_jumppad:
0x0: {  	(pc) =	sbr.rel $0x88, $3  }
0x1: {  	(tag) =	ssettag $0x0;
	lr =	simm.s32 $0x1  }
0x2: {  	[smem:$0x3F82] =	sst lr;
	_ =	strace $0xD0000000  }
0x3: {  	_ = 	snop  }
0x4: {  	_ = 	snop  }
0x5: {  	_ = 	snop  }
0x6: {  	_ = 	snop  }
0x7: {  	_ = 	snop  }
__scs_overlays_trampoline_lowered:
0x8: {  	[smem:$0x3F91] =	sst s0  }
0x9: {  	[smem:$0x3F92] =	sst s1  }
0xa: {  	[smem:$0x3F93] =	sst s2  }
0xb: {  	[smem:$0x3F94] =	sst s3  }
0xc: {  	[smem:$0x3F95] =	sst s4  }
0xd: {  	[smem:$0x3F96] =	sst s5  }
0xe: {  	[smem:$0x3F97] =	sst s6  }
0xf: {  	[smem:$0x3F98] =	sst s7  }
0x10: {  	[smem:$0x3F99] =	sst s8  }
0x11: {  	[smem:$0x3F9A] =	sst s9;
	s0 =	simm.s32 @!p0 $0x0  }
0x12: {  	s1 =	sld [smem:$0x3F80];
	s0 =	simm.s32 @p0 $0x1  }
0x13: {  	[smem:$0x3F9B] =	sst s0;
	s0 =	simm.s32 @!p1 $0x0  }
0x14: {  	s2 =	sld [smem:$0x3F7F];
	s0 =	simm.s32 @p1 $0x1  }
0x15: {  	[smem:$0x3F9C] =	sst s0;
	s0 =	simm.s32 @!p2 $0x0  }
0x16: {  	s3 =	sld [smem:$0x3FDB];
	s0 =	simm.s32 @p2 $0x1  }
0x17: {  	s4 =	simm.s32 $0x1BF5;
	[smem:$0x3F9E] =	sst s0  }
0x18: {  	s0 =	sld [smem:$0x3F81];
	_ =	swait.ge [sflag:s4], $0x0  }
0x19: {  	s7 =	sld [smem:$0x3F82]  }
0x1a: {  	s8 =	sadd.s32 $0xFFFFE003, lr  }
0x1b: {  	s9 =	sadd.s32 $0xFFFFFEF7, lr;
	s5 =	simm.s32 $0xFFFFFFFF;
	p2 =	slt.u32 s8, $0xFFFFF086  }
0x1c: {  	p1 =	slt.u32 s9, $0xF7A;
	s5 =	simm.s32 @!p2 $0x0  }
0x1d: {  	s5 =	simm.s32 @p1 $0x1;
	p0 =	seq.s32 s7, s2  }
0x1e: {  	s7 =	smul.u32 @!p0 $0xF7A, s2;
	p2 =	seq.s32 @!p0 s5, $0x0  }
0x1f: {  	s9 =	smul.u32 $0xF7A, s1;
	s8 =	simm.s32 @!p0 $0x1BF5;
	p2 =	por !p2, p0  }
0x20: {  	[sflag:s8] =	ssyncset.s32 @!p0 $0xFFFFF086;
	s6 =	sadd.s32 @!p0 s3, s7;
	s7 =	simm.s32 @!p0 $0x108  }
0x21: {  	s3 =	sadd.s32 s3, s9;
	s6 =	sadd.s32 @!p0 $0x88, s6;
	s7 =	simm.s32 @p2 $0x1082  }
0x22: {  	[simem:s7], [sflag:s8] =	dma.local @!p0 [hbm:s6], $0xF7A  }
0x23: {  	s9 =	sor.u32 $0xD0000000, s2;
	s6 =	simm.s32 $0x108;
	_ =	swait.ge @!p0 [sflag:s8], $0x0  }
0x24: {  	s3 =	sadd.s32 $0x88, s3;
	s6 =	simm.s32 @!p1 $0x1082;
	[sflag:s4] =	ssyncset.s32 $0xFFFFF086  }
0x25: {  	[simem:s6], [sflag:s4] =	dma.local [hbm:s3], $0xF7A  }
0x26: {  	[smem:$0x3F82] =	sst s1;
	(tag) =	ssettag s2;
	_ =	strace s9  }
0x27: {  	s1 =	sld [smem:$0x3F92]  }
0x28: {  	s2 =	sld [smem:$0x3F93]  }
0x29: {  	s4 =	sld [smem:$0x3F95]  }
0x2a: {  	p0 =	seq.s32 s5, $0x0;
	s5 =	sld [smem:$0x3F96]  }
0x2b: {  	s6 =	sld [smem:$0x3F97]  }
0x2c: {  	s7 =	sld [smem:$0x3F98]  }
0x2d: {  	s3 =	simm.s32 $0x108;
	s8 =	sld [smem:$0x3F99]  }
0x2e: {  	s3 =	simm.s32 @!p0 $0x1082;
	s9 =	sld [smem:$0x3F9A]  }
0x2f: {  	lr =	sadd.s32 s0, s3;
	s0 =	sld [smem:$0x3F91]  }
0x30: {  	s3 =	sld [smem:$0x3F94]  }
0x31: {  	[smem:$0x3F9D] =	sst s10  }
0x32: {  	s10 =	sld [smem:$0x3F9B];
	_ =	sdelay $0x3  }
0x33: {  	p0 =	seq.s32 s10, $0x1;
	s10 =	sld [smem:$0x3F9D];
	_ =	sdelay $0x3  }
0x34: {  	[smem:$0x3F9D] =	sst s10  }
0x35: {  	s10 =	sld [smem:$0x3F9C];
	_ =	sdelay $0x3  }
0x36: {  	p1 =	seq.s32 s10, $0x1;
	s10 =	sld [smem:$0x3F9D];
	_ =	sdelay $0x3  }
0x37: {  	[smem:$0x3F9D] =	sst s10  }
0x38: {  	s10 =	sld [smem:$0x3F9E]  }
0x39: {  	_ = 	snop;
	(pc) =	sbr.ind lr, $3  }
0x3a: {  	_ = 	snop  }
0x3b: {  	_ = 	snop  }
0x3c: {  	p2 =	seq.s32 s10, $0x1;
	s10 =	sld [smem:$0x3F9D]  }
0x3d: {  	_ =	shalt  }
0x3e: {  	_ =	shalt  }
0x3f: {  	_ =	shalt  }
0x40: {  	_ =	shalt  }
0x41: {  	_ =	shalt  }
0x42: {  	_ =	shalt  }
0x43: {  	_ =	shalt  }
0x44: {  	_ =	shalt  }
0x45: {  	_ =	shalt  }
0x46: {  	_ =	shalt  }
0x47: {  	_ =	shalt  }
0x48: {  	_ =	shalt  }
0x49: {  	_ =	shalt  }
0x4a: {  	_ =	shalt  }
0x4b: {  	_ =	shalt  }
0x4c: {  	_ =	shalt  }
0x4d: {  	_ =	shalt  }
0x4e: {  	_ =	shalt  }
0x4f: {  	_ =	shalt  }
0x50: {  	_ =	shalt  }
0x51: {  	_ =	shalt  }
0x52: {  	_ =	shalt  }
0x53: {  	_ =	shalt  }
0x54: {  	_ =	shalt  }
0x55: {  	_ =	shalt  }
0x56: {  	_ =	shalt  }
0x57: {  	_ =	shalt  }
0x58: {  	_ =	shalt  }
0x59: {  	_ =	shalt  }
0x5a: {  	_ =	shalt  }
0x5b: {  	_ =	shalt  }
0x5c: {  	_ =	shalt  }
0x5d: {  	_ =	shalt  }
0x5e: {  	_ =	shalt  }
0x5f: {  	_ =	shalt  }
0x60: {  	_ =	shalt  }
0x61: {  	_ =	shalt  }
0x62: {  	_ =	shalt  }
0x63: {  	_ =	shalt  }
0x64: {  	_ =	shalt  }
0x65: {  	_ =	shalt  }
0x66: {  	_ =	shalt  }
0x67: {  	_ =	shalt  }
0x68: {  	_ =	shalt  }
0x69: {  	_ =	shalt  }
0x6a: {  	_ =	shalt  }
0x6b: {  	_ =	shalt  }
0x6c: {  	_ =	shalt  }
0x6d: {  	_ =	shalt  }
0x6e: {  	_ =	shalt  }
0x6f: {  	_ =	shalt  }
0x70: {  	_ =	shalt  }
0x71: {  	_ =	shalt  }
0x72: {  	_ =	shalt  }
0x73: {  	_ =	shalt  }
0x74: {  	_ =	shalt  }
0x75: {  	_ =	shalt  }
0x76: {  	_ =	shalt  }
0x77: {  	_ =	shalt  }
0x78: {  	_ =	shalt  }
0x79: {  	_ =	shalt  }
0x7a: {  	_ =	shalt  }
0x7b: {  	_ =	shalt  }
0x7c: {  	_ =	shalt  }
0x7d: {  	_ =	shalt  }
0x7e: {  	_ =	shalt  }
0x7f: {  	_ =	shalt  }
0x80: {  	_ =	shalt  }
0x81: {  	_ =	shalt  }
0x82: {  	_ =	shalt  }
0x83: {  	_ =	shalt  }
0x84: {  	_ =	shalt  }
0x85: {  	_ =	shalt  }
0x86: {  	_ =	shalt  }
0x87: {  	_ =	shalt  }
.Lfunc_end0:
.L_simem_size_0:
called_computation_lowered:
.L_overlay_start_0:
0x88: {  	s2 =	sld [smem:$0x3FD9]  }
0x89: {  	s3 =	sld [smem:$0x3FFE];
	_ =	sdelay $0x1  }
0x8a: {  	s1 =	srdreg.scid  }
0x8b: {  	s0 =	sand.u32 $0x1, s1  }
0x8c: {  	s17 =	sshll.u32 s0, $0xA;
	s2 =	sadd.s32 s3, s2  }
0x8d: {  	s2 =	sadd.s32 s2, s17  }
0x8e: {  	[smem:$0x3FA9] =	sst s2  }
0x8f: {  	_ = 	snop  }
0x90: {  	s2 =	sld [smem:$0x3FD0];
	(tm) =	ssettm $0x1  }
0x91: {  	s18 =	sld [smem:$0x3FFB];
	_ =	sdelay $0x3  }
0x92: {  	_ =	strace s18  }
0x93: {  	s3 =	sld [smem:$0x3FFC];
	_ =	sdelay $0x3  }
0x94: {  	_ =	strace s3  }
0x95: {  	s3 =	sld [smem:$0x3FFD];
	_ =	sdelay $0x3  }
0x96: {  	_ =	strace s3  }
0x97: {  	_ =	strace $0x8FFFFFFF  }
0x98: {  	s19 =	sld [smem:$0x3FDB];
	_ =	sdelay $0x1  }
0x99: {  	s4 =	simm.s32 $_scs_section_size  }
0x9a: {  	s5 =	simm.s32 $_size__tile_overlayer_lowered;
	s6 =	simm.s32 $_tile_overlayer_lowered  }
0x9b: {  	s22 =	simm.s32 $0x1BFF;
	s21 =	sshll.u32 s6, $0x1;
	s3 =	sadd.s32 s4, s19  }
0x9c: {  	s7 =	simm.s32 $0x0;
	s20 =	sshll.u32 s5, $0x1;
	s5 =	sadd.s32 s21, s3  }
0x9d: {  	[timem:s7], [sflag:s22] =	dma.local [hbm:s5], s20  }
0x9e: {  	_ =	swait.ge [sflag:s22], s20  }
0x9f: {  	s4 =	ssub.s32 $0x0, s20;
	[sflag:s22] =	ssyncset.done $0x0  }
0xa0: {  	[sflag:s22] =	ssyncadd.s32 s4;
	_ =	sdelay $0x1  }
0xa1: {  	s23 =	simm.s32 $0x1B8B  }
0xa2: {  	_ =	swait.ge [sflag:s23], $0x1  }
0xa3: {  	[sflag:s23] =	ssyncset.done $0x0  }
0xa4: {  	s25 =	simm.s32 $0x1B8E;
	s24 =	sld [smem:$0x3FFE];
	[sflag:s23] =	ssyncadd.s32 $0xFFFFFFFF  }
0xa5: {  	s26 =	simm.s32 $execute0_lowered;
	[smem:$0x3FD2] =	sst s25  }
0xa6: {  	s5 =	sshll.u32 s26, $0x1;
	_ =	strace $0x80000046;
	[dreg:$0x1] =	wrdreg $0xFFFFFFFF  }
0xa7: {  	s28 =	simm.s32 $_size_execute0_lowered;
	s3 =	sadd.s32 s3, s5;
	[dreg:$0x0] =	wrdreg $0x0  }
0xa8: {  	s5 =	sshll.u32 s28, $0x1;
	[dreg:$0x2] =	wrdreg s3  }
0xa9: {  	[dreg:$0x3] =	wrdreg s5  }
0xaa: {  	[dreg:$0x4] =	wrdreg $0xC0  }
0xab: {  	_ =	task [dreg:s7], $0x5FFFF  }
0xac: {  	[dreg:$0x1] =	wrdreg $0xFFFFFFFF  }
0xad: {  	[dreg:$0x0] =	wrdreg $0x60  }
0xae: {  	[dreg:$0x2] =	wrdreg s24  }
0xaf: {  	[dreg:$0x3] =	wrdreg s2  }
0xb0: {  	[dreg:$0x4] =	wrdreg $0x0  }
0xb1: {  	[dreg:$0x5] =	wrdreg $0x9  }
0xb2: {  	_ =	task.clear_ibuf [dreg:s7], $0x6FFFF;
	_ =	strace $0x90000046  }
0xb3: {  	s29 =	simm.s32 $0x9;
	_ =	strace $0x80000048  }
0xb4: {  	_ =	swait.ge [sflag:s29], $0x1  }
0xb5: {  	[sflag:s29] =	ssyncadd.s32 $0xFFFFFFFF  }
0xb6: {  	_ =	strace $0x90000048  }
0xb7: {  	_ =	sfence  }
0xb8: {  	s30 =	sld [smem:$0x0];
	_ =	sdelay $0x2  }
0xb9: {  	s31 =	sshll.u32 s1, $0xD;
	s1 =	sshrl.u32 s1, $0x2  }
0xba: {  	s3 =	sand.u32 $0x4000, s31;
	s1 =	sadd.s32 s1, s30  }
0xbb: {  	s0 =	sor.u32 s3, s0;
	s1 =	sshll.u32 s1, $0x11  }
0xbc: {  	s0 =	sor.u32 s1, s0  }
0xbd: {  	s0 =	sadd.s32 $0x8F2B, s0  }
0xbe: {  	[sflag:s0] =	ssyncadd.remote.s32 $0x1  }
0xbf: {  	_ =	sfence.sel $0xFFFF  }
0xc0: {  	[dreg:$0x0] =	wrdreg $0xFFFFFFFF;
	(pc) =	sbr.abs _section_cstart, $3  }
0xc1: {  	[dreg:$0x1] =	wrdreg $0xFFFFFFFF  }
0xc2: {  	_ =	task.clear_ibuf [dreg:s7], $0x2FFFF;
	_ =	strace $0x9FFFFFFF  }
0xc3: {  	(tm) =	ssettm $0x7FFFFFFF  }
tec
execute0_lowered:
.L_overlay_start_1:
0x0: {  	(tag) =	ssettag $0x1  }
0x1: {  	s6 =	rddreg [dreg:$0x0]  }
0x2: {  	s2 =	rddreg [dreg:$0x1]  }
0x3: {  	s0 =	srdreg.scid;
	s3 =	rddreg [dreg:$0x2]  }
0x4: {  	s1 =	stileid.u32;
	s4 =	simm.s32 $0x0;
	s13 =	simm.s32 $0x16800  }
0x5: {  	s14 =	simm.s32 $0x80;
	s15 =	simm.s32 $0x0;
	s7 =	sand.u32 $0x1, s0  }
0x6: {  	s0 =	rddreg [dreg:$0x3];
	s5 =	sshll.u32 s1, $0x1;
	s9 =	smul.u32 $0x14000, s1  }
0x7: {  	[smem:$0x7FF] =	sst s4;
	s10 =	smul.u32 $0x50000, s1;
	s11 =	sshll.u32 s1, $0x6  }
0x8: {  	s8 =	smul.u32 $0x140000, s7;
	s5 =	sor.u32 s7, s5;
	s31 =	ssub.s32 $0x2, s7  }
0x9: {  	_ =	strace $0x80000047;
	s5 =	smul.u32 $0x500, s5;
	s7 =	sshrl.u32 s31, $0x1  }
0xa: {  	s10 =	sshrl.u32 s10, $0x2;
	s8 =	sadd.s32 s9, s8;
	s12 =	ssub.s32 s31, s7  }
0xb: {  	s10 =	sadd.s32 s10, s3;
	s30 =	sadd.s32 s5, s6;
	s8 =	sshrl.u32 s8, $0x3  }
0xc: {  	s5 =	sadd.s32 $0x14000, s6;
	s9 =	smax.u32 s12, $0x1;
	s10 =	sshrl.u32 s10, $0x3  }
0xd: {  	s12 =	simm.s32 $0x14000;
	s8 =	sadd.s32 s8, s6;
	s6 =	sor.u32 $0x1C01, s11  }
0xe: {  	s7 =	sadd.s32 $0xA000, s30;
	s11 =	simm.s32 $0x1;
	s8 =	sadd.s32 $0x16800, s8  }
.LBB2_1:
0xf: {  	[spmem:s10], [sflag:s6] =	dma.local [hbm:s5], $0x2800  }
0x10: {  	_ =	swait.ge [sflag:s11], $0x2800  }
0x11: {  	[sflag:s11] =	ssyncset.done $0x0  }
0x12: {  	[sflag:s11] =	ssyncadd.s32 $0xFFFFD800  }
0x13: {  	[tilespmem:s12], [sflag:$0x1] =	stream.linear.gather [hbm4b:s7+s4], $0x2800, $0x38;
	[tilespmem:$0x1A800] =	vst v63  }
0x14: {  	_ =	swait.ge [sflag:s11], $0x2800  }
0x15: {  	[sflag:s11] =	ssyncset.done $0x0  }
0x16: {  	[sflag:s11] =	ssyncadd.s32 $0xFFFFD800  }
0x17: {  	[tilespmem:s13], [sflag:$0x1] =	stream.linear.gather [hbm4b:s2+s4], $0x4000, $0x38;
	[tilespmem:$0x1A800] =	vst v63  }
0x18: {  	_ =	swait.ge [sflag:s11], $0x4000  }
0x19: {  	[sflag:s11] =	ssyncset.done $0x0  }
0x1a: {  	[sflag:s11] =	ssyncadd.s32 $0xFFFFC000  }
0x1b: {  	s16 =	simm.s32 $0x14000;
	[bflag:$0x0] =	sbarrier.arrive $0xFFFF  }
0x1c: {  	[spmem:s3] =	stream.indirect.scatter.add.f32 [tilespmem:s13], [sflag:$0x1], $0x80, s16, s14, $0xb8;
	[tilespmem:$0x1A800] =	vst v63  }
0x1d: {  	s16 =	simm.s32 $0x200;
	_ =	swait.ge [sflag:s11], $0x4000  }
.LBB2_2:
0x1e: {  	s17 =	sshra.s32 s16, $0x2;
	[sflag:s11] =	ssyncset.done $0x0;
	p0 =	sne.s32 s16, $0x9E00  }
.Ltmp0:
0x1f: {  	s17 =	sadd.s32 $0x14000, s17;
	[sflag:s11] =	ssyncadd.s32 $0xFFFFC000;
	(pc) =	sbr.rel @p0 .LBB2_2-.Ltmp0, $3  }
0x20: {  	[spmem:s3] =	stream.indirect.scatter.add.f32 [tilespmem:s13], [sflag:$0x1], $0x80, s17, s14, $0xb8;
	[tilespmem:$0x1A800] =	vst v63  }
0x21: {  	s16 =	sadd.s32 $0x200, s16;
	_ =	sdelay $0x1  }
0x22: {  	_ =	swait.ge [sflag:s11], $0x4000  }
0x23: {  	[sflag:s11] =	ssyncset.done $0x0;
	s15 =	sadd.s32 $0x1, s15  }
0x24: {  	[sflag:s11] =	ssyncadd.s32 $0xFFFFC000;
	p0 =	sne.s32 s15, s9  }
.Ltmp1:
0x25: {  	[bflag:$0x0] =	sbarrier.arrive $0xFFFF;
	(pc) =	sbr.rel @p0 .LBB2_1-.Ltmp1, $4  }
0x26: {  	[hbm:s8], [sflag:s6] =	dma.local [spmem:s10], $0x2800  }
0x27: {  	_ =	swait.ge [sflag:s11], $0x2800  }
0x28: {  	[sflag:s11] =	ssyncset.done $0x0  }
0x29: {  	[sflag:s11] =	ssyncadd.s32 $0xFFFFD800  }
0x2a: {  	_ =	sfence.sel $0x180000  }
0x2b: {  	[bflag:$0x0] =	sbarrier.arrive $0xFFFF  }
0x2c: {  	p0 =	sne.s32 s1, $0x0;
	_ =	strace $0x90000047  }
0x2d: {  	s0 =	sadd.s32 @!p0 $0x100000, s0;
	[bflag:$0x2] =	sbarrier.arrive $0xFFFF  }
0x2e: {  	[sflag:s0] =	ssyncadd.tile.s32 @!p0 $0x1;
	_ =	shalt  }
.Lfunc_end2:
_tile_overlayer_lowered:
.L_overlay_start_2:
0x2f: {  	(tag) =	ssettag $0x2  }
0x30: {  	s0 =	rddreg [dreg:$0x0];
	s2 =	stileid.u32  }
0x31: {  	s1 =	rddreg [dreg:$0x1];
	p0 =	sne.s32 s2, $0x0  }
0x32: {  	s3 =	rddreg [dreg:$0x2];
	[bflag:$0x3] =	sbarrier.arrive $0xFFFF;
	s2 =	simm.s32 @!p0 $0x1C01  }
0x33: {  	[timem:s3], [sflag:s2] =	dma.local @!p0 [hbm:s0], s1  }
0x34: {  	s0 =	simm.s32 @!p0 $0x1  }
0x35: {  	_ =	swait.ge @!p0 [sflag:s0], s1  }
0x36: {  	s1 =	ssub.s32 @!p0 $0x0, s1;
	[sflag:s0] =	ssyncset.done @!p0 $0x0  }
0x37: {  	[sflag:s0] =	ssyncadd.s32 @!p0 s1  }
0x38: {  	[bflag:$0x3] =	sbarrier.arrive $0xFFFF  }
0x39: {  	_ =	shalt  }

// kernel: kernel.15.cloned.1.call-start
scs
__scs_entry_jumppad:
0x0: {  	(pc) =	sbr.rel $0x88, $3  }
0x1: {  	(tag) =	ssettag $0x0;
	lr =	simm.s32 $0x1  }
0x2: {  	[smem:$0x3F82] =	sst lr;
	_ =	strace $0xD0000000  }
0x3: {  	_ = 	snop  }
0x4: {  	_ = 	snop  }
0x5: {  	_ = 	snop  }
0x6: {  	_ = 	snop  }
0x7: {  	_ = 	snop  }
__scs_overlays_trampoline_lowered:
0x8: {  	[smem:$0x3F91] =	sst s0  }
0x9: {  	[smem:$0x3F92] =	sst s1  }
0xa: {  	[smem:$0x3F93] =	sst s2  }
0xb: {  	[smem:$0x3F94] =	sst s3  }
0xc: {  	[smem:$0x3F95] =	sst s4  }
0xd: {  	[smem:$0x3F96] =	sst s5  }
0xe: {  	[smem:$0x3F97] =	sst s6  }
0xf: {  	[smem:$0x3F98] =	sst s7  }
0x10: {  	[smem:$0x3F99] =	sst s8  }
0x11: {  	[smem:$0x3F9A] =	sst s9;
	s0 =	simm.s32 @!p0 $0x0  }
0x12: {  	s1 =	sld [smem:$0x3F80];
	s0 =	simm.s32 @p0 $0x1  }
0x13: {  	[smem:$0x3F9B] =	sst s0;
	s0 =	simm.s32 @!p1 $0x0  }
0x14: {  	s2 =	sld [smem:$0x3F7F];
	s0 =	simm.s32 @p1 $0x1  }
0x15: {  	[smem:$0x3F9C] =	sst s0;
	s0 =	simm.s32 @!p2 $0x0  }
0x16: {  	s3 =	sld [smem:$0x3FDB];
	s0 =	simm.s32 @p2 $0x1  }
0x17: {  	s4 =	simm.s32 $0x1BF5;
	[smem:$0x3F9E] =	sst s0  }
0x18: {  	s0 =	sld [smem:$0x3F81];
	_ =	swait.ge [sflag:s4], $0x0  }
0x19: {  	s7 =	sld [smem:$0x3F82]  }
0x1a: {  	s8 =	sadd.s32 $0xFFFFE003, lr  }
0x1b: {  	s9 =	sadd.s32 $0xFFFFFEF7, lr;
	s5 =	simm.s32 $0xFFFFFFFF;
	p2 =	slt.u32 s8, $0xFFFFF086  }
0x1c: {  	p1 =	slt.u32 s9, $0xF7A;
	s5 =	simm.s32 @!p2 $0x0  }
0x1d: {  	s5 =	simm.s32 @p1 $0x1;
	p0 =	seq.s32 s7, s2  }
0x1e: {  	s7 =	smul.u32 @!p0 $0xF7A, s2;
	p2 =	seq.s32 @!p0 s5, $0x0  }
0x1f: {  	s9 =	smul.u32 $0xF7A, s1;
	s8 =	simm.s32 @!p0 $0x1BF5;
	p2 =	por !p2, p0  }
0x20: {  	[sflag:s8] =	ssyncset.s32 @!p0 $0xFFFFF086;
	s6 =	sadd.s32 @!p0 s3, s7;
	s7 =	simm.s32 @!p0 $0x108  }
0x21: {  	s3 =	sadd.s32 s3, s9;
	s6 =	sadd.s32 @!p0 $0x88, s6;
	s7 =	simm.s32 @p2 $0x1082  }
0x22: {  	[simem:s7], [sflag:s8] =	dma.local @!p0 [hbm:s6], $0xF7A  }
0x23: {  	s9 =	sor.u32 $0xD0000000, s2;
	s6 =	simm.s32 $0x108;
	_ =	swait.ge @!p0 [sflag:s8], $0x0  }
0x24: {  	s3 =	sadd.s32 $0x88, s3;
	s6 =	simm.s32 @!p1 $0x1082;
	[sflag:s4] =	ssyncset.s32 $0xFFFFF086  }
0x25: {  	[simem:s6], [sflag:s4] =	dma.local [hbm:s3], $0xF7A  }
0x26: {  	[smem:$0x3F82] =	sst s1;
	(tag) =	ssettag s2;
	_ =	strace s9  }
0x27: {  	s1 =	sld [smem:$0x3F92]  }
0x28: {  	s2 =	sld [smem:$0x3F93]  }
0x29: {  	s4 =	sld [smem:$0x3F95]  }
0x2a: {  	p0 =	seq.s32 s5, $0x0;
	s5 =	sld [smem:$0x3F96]  }
0x2b: {  	s6 =	sld [smem:$0x3F97]  }
0x2c: {  	s7 =	sld [smem:$0x3F98]  }
0x2d: {  	s3 =	simm.s32 $0x108;
	s8 =	sld [smem:$0x3F99]  }
0x2e: {  	s3 =	simm.s32 @!p0 $0x1082;
	s9 =	sld [smem:$0x3F9A]  }
0x2f: {  	lr =	sadd.s32 s0, s3;
	s0 =	sld [smem:$0x3F91]  }
0x30: {  	s3 =	sld [smem:$0x3F94]  }
0x31: {  	[smem:$0x3F9D] =	sst s10  }
0x32: {  	s10 =	sld [smem:$0x3F9B];
	_ =	sdelay $0x3  }
0x33: {  	p0 =	seq.s32 s10, $0x1;
	s10 =	sld [smem:$0x3F9D];
	_ =	sdelay $0x3  }
0x34: {  	[smem:$0x3F9D] =	sst s10  }
0x35: {  	s10 =	sld [smem:$0x3F9C];
	_ =	sdelay $0x3  }
0x36: {  	p1 =	seq.s32 s10, $0x1;
	s10 =	sld [smem:$0x3F9D];
	_ =	sdelay $0x3  }
0x37: {  	[smem:$0x3F9D] =	sst s10  }
0x38: {  	s10 =	sld [smem:$0x3F9E]  }
0x39: {  	_ = 	snop;
	(pc) =	sbr.ind lr, $3  }
0x3a: {  	_ = 	snop  }
0x3b: {  	_ = 	snop  }
0x3c: {  	p2 =	seq.s32 s10, $0x1;
	s10 =	sld [smem:$0x3F9D]  }
0x3d: {  	_ =	shalt  }
0x3e: {  	_ =	shalt  }
0x3f: {  	_ =	shalt  }
0x40: {  	_ =	shalt  }
0x41: {  	_ =	shalt  }
0x42: {  	_ =	shalt  }
0x43: {  	_ =	shalt  }
0x44: {  	_ =	shalt  }
0x45: {  	_ =	shalt  }
0x46: {  	_ =	shalt  }
0x47: {  	_ =	shalt  }
0x48: {  	_ =	shalt  }
0x49: {  	_ =	shalt  }
0x4a: {  	_ =	shalt  }
0x4b: {  	_ =	shalt  }
0x4c: {  	_ =	shalt  }
0x4d: {  	_ =	shalt  }
0x4e: {  	_ =	shalt  }
0x4f: {  	_ =	shalt  }
0x50: {  	_ =	shalt  }
0x51: {  	_ =	shalt  }
0x52: {  	_ =	shalt  }
0x53: {  	_ =	shalt  }
0x54: {  	_ =	shalt  }
0x55: {  	_ =	shalt  }
0x56: {  	_ =	shalt  }
0x57: {  	_ =	shalt  }
0x58: {  	_ =	shalt  }
0x59: {  	_ =	shalt  }
0x5a: {  	_ =	shalt  }
0x5b: {  	_ =	shalt  }
0x5c: {  	_ =	shalt  }
0x5d: {  	_ =	shalt  }
0x5e: {  	_ =	shalt  }
0x5f: {  	_ =	shalt  }
0x60: {  	_ =	shalt  }
0x61: {  	_ =	shalt  }
0x62: {  	_ =	shalt  }
0x63: {  	_ =	shalt  }
0x64: {  	_ =	shalt  }
0x65: {  	_ =	shalt  }
0x66: {  	_ =	shalt  }
0x67: {  	_ =	shalt  }
0x68: {  	_ =	shalt  }
0x69: {  	_ =	shalt  }
0x6a: {  	_ =	shalt  }
0x6b: {  	_ =	shalt  }
0x6c: {  	_ =	shalt  }
0x6d: {  	_ =	shalt  }
0x6e: {  	_ =	shalt  }
0x6f: {  	_ =	shalt  }
0x70: {  	_ =	shalt  }
0x71: {  	_ =	shalt  }
0x72: {  	_ =	shalt  }
0x73: {  	_ =	shalt  }
0x74: {  	_ =	shalt  }
0x75: {  	_ =	shalt  }
0x76: {  	_ =	shalt  }
0x77: {  	_ =	shalt  }
0x78: {  	_ =	shalt  }
0x79: {  	_ =	shalt  }
0x7a: {  	_ =	shalt  }
0x7b: {  	_ =	shalt  }
0x7c: {  	_ =	shalt  }
0x7d: {  	_ =	shalt  }
0x7e: {  	_ =	shalt  }
0x7f: {  	_ =	shalt  }
0x80: {  	_ =	shalt  }
0x81: {  	_ =	shalt  }
0x82: {  	_ =	shalt  }
0x83: {  	_ =	shalt  }
0x84: {  	_ =	shalt  }
0x85: {  	_ =	shalt  }
0x86: {  	_ =	shalt  }
0x87: {  	_ =	shalt  }
.Lfunc_end0:
.L_simem_size_0:
called_computation.1_lowered:
.L_overlay_start_0:
0x88: {  	s2 =	sld [smem:$0x3FD9]  }
0x89: {  	s3 =	sld [smem:$0x3FFE];
	_ =	sdelay $0x1  }
0x8a: {  	s1 =	srdreg.scid  }
0x8b: {  	s0 =	sand.u32 $0x1, s1  }
0x8c: {  	s16 =	sshll.u32 s0, $0xA;
	s2 =	sadd.s32 s3, s2  }
0x8d: {  	s2 =	sadd.s32 s2, s16  }
0x8e: {  	[smem:$0x3FA9] =	sst s2  }
0x8f: {  	_ = 	snop  }
0x90: {  	(tm) =	ssettm $0x1  }
0x91: {  	s17 =	sld [smem:$0x3FFB];
	_ =	sdelay $0x3  }
0x92: {  	_ =	strace s17  }
0x93: {  	s2 =	sld [smem:$0x3FFC];
	_ =	sdelay $0x3  }
0x94: {  	_ =	strace s2  }
0x95: {  	s2 =	sld [smem:$0x3FFD];
	_ =	sdelay $0x3  }
0x96: {  	_ =	strace s2  }
0x97: {  	_ =	strace $0x8FFFFFFF  }
0x98: {  	s18 =	sld [smem:$0x3FDB];
	_ =	sdelay $0x1  }
0x99: {  	s19 =	simm.s32 $_scs_section_size  }
0x9a: {  	s4 =	simm.s32 $_size__tile_overlayer_lowered;
	s5 =	simm.s32 $_tile_overlayer_lowered  }
0x9b: {  	s22 =	simm.s32 $0x1BFF;
	s21 =	sshll.u32 s5, $0x1;
	s2 =	sadd.s32 s19, s18  }
0x9c: {  	s6 =	simm.s32 $0x0;
	s20 =	sshll.u32 s4, $0x1;
	s4 =	sadd.s32 s21, s2  }
0x9d: {  	[timem:s6], [sflag:s22] =	dma.local [hbm:s4], s20  }
0x9e: {  	_ =	swait.ge [sflag:s22], s20  }
0x9f: {  	s3 =	ssub.s32 $0x0, s20;
	[sflag:s22] =	ssyncset.done $0x0  }
0xa0: {  	[sflag:s22] =	ssyncadd.s32 s3;
	_ =	sdelay $0x1  }
0xa1: {  	s23 =	simm.s32 $0x1B8B  }
0xa2: {  	_ =	swait.ge [sflag:s23], $0x1  }
0xa3: {  	[sflag:s23] =	ssyncset.done $0x0  }
0xa4: {  	s25 =	simm.s32 $0x1B8E;
	s24 =	sld [smem:$0x3FFE];
	[sflag:s23] =	ssyncadd.s32 $0xFFFFFFFF  }
0xa5: {  	s26 =	simm.s32 $execute0_lowered;
	[smem:$0x3FD2] =	sst s25  }
0xa6: {  	s4 =	sshll.u32 s26, $0x1;
	_ =	strace $0x80000049;
	[dreg:$0x1] =	wrdreg $0xFFFFFFFF  }
0xa7: {  	s28 =	simm.s32 $_size_execute0_lowered;
	s2 =	sadd.s32 s2, s4;
	[dreg:$0x0] =	wrdreg $0x0  }
0xa8: {  	s4 =	sshll.u32 s28, $0x1;
	[dreg:$0x2] =	wrdreg s2  }
0xa9: {  	[dreg:$0x3] =	wrdreg s4  }
0xaa: {  	[dreg:$0x4] =	wrdreg $0xC0  }
0xab: {  	_ =	task [dreg:s6], $0x5FFFF  }
0xac: {  	[dreg:$0x1] =	wrdreg $0xFFFFFFFF  }
0xad: {  	[dreg:$0x0] =	wrdreg $0x60  }
0xae: {  	[dreg:$0x2] =	wrdreg s24  }
0xaf: {  	[dreg:$0x3] =	wrdreg $0x0  }
0xb0: {  	[dreg:$0x4] =	wrdreg $0x9  }
0xb1: {  	_ =	task.clear_ibuf [dreg:s6], $0x5FFFF;
	_ =	strace $0x90000049  }
0xb2: {  	s29 =	simm.s32 $0x9;
	_ =	strace $0x8000004B  }
0xb3: {  	_ =	swait.ge [sflag:s29], $0x1  }
0xb4: {  	[sflag:s29] =	ssyncadd.s32 $0xFFFFFFFF  }
0xb5: {  	_ =	strace $0x9000004B  }
0xb6: {  	_ =	sfence  }
0xb7: {  	s30 =	sld [smem:$0x0];
	_ =	sdelay $0x2  }
0xb8: {  	s31 =	sshll.u32 s1, $0xD;
	s1 =	sshrl.u32 s1, $0x2  }
0xb9: {  	s3 =	sand.u32 $0x4000, s31;
	s1 =	sadd.s32 s1, s30  }
0xba: {  	s0 =	sor.u32 s3, s0;
	s1 =	sshll.u32 s1, $0x11  }
0xbb: {  	s0 =	sor.u32 s1, s0  }
0xbc: {  	s0 =	sadd.s32 $0x8F2B, s0  }
0xbd: {  	[sflag:s0] =	ssyncadd.remote.s32 $0x1  }
0xbe: {  	_ =	sfence.sel $0xFFFF  }
0xbf: {  	[dreg:$0x0] =	wrdreg $0xFFFFFFFF;
	(pc) =	sbr.abs _section_cstart, $3  }
0xc0: {  	[dreg:$0x1] =	wrdreg $0xFFFFFFFF  }
0xc1: {  	_ =	task.clear_ibuf [dreg:s6], $0x2FFFF;
	_ =	strace $0x9FFFFFFF  }
0xc2: {  	(tm) =	ssettm $0x7FFFFFFF  }
0xc3: {  	_ =	shalt  }
tec
execute0_lowered:
.L_overlay_start_1:
0x0: {  	(tag) =	ssettag $0x1  }
0x1: {  	s6 =	rddreg [dreg:$0x0]  }
0x2: {  	s1 =	rddreg [dreg:$0x1]  }
0x3: {  	s0 =	rddreg [dreg:$0x2];
	s3 =	simm.s32 $0x0;
	s2 =	srdreg.scid  }
0x4: {  	s16 =	simm.s32 $0x15400;
	s17 =	simm.s32 $0x80;
	s18 =	simm.s32 $0x16800  }
0x5: {  	s19 =	simm.s32 $0x1A800;
	s20 =	simm.s32 $0x1;
	s21 =	simm.s32 $0x2  }
0x6: {  	s22 =	simm.s32 $0x15380;
	s23 =	simm.s32 $0x16700;
	s24 =	simm.s32 $0x16780  }
0x7: {  	[smem:$0x7FF] =	sst s3;
	s7 =	sand.u32 $0x1, s2;
	s2 =	stileid.u32  }
0x8: {  	s10 =	sadd.s32 $0x66800, s6;
	s11 =	sadd.s32 $0xA000, s6;
	s4 =	sadd.s32 $0x70800, s6  }
0x9: {  	s5 =	sadd.s32 $0x14000, s6;
	s8 =	smul.u32 $0x140000, s7;
	_ =	strace $0x8000004A  }
0xa: {  	s9 =	smul.u32 $0x14000, s2;
	s25 =	sshll.u32 s2, $0x1;
	s12 =	ssub.s32 $0x2, s7  }
0xb: {  	s26 =	smul.u32 $0x50000, s2;
	s30 =	sshll.u32 s2, $0x6;
	s7 =	sor.u32 s7, s25  }
0xc: {  	s13 =	sshrl.u32 s12, $0x1;
	s25 =	simm.s32 $0x0;
	s8 =	sadd.s32 s9, s8  }
0xd: {  	s7 =	smul.u32 $0x2800, s7;
	s12 =	ssub.s32 s12, s13;
	s28 =	sshrl.u32 s26, $0x2  }
0xe: {  	s8 =	sshrl.u32 s8, $0x3;
	s29 =	sadd.s32 s28, s1;
	s12 =	smax.u32 s12, $0x1  }
0xf: {  	s14 =	sadd.s32 s8, s6;
	s31 =	sshrl.u32 s7, $0x3;
	s6 =	sor.u32 $0x1C03, s30  }
0x10: {  	s13 =	sshrl.u32 s29, $0x3;
	s7 =	sadd.s32 s10, s31;
	s15 =	sadd.s32 $0x280, s31  }
0x11: {  	s8 =	sadd.s32 s11, s31;
	s9 =	sadd.s32 s10, s15;
	s10 =	sadd.s32 s11, s15  }
0x12: {  	s11 =	sadd.s32 $0x97A00, s14;
	s14 =	simm.s32 $0x3;
	s15 =	simm.s32 $0x14000  }
.LBB2_1:
0x13: {  	[spmem:s13], [sflag:s6] =	dma.local [hbm:s5], $0x2800  }
0x14: {  	_ =	swait.ge [sflag:s14], $0x2800  }
0x15: {  	[sflag:s14] =	ssyncset.done $0x0  }
0x16: {  	[sflag:s14] =	ssyncadd.s32 $0xFFFFD800  }
0x17: {  	[bflag:$0x0] =	sbarrier.arrive $0xFFFF  }
0x18: {  	[tilespmem:s15], [sflag:$0x3] =	stream.linear.gather [hbm4b:s7+s3], $0x1400, $0x38;
	[tilespmem:$0x1E800] =	vst v63  }
0x19: {  	_ =	swait.ge [sflag:s14], $0x1400  }
0x1a: {  	[sflag:s14] =	ssyncset.done $0x0  }
0x1b: {  	[sflag:s14] =	ssyncadd.s32 $0xFFFFEC00  }
0x1c: {  	[tilespmem:s16], [sflag:$0x3] =	stream.linear.gather [hbm4b:s8+s3], $0x1400, $0x38;
	[tilespmem:$0x1E800] =	vst v63  }
0x1d: {  	_ =	swait.ge [sflag:s14], $0x1400  }
0x1e: {  	[sflag:s14] =	ssyncset.done $0x0  }
0x1f: {  	[sflag:s14] =	ssyncadd.s32 $0xFFFFEC00  }
0x20: {  	[tilespmem:s18], [sflag:$0x1] =	stream.indirect.gather [hbm4b:s4+s17], $0x80, s15, s17, $0xb8;
	[tilespmem:$0x1E800] =	vst v63  }
0x21: {  	s26 =	simm.s32 $0x14080  }
0x22: {  	[tilespmem:s19], [sflag:$0x2] =	stream.indirect.gather [hbm4b:s4+s17], $0x80, s26, s17, $0xb8;
	[tilespmem:$0x1E800] =	vst v63  }
0x23: {  	_ =	swait.ge [sflag:s20], $0x4000  }
0x24: {  	[sflag:s20] =	ssyncset.done $0x0  }
0x25: {  	s29 =	simm.s32 $0x15400;
	[sflag:s20] =	ssyncadd.s32 $0xFFFFC000  }
0x26: {  	[spmem:s1] =	stream.indirect.scatter.add.f32 [tilespmem:s18], [sflag:$0x3], $0x80, s29, s17, $0xb8;
	[tilespmem:$0x1E800] =	vst v63  }
0x27: {  	_ =	swait.ge [sflag:s14], $0x4000  }
0x28: {  	[sflag:s14] =	ssyncset.done $0x0  }
0x29: {  	s30 =	simm.s32 $0x14100;
	[sflag:s14] =	ssyncadd.s32 $0xFFFFC000  }
0x2a: {  	[tilespmem:s18], [sflag:$0x1] =	stream.indirect.gather [hbm4b:s4+s17], $0x80, s30, s17, $0xb8;
	[tilespmem:$0x1E800] =	vst v63  }
0x2b: {  	_ =	swait.ge [sflag:s21], $0x4000  }
0x2c: {  	[sflag:s21] =	ssyncset.done $0x0  }
0x2d: {  	s31 =	simm.s32 $0x15480;
	[sflag:s21] =	ssyncadd.s32 $0xFFFFC000  }
0x2e: {  	[spmem:s1] =	stream.indirect.scatter.add.f32 [tilespmem:s19], [sflag:$0x3], $0x80, s31, s17, $0xb8;
	[tilespmem:$0x1E800] =	vst v63  }
0x2f: {  	_ =	swait.ge [sflag:s14], $0x4000  }
0x30: {  	s28 =	simm.s32 $0x800;
	s26 =	simm.s32 $0x100;
	[sflag:s14] =	ssyncset.done $0x0  }
.LBB2_2:
0x31: {  	s29 =	sadd.s32 $0x14080, s26  }
0x32: {  	[sflag:s14] =	ssyncadd.s32 $0xFFFFC000;
	s30 =	smov.u32 s28;
	s31 =	sadd.s32 $0x400, s28  }
0x33: {  	[tilespmem:s19], [sflag:$0x2] =	stream.indirect.gather [hbm4b:s4+s17], $0x80, s29, s17, $0xb8;
	[tilespmem:$0x1E800] =	vst v63  }
0x34: {  	p0 =	sne.s32 s28, $0x4800;
	_ =	swait.ge [sflag:s20], $0x4000  }
0x35: {  	[sflag:s20] =	ssyncset.done $0x0  }
0x36: {  	s28 =	sadd.s32 $0x15400, s26;
	[sflag:s20] =	ssyncadd.s32 $0xFFFFC000  }
0x37: {  	[spmem:s1] =	stream.indirect.scatter.add.f32 [tilespmem:s18], [sflag:$0x3], $0x80, s28, s17, $0xb8;
	[tilespmem:$0x1E800] =	vst v63  }
0x38: {  	_ =	swait.ge [sflag:s14], $0x4000  }
0x39: {  	[sflag:s14] =	ssyncset.done $0x0  }
0x3a: {  	s28 =	sadd.s32 $0x14100, s26;
	[sflag:s14] =	ssyncadd.s32 $0xFFFFC000  }
0x3b: {  	[tilespmem:s18], [sflag:$0x1] =	stream.indirect.gather [hbm4b:s4+s17], $0x80, s28, s17, $0xb8;
	[tilespmem:$0x1E800] =	vst v63  }
0x3c: {  	_ =	swait.ge [sflag:s21], $0x4000  }
.Ltmp0:
0x3d: {  	[sflag:s21] =	ssyncset.done $0x0;
	(pc) =	sbr.rel @p0 .LBB2_2-.Ltmp0, $4  }
0x3e: {  	s26 =	sadd.s32 $0x15480, s26;
	[sflag:s21] =	ssyncadd.s32 $0xFFFFC000  }
0x3f: {  	[spmem:s1] =	stream.indirect.scatter.add.f32 [tilespmem:s19], [sflag:$0x3], $0x80, s26, s17, $0xb8;
	[tilespmem:$0x1E800] =	vst v63  }
0x40: {  	_ =	swait.ge [sflag:s14], $0x4000  }
0x41: {  	s28 =	smov.u32 s31;
	s26 =	sshra.s32 s30, $0x2;
	[sflag:s14] =	ssyncset.done $0x0  }
0x42: {  	s28 =	sadd.s32 $0x14080, s26;
	[sflag:s14] =	ssyncadd.s32 $0xFFFFC000  }
0x43: {  	[tilespmem:s19], [sflag:$0x2] =	stream.indirect.gather [hbm4b:s4+s17], $0x80, s28, s17, $0xb8;
	[tilespmem:$0x1E800] =	vst v63  }
0x44: {  	_ =	swait.ge [sflag:s20], $0x4000  }
0x45: {  	[sflag:s20] =	ssyncset.done $0x0  }
0x46: {  	s28 =	sadd.s32 $0x15400, s26;
	[sflag:s20] =	ssyncadd.s32 $0xFFFFC000  }
0x47: {  	[spmem:s1] =	stream.indirect.scatter.add.f32 [tilespmem:s18], [sflag:$0x3], $0x80, s28, s17, $0xb8;
	[tilespmem:$0x1E800] =	vst v63  }
0x48: {  	_ =	swait.ge [sflag:s14], $0x4000  }
0x49: {  	[sflag:s14] =	ssyncset.done $0x0  }
0x4a: {  	s28 =	sadd.s32 $0x14100, s26;
	[sflag:s14] =	ssyncadd.s32 $0xFFFFC000  }
0x4b: {  	[tilespmem:s18], [sflag:$0x1] =	stream.indirect.gather [hbm4b:s4+s17], $0x80, s28, s17, $0xb8;
	[tilespmem:$0x1E800] =	vst v63  }
0x4c: {  	_ =	swait.ge [sflag:s21], $0x4000  }
0x4d: {  	[sflag:s21] =	ssyncset.done $0x0  }
0x4e: {  	s29 =	sadd.s32 $0x15480, s26;
	[sflag:s21] =	ssyncadd.s32 $0xFFFFC000  }
0x4f: {  	[spmem:s1] =	stream.indirect.scatter.add.f32 [tilespmem:s19], [sflag:$0x3], $0x80, s29, s17, $0xb8;
	[tilespmem:$0x1E800] =	vst v63  }
0x50: {  	_ =	swait.ge [sflag:s14], $0x4000  }
0x51: {  	[sflag:s14] =	ssyncset.done $0x0  }
0x52: {  	[sflag:s14] =	ssyncadd.s32 $0xFFFFC000  }
0x53: {  	[tilespmem:s19], [sflag:$0x2] =	stream.indirect.gather [hbm4b:s4+s17], $0x80, s22, s17, $0xb8;
	[tilespmem:$0x1E800] =	vst v63  }
0x54: {  	_ =	swait.ge [sflag:s20], $0x4000  }
0x55: {  	[sflag:s20] =	ssyncset.done $0x0  }
0x56: {  	[sflag:s20] =	ssyncadd.s32 $0xFFFFC000  }
0x57: {  	[spmem:s1] =	stream.indirect.scatter.add.f32 [tilespmem:s18], [sflag:$0x3], $0x80, s23, s17, $0xb8;
	[tilespmem:$0x1E800] =	vst v63  }
0x58: {  	_ =	swait.ge [sflag:s14], $0x4000  }
0x59: {  	[sflag:s14] =	ssyncset.done $0x0  }
0x5a: {  	[sflag:s14] =	ssyncadd.s32 $0xFFFFC000  }
0x5b: {  	_ =	swait.ge [sflag:s21], $0x4000  }
0x5c: {  	[sflag:s21] =	ssyncset.done $0x0  }
0x5d: {  	[sflag:s21] =	ssyncadd.s32 $0xFFFFC000  }
0x5e: {  	[spmem:s1] =	stream.indirect.scatter.add.f32 [tilespmem:s19], [sflag:$0x3], $0x80, s24, s17, $0xb8;
	[tilespmem:$0x1E800] =	vst v63  }
0x5f: {  	_ =	swait.ge [sflag:s14], $0x4000  }
0x60: {  	[sflag:s14] =	ssyncset.done $0x0  }
0x61: {  	s30 =	simm.s32 $0x0;
	[sflag:s14] =	ssyncadd.s32 $0xFFFFC000  }
0x62: {  	[tilespmem:s15], [sflag:$0x3] =	stream.linear.gather [hbm4b:s9+s30], $0x1400, $0x38;
	[tilespmem:$0x1E800] =	vst v63  }
0x63: {  	_ =	swait.ge [sflag:s14], $0x1400  }
0x64: {  	[sflag:s14] =	ssyncset.done $0x0  }
0x65: {  	[sflag:s14] =	ssyncadd.s32 $0xFFFFEC00  }
0x66: {  	[tilespmem:s16], [sflag:$0x3] =	stream.linear.gather [hbm4b:s10+s30], $0x1400, $0x38;
	[tilespmem:$0x1E800] =	vst v63  }
0x67: {  	_ =	swait.ge [sflag:s14], $0x1400  }
0x68: {  	[sflag:s14] =	ssyncset.done $0x0  }
0x69: {  	[sflag:s14] =	ssyncadd.s32 $0xFFFFEC00  }
0x6a: {  	[tilespmem:s18], [sflag:$0x1] =	stream.indirect.gather [hbm4b:s4+s17], $0x80, s15, s17, $0xb8;
	[tilespmem:$0x1E800] =	vst v63  }
0x6b: {  	s31 =	simm.s32 $0x14080  }
0x6c: {  	[tilespmem:s19], [sflag:$0x2] =	stream.indirect.gather [hbm4b:s4+s17], $0x80, s31, s17, $0xb8;
	[tilespmem:$0x1E800] =	vst v63  }
0x6d: {  	_ =	swait.ge [sflag:s20], $0x4000  }
0x6e: {  	[sflag:s20] =	ssyncset.done $0x0  }
0x6f: {  	s29 =	simm.s32 $0x15400;
	[sflag:s20] =	ssyncadd.s32 $0xFFFFC000  }
0x70: {  	[spmem:s1] =	stream.indirect.scatter.add.f32 [tilespmem:s18], [sflag:$0x3], $0x80, s29, s17, $0xb8;
	[tilespmem:$0x1E800] =	vst v63  }
0x71: {  	_ =	swait.ge [sflag:s14], $0x4000  }
0x72: {  	[sflag:s14] =	ssyncset.done $0x0  }
0x73: {  	s30 =	simm.s32 $0x14100;
	[sflag:s14] =	ssyncadd.s32 $0xFFFFC000  }
0x74: {  	[tilespmem:s18], [sflag:$0x1] =	stream.indirect.gather [hbm4b:s4+s17], $0x80, s30, s17, $0xb8;
	[tilespmem:$0x1E800] =	vst v63  }
0x75: {  	_ =	swait.ge [sflag:s21], $0x4000  }
0x76: {  	[sflag:s21] =	ssyncset.done $0x0  }
0x77: {  	s31 =	simm.s32 $0x15480;
	[sflag:s21] =	ssyncadd.s32 $0xFFFFC000  }
0x78: {  	[spmem:s1] =	stream.indirect.scatter.add.f32 [tilespmem:s19], [sflag:$0x3], $0x80, s31, s17, $0xb8;
	[tilespmem:$0x1E800] =	vst v63  }
0x79: {  	_ =	swait.ge [sflag:s14], $0x4000  }
0x7a: {  	s26 =	simm.s32 $0x100;
	s28 =	simm.s32 $0x800;
	[sflag:s14] =	ssyncset.done $0x0  }
.LBB2_4:
0x7b: {  	s29 =	sadd.s32 $0x14080, s26  }
0x7c: {  	[sflag:s14] =	ssyncadd.s32 $0xFFFFC000;
	s30 =	smov.u32 s28;
	s31 =	sadd.s32 $0x400, s28  }
0x7d: {  	[tilespmem:s19], [sflag:$0x2] =	stream.indirect.gather [hbm4b:s4+s17], $0x80, s29, s17, $0xb8;
	[tilespmem:$0x1E800] =	vst v63  }
0x7e: {  	p0 =	sne.s32 s28, $0x4800;
	_ =	swait.ge [sflag:s20], $0x4000  }
0x7f: {  	[sflag:s20] =	ssyncset.done $0x0  }
0x80: {  	s28 =	sadd.s32 $0x15400, s26;
	[sflag:s20] =	ssyncadd.s32 $0xFFFFC000  }
0x81: {  	[spmem:s1] =	stream.indirect.scatter.add.f32 [tilespmem:s18], [sflag:$0x3], $0x80, s28, s17, $0xb8;
	[tilespmem:$0x1E800] =	vst v63  }
0x82: {  	_ =	swait.ge [sflag:s14], $0x4000  }
0x83: {  	[sflag:s14] =	ssyncset.done $0x0  }
0x84: {  	s28 =	sadd.s32 $0x14100, s26;
	[sflag:s14] =	ssyncadd.s32 $0xFFFFC000  }
0x85: {  	[tilespmem:s18], [sflag:$0x1] =	stream.indirect.gather [hbm4b:s4+s17], $0x80, s28, s17, $0xb8;
	[tilespmem:$0x1E800] =	vst v63  }
0x86: {  	_ =	swait.ge [sflag:s21], $0x4000  }
.Ltmp1:
0x87: {  	[sflag:s21] =	ssyncset.done $0x0;
	(pc) =	sbr.rel @p0 .LBB2_4-.Ltmp1, $4  }
0x88: {  	s26 =	sadd.s32 $0x15480, s26;
	[sflag:s21] =	ssyncadd.s32 $0xFFFFC000  }
0x89: {  	[spmem:s1] =	stream.indirect.scatter.add.f32 [tilespmem:s19], [sflag:$0x3], $0x80, s26, s17, $0xb8;
	[tilespmem:$0x1E800] =	vst v63  }
0x8a: {  	_ =	swait.ge [sflag:s14], $0x4000  }
0x8b: {  	s28 =	smov.u32 s31;
	s26 =	sshra.s32 s30, $0x2;
	[sflag:s14] =	ssyncset.done $0x0  }
0x8c: {  	s28 =	sadd.s32 $0x14080, s26;
	[sflag:s14] =	ssyncadd.s32 $0xFFFFC000  }
0x8d: {  	[tilespmem:s19], [sflag:$0x2] =	stream.indirect.gather [hbm4b:s4+s17], $0x80, s28, s17, $0xb8;
	[tilespmem:$0x1E800] =	vst v63  }
0x8e: {  	_ =	swait.ge [sflag:s20], $0x4000  }
0x8f: {  	[sflag:s20] =	ssyncset.done $0x0  }
0x90: {  	s29 =	sadd.s32 $0x15400, s26;
	[sflag:s20] =	ssyncadd.s32 $0xFFFFC000  }
0x91: {  	[spmem:s1] =	stream.indirect.scatter.add.f32 [tilespmem:s18], [sflag:$0x3], $0x80, s29, s17, $0xb8;
	[tilespmem:$0x1E800] =	vst v63  }
0x92: {  	_ =	swait.ge [sflag:s14], $0x4000  }
0x93: {  	[sflag:s14] =	ssyncset.done $0x0  }
0x94: {  	s30 =	sadd.s32 $0x14100, s26;
	[sflag:s14] =	ssyncadd.s32 $0xFFFFC000  }
0x95: {  	[tilespmem:s18], [sflag:$0x1] =	stream.indirect.gather [hbm4b:s4+s17], $0x80, s30, s17, $0xb8;
	[tilespmem:$0x1E800] =	vst v63  }
0x96: {  	_ =	swait.ge [sflag:s21], $0x4000  }
0x97: {  	[sflag:s21] =	ssyncset.done $0x0  }
0x98: {  	s31 =	sadd.s32 $0x15480, s26;
	[sflag:s21] =	ssyncadd.s32 $0xFFFFC000  }
0x99: {  	[spmem:s1] =	stream.indirect.scatter.add.f32 [tilespmem:s19], [sflag:$0x3], $0x80, s31, s17, $0xb8;
	[tilespmem:$0x1E800] =	vst v63  }
0x9a: {  	_ =	swait.ge [sflag:s14], $0x4000  }
0x9b: {  	[sflag:s14] =	ssyncset.done $0x0  }
0x9c: {  	[sflag:s14] =	ssyncadd.s32 $0xFFFFC000  }
0x9d: {  	[tilespmem:s19], [sflag:$0x2] =	stream.indirect.gather [hbm4b:s4+s17], $0x80, s22, s17, $0xb8;
	[tilespmem:$0x1E800] =	vst v63  }
0x9e: {  	_ =	swait.ge [sflag:s20], $0x4000  }
0x9f: {  	[sflag:s20] =	ssyncset.done $0x0  }
0xa0: {  	[sflag:s20] =	ssyncadd.s32 $0xFFFFC000  }
0xa1: {  	[spmem:s1] =	stream.indirect.scatter.add.f32 [tilespmem:s18], [sflag:$0x3], $0x80, s23, s17, $0xb8;
	[tilespmem:$0x1E800] =	vst v63  }
0xa2: {  	_ =	swait.ge [sflag:s14], $0x4000  }
0xa3: {  	[sflag:s14] =	ssyncset.done $0x0  }
0xa4: {  	[sflag:s14] =	ssyncadd.s32 $0xFFFFC000  }
0xa5: {  	_ =	swait.ge [sflag:s21], $0x4000  }
0xa6: {  	[sflag:s21] =	ssyncset.done $0x0  }
0xa7: {  	[sflag:s21] =	ssyncadd.s32 $0xFFFFC000  }
0xa8: {  	[spmem:s1] =	stream.indirect.scatter.add.f32 [tilespmem:s19], [sflag:$0x3], $0x80, s24, s17, $0xb8;
	[tilespmem:$0x1E800] =	vst v63  }
0xa9: {  	_ =	swait.ge [sflag:s14], $0x4000  }
0xaa: {  	s25 =	sadd.s32 $0x1, s25;
	[sflag:s14] =	ssyncset.done $0x0  }
0xab: {  	p0 =	sne.s32 s25, s12;
	[sflag:s14] =	ssyncadd.s32 $0xFFFFC000  }
.Ltmp2:
0xac: {  	[bflag:$0x0] =	sbarrier.arrive $0xFFFF;
	(pc) =	sbr.rel @p0 .LBB2_1-.Ltmp2, $4  }
0xad: {  	[hbm:s11], [sflag:s6] =	dma.local [spmem:s13], $0x2800  }
0xae: {  	_ =	swait.ge [sflag:s14], $0x2800  }
0xaf: {  	[sflag:s14] =	ssyncset.done $0x0  }
0xb0: {  	[sflag:s14] =	ssyncadd.s32 $0xFFFFD800  }
0xb1: {  	_ =	sfence.sel $0x180000  }
0xb2: {  	[bflag:$0x0] =	sbarrier.arrive $0xFFFF  }
0xb3: {  	p0 =	sne.s32 s2, $0x0;
	_ =	strace $0x9000004A  }
0xb4: {  	s0 =	sadd.s32 @!p0 $0x100000, s0;
	[bflag:$0x2] =	sbarrier.arrive $0xFFFF  }
0xb5: {  	[sflag:s0] =	ssyncadd.tile.s32 @!p0 $0x1;
	_ =	shalt  }
.Lfunc_end2:
_tile_overlayer_lowered:
.L_overlay_start_2:
0xb6: {  	(tag) =	ssettag $0x2  }
0xb7: {  	s0 =	rddreg [dreg:$0x0];
	s2 =	stileid.u32  }
0xb8: {  	s1 =	rddreg [dreg:$0x1];
	p0 =	sne.s32 s2, $0x0  }
0xb9: {  	s3 =	rddreg [dreg:$0x2];
	[bflag:$0x3] =	sbarrier.arrive $0xFFFF;
	s2 =	simm.s32 @!p0 $0x1C03  }
0xba: {  	[timem:s3], [sflag:s2] =	dma.local @!p0 [hbm:s0], s1  }
0xbb: {  	s0 =	simm.s32 @!p0 $0x3  }
0xbc: {  	_ =	swait.ge @!p0 [sflag:s0], s1  }
0xbd: {  	s1 =	ssub.s32 @!p0 $0x0, s1;
	[sflag:s0] =	ssyncset.done @!p0 $0x0  }
0xbe: {  	[sflag:s0] =	ssyncadd.s32 @!p0 s1  }
0xbf: {  	[bflag:$0x3] =	sbarrier.arrive $0xFFFF  }
0xc0: {  	_ =	shalt  }

// kernel: kernel.18.cloned.1.call-start
scs
__scs_entry_jumppad:
0x0: {  	(pc) =	sbr.rel $0x88, $3  }
0x1: {  	(tag) =	ssettag $0x0;
	lr =	simm.s32 $0x1  }
0x2: {  	[smem:$0x3F82] =	sst lr;
	_ =	strace $0xD0000000  }
0x3: {  	_ = 	snop  }
0x4: {  	_ = 	snop  }
0x5: {  	_ = 	snop  }
0x6: {  	_ = 	snop  }
0x7: {  	_ = 	snop  }
__scs_overlays_trampoline_lowered:
0x8: {  	[smem:$0x3F91] =	sst s0  }
0x9: {  	[smem:$0x3F92] =	sst s1  }
0xa: {  	[smem:$0x3F93] =	sst s2  }
0xb: {  	[smem:$0x3F94] =	sst s3  }
0xc: {  	[smem:$0x3F95] =	sst s4  }
0xd: {  	[smem:$0x3F96] =	sst s5  }
0xe: {  	[smem:$0x3F97] =	sst s6  }
0xf: {  	[smem:$0x3F98] =	sst s7  }
0x10: {  	[smem:$0x3F99] =	sst s8  }
0x11: {  	[smem:$0x3F9A] =	sst s9;
	s0 =	simm.s32 @!p0 $0x0  }
0x12: {  	s1 =	sld [smem:$0x3F80];
	s0 =	simm.s32 @p0 $0x1  }
0x13: {  	[smem:$0x3F9B] =	sst s0;
	s0 =	simm.s32 @!p1 $0x0  }
0x14: {  	s2 =	sld [smem:$0x3F7F];
	s0 =	simm.s32 @p1 $0x1  }
0x15: {  	[smem:$0x3F9C] =	sst s0;
	s0 =	simm.s32 @!p2 $0x0  }
0x16: {  	s3 =	sld [smem:$0x3FDB];
	s0 =	simm.s32 @p2 $0x1  }
0x17: {  	s4 =	simm.s32 $0x1BF5;
	[smem:$0x3F9E] =	sst s0  }
0x18: {  	s0 =	sld [smem:$0x3F81];
	_ =	swait.ge [sflag:s4], $0x0  }
0x19: {  	s7 =	sld [smem:$0x3F82]  }
0x1a: {  	s8 =	sadd.s32 $0xFFFFE003, lr  }
0x1b: {  	s9 =	sadd.s32 $0xFFFFFEF7, lr;
	s5 =	simm.s32 $0xFFFFFFFF;
	p2 =	slt.u32 s8, $0xFFFFF086  }
0x1c: {  	p1 =	slt.u32 s9, $0xF7A;
	s5 =	simm.s32 @!p2 $0x0  }
0x1d: {  	s5 =	simm.s32 @p1 $0x1;
	p0 =	seq.s32 s7, s2  }
0x1e: {  	s7 =	smul.u32 @!p0 $0xF7A, s2;
	p2 =	seq.s32 @!p0 s5, $0x0  }
0x1f: {  	s9 =	smul.u32 $0xF7A, s1;
	s8 =	simm.s32 @!p0 $0x1BF5;
	p2 =	por !p2, p0  }
0x20: {  	[sflag:s8] =	ssyncset.s32 @!p0 $0xFFFFF086;
	s6 =	sadd.s32 @!p0 s3, s7;
	s7 =	simm.s32 @!p0 $0x108  }
0x21: {  	s3 =	sadd.s32 s3, s9;
	s6 =	sadd.s32 @!p0 $0x88, s6;
	s7 =	simm.s32 @p2 $0x1082  }
0x22: {  	[simem:s7], [sflag:s8] =	dma.local @!p0 [hbm:s6], $0xF7A  }
0x23: {  	s9 =	sor.u32 $0xD0000000, s2;
	s6 =	simm.s32 $0x108;
	_ =	swait.ge @!p0 [sflag:s8], $0x0  }
0x24: {  	s3 =	sadd.s32 $0x88, s3;
	s6 =	simm.s32 @!p1 $0x1082;
	[sflag:s4] =	ssyncset.s32 $0xFFFFF086  }
0x25: {  	[simem:s6], [sflag:s4] =	dma.local [hbm:s3], $0xF7A  }
0x26: {  	[smem:$0x3F82] =	sst s1;
	(tag) =	ssettag s2;
	_ =	strace s9  }
0x27: {  	s1 =	sld [smem:$0x3F92]  }
0x28: {  	s2 =	sld [smem:$0x3F93]  }
0x29: {  	s4 =	sld [smem:$0x3F95]  }
0x2a: {  	p0 =	seq.s32 s5, $0x0;
	s5 =	sld [smem:$0x3F96]  }
0x2b: {  	s6 =	sld [smem:$0x3F97]  }
0x2c: {  	s7 =	sld [smem:$0x3F98]  }
0x2d: {  	s3 =	simm.s32 $0x108;
	s8 =	sld [smem:$0x3F99]  }
0x2e: {  	s3 =	simm.s32 @!p0 $0x1082;
	s9 =	sld [smem:$0x3F9A]  }
0x2f: {  	lr =	sadd.s32 s0, s3;
	s0 =	sld [smem:$0x3F91]  }
0x30: {  	s3 =	sld [smem:$0x3F94]  }
0x31: {  	[smem:$0x3F9D] =	sst s10  }
0x32: {  	s10 =	sld [smem:$0x3F9B];
	_ =	sdelay $0x3  }
0x33: {  	p0 =	seq.s32 s10, $0x1;
	s10 =	sld [smem:$0x3F9D];
	_ =	sdelay $0x3  }
0x34: {  	[smem:$0x3F9D] =	sst s10  }
0x35: {  	s10 =	sld [smem:$0x3F9C];
	_ =	sdelay $0x3  }
0x36: {  	p1 =	seq.s32 s10, $0x1;
	s10 =	sld [smem:$0x3F9D];
	_ =	sdelay $0x3  }
0x37: {  	[smem:$0x3F9D] =	sst s10  }
0x38: {  	s10 =	sld [smem:$0x3F9E]  }
0x39: {  	_ = 	snop;
	(pc) =	sbr.ind lr, $3  }
0x3a: {  	_ = 	snop  }
0x3b: {  	_ = 	snop  }
0x3c: {  	p2 =	seq.s32 s10, $0x1;
	s10 =	sld [smem:$0x3F9D]  }
0x3d: {  	_ =	shalt  }
0x3e: {  	_ =	shalt  }
0x3f: {  	_ =	shalt  }
0x40: {  	_ =	shalt  }
0x41: {  	_ =	shalt  }
0x42: {  	_ =	shalt  }
0x43: {  	_ =	shalt  }
0x44: {  	_ =	shalt  }
0x45: {  	_ =	shalt  }
0x46: {  	_ =	shalt  }
0x47: {  	_ =	shalt  }
0x48: {  	_ =	shalt  }
0x49: {  	_ =	shalt  }
0x4a: {  	_ =	shalt  }
0x4b: {  	_ =	shalt  }
0x4c: {  	_ =	shalt  }
0x4d: {  	_ =	shalt  }
0x4e: {  	_ =	shalt  }
0x4f: {  	_ =	shalt  }
0x50: {  	_ =	shalt  }
0x51: {  	_ =	shalt  }
0x52: {  	_ =	shalt  }
0x53: {  	_ =	shalt  }
0x54: {  	_ =	shalt  }
0x55: {  	_ =	shalt  }
0x56: {  	_ =	shalt  }
0x57: {  	_ =	shalt  }
0x58: {  	_ =	shalt  }
0x59: {  	_ =	shalt  }
0x5a: {  	_ =	shalt  }
0x5b: {  	_ =	shalt  }
0x5c: {  	_ =	shalt  }
0x5d: {  	_ =	shalt  }
0x5e: {  	_ =	shalt  }
0x5f: {  	_ =	shalt  }
0x60: {  	_ =	shalt  }
0x61: {  	_ =	shalt  }
0x62: {  	_ =	shalt  }
0x63: {  	_ =	shalt  }
0x64: {  	_ =	shalt  }
0x65: {  	_ =	shalt  }
0x66: {  	_ =	shalt  }
0x67: {  	_ =	shalt  }
0x68: {  	_ =	shalt  }
0x69: {  	_ =	shalt  }
0x6a: {  	_ =	shalt  }
0x6b: {  	_ =	shalt  }
0x6c: {  	_ =	shalt  }
0x6d: {  	_ =	shalt  }
0x6e: {  	_ =	shalt  }
0x6f: {  	_ =	shalt  }
0x70: {  	_ =	shalt  }
0x71: {  	_ =	shalt  }
0x72: {  	_ =	shalt  }
0x73: {  	_ =	shalt  }
0x74: {  	_ =	shalt  }
0x75: {  	_ =	shalt  }
0x76: {  	_ =	shalt  }
0x77: {  	_ =	shalt  }
0x78: {  	_ =	shalt  }
0x79: {  	_ =	shalt  }
0x7a: {  	_ =	shalt  }
0x7b: {  	_ =	shalt  }
0x7c: {  	_ =	shalt  }
0x7d: {  	_ =	shalt  }
0x7e: {  	_ =	shalt  }
0x7f: {  	_ =	shalt  }
0x80: {  	_ =	shalt  }
0x81: {  	_ =	shalt  }
0x82: {  	_ =	shalt  }
0x83: {  	_ =	shalt  }
0x84: {  	_ =	shalt  }
0x85: {  	_ =	shalt  }
0x86: {  	_ =	shalt  }
0x87: {  	_ =	shalt  }
.Lfunc_end0:
.L_simem_size_0:
called_computation.2_lowered:
.L_overlay_start_0:
0x88: {  	s2 =	sld [smem:$0x3FD9]  }
0x89: {  	s3 =	sld [smem:$0x3FFE];
	_ =	sdelay $0x1  }
0x8a: {  	s1 =	srdreg.scid  }
0x8b: {  	s0 =	sand.u32 $0x1, s1  }
0x8c: {  	s16 =	sshll.u32 s0, $0xA;
	s2 =	sadd.s32 s3, s2  }
0x8d: {  	s2 =	sadd.s32 s2, s16  }
0x8e: {  	[smem:$0x3FA9] =	sst s2  }
0x8f: {  	_ = 	snop  }
0x90: {  	(tm) =	ssettm $0x1  }
0x91: {  	s17 =	sld [smem:$0x3FFB];
	_ =	sdelay $0x3  }
0x92: {  	_ =	strace s17  }
0x93: {  	s2 =	sld [smem:$0x3FFC];
	_ =	sdelay $0x3  }
0x94: {  	_ =	strace s2  }
0x95: {  	s2 =	sld [smem:$0x3FFD];
	_ =	sdelay $0x3  }
0x96: {  	_ =	strace s2  }
0x97: {  	_ =	strace $0x8FFFFFFF  }
0x98: {  	s18 =	sld [smem:$0x3FDB];
	_ =	sdelay $0x1  }
0x99: {  	s19 =	simm.s32 $_scs_section_size  }
0x9a: {  	s4 =	simm.s32 $_size__tile_overlayer_lowered;
	s5 =	simm.s32 $_tile_overlayer_lowered  }
0x9b: {  	s22 =	simm.s32 $0x1BFF;
	s21 =	sshll.u32 s5, $0x1;
	s2 =	sadd.s32 s19, s18  }
0x9c: {  	s6 =	simm.s32 $0x0;
	s20 =	sshll.u32 s4, $0x1;
	s4 =	sadd.s32 s21, s2  }
0x9d: {  	[timem:s6], [sflag:s22] =	dma.local [hbm:s4], s20  }
0x9e: {  	_ =	swait.ge [sflag:s22], s20  }
0x9f: {  	s3 =	ssub.s32 $0x0, s20;
	[sflag:s22] =	ssyncset.done $0x0  }
0xa0: {  	[sflag:s22] =	ssyncadd.s32 s3;
	_ =	sdelay $0x1  }
0xa1: {  	s23 =	simm.s32 $0x1B8B  }
0xa2: {  	_ =	swait.ge [sflag:s23], $0x1  }
0xa3: {  	[sflag:s23] =	ssyncset.done $0x0  }
0xa4: {  	s25 =	simm.s32 $0x1B8E;
	s24 =	sld [smem:$0x3FFE];
	[sflag:s23] =	ssyncadd.s32 $0xFFFFFFFF  }
0xa5: {  	s26 =	simm.s32 $execute0_lowered;
	[smem:$0x3FD2] =	sst s25  }
0xa6: {  	s4 =	sshll.u32 s26, $0x1;
	_ =	strace $0x8000004C;
	[dreg:$0x1] =	wrdreg $0xFFFFFFFF  }
0xa7: {  	s28 =	simm.s32 $_size_execute0_lowered;
	s2 =	sadd.s32 s2, s4;
	[dreg:$0x0] =	wrdreg $0x0  }
0xa8: {  	s4 =	sshll.u32 s28, $0x1;
	[dreg:$0x2] =	wrdreg s2  }
0xa9: {  	[dreg:$0x3] =	wrdreg s4  }
0xaa: {  	[dreg:$0x4] =	wrdreg $0xC0  }
0xab: {  	_ =	task [dreg:s6], $0x5FFFF  }
0xac: {  	[dreg:$0x1] =	wrdreg $0xFFFFFFFF  }
0xad: {  	[dreg:$0x0] =	wrdreg $0x60  }
0xae: {  	[dreg:$0x2] =	wrdreg s24  }
0xaf: {  	[dreg:$0x3] =	wrdreg $0x0  }
0xb0: {  	[dreg:$0x4] =	wrdreg $0x9  }
0xb1: {  	_ =	task.clear_ibuf [dreg:s6], $0x5FFFF;
	_ =	strace $0x9000004C  }
0xb2: {  	s29 =	simm.s32 $0x9;
	_ =	strace $0x8000004E  }
0xb3: {  	_ =	swait.ge [sflag:s29], $0x1  }
0xb4: {  	[sflag:s29] =	ssyncadd.s32 $0xFFFFFFFF  }
0xb5: {  	_ =	strace $0x9000004E  }
0xb6: {  	_ =	sfence  }
0xb7: {  	s30 =	sld [smem:$0x0];
	_ =	sdelay $0x2  }
0xb8: {  	s31 =	sshll.u32 s1, $0xD;
	s1 =	sshrl.u32 s1, $0x2  }
0xb9: {  	s3 =	sand.u32 $0x4000, s31;
	s1 =	sadd.s32 s1, s30  }
0xba: {  	s0 =	sor.u32 s3, s0;
	s1 =	sshll.u32 s1, $0x11  }
0xbb: {  	s0 =	sor.u32 s1, s0  }
0xbc: {  	s0 =	sadd.s32 $0x8F2B, s0  }
0xbd: {  	[sflag:s0] =	ssyncadd.remote.s32 $0x1  }
0xbe: {  	_ =	sfence.sel $0xFFFF  }
0xbf: {  	[dreg:$0x0] =	wrdreg $0xFFFFFFFF;
	(pc) =	sbr.abs _section_cstart, $3  }
0xc0: {  	[dreg:$0x1] =	wrdreg $0xFFFFFFFF  }
0xc1: {  	_ =	task.clear_ibuf [dreg:s6], $0x2FFFF;
	_ =	strace $0x9FFFFFFF  }
0xc2: {  	(tm) =	ssettm $0x7FFFFFFF  }
0xc3: {  	_ =	shalt  }
tec
execute0_lowered:
.L_overlay_start_1:
0x0: {  	(tag) =	ssettag $0x1  }
0x1: {  	s6 =	rddreg [dreg:$0x0]  }
0x2: {  	s1 =	rddreg [dreg:$0x1]  }
0x3: {  	s0 =	rddreg [dreg:$0x2];
	s3 =	simm.s32 $0x0;
	s2 =	srdreg.scid  }
0x4: {  	s16 =	simm.s32 $0x15400;
	s17 =	simm.s32 $0x80;
	s18 =	simm.s32 $0x16800  }
0x5: {  	s19 =	simm.s32 $0x1A800;
	s20 =	simm.s32 $0x1;
	s21 =	simm.s32 $0x2  }
0x6: {  	s22 =	simm.s32 $0x15380;
	s23 =	simm.s32 $0x16700;
	s24 =	simm.s32 $0x16780  }
0x7: {  	[smem:$0x7FF] =	sst s3;
	s7 =	sand.u32 $0x1, s2;
	s2 =	stileid.u32  }
0x8: {  	s10 =	sadd.s32 $0x66800, s6;
	s11 =	sadd.s32 $0xA000, s6;
	s4 =	sadd.s32 $0x70800, s6  }
0x9: {  	s5 =	sadd.s32 $0x14000, s6;
	s8 =	smul.u32 $0x140000, s7;
	_ =	strace $0x8000004D  }
0xa: {  	s9 =	smul.u32 $0x14000, s2;
	s25 =	sshll.u32 s2, $0x1;
	s12 =	ssub.s32 $0x2, s7  }
0xb: {  	s26 =	smul.u32 $0x50000, s2;
	s30 =	sshll.u32 s2, $0x6;
	s7 =	sor.u32 s7, s25  }
0xc: {  	s13 =	sshrl.u32 s12, $0x1;
	s25 =	simm.s32 $0x0;
	s8 =	sadd.s32 s9, s8  }
0xd: {  	s7 =	smul.u32 $0x2800, s7;
	s12 =	ssub.s32 s12, s13;
	s28 =	sshrl.u32 s26, $0x2  }
0xe: {  	s8 =	sshrl.u32 s8, $0x3;
	s29 =	sadd.s32 s28, s1;
	s12 =	smax.u32 s12, $0x1  }
0xf: {  	s14 =	sadd.s32 s8, s6;
	s31 =	sshrl.u32 s7, $0x3;
	s6 =	sor.u32 $0x1C03, s30  }
0x10: {  	s13 =	sshrl.u32 s29, $0x3;
	s7 =	sadd.s32 s10, s31;
	s15 =	sadd.s32 $0x280, s31  }
0x11: {  	s8 =	sadd.s32 s11, s31;
	s9 =	sadd.s32 s10, s15;
	s10 =	sadd.s32 s11, s15  }
0x12: {  	s11 =	sadd.s32 $0xBEC00, s14;
	s14 =	simm.s32 $0x3;
	s15 =	simm.s32 $0x14000  }
.LBB2_1:
0x13: {  	[spmem:s13], [sflag:s6] =	dma.local [hbm:s5], $0x2800  }
0x14: {  	_ =	swait.ge [sflag:s14], $0x2800  }
0x15: {  	[sflag:s14] =	ssyncset.done $0x0  }
0x16: {  	[sflag:s14] =	ssyncadd.s32 $0xFFFFD800  }
0x17: {  	[bflag:$0x0] =	sbarrier.arrive $0xFFFF  }
0x18: {  	[tilespmem:s15], [sflag:$0x3] =	stream.linear.gather [hbm4b:s7+s3], $0x1400, $0x38;
	[tilespmem:$0x1E800] =	vst v63  }
0x19: {  	_ =	swait.ge [sflag:s14], $0x1400  }
0x1a: {  	[sflag:s14] =	ssyncset.done $0x0  }
0x1b: {  	[sflag:s14] =	ssyncadd.s32 $0xFFFFEC00  }
0x1c: {  	[tilespmem:s16], [sflag:$0x3] =	stream.linear.gather [hbm4b:s8+s3], $0x1400, $0x38;
	[tilespmem:$0x1E800] =	vst v63  }
0x1d: {  	_ =	swait.ge [sflag:s14], $0x1400  }
0x1e: {  	[sflag:s14] =	ssyncset.done $0x0  }
0x1f: {  	[sflag:s14] =	ssyncadd.s32 $0xFFFFEC00  }
0x20: {  	[tilespmem:s18], [sflag:$0x1] =	stream.indirect.gather [hbm4b:s4+s17], $0x80, s15, s17, $0xb8;
	[tilespmem:$0x1E800] =	vst v63  }
0x21: {  	s26 =	simm.s32 $0x14080  }
0x22: {  	[tilespmem:s19], [sflag:$0x2] =	stream.indirect.gather [hbm4b:s4+s17], $0x80, s26, s17, $0xb8;
	[tilespmem:$0x1E800] =	vst v63  }
0x23: {  	_ =	swait.ge [sflag:s20], $0x4000  }
0x24: {  	[sflag:s20] =	ssyncset.done $0x0  }
0x25: {  	s29 =	simm.s32 $0x15400;
	[sflag:s20] =	ssyncadd.s32 $0xFFFFC000  }
0x26: {  	[spmem:s1] =	stream.indirect.scatter.add.f32 [tilespmem:s18], [sflag:$0x3], $0x80, s29, s17, $0xb8;
	[tilespmem:$0x1E800] =	vst v63  }
0x27: {  	_ =	swait.ge [sflag:s14], $0x4000  }
0x28: {  	[sflag:s14] =	ssyncset.done $0x0  }
0x29: {  	s30 =	simm.s32 $0x14100;
	[sflag:s14] =	ssyncadd.s32 $0xFFFFC000  }
0x2a: {  	[tilespmem:s18], [sflag:$0x1] =	stream.indirect.gather [hbm4b:s4+s17], $0x80, s30, s17, $0xb8;
	[tilespmem:$0x1E800] =	vst v63  }
0x2b: {  	_ =	swait.ge [sflag:s21], $0x4000  }
0x2c: {  	[sflag:s21] =	ssyncset.done $0x0  }
0x2d: {  	s31 =	simm.s32 $0x15480;
	[sflag:s21] =	ssyncadd.s32 $0xFFFFC000  }
0x2e: {  	[spmem:s1] =	stream.indirect.scatter.add.f32 [tilespmem:s19], [sflag:$0x3], $0x80, s31, s17, $0xb8;
	[tilespmem:$0x1E800] =	vst v63  }
0x2f: {  	_ =	swait.ge [sflag:s14], $0x4000  }
0x30: {  	s28 =	simm.s32 $0x800;
	s26 =	simm.s32 $0x100;
	[sflag:s14] =	ssyncset.done $0x0  }
.LBB2_2:
0x31: {  	s29 =	sadd.s32 $0x14080, s26  }
0x32: {  	[sflag:s14] =	ssyncadd.s32 $0xFFFFC000;
	s30 =	smov.u32 s28;
	s31 =	sadd.s32 $0x400, s28  }
0x33: {  	[tilespmem:s19], [sflag:$0x2] =	stream.indirect.gather [hbm4b:s4+s17], $0x80, s29, s17, $0xb8;
	[tilespmem:$0x1E800] =	vst v63  }
0x34: {  	p0 =	sne.s32 s28, $0x4800;
	_ =	swait.ge [sflag:s20], $0x4000  }
0x35: {  	[sflag:s20] =	ssyncset.done $0x0  }
0x36: {  	s28 =	sadd.s32 $0x15400, s26;
	[sflag:s20] =	ssyncadd.s32 $0xFFFFC000  }
0x37: {  	[spmem:s1] =	stream.indirect.scatter.add.f32 [tilespmem:s18], [sflag:$0x3], $0x80, s28, s17, $0xb8;
	[tilespmem:$0x1E800] =	vst v63  }
0x38: {  	_ =	swait.ge [sflag:s14], $0x4000  }
0x39: {  	[sflag:s14] =	ssyncset.done $0x0  }
0x3a: {  	s28 =	sadd.s32 $0x14100, s26;
	[sflag:s14] =	ssyncadd.s32 $0xFFFFC000  }
0x3b: {  	[tilespmem:s18], [sflag:$0x1] =	stream.indirect.gather [hbm4b:s4+s17], $0x80, s28, s17, $0xb8;
	[tilespmem:$0x1E800] =	vst v63  }
0x3c: {  	_ =	swait.ge [sflag:s21], $0x4000  }
.Ltmp0:
0x3d: {  	[sflag:s21] =	ssyncset.done $0x0;
	(pc) =	sbr.rel @p0 .LBB2_2-.Ltmp0, $4  }
0x3e: {  	s26 =	sadd.s32 $0x15480, s26;
	[sflag:s21] =	ssyncadd.s32 $0xFFFFC000  }
0x3f: {  	[spmem:s1] =	stream.indirect.scatter.add.f32 [tilespmem:s19], [sflag:$0x3], $0x80, s26, s17, $0xb8;
	[tilespmem:$0x1E800] =	vst v63  }
0x40: {  	_ =	swait.ge [sflag:s14], $0x4000  }
0x41: {  	s28 =	smov.u32 s31;
	s26 =	sshra.s32 s30, $0x2;
	[sflag:s14] =	ssyncset.done $0x0  }
0x42: {  	s28 =	sadd.s32 $0x14080, s26;
	[sflag:s14] =	ssyncadd.s32 $0xFFFFC000  }
0x43: {  	[tilespmem:s19], [sflag:$0x2] =	stream.indirect.gather [hbm4b:s4+s17], $0x80, s28, s17, $0xb8;
	[tilespmem:$0x1E800] =	vst v63  }
0x44: {  	_ =	swait.ge [sflag:s20], $0x4000  }
0x45: {  	[sflag:s20] =	ssyncset.done $0x0  }
0x46: {  	s28 =	sadd.s32 $0x15400, s26;
	[sflag:s20] =	ssyncadd.s32 $0xFFFFC000  }
0x47: {  	[spmem:s1] =	stream.indirect.scatter.add.f32 [tilespmem:s18], [sflag:$0x3], $0x80, s28, s17, $0xb8;
	[tilespmem:$0x1E800] =	vst v63  }
0x48: {  	_ =	swait.ge [sflag:s14], $0x4000  }
0x49: {  	[sflag:s14] =	ssyncset.done $0x0  }
0x4a: {  	s28 =	sadd.s32 $0x14100, s26;
	[sflag:s14] =	ssyncadd.s32 $0xFFFFC000  }
0x4b: {  	[tilespmem:s18], [sflag:$0x1] =	stream.indirect.gather [hbm4b:s4+s17], $0x80, s28, s17, $0xb8;
	[tilespmem:$0x1E800] =	vst v63  }
0x4c: {  	_ =	swait.ge [sflag:s21], $0x4000  }
0x4d: {  	[sflag:s21] =	ssyncset.done $0x0  }
0x4e: {  	s29 =	sadd.s32 $0x15480, s26;
	[sflag:s21] =	ssyncadd.s32 $0xFFFFC000  }
0x4f: {  	[spmem:s1] =	stream.indirect.scatter.add.f32 [tilespmem:s19], [sflag:$0x3], $0x80, s29, s17, $0xb8;
	[tilespmem:$0x1E800] =	vst v63  }
0x50: {  	_ =	swait.ge [sflag:s14], $0x4000  }
0x51: {  	[sflag:s14] =	ssyncset.done $0x0  }
0x52: {  	[sflag:s14] =	ssyncadd.s32 $0xFFFFC000  }
0x53: {  	[tilespmem:s19], [sflag:$0x2] =	stream.indirect.gather [hbm4b:s4+s17], $0x80, s22, s17, $0xb8;
	[tilespmem:$0x1E800] =	vst v63  }
0x54: {  	_ =	swait.ge [sflag:s20], $0x4000  }
0x55: {  	[sflag:s20] =	ssyncset.done $0x0  }
0x56: {  	[sflag:s20] =	ssyncadd.s32 $0xFFFFC000  }
0x57: {  	[spmem:s1] =	stream.indirect.scatter.add.f32 [tilespmem:s18], [sflag:$0x3], $0x80, s23, s17, $0xb8;
	[tilespmem:$0x1E800] =	vst v63  }
0x58: {  	_ =	swait.ge [sflag:s14], $0x4000  }
0x59: {  	[sflag:s14] =	ssyncset.done $0x0  }
0x5a: {  	[sflag:s14] =	ssyncadd.s32 $0xFFFFC000  }
0x5b: {  	_ =	swait.ge [sflag:s21], $0x4000  }
0x5c: {  	[sflag:s21] =	ssyncset.done $0x0  }
0x5d: {  	[sflag:s21] =	ssyncadd.s32 $0xFFFFC000  }
0x5e: {  	[spmem:s1] =	stream.indirect.scatter.add.f32 [tilespmem:s19], [sflag:$0x3], $0x80, s24, s17, $0xb8;
	[tilespmem:$0x1E800] =	vst v63  }
0x5f: {  	_ =	swait.ge [sflag:s14], $0x4000  }
0x60: {  	[sflag:s14] =	ssyncset.done $0x0  }
0x61: {  	s30 =	simm.s32 $0x0;
	[sflag:s14] =	ssyncadd.s32 $0xFFFFC000  }
0x62: {  	[tilespmem:s15], [sflag:$0x3] =	stream.linear.gather [hbm4b:s9+s30], $0x1400, $0x38;
	[tilespmem:$0x1E800] =	vst v63  }
0x63: {  	_ =	swait.ge [sflag:s14], $0x1400  }
0x64: {  	[sflag:s14] =	ssyncset.done $0x0  }
0x65: {  	[sflag:s14] =	ssyncadd.s32 $0xFFFFEC00  }
0x66: {  	[tilespmem:s16], [sflag:$0x3] =	stream.linear.gather [hbm4b:s10+s30], $0x1400, $0x38;
	[tilespmem:$0x1E800] =	vst v63  }
0x67: {  	_ =	swait.ge [sflag:s14], $0x1400  }
0x68: {  	[sflag:s14] =	ssyncset.done $0x0  }
0x69: {  	[sflag:s14] =	ssyncadd.s32 $0xFFFFEC00  }
0x6a: {  	[tilespmem:s18], [sflag:$0x1] =	stream.indirect.gather [hbm4b:s4+s17], $0x80, s15, s17, $0xb8;
	[tilespmem:$0x1E800] =	vst v63  }
0x6b: {  	s31 =	simm.s32 $0x14080  }
0x6c: {  	[tilespmem:s19], [sflag:$0x2] =	stream.indirect.gather [hbm4b:s4+s17], $0x80, s31, s17, $0xb8;
	[tilespmem:$0x1E800] =	vst v63  }
0x6d: {  	_ =	swait.ge [sflag:s20], $0x4000  }
0x6e: {  	[sflag:s20] =	ssyncset.done $0x0  }
0x6f: {  	s29 =	simm.s32 $0x15400;
	[sflag:s20] =	ssyncadd.s32 $0xFFFFC000  }
0x70: {  	[spmem:s1] =	stream.indirect.scatter.add.f32 [tilespmem:s18], [sflag:$0x3], $0x80, s29, s17, $0xb8;
	[tilespmem:$0x1E800] =	vst v63  }
0x71: {  	_ =	swait.ge [sflag:s14], $0x4000  }
0x72: {  	[sflag:s14] =	ssyncset.done $0x0  }
0x73: {  	s30 =	simm.s32 $0x14100;
	[sflag:s14] =	ssyncadd.s32 $0xFFFFC000  }
0x74: {  	[tilespmem:s18], [sflag:$0x1] =	stream.indirect.gather [hbm4b:s4+s17], $0x80, s30, s17, $0xb8;
	[tilespmem:$0x1E800] =	vst v63  }
0x75: {  	_ =	swait.ge [sflag:s21], $0x4000  }
0x76: {  	[sflag:s21] =	ssyncset.done $0x0  }
0x77: {  	s31 =	simm.s32 $0x15480;
	[sflag:s21] =	ssyncadd.s32 $0xFFFFC000  }
0x78: {  	[spmem:s1] =	stream.indirect.scatter.add.f32 [tilespmem:s19], [sflag:$0x3], $0x80, s31, s17, $0xb8;
	[tilespmem:$0x1E800] =	vst v63  }
0x79: {  	_ =	swait.ge [sflag:s14], $0x4000  }
0x7a: {  	s26 =	simm.s32 $0x100;
	s28 =	simm.s32 $0x800;
	[sflag:s14] =	ssyncset.done $0x0  }
.LBB2_4:
0x7b: {  	s29 =	sadd.s32 $0x14080, s26  }
0x7c: {  	[sflag:s14] =	ssyncadd.s32 $0xFFFFC000;
	s30 =	smov.u32 s28;
	s31 =	sadd.s32 $0x400, s28  }
0x7d: {  	[tilespmem:s19], [sflag:$0x2] =	stream.indirect.gather [hbm4b:s4+s17], $0x80, s29, s17, $0xb8;
	[tilespmem:$0x1E800] =	vst v63  }
0x7e: {  	p0 =	sne.s32 s28, $0x4800;
	_ =	swait.ge [sflag:s20], $0x4000  }
0x7f: {  	[sflag:s20] =	ssyncset.done $0x0  }
0x80: {  	s28 =	sadd.s32 $0x15400, s26;
	[sflag:s20] =	ssyncadd.s32 $0xFFFFC000  }
0x81: {  	[spmem:s1] =	stream.indirect.scatter.add.f32 [tilespmem:s18], [sflag:$0x3], $0x80, s28, s17, $0xb8;
	[tilespmem:$0x1E800] =	vst v63  }
0x82: {  	_ =	swait.ge [sflag:s14], $0x4000  }
0x83: {  	[sflag:s14] =	ssyncset.done $0x0  }
0x84: {  	s28 =	sadd.s32 $0x14100, s26;
	[sflag:s14] =	ssyncadd.s32 $0xFFFFC000  }
0x85: {  	[tilespmem:s18], [sflag:$0x1] =	stream.indirect.gather [hbm4b:s4+s17], $0x80, s28, s17, $0xb8;
	[tilespmem:$0x1E800] =	vst v63  }
0x86: {  	_ =	swait.ge [sflag:s21], $0x4000  }
.Ltmp1:
0x87: {  	[sflag:s21] =	ssyncset.done $0x0;
	(pc) =	sbr.rel @p0 .LBB2_4-.Ltmp1, $4  }
0x88: {  	s26 =	sadd.s32 $0x15480, s26;
	[sflag:s21] =	ssyncadd.s32 $0xFFFFC000  }
0x89: {  	[spmem:s1] =	stream.indirect.scatter.add.f32 [tilespmem:s19], [sflag:$0x3], $0x80, s26, s17, $0xb8;
	[tilespmem:$0x1E800] =	vst v63  }
0x8a: {  	_ =	swait.ge [sflag:s14], $0x4000  }
0x8b: {  	s28 =	smov.u32 s31;
	s26 =	sshra.s32 s30, $0x2;
	[sflag:s14] =	ssyncset.done $0x0  }
0x8c: {  	s28 =	sadd.s32 $0x14080, s26;
	[sflag:s14] =	ssyncadd.s32 $0xFFFFC000  }
0x8d: {  	[tilespmem:s19], [sflag:$0x2] =	stream.indirect.gather [hbm4b:s4+s17], $0x80, s28, s17, $0xb8;
	[tilespmem:$0x1E800] =	vst v63  }
0x8e: {  	_ =	swait.ge [sflag:s20], $0x4000  }
0x8f: {  	[sflag:s20] =	ssyncset.done $0x0  }
0x90: {  	s29 =	sadd.s32 $0x15400, s26;
	[sflag:s20] =	ssyncadd.s32 $0xFFFFC000  }
0x91: {  	[spmem:s1] =	stream.indirect.scatter.add.f32 [tilespmem:s18], [sflag:$0x3], $0x80, s29, s17, $0xb8;
	[tilespmem:$0x1E800] =	vst v63  }
0x92: {  	_ =	swait.ge [sflag:s14], $0x4000  }
0x93: {  	[sflag:s14] =	ssyncset.done $0x0  }
0x94: {  	s30 =	sadd.s32 $0x14100, s26;
	[sflag:s14] =	ssyncadd.s32 $0xFFFFC000  }
0x95: {  	[tilespmem:s18], [sflag:$0x1] =	stream.indirect.gather [hbm4b:s4+s17], $0x80, s30, s17, $0xb8;
	[tilespmem:$0x1E800] =	vst v63  }
0x96: {  	_ =	swait.ge [sflag:s21], $0x4000  }
0x97: {  	[sflag:s21] =	ssyncset.done $0x0  }
0x98: {  	s31 =	sadd.s32 $0x15480, s26;
	[sflag:s21] =	ssyncadd.s32 $0xFFFFC000  }
0x99: {  	[spmem:s1] =	stream.indirect.scatter.add.f32 [tilespmem:s19], [sflag:$0x3], $0x80, s31, s17, $0xb8;
	[tilespmem:$0x1E800] =	vst v63  }
0x9a: {  	_ =	swait.ge [sflag:s14], $0x4000  }
0x9b: {  	[sflag:s14] =	ssyncset.done $0x0  }
0x9c: {  	[sflag:s14] =	ssyncadd.s32 $0xFFFFC000  }
0x9d: {  	[tilespmem:s19], [sflag:$0x2] =	stream.indirect.gather [hbm4b:s4+s17], $0x80, s22, s17, $0xb8;
	[tilespmem:$0x1E800] =	vst v63  }
0x9e: {  	_ =	swait.ge [sflag:s20], $0x4000  }
0x9f: {  	[sflag:s20] =	ssyncset.done $0x0  }
0xa0: {  	[sflag:s20] =	ssyncadd.s32 $0xFFFFC000  }
0xa1: {  	[spmem:s1] =	stream.indirect.scatter.add.f32 [tilespmem:s18], [sflag:$0x3], $0x80, s23, s17, $0xb8;
	[tilespmem:$0x1E800] =	vst v63  }
0xa2: {  	_ =	swait.ge [sflag:s14], $0x4000  }
0xa3: {  	[sflag:s14] =	ssyncset.done $0x0  }
0xa4: {  	[sflag:s14] =	ssyncadd.s32 $0xFFFFC000  }
0xa5: {  	_ =	swait.ge [sflag:s21], $0x4000  }
0xa6: {  	[sflag:s21] =	ssyncset.done $0x0  }
0xa7: {  	[sflag:s21] =	ssyncadd.s32 $0xFFFFC000  }
0xa8: {  	[spmem:s1] =	stream.indirect.scatter.add.f32 [tilespmem:s19], [sflag:$0x3], $0x80, s24, s17, $0xb8;
	[tilespmem:$0x1E800] =	vst v63  }
0xa9: {  	_ =	swait.ge [sflag:s14], $0x4000  }
0xaa: {  	s25 =	sadd.s32 $0x1, s25;
	[sflag:s14] =	ssyncset.done $0x0  }
0xab: {  	p0 =	sne.s32 s25, s12;
	[sflag:s14] =	ssyncadd.s32 $0xFFFFC000  }
.Ltmp2:
0xac: {  	[bflag:$0x0] =	sbarrier.arrive $0xFFFF;
	(pc) =	sbr.rel @p0 .LBB2_1-.Ltmp2, $4  }
0xad: {  	[hbm:s11], [sflag:s6] =	dma.local [spmem:s13], $0x2800  }
0xae: {  	_ =	swait.ge [sflag:s14], $0x2800  }
0xaf: {  	[sflag:s14] =	ssyncset.done $0x0  }
0xb0: {  	[sflag:s14] =	ssyncadd.s32 $0xFFFFD800  }
0xb1: {  	_ =	sfence.sel $0x180000  }
0xb2: {  	[bflag:$0x0] =	sbarrier.arrive $0xFFFF  }
0xb3: {  	p0 =	sne.s32 s2, $0x0;
	_ =	strace $0x9000004D  }
0xb4: {  	s0 =	sadd.s32 @!p0 $0x100000, s0;
	[bflag:$0x2] =	sbarrier.arrive $0xFFFF  }
0xb5: {  	[sflag:s0] =	ssyncadd.tile.s32 @!p0 $0x1;
	_ =	shalt  }
.Lfunc_end2:
_tile_overlayer_lowered:
.L_overlay_start_2:
0xb6: {  	(tag) =	ssettag $0x2  }
0xb7: {  	s0 =	rddreg [dreg:$0x0];
	s2 =	stileid.u32  }
0xb8: {  	s1 =	rddreg [dreg:$0x1];
	p0 =	sne.s32 s2, $0x0  }
0xb9: {  	s3 =	rddreg [dreg:$0x2];
	[bflag:$0x3] =	sbarrier.arrive $0xFFFF;
	s2 =	simm.s32 @!p0 $0x1C03  }
0xba: {  	[timem:s3], [sflag:s2] =	dma.local @!p0 [hbm:s0], s1  }
0xbb: {  	s0 =	simm.s32 @!p0 $0x3  }
0xbc: {  	_ =	swait.ge @!p0 [sflag:s0], s1  }
0xbd: {  	s1 =	ssub.s32 @!p0 $0x0, s1;
	[sflag:s0] =	ssyncset.done @!p0 $0x0  }
0xbe: {  	[sflag:s0] =	ssyncadd.s32 @!p0 s1  }
0xbf: {  	[bflag:$0x3] =	sbarrier.arrive $0xFFFF  }
0xc0: {  	_ =	shalt  }

// kernel: kernel.21.cloned.1.call-start
scs
__scs_entry_jumppad:
0x0: {  	(pc) =	sbr.rel $0x88, $3  }
0x1: {  	(tag) =	ssettag $0x0;
	lr =	simm.s32 $0x1  }
0x2: {  	[smem:$0x3F82] =	sst lr;
	_ =	strace $0xD0000000  }
0x3: {  	_ = 	snop  }
0x4: {  	_ = 	snop  }
0x5: {  	_ = 	snop  }
0x6: {  	_ = 	snop  }
0x7: {  	_ = 	snop  }
__scs_overlays_trampoline_lowered:
0x8: {  	[smem:$0x3F91] =	sst s0  }
0x9: {  	[smem:$0x3F92] =	sst s1  }
0xa: {  	[smem:$0x3F93] =	sst s2  }
0xb: {  	[smem:$0x3F94] =	sst s3  }
0xc: {  	[smem:$0x3F95] =	sst s4  }
0xd: {  	[smem:$0x3F96] =	sst s5  }
0xe: {  	[smem:$0x3F97] =	sst s6  }
0xf: {  	[smem:$0x3F98] =	sst s7  }
0x10: {  	[smem:$0x3F99] =	sst s8  }
0x11: {  	[smem:$0x3F9A] =	sst s9;
	s0 =	simm.s32 @!p0 $0x0  }
0x12: {  	s1 =	sld [smem:$0x3F80];
	s0 =	simm.s32 @p0 $0x1  }
0x13: {  	[smem:$0x3F9B] =	sst s0;
	s0 =	simm.s32 @!p1 $0x0  }
0x14: {  	s2 =	sld [smem:$0x3F7F];
	s0 =	simm.s32 @p1 $0x1  }
0x15: {  	[smem:$0x3F9C] =	sst s0;
	s0 =	simm.s32 @!p2 $0x0  }
0x16: {  	s3 =	sld [smem:$0x3FDB];
	s0 =	simm.s32 @p2 $0x1  }
0x17: {  	s4 =	simm.s32 $0x1BF5;
	[smem:$0x3F9E] =	sst s0  }
0x18: {  	s0 =	sld [smem:$0x3F81];
	_ =	swait.ge [sflag:s4], $0x0  }
0x19: {  	s7 =	sld [smem:$0x3F82]  }
0x1a: {  	s8 =	sadd.s32 $0xFFFFE003, lr  }
0x1b: {  	s9 =	sadd.s32 $0xFFFFFEF7, lr;
	s5 =	simm.s32 $0xFFFFFFFF;
	p2 =	slt.u32 s8, $0xFFFFF086  }
0x1c: {  	p1 =	slt.u32 s9, $0xF7A;
	s5 =	simm.s32 @!p2 $0x0  }
0x1d: {  	s5 =	simm.s32 @p1 $0x1;
	p0 =	seq.s32 s7, s2  }
0x1e: {  	s7 =	smul.u32 @!p0 $0xF7A, s2;
	p2 =	seq.s32 @!p0 s5, $0x0  }
0x1f: {  	s9 =	smul.u32 $0xF7A, s1;
	s8 =	simm.s32 @!p0 $0x1BF5;
	p2 =	por !p2, p0  }
0x20: {  	[sflag:s8] =	ssyncset.s32 @!p0 $0xFFFFF086;
	s6 =	sadd.s32 @!p0 s3, s7;
	s7 =	simm.s32 @!p0 $0x108  }
0x21: {  	s3 =	sadd.s32 s3, s9;
	s6 =	sadd.s32 @!p0 $0x88, s6;
	s7 =	simm.s32 @p2 $0x1082  }
0x22: {  	[simem:s7], [sflag:s8] =	dma.local @!p0 [hbm:s6], $0xF7A  }
0x23: {  	s9 =	sor.u32 $0xD0000000, s2;
	s6 =	simm.s32 $0x108;
	_ =	swait.ge @!p0 [sflag:s8], $0x0  }
0x24: {  	s3 =	sadd.s32 $0x88, s3;
	s6 =	simm.s32 @!p1 $0x1082;
	[sflag:s4] =	ssyncset.s32 $0xFFFFF086  }
0x25: {  	[simem:s6], [sflag:s4] =	dma.local [hbm:s3], $0xF7A  }
0x26: {  	[smem:$0x3F82] =	sst s1;
	(tag) =	ssettag s2;
	_ =	strace s9  }
0x27: {  	s1 =	sld [smem:$0x3F92]  }
0x28: {  	s2 =	sld [smem:$0x3F93]  }
0x29: {  	s4 =	sld [smem:$0x3F95]  }
0x2a: {  	p0 =	seq.s32 s5, $0x0;
	s5 =	sld [smem:$0x3F96]  }
0x2b: {  	s6 =	sld [smem:$0x3F97]  }
0x2c: {  	s7 =	sld [smem:$0x3F98]  }
0x2d: {  	s3 =	simm.s32 $0x108;
	s8 =	sld [smem:$0x3F99]  }
0x2e: {  	s3 =	simm.s32 @!p0 $0x1082;
	s9 =	sld [smem:$0x3F9A]  }
0x2f: {  	lr =	sadd.s32 s0, s3;
	s0 =	sld [smem:$0x3F91]  }
0x30: {  	s3 =	sld [smem:$0x3F94]  }
0x31: {  	[smem:$0x3F9D] =	sst s10  }
0x32: {  	s10 =	sld [smem:$0x3F9B];
	_ =	sdelay $0x3  }
0x33: {  	p0 =	seq.s32 s10, $0x1;
	s10 =	sld [smem:$0x3F9D];
	_ =	sdelay $0x3  }
0x34: {  	[smem:$0x3F9D] =	sst s10  }
0x35: {  	s10 =	sld [smem:$0x3F9C];
	_ =	sdelay $0x3  }
0x36: {  	p1 =	seq.s32 s10, $0x1;
	s10 =	sld [smem:$0x3F9D];
	_ =	sdelay $0x3  }
0x37: {  	[smem:$0x3F9D] =	sst s10  }
0x38: {  	s10 =	sld [smem:$0x3F9E]  }
0x39: {  	_ = 	snop;
	(pc) =	sbr.ind lr, $3  }
0x3a: {  	_ = 	snop  }
0x3b: {  	_ = 	snop  }
0x3c: {  	p2 =	seq.s32 s10, $0x1;
	s10 =	sld [smem:$0x3F9D]  }
0x3d: {  	_ =	shalt  }
0x3e: {  	_ =	shalt  }
0x3f: {  	_ =	shalt  }
0x40: {  	_ =	shalt  }
0x41: {  	_ =	shalt  }
0x42: {  	_ =	shalt  }
0x43: {  	_ =	shalt  }
0x44: {  	_ =	shalt  }
0x45: {  	_ =	shalt  }
0x46: {  	_ =	shalt  }
0x47: {  	_ =	shalt  }
0x48: {  	_ =	shalt  }
0x49: {  	_ =	shalt  }
0x4a: {  	_ =	shalt  }
0x4b: {  	_ =	shalt  }
0x4c: {  	_ =	shalt  }
0x4d: {  	_ =	shalt  }
0x4e: {  	_ =	shalt  }
0x4f: {  	_ =	shalt  }
0x50: {  	_ =	shalt  }
0x51: {  	_ =	shalt  }
0x52: {  	_ =	shalt  }
0x53: {  	_ =	shalt  }
0x54: {  	_ =	shalt  }
0x55: {  	_ =	shalt  }
0x56: {  	_ =	shalt  }
0x57: {  	_ =	shalt  }
0x58: {  	_ =	shalt  }
0x59: {  	_ =	shalt  }
0x5a: {  	_ =	shalt  }
0x5b: {  	_ =	shalt  }
0x5c: {  	_ =	shalt  }
0x5d: {  	_ =	shalt  }
0x5e: {  	_ =	shalt  }
0x5f: {  	_ =	shalt  }
0x60: {  	_ =	shalt  }
0x61: {  	_ =	shalt  }
0x62: {  	_ =	shalt  }
0x63: {  	_ =	shalt  }
0x64: {  	_ =	shalt  }
0x65: {  	_ =	shalt  }
0x66: {  	_ =	shalt  }
0x67: {  	_ =	shalt  }
0x68: {  	_ =	shalt  }
0x69: {  	_ =	shalt  }
0x6a: {  	_ =	shalt  }
0x6b: {  	_ =	shalt  }
0x6c: {  	_ =	shalt  }
0x6d: {  	_ =	shalt  }
0x6e: {  	_ =	shalt  }
0x6f: {  	_ =	shalt  }
0x70: {  	_ =	shalt  }
0x71: {  	_ =	shalt  }
0x72: {  	_ =	shalt  }
0x73: {  	_ =	shalt  }
0x74: {  	_ =	shalt  }
0x75: {  	_ =	shalt  }
0x76: {  	_ =	shalt  }
0x77: {  	_ =	shalt  }
0x78: {  	_ =	shalt  }
0x79: {  	_ =	shalt  }
0x7a: {  	_ =	shalt  }
0x7b: {  	_ =	shalt  }
0x7c: {  	_ =	shalt  }
0x7d: {  	_ =	shalt  }
0x7e: {  	_ =	shalt  }
0x7f: {  	_ =	shalt  }
0x80: {  	_ =	shalt  }
0x81: {  	_ =	shalt  }
0x82: {  	_ =	shalt  }
0x83: {  	_ =	shalt  }
0x84: {  	_ =	shalt  }
0x85: {  	_ =	shalt  }
0x86: {  	_ =	shalt  }
0x87: {  	_ =	shalt  }
.Lfunc_end0:
.L_simem_size_0:
called_computation.3_lowered:
.L_overlay_start_0:
0x88: {  	s2 =	sld [smem:$0x3FD9]  }
0x89: {  	s3 =	sld [smem:$0x3FFE];
	_ =	sdelay $0x1  }
0x8a: {  	s1 =	srdreg.scid  }
0x8b: {  	s0 =	sand.u32 $0x1, s1  }
0x8c: {  	s16 =	sshll.u32 s0, $0xA;
	s2 =	sadd.s32 s3, s2  }
0x8d: {  	s2 =	sadd.s32 s2, s16  }
0x8e: {  	[smem:$0x3FA9] =	sst s2  }
0x8f: {  	_ = 	snop  }
0x90: {  	(tm) =	ssettm $0x1  }
0x91: {  	s17 =	sld [smem:$0x3FFB];
	_ =	sdelay $0x3  }
0x92: {  	_ =	strace s17  }
0x93: {  	s2 =	sld [smem:$0x3FFC];
	_ =	sdelay $0x3  }
0x94: {  	_ =	strace s2  }
0x95: {  	s2 =	sld [smem:$0x3FFD];
	_ =	sdelay $0x3  }
0x96: {  	_ =	strace s2  }
0x97: {  	_ =	strace $0x8FFFFFFF  }
0x98: {  	s18 =	sld [smem:$0x3FDB];
	_ =	sdelay $0x1  }
0x99: {  	s19 =	simm.s32 $_scs_section_size  }
0x9a: {  	s4 =	simm.s32 $_size__tile_overlayer_lowered;
	s5 =	simm.s32 $_tile_overlayer_lowered  }
0x9b: {  	s22 =	simm.s32 $0x1BFF;
	s21 =	sshll.u32 s5, $0x1;
	s2 =	sadd.s32 s19, s18  }
0x9c: {  	s6 =	simm.s32 $0x0;
	s20 =	sshll.u32 s4, $0x1;
	s4 =	sadd.s32 s21, s2  }
0x9d: {  	[timem:s6], [sflag:s22] =	dma.local [hbm:s4], s20  }
0x9e: {  	_ =	swait.ge [sflag:s22], s20  }
0x9f: {  	s3 =	ssub.s32 $0x0, s20;
	[sflag:s22] =	ssyncset.done $0x0  }
0xa0: {  	[sflag:s22] =	ssyncadd.s32 s3;
	_ =	sdelay $0x1  }
0xa1: {  	s23 =	simm.s32 $0x1B8B  }
0xa2: {  	_ =	swait.ge [sflag:s23], $0x1  }
0xa3: {  	[sflag:s23] =	ssyncset.done $0x0  }
0xa4: {  	s25 =	simm.s32 $0x1B8E;
	s24 =	sld [smem:$0x3FFE];
	[sflag:s23] =	ssyncadd.s32 $0xFFFFFFFF  }
0xa5: {  	s26 =	simm.s32 $execute0_lowered;
	[smem:$0x3FD2] =	sst s25  }
0xa6: {  	s4 =	sshll.u32 s26, $0x1;
	_ =	strace $0x8000004F;
	[dreg:$0x1] =	wrdreg $0xFFFFFFFF  }
0xa7: {  	s28 =	simm.s32 $_size_execute0_lowered;
	s2 =	sadd.s32 s2, s4;
	[dreg:$0x0] =	wrdreg $0x0  }
0xa8: {  	s4 =	sshll.u32 s28, $0x1;
	[dreg:$0x2] =	wrdreg s2  }
0xa9: {  	[dreg:$0x3] =	wrdreg s4  }
0xaa: {  	[dreg:$0x4] =	wrdreg $0xC0  }
0xab: {  	_ =	task [dreg:s6], $0x5FFFF  }
0xac: {  	[dreg:$0x1] =	wrdreg $0xFFFFFFFF  }
0xad: {  	[dreg:$0x0] =	wrdreg $0x60  }
0xae: {  	[dreg:$0x2] =	wrdreg s24  }
0xaf: {  	[dreg:$0x3] =	wrdreg $0x0  }
0xb0: {  	[dreg:$0x4] =	wrdreg $0x9  }
0xb1: {  	_ =	task.clear_ibuf [dreg:s6], $0x5FFFF;
	_ =	strace $0x9000004F  }
0xb2: {  	s29 =	simm.s32 $0x9;
	_ =	strace $0x80000051  }
0xb3: {  	_ =	swait.ge [sflag:s29], $0x1  }
0xb4: {  	[sflag:s29] =	ssyncadd.s32 $0xFFFFFFFF  }
0xb5: {  	_ =	strace $0x90000051  }
0xb6: {  	_ =	sfence  }
0xb7: {  	s30 =	sld [smem:$0x0];
	_ =	sdelay $0x2  }
0xb8: {  	s31 =	sshll.u32 s1, $0xD;
	s1 =	sshrl.u32 s1, $0x2  }
0xb9: {  	s3 =	sand.u32 $0x4000, s31;
	s1 =	sadd.s32 s1, s30  }
0xba: {  	s0 =	sor.u32 s3, s0;
	s1 =	sshll.u32 s1, $0x11  }
0xbb: {  	s0 =	sor.u32 s1, s0  }
0xbc: {  	s0 =	sadd.s32 $0x8F2B, s0  }
0xbd: {  	[sflag:s0] =	ssyncadd.remote.s32 $0x1  }
0xbe: {  	_ =	sfence.sel $0xFFFF  }
0xbf: {  	[dreg:$0x0] =	wrdreg $0xFFFFFFFF;
	(pc) =	sbr.abs _section_cstart, $3  }
0xc0: {  	[dreg:$0x1] =	wrdreg $0xFFFFFFFF  }
0xc1: {  	_ =	task.clear_ibuf [dreg:s6], $0x2FFFF;
	_ =	strace $0x9FFFFFFF  }
0xc2: {  	(tm) =	ssettm $0x7FFFFFFF  }
0xc3: {  	_ =	shalt  }
tec
execute0_lowered:
.L_overlay_start_1:
0x0: {  	(tag) =	ssettag $0x1  }
0x1: {  	s6 =	rddreg [dreg:$0x0]  }
0x2: {  	s1 =	rddreg [dreg:$0x1]  }
0x3: {  	s0 =	rddreg [dreg:$0x2];
	s3 =	simm.s32 $0x0;
	s2 =	srdreg.scid  }
0x4: {  	s16 =	simm.s32 $0x15400;
	s17 =	simm.s32 $0x80;
	s18 =	simm.s32 $0x16800  }
0x5: {  	s19 =	simm.s32 $0x1A800;
	s20 =	simm.s32 $0x1;
	s21 =	simm.s32 $0x2  }
0x6: {  	s22 =	simm.s32 $0x15380;
	s23 =	simm.s32 $0x16700;
	s24 =	simm.s32 $0x16780  }
0x7: {  	[smem:$0x7FF] =	sst s3;
	s7 =	sand.u32 $0x1, s2;
	s2 =	stileid.u32  }
0x8: {  	s10 =	sadd.s32 $0x66800, s6;
	s11 =	sadd.s32 $0xA000, s6;
	s4 =	sadd.s32 $0x70800, s6  }
0x9: {  	s5 =	sadd.s32 $0x14000, s6;
	s8 =	smul.u32 $0x140000, s7;
	_ =	strace $0x80000050  }
0xa: {  	s9 =	smul.u32 $0x14000, s2;
	s25 =	sshll.u32 s2, $0x1;
	s12 =	ssub.s32 $0x2, s7  }
0xb: {  	s26 =	smul.u32 $0x50000, s2;
	s30 =	sshll.u32 s2, $0x6;
	s7 =	sor.u32 s7, s25  }
0xc: {  	s13 =	sshrl.u32 s12, $0x1;
	s25 =	simm.s32 $0x0;
	s8 =	sadd.s32 s9, s8  }
0xd: {  	s7 =	smul.u32 $0x2800, s7;
	s12 =	ssub.s32 s12, s13;
	s28 =	sshrl.u32 s26, $0x2  }
0xe: {  	s8 =	sshrl.u32 s8, $0x3;
	s29 =	sadd.s32 s28, s1;
	s12 =	smax.u32 s12, $0x1  }
0xf: {  	s14 =	sadd.s32 s8, s6;
	s31 =	sshrl.u32 s7, $0x3;
	s6 =	sor.u32 $0x1C03, s30  }
0x10: {  	s13 =	sshrl.u32 s29, $0x3;
	s7 =	sadd.s32 s10, s31;
	s15 =	sadd.s32 $0x280, s31  }
0x11: {  	s8 =	sadd.s32 s11, s31;
	s9 =	sadd.s32 s10, s15;
	s10 =	sadd.s32 s11, s15  }
0x12: {  	s11 =	sadd.s32 $0xE5E00, s14;
	s14 =	simm.s32 $0x3;
	s15 =	simm.s32 $0x14000  }
.LBB2_1:
0x13: {  	[spmem:s13], [sflag:s6] =	dma.local [hbm:s5], $0x2800  }
0x14: {  	_ =	swait.ge [sflag:s14], $0x2800  }
0x15: {  	[sflag:s14] =	ssyncset.done $0x0  }
0x16: {  	[sflag:s14] =	ssyncadd.s32 $0xFFFFD800  }
0x17: {  	[bflag:$0x0] =	sbarrier.arrive $0xFFFF  }
0x18: {  	[tilespmem:s15], [sflag:$0x3] =	stream.linear.gather [hbm4b:s7+s3], $0x1400, $0x38;
	[tilespmem:$0x1E800] =	vst v63  }
0x19: {  	_ =	swait.ge [sflag:s14], $0x1400  }
0x1a: {  	[sflag:s14] =	ssyncset.done $0x0  }
0x1b: {  	[sflag:s14] =	ssyncadd.s32 $0xFFFFEC00  }
0x1c: {  	[tilespmem:s16], [sflag:$0x3] =	stream.linear.gather [hbm4b:s8+s3], $0x1400, $0x38;
	[tilespmem:$0x1E800] =	vst v63  }
0x1d: {  	_ =	swait.ge [sflag:s14], $0x1400  }
0x1e: {  	[sflag:s14] =	ssyncset.done $0x0  }
0x1f: {  	[sflag:s14] =	ssyncadd.s32 $0xFFFFEC00  }
0x20: {  	[tilespmem:s18], [sflag:$0x1] =	stream.indirect.gather [hbm4b:s4+s17], $0x80, s15, s17, $0xb8;
	[tilespmem:$0x1E800] =	vst v63  }
0x21: {  	s26 =	simm.s32 $0x14080  }
0x22: {  	[tilespmem:s19], [sflag:$0x2] =	stream.indirect.gather [hbm4b:s4+s17], $0x80, s26, s17, $0xb8;
	[tilespmem:$0x1E800] =	vst v63  }
0x23: {  	_ =	swait.ge [sflag:s20], $0x4000  }
0x24: {  	[sflag:s20] =	ssyncset.done $0x0  }
0x25: {  	s29 =	simm.s32 $0x15400;
	[sflag:s20] =	ssyncadd.s32 $0xFFFFC000  }
0x26: {  	[spmem:s1] =	stream.indirect.scatter.add.f32 [tilespmem:s18], [sflag:$0x3], $0x80, s29, s17, $0xb8;
	[tilespmem:$0x1E800] =	vst v63  }
0x27: {  	_ =	swait.ge [sflag:s14], $0x4000  }
0x28: {  	[sflag:s14] =	ssyncset.done $0x0  }
0x29: {  	s30 =	simm.s32 $0x14100;
	[sflag:s14] =	ssyncadd.s32 $0xFFFFC000  }
0x2a: {  	[tilespmem:s18], [sflag:$0x1] =	stream.indirect.gather [hbm4b:s4+s17], $0x80, s30, s17, $0xb8;
	[tilespmem:$0x1E800] =	vst v63  }
0x2b: {  	_ =	swait.ge [sflag:s21], $0x4000  }
0x2c: {  	[sflag:s21] =	ssyncset.done $0x0  }
0x2d: {  	s31 =	simm.s32 $0x15480;
	[sflag:s21] =	ssyncadd.s32 $0xFFFFC000  }
0x2e: {  	[spmem:s1] =	stream.indirect.scatter.add.f32 [tilespmem:s19], [sflag:$0x3], $0x80, s31, s17, $0xb8;
	[tilespmem:$0x1E800] =	vst v63  }
0x2f: {  	_ =	swait.ge [sflag:s14], $0x4000  }
0x30: {  	s28 =	simm.s32 $0x800;
	s26 =	simm.s32 $0x100;
	[sflag:s14] =	ssyncset.done $0x0  }
.LBB2_2:
0x31: {  	s29 =	sadd.s32 $0x14080, s26  }
0x32: {  	[sflag:s14] =	ssyncadd.s32 $0xFFFFC000;
	s30 =	smov.u32 s28;
	s31 =	sadd.s32 $0x400, s28  }
0x33: {  	[tilespmem:s19], [sflag:$0x2] =	stream.indirect.gather [hbm4b:s4+s17], $0x80, s29, s17, $0xb8;
	[tilespmem:$0x1E800] =	vst v63  }
0x34: {  	p0 =	sne.s32 s28, $0x4800;
	_ =	swait.ge [sflag:s20], $0x4000  }
0x35: {  	[sflag:s20] =	ssyncset.done $0x0  }
0x36: {  	s28 =	sadd.s32 $0x15400, s26;
	[sflag:s20] =	ssyncadd.s32 $0xFFFFC000  }
0x37: {  	[spmem:s1] =	stream.indirect.scatter.add.f32 [tilespmem:s18], [sflag:$0x3], $0x80, s28, s17, $0xb8;
	[tilespmem:$0x1E800] =	vst v63  }
0x38: {  	_ =	swait.ge [sflag:s14], $0x4000  }
0x39: {  	[sflag:s14] =	ssyncset.done $0x0  }
0x3a: {  	s28 =	sadd.s32 $0x14100, s26;
	[sflag:s14] =	ssyncadd.s32 $0xFFFFC000  }
0x3b: {  	[tilespmem:s18], [sflag:$0x1] =	stream.indirect.gather [hbm4b:s4+s17], $0x80, s28, s17, $0xb8;
	[tilespmem:$0x1E800] =	vst v63  }
0x3c: {  	_ =	swait.ge [sflag:s21], $0x4000  }
.Ltmp0:
0x3d: {  	[sflag:s21] =	ssyncset.done $0x0;
	(pc) =	sbr.rel @p0 .LBB2_2-.Ltmp0, $4  }
0x3e: {  	s26 =	sadd.s32 $0x15480, s26;
	[sflag:s21] =	ssyncadd.s32 $0xFFFFC000  }
0x3f: {  	[spmem:s1] =	stream.indirect.scatter.add.f32 [tilespmem:s19], [sflag:$0x3], $0x80, s26, s17, $0xb8;
	[tilespmem:$0x1E800] =	vst v63  }
0x40: {  	_ =	swait.ge [sflag:s14], $0x4000  }
0x41: {  	s28 =	smov.u32 s31;
	s26 =	sshra.s32 s30, $0x2;
	[sflag:s14] =	ssyncset.done $0x0  }
0x42: {  	s28 =	sadd.s32 $0x14080, s26;
	[sflag:s14] =	ssyncadd.s32 $0xFFFFC000  }
0x43: {  	[tilespmem:s19], [sflag:$0x2] =	stream.indirect.gather [hbm4b:s4+s17], $0x80, s28, s17, $0xb8;
	[tilespmem:$0x1E800] =	vst v63  }
0x44: {  	_ =	swait.ge [sflag:s20], $0x4000  }
0x45: {  	[sflag:s20] =	ssyncset.done $0x0  }
0x46: {  	s28 =	sadd.s32 $0x15400, s26;
	[sflag:s20] =	ssyncadd.s32 $0xFFFFC000  }
0x47: {  	[spmem:s1] =	stream.indirect.scatter.add.f32 [tilespmem:s18], [sflag:$0x3], $0x80, s28, s17, $0xb8;
	[tilespmem:$0x1E800] =	vst v63  }
0x48: {  	_ =	swait.ge [sflag:s14], $0x4000  }
0x49: {  	[sflag:s14] =	ssyncset.done $0x0  }
0x4a: {  	s28 =	sadd.s32 $0x14100, s26;
	[sflag:s14] =	ssyncadd.s32 $0xFFFFC000  }
0x4b: {  	[tilespmem:s18], [sflag:$0x1] =	stream.indirect.gather [hbm4b:s4+s17], $0x80, s28, s17, $0xb8;
	[tilespmem:$0x1E800] =	vst v63  }
0x4c: {  	_ =	swait.ge [sflag:s21], $0x4000  }
0x4d: {  	[sflag:s21] =	ssyncset.done $0x0  }
0x4e: {  	s29 =	sadd.s32 $0x15480, s26;
	[sflag:s21] =	ssyncadd.s32 $0xFFFFC000  }
0x4f: {  	[spmem:s1] =	stream.indirect.scatter.add.f32 [tilespmem:s19], [sflag:$0x3], $0x80, s29, s17, $0xb8;
	[tilespmem:$0x1E800] =	vst v63  }
0x50: {  	_ =	swait.ge [sflag:s14], $0x4000  }
0x51: {  	[sflag:s14] =	ssyncset.done $0x0  }
0x52: {  	[sflag:s14] =	ssyncadd.s32 $0xFFFFC000  }
0x53: {  	[tilespmem:s19], [sflag:$0x2] =	stream.indirect.gather [hbm4b:s4+s17], $0x80, s22, s17, $0xb8;
	[tilespmem:$0x1E800] =	vst v63  }
0x54: {  	_ =	swait.ge [sflag:s20], $0x4000  }
0x55: {  	[sflag:s20] =	ssyncset.done $0x0  }
0x56: {  	[sflag:s20] =	ssyncadd.s32 $0xFFFFC000  }
0x57: {  	[spmem:s1] =	stream.indirect.scatter.add.f32 [tilespmem:s18], [sflag:$0x3], $0x80, s23, s17, $0xb8;
	[tilespmem:$0x1E800] =	vst v63  }
0x58: {  	_ =	swait.ge [sflag:s14], $0x4000  }
0x59: {  	[sflag:s14] =	ssyncset.done $0x0  }
0x5a: {  	[sflag:s14] =	ssyncadd.s32 $0xFFFFC000  }
0x5b: {  	_ =	swait.ge [sflag:s21], $0x4000  }
0x5c: {  	[sflag:s21] =	ssyncset.done $0x0  }
0x5d: {  	[sflag:s21] =	ssyncadd.s32 $0xFFFFC000  }
0x5e: {  	[spmem:s1] =	stream.indirect.scatter.add.f32 [tilespmem:s19], [sflag:$0x3], $0x80, s24, s17, $0xb8;
	[tilespmem:$0x1E800] =	vst v63  }
0x5f: {  	_ =	swait.ge [sflag:s14], $0x4000  }
0x60: {  	[sflag:s14] =	ssyncset.done $0x0  }
0x61: {  	s30 =	simm.s32 $0x0;
	[sflag:s14] =	ssyncadd.s32 $0xFFFFC000  }
0x62: {  	[tilespmem:s15], [sflag:$0x3] =	stream.linear.gather [hbm4b:s9+s30], $0x1400, $0x38;
	[tilespmem:$0x1E800] =	vst v63  }
0x63: {  	_ =	swait.ge [sflag:s14], $0x1400  }
0x64: {  	[sflag:s14] =	ssyncset.done $0x0  }
0x65: {  	[sflag:s14] =	ssyncadd.s32 $0xFFFFEC00  }
0x66: {  	[tilespmem:s16], [sflag:$0x3] =	stream.linear.gather [hbm4b:s10+s30], $0x1400, $0x38;
	[tilespmem:$0x1E800] =	vst v63  }
0x67: {  	_ =	swait.ge [sflag:s14], $0x1400  }
0x68: {  	[sflag:s14] =	ssyncset.done $0x0  }
0x69: {  	[sflag:s14] =	ssyncadd.s32 $0xFFFFEC00  }
0x6a: {  	[tilespmem:s18], [sflag:$0x1] =	stream.indirect.gather [hbm4b:s4+s17], $0x80, s15, s17, $0xb8;
	[tilespmem:$0x1E800] =	vst v63  }
0x6b: {  	s31 =	simm.s32 $0x14080  }
0x6c: {  	[tilespmem:s19], [sflag:$0x2] =	stream.indirect.gather [hbm4b:s4+s17], $0x80, s31, s17, $0xb8;
	[tilespmem:$0x1E800] =	vst v63  }
0x6d: {  	_ =	swait.ge [sflag:s20], $0x4000  }
0x6e: {  	[sflag:s20] =	ssyncset.done $0x0  }
0x6f: {  	s29 =	simm.s32 $0x15400;
	[sflag:s20] =	ssyncadd.s32 $0xFFFFC000  }
0x70: {  	[spmem:s1] =	stream.indirect.scatter.add.f32 [tilespmem:s18], [sflag:$0x3], $0x80, s29, s17, $0xb8;
	[tilespmem:$0x1E800] =	vst v63  }
0x71: {  	_ =	swait.ge [sflag:s14], $0x4000  }
0x72: {  	[sflag:s14] =	ssyncset.done $0x0  }
0x73: {  	s30 =	simm.s32 $0x14100;
	[sflag:s14] =	ssyncadd.s32 $0xFFFFC000  }
0x74: {  	[tilespmem:s18], [sflag:$0x1] =	stream.indirect.gather [hbm4b:s4+s17], $0x80, s30, s17, $0xb8;
	[tilespmem:$0x1E800] =	vst v63  }
0x75: {  	_ =	swait.ge [sflag:s21], $0x4000  }
0x76: {  	[sflag:s21] =	ssyncset.done $0x0  }
0x77: {  	s31 =	simm.s32 $0x15480;
	[sflag:s21] =	ssyncadd.s32 $0xFFFFC000  }
0x78: {  	[spmem:s1] =	stream.indirect.scatter.add.f32 [tilespmem:s19], [sflag:$0x3], $0x80, s31, s17, $0xb8;
	[tilespmem:$0x1E800] =	vst v63  }
0x79: {  	_ =	swait.ge [sflag:s14], $0x4000  }
0x7a: {  	s26 =	simm.s32 $0x100;
	s28 =	simm.s32 $0x800;
	[sflag:s14] =	ssyncset.done $0x0  }
.LBB2_4:
0x7b: {  	s29 =	sadd.s32 $0x14080, s26  }
0x7c: {  	[sflag:s14] =	ssyncadd.s32 $0xFFFFC000;
	s30 =	smov.u32 s28;
	s31 =	sadd.s32 $0x400, s28  }
0x7d: {  	[tilespmem:s19], [sflag:$0x2] =	stream.indirect.gather [hbm4b:s4+s17], $0x80, s29, s17, $0xb8;
	[tilespmem:$0x1E800] =	vst v63  }
0x7e: {  	p0 =	sne.s32 s28, $0x4800;
	_ =	swait.ge [sflag:s20], $0x4000  }
0x7f: {  	[sflag:s20] =	ssyncset.done $0x0  }
0x80: {  	s28 =	sadd.s32 $0x15400, s26;
	[sflag:s20] =	ssyncadd.s32 $0xFFFFC000  }
0x81: {  	[spmem:s1] =	stream.indirect.scatter.add.f32 [tilespmem:s18], [sflag:$0x3], $0x80, s28, s17, $0xb8;
	[tilespmem:$0x1E800] =	vst v63  }
0x82: {  	_ =	swait.ge [sflag:s14], $0x4000  }
0x83: {  	[sflag:s14] =	ssyncset.done $0x0  }
0x84: {  	s28 =	sadd.s32 $0x14100, s26;
	[sflag:s14] =	ssyncadd.s32 $0xFFFFC000  }
0x85: {  	[tilespmem:s18], [sflag:$0x1] =	stream.indirect.gather [hbm4b:s4+s17], $0x80, s28, s17, $0xb8;
	[tilespmem:$0x1E800] =	vst v63  }
0x86: {  	_ =	swait.ge [sflag:s21], $0x4000  }
.Ltmp1:
0x87: {  	[sflag:s21] =	ssyncset.done $0x0;
	(pc) =	sbr.rel @p0 .LBB2_4-.Ltmp1, $4  }
0x88: {  	s26 =	sadd.s32 $0x15480, s26;
	[sflag:s21] =	ssyncadd.s32 $0xFFFFC000  }
0x89: {  	[spmem:s1] =	stream.indirect.scatter.add.f32 [tilespmem:s19], [sflag:$0x3], $0x80, s26, s17, $0xb8;
	[tilespmem:$0x1E800] =	vst v63  }
0x8a: {  	_ =	swait.ge [sflag:s14], $0x4000  }
0x8b: {  	s28 =	smov.u32 s31;
	s26 =	sshra.s32 s30, $0x2;
	[sflag:s14] =	ssyncset.done $0x0  }
0x8c: {  	s28 =	sadd.s32 $0x14080, s26;
	[sflag:s14] =	ssyncadd.s32 $0xFFFFC000  }
0x8d: {  	[tilespmem:s19], [sflag:$0x2] =	stream.indirect.gather [hbm4b:s4+s17], $0x80, s28, s17, $0xb8;
	[tilespmem:$0x1E800] =	vst v63  }
0x8e: {  	_ =	swait.ge [sflag:s20], $0x4000  }
0x8f: {  	[sflag:s20] =	ssyncset.done $0x0  }
0x90: {  	s29 =	sadd.s32 $0x15400, s26;
	[sflag:s20] =	ssyncadd.s32 $0xFFFFC000  }
0x91: {  	[spmem:s1] =	stream.indirect.scatter.add.f32 [tilespmem:s18], [sflag:$0x3], $0x80, s29, s17, $0xb8;
	[tilespmem:$0x1E800] =	vst v63  }
0x92: {  	_ =	swait.ge [sflag:s14], $0x4000  }
0x93: {  	[sflag:s14] =	ssyncset.done $0x0  }
0x94: {  	s30 =	sadd.s32 $0x14100, s26;
	[sflag:s14] =	ssyncadd.s32 $0xFFFFC000  }
0x95: {  	[tilespmem:s18], [sflag:$0x1] =	stream.indirect.gather [hbm4b:s4+s17], $0x80, s30, s17, $0xb8;
	[tilespmem:$0x1E800] =	vst v63  }
0x96: {  	_ =	swait.ge [sflag:s21], $0x4000  }
0x97: {  	[sflag:s21] =	ssyncset.done $0x0  }
0x98: {  	s31 =	sadd.s32 $0x15480, s26;
	[sflag:s21] =	ssyncadd.s32 $0xFFFFC000  }
0x99: {  	[spmem:s1] =	stream.indirect.scatter.add.f32 [tilespmem:s19], [sflag:$0x3], $0x80, s31, s17, $0xb8;
	[tilespmem:$0x1E800] =	vst v63  }
0x9a: {  	_ =	swait.ge [sflag:s14], $0x4000  }
0x9b: {  	[sflag:s14] =	ssyncset.done $0x0  }
0x9c: {  	[sflag:s14] =	ssyncadd.s32 $0xFFFFC000  }
0x9d: {  	[tilespmem:s19], [sflag:$0x2] =	stream.indirect.gather [hbm4b:s4+s17], $0x80, s22, s17, $0xb8;
	[tilespmem:$0x1E800] =	vst v63  }
0x9e: {  	_ =	swait.ge [sflag:s20], $0x4000  }
0x9f: {  	[sflag:s20] =	ssyncset.done $0x0  }
0xa0: {  	[sflag:s20] =	ssyncadd.s32 $0xFFFFC000  }
0xa1: {  	[spmem:s1] =	stream.indirect.scatter.add.f32 [tilespmem:s18], [sflag:$0x3], $0x80, s23, s17, $0xb8;
	[tilespmem:$0x1E800] =	vst v63  }
0xa2: {  	_ =	swait.ge [sflag:s14], $0x4000  }
0xa3: {  	[sflag:s14] =	ssyncset.done $0x0  }
0xa4: {  	[sflag:s14] =	ssyncadd.s32 $0xFFFFC000  }
0xa5: {  	_ =	swait.ge [sflag:s21], $0x4000  }
0xa6: {  	[sflag:s21] =	ssyncset.done $0x0  }
0xa7: {  	[sflag:s21] =	ssyncadd.s32 $0xFFFFC000  }
0xa8: {  	[spmem:s1] =	stream.indirect.scatter.add.f32 [tilespmem:s19], [sflag:$0x3], $0x80, s24, s17, $0xb8;
	[tilespmem:$0x1E800] =	vst v63  }
0xa9: {  	_ =	swait.ge [sflag:s14], $0x4000  }
0xaa: {  	s25 =	sadd.s32 $0x1, s25;
	[sflag:s14] =	ssyncset.done $0x0  }
0xab: {  	p0 =	sne.s32 s25, s12;
	[sflag:s14] =	ssyncadd.s32 $0xFFFFC000  }
.Ltmp2:
0xac: {  	[bflag:$0x0] =	sbarrier.arrive $0xFFFF;
	(pc) =	sbr.rel @p0 .LBB2_1-.Ltmp2, $4  }
0xad: {  	[hbm:s11], [sflag:s6] =	dma.local [spmem:s13], $0x2800  }
0xae: {  	_ =	swait.ge [sflag:s14], $0x2800  }
0xaf: {  	[sflag:s14] =	ssyncset.done $0x0  }
0xb0: {  	[sflag:s14] =	ssyncadd.s32 $0xFFFFD800  }
0xb1: {  	_ =	sfence.sel $0x180000  }
0xb2: {  	[bflag:$0x0] =	sbarrier.arrive $0xFFFF  }
0xb3: {  	p0 =	sne.s32 s2, $0x0;
	_ =	strace $0x90000050  }
0xb4: {  	s0 =	sadd.s32 @!p0 $0x100000, s0;
	[bflag:$0x2] =	sbarrier.arrive $0xFFFF  }
0xb5: {  	[sflag:s0] =	ssyncadd.tile.s32 @!p0 $0x1;
	_ =	shalt  }
.Lfunc_end2:
_tile_overlayer_lowered:
.L_overlay_start_2:
0xb6: {  	(tag) =	ssettag $0x2  }
0xb7: {  	s0 =	rddreg [dreg:$0x0];
	s2 =	stileid.u32  }
0xb8: {  	s1 =	rddreg [dreg:$0x1];
	p0 =	sne.s32 s2, $0x0  }
0xb9: {  	s3 =	rddreg [dreg:$0x2];
	[bflag:$0x3] =	sbarrier.arrive $0xFFFF;
	s2 =	simm.s32 @!p0 $0x1C03  }
0xba: {  	[timem:s3], [sflag:s2] =	dma.local @!p0 [hbm:s0], s1  }
0xbb: {  	s0 =	simm.s32 @!p0 $0x3  }
0xbc: {  	_ =	swait.ge @!p0 [sflag:s0], s1  }
0xbd: {  	s1 =	ssub.s32 @!p0 $0x0, s1;
	[sflag:s0] =	ssyncset.done @!p0 $0x0  }
0xbe: {  	[sflag:s0] =	ssyncadd.s32 @!p0 s1  }
0xbf: {  	[bflag:$0x3] =	sbarrier.arrive $0xFFFF  }
0xc0: {  	_ =	shalt  }

// kernel: kernel.24.cloned.1.call-start
scs
__scs_entry_jumppad:
0x0: {  	(pc) =	sbr.rel $0x88, $3  }
0x1: {  	(tag) =	ssettag $0x0;
	lr =	simm.s32 $0x1  }
0x2: {  	[smem:$0x3F82] =	sst lr;
	_ =	strace $0xD0000000  }
0x3: {  	_ = 	snop  }
0x4: {  	_ = 	snop  }
0x5: {  	_ = 	snop  }
0x6: {  	_ = 	snop  }
0x7: {  	_ = 	snop  }
__scs_overlays_trampoline_lowered:
0x8: {  	[smem:$0x3F91] =	sst s0  }
0x9: {  	[smem:$0x3F92] =	sst s1  }
0xa: {  	[smem:$0x3F93] =	sst s2  }
0xb: {  	[smem:$0x3F94] =	sst s3  }
0xc: {  	[smem:$0x3F95] =	sst s4  }
0xd: {  	[smem:$0x3F96] =	sst s5  }
0xe: {  	[smem:$0x3F97] =	sst s6  }
0xf: {  	[smem:$0x3F98] =	sst s7  }
0x10: {  	[smem:$0x3F99] =	sst s8  }
0x11: {  	[smem:$0x3F9A] =	sst s9;
	s0 =	simm.s32 @!p0 $0x0  }
0x12: {  	s1 =	sld [smem:$0x3F80];
	s0 =	simm.s32 @p0 $0x1  }
0x13: {  	[smem:$0x3F9B] =	sst s0;
	s0 =	simm.s32 @!p1 $0x0  }
0x14: {  	s2 =	sld [smem:$0x3F7F];
	s0 =	simm.s32 @p1 $0x1  }
0x15: {  	[smem:$0x3F9C] =	sst s0;
	s0 =	simm.s32 @!p2 $0x0  }
0x16: {  	s3 =	sld [smem:$0x3FDB];
	s0 =	simm.s32 @p2 $0x1  }
0x17: {  	s4 =	simm.s32 $0x1BF5;
	[smem:$0x3F9E] =	sst s0  }
0x18: {  	s0 =	sld [smem:$0x3F81];
	_ =	swait.ge [sflag:s4], $0x0  }
0x19: {  	s7 =	sld [smem:$0x3F82]  }
0x1a: {  	s8 =	sadd.s32 $0xFFFFE003, lr  }
0x1b: {  	s9 =	sadd.s32 $0xFFFFFEF7, lr;
	s5 =	simm.s32 $0xFFFFFFFF;
	p2 =	slt.u32 s8, $0xFFFFF086  }
0x1c: {  	p1 =	slt.u32 s9, $0xF7A;
	s5 =	simm.s32 @!p2 $0x0  }
0x1d: {  	s5 =	simm.s32 @p1 $0x1;
	p0 =	seq.s32 s7, s2  }
0x1e: {  	s7 =	smul.u32 @!p0 $0xF7A, s2;
	p2 =	seq.s32 @!p0 s5, $0x0  }
0x1f: {  	s9 =	smul.u32 $0xF7A, s1;
	s8 =	simm.s32 @!p0 $0x1BF5;
	p2 =	por !p2, p0  }
0x20: {  	[sflag:s8] =	ssyncset.s32 @!p0 $0xFFFFF086;
	s6 =	sadd.s32 @!p0 s3, s7;
	s7 =	simm.s32 @!p0 $0x108  }
0x21: {  	s3 =	sadd.s32 s3, s9;
	s6 =	sadd.s32 @!p0 $0x88, s6;
	s7 =	simm.s32 @p2 $0x1082  }
0x22: {  	[simem:s7], [sflag:s8] =	dma.local @!p0 [hbm:s6], $0xF7A  }
0x23: {  	s9 =	sor.u32 $0xD0000000, s2;
	s6 =	simm.s32 $0x108;
	_ =	swait.ge @!p0 [sflag:s8], $0x0  }
0x24: {  	s3 =	sadd.s32 $0x88, s3;
	s6 =	simm.s32 @!p1 $0x1082;
	[sflag:s4] =	ssyncset.s32 $0xFFFFF086  }
0x25: {  	[simem:s6], [sflag:s4] =	dma.local [hbm:s3], $0xF7A  }
0x26: {  	[smem:$0x3F82] =	sst s1;
	(tag) =	ssettag s2;
	_ =	strace s9  }
0x27: {  	s1 =	sld [smem:$0x3F92]  }
0x28: {  	s2 =	sld [smem:$0x3F93]  }
0x29: {  	s4 =	sld [smem:$0x3F95]  }
0x2a: {  	p0 =	seq.s32 s5, $0x0;
	s5 =	sld [smem:$0x3F96]  }
0x2b: {  	s6 =	sld [smem:$0x3F97]  }
0x2c: {  	s7 =	sld [smem:$0x3F98]  }
0x2d: {  	s3 =	simm.s32 $0x108;
	s8 =	sld [smem:$0x3F99]  }
0x2e: {  	s3 =	simm.s32 @!p0 $0x1082;
	s9 =	sld [smem:$0x3F9A]  }
0x2f: {  	lr =	sadd.s32 s0, s3;
	s0 =	sld [smem:$0x3F91]  }
0x30: {  	s3 =	sld [smem:$0x3F94]  }
0x31: {  	[smem:$0x3F9D] =	sst s10  }
0x32: {  	s10 =	sld [smem:$0x3F9B];
	_ =	sdelay $0x3  }
0x33: {  	p0 =	seq.s32 s10, $0x1;
	s10 =	sld [smem:$0x3F9D];
	_ =	sdelay $0x3  }
0x34: {  	[smem:$0x3F9D] =	sst s10  }
0x35: {  	s10 =	sld [smem:$0x3F9C];
	_ =	sdelay $0x3  }
0x36: {  	p1 =	seq.s32 s10, $0x1;
	s10 =	sld [smem:$0x3F9D];
	_ =	sdelay $0x3  }
0x37: {  	[smem:$0x3F9D] =	sst s10  }
0x38: {  	s10 =	sld [smem:$0x3F9E]  }
0x39: {  	_ = 	snop;
	(pc) =	sbr.ind lr, $3  }
0x3a: {  	_ = 	snop  }
0x3b: {  	_ = 	snop  }
0x3c: {  	p2 =	seq.s32 s10, $0x1;
	s10 =	sld [smem:$0x3F9D]  }
0x3d: {  	_ =	shalt  }
0x3e: {  	_ =	shalt  }
0x3f: {  	_ =	shalt  }
0x40: {  	_ =	shalt  }
0x41: {  	_ =	shalt  }
0x42: {  	_ =	shalt  }
0x43: {  	_ =	shalt  }
0x44: {  	_ =	shalt  }
0x45: {  	_ =	shalt  }
0x46: {  	_ =	shalt  }
0x47: {  	_ =	shalt  }
0x48: {  	_ =	shalt  }
0x49: {  	_ =	shalt  }
0x4a: {  	_ =	shalt  }
0x4b: {  	_ =	shalt  }
0x4c: {  	_ =	shalt  }
0x4d: {  	_ =	shalt  }
0x4e: {  	_ =	shalt  }
0x4f: {  	_ =	shalt  }
0x50: {  	_ =	shalt  }
0x51: {  	_ =	shalt  }
0x52: {  	_ =	shalt  }
0x53: {  	_ =	shalt  }
0x54: {  	_ =	shalt  }
0x55: {  	_ =	shalt  }
0x56: {  	_ =	shalt  }
0x57: {  	_ =	shalt  }
0x58: {  	_ =	shalt  }
0x59: {  	_ =	shalt  }
0x5a: {  	_ =	shalt  }
0x5b: {  	_ =	shalt  }
0x5c: {  	_ =	shalt  }
0x5d: {  	_ =	shalt  }
0x5e: {  	_ =	shalt  }
0x5f: {  	_ =	shalt  }
0x60: {  	_ =	shalt  }
0x61: {  	_ =	shalt  }
0x62: {  	_ =	shalt  }
0x63: {  	_ =	shalt  }
0x64: {  	_ =	shalt  }
0x65: {  	_ =	shalt  }
0x66: {  	_ =	shalt  }
0x67: {  	_ =	shalt  }
0x68: {  	_ =	shalt  }
0x69: {  	_ =	shalt  }
0x6a: {  	_ =	shalt  }
0x6b: {  	_ =	shalt  }
0x6c: {  	_ =	shalt  }
0x6d: {  	_ =	shalt  }
0x6e: {  	_ =	shalt  }
0x6f: {  	_ =	shalt  }
0x70: {  	_ =	shalt  }
0x71: {  	_ =	shalt  }
0x72: {  	_ =	shalt  }
0x73: {  	_ =	shalt  }
0x74: {  	_ =	shalt  }
0x75: {  	_ =	shalt  }
0x76: {  	_ =	shalt  }
0x77: {  	_ =	shalt  }
0x78: {  	_ =	shalt  }
0x79: {  	_ =	shalt  }
0x7a: {  	_ =	shalt  }
0x7b: {  	_ =	shalt  }
0x7c: {  	_ =	shalt  }
0x7d: {  	_ =	shalt  }
0x7e: {  	_ =	shalt  }
0x7f: {  	_ =	shalt  }
0x80: {  	_ =	shalt  }
0x81: {  	_ =	shalt  }
0x82: {  	_ =	shalt  }
0x83: {  	_ =	shalt  }
0x84: {  	_ =	shalt  }
0x85: {  	_ =	shalt  }
0x86: {  	_ =	shalt  }
0x87: {  	_ =	shalt  }
.Lfunc_end0:
.L_simem_size_0:
called_computation.4_lowered:
.L_overlay_start_0:
0x88: {  	s2 =	sld [smem:$0x3FD9]  }
0x89: {  	s3 =	sld [smem:$0x3FFE];
	_ =	sdelay $0x1  }
0x8a: {  	s1 =	srdreg.scid  }
0x8b: {  	s0 =	sand.u32 $0x1, s1  }
0x8c: {  	s17 =	sshll.u32 s0, $0xA;
	s2 =	sadd.s32 s3, s2  }
0x8d: {  	s2 =	sadd.s32 s2, s17  }
0x8e: {  	[smem:$0x3FA9] =	sst s2  }
0x8f: {  	_ = 	snop  }
0x90: {  	s2 =	sld [smem:$0x3FD0];
	(tm) =	ssettm $0x1  }
0x91: {  	s18 =	sld [smem:$0x3FFB];
	_ =	sdelay $0x3  }
0x92: {  	_ =	strace s18  }
0x93: {  	s3 =	sld [smem:$0x3FFC];
	_ =	sdelay $0x3  }
0x94: {  	_ =	strace s3  }
0x95: {  	s3 =	sld [smem:$0x3FFD];
	_ =	sdelay $0x3  }
0x96: {  	_ =	strace s3  }
0x97: {  	_ =	strace $0x8FFFFFFF  }
0x98: {  	s19 =	sld [smem:$0x3FDB];
	_ =	sdelay $0x1  }
0x99: {  	s4 =	simm.s32 $_scs_section_size  }
0x9a: {  	s5 =	simm.s32 $_size__tile_overlayer_lowered;
	s6 =	simm.s32 $_tile_overlayer_lowered  }
0x9b: {  	s22 =	simm.s32 $0x1BFF;
	s21 =	sshll.u32 s6, $0x1;
	s3 =	sadd.s32 s4, s19  }
0x9c: {  	s7 =	simm.s32 $0x0;
	s20 =	sshll.u32 s5, $0x1;
	s5 =	sadd.s32 s21, s3  }
0x9d: {  	[timem:s7], [sflag:s22] =	dma.local [hbm:s5], s20  }
0x9e: {  	_ =	swait.ge [sflag:s22], s20  }
0x9f: {  	s4 =	ssub.s32 $0x0, s20;
	[sflag:s22] =	ssyncset.done $0x0  }
0xa0: {  	[sflag:s22] =	ssyncadd.s32 s4;
	_ =	sdelay $0x1  }
0xa1: {  	s23 =	simm.s32 $0x1B8B  }
0xa2: {  	_ =	swait.ge [sflag:s23], $0x1  }
0xa3: {  	[sflag:s23] =	ssyncset.done $0x0  }
0xa4: {  	s25 =	simm.s32 $0x1B8E;
	s24 =	sld [smem:$0x3FFE];
	[sflag:s23] =	ssyncadd.s32 $0xFFFFFFFF  }
0xa5: {  	s26 =	simm.s32 $execute0_lowered;
	[smem:$0x3FD2] =	sst s25  }
0xa6: {  	s5 =	sshll.u32 s26, $0x1;
	_ =	strace $0x80000052;
	[dreg:$0x1] =	wrdreg $0xFFFFFFFF  }
0xa7: {  	s28 =	simm.s32 $_size_execute0_lowered;
	s3 =	sadd.s32 s3, s5;
	[dreg:$0x0] =	wrdreg $0x0  }
0xa8: {  	s5 =	sshll.u32 s28, $0x1;
	[dreg:$0x2] =	wrdreg s3  }
0xa9: {  	[dreg:$0x3] =	wrdreg s5  }
0xaa: {  	[dreg:$0x4] =	wrdreg $0xC0  }
0xab: {  	_ =	task [dreg:s7], $0x5FFFF  }
0xac: {  	[dreg:$0x1] =	wrdreg $0xFFFFFFFF  }
0xad: {  	[dreg:$0x0] =	wrdreg $0x60  }
0xae: {  	[dreg:$0x2] =	wrdreg s24  }
0xaf: {  	[dreg:$0x3] =	wrdreg s2  }
0xb0: {  	[dreg:$0x4] =	wrdreg $0x9  }
0xb1: {  	_ =	task.clear_ibuf [dreg:s7], $0x5FFFF;
	_ =	strace $0x90000052  }
0xb2: {  	s29 =	simm.s32 $0x9;
	_ =	strace $0x80000054  }
0xb3: {  	_ =	swait.ge [sflag:s29], $0x1  }
0xb4: {  	[sflag:s29] =	ssyncadd.s32 $0xFFFFFFFF  }
0xb5: {  	_ =	strace $0x90000054  }
0xb6: {  	_ =	sfence  }
0xb7: {  	s30 =	sld [smem:$0x0];
	_ =	sdelay $0x2  }
0xb8: {  	s31 =	sshll.u32 s1, $0xD;
	s1 =	sshrl.u32 s1, $0x2  }
0xb9: {  	s3 =	sand.u32 $0x4000, s31;
	s1 =	sadd.s32 s1, s30  }
0xba: {  	s0 =	sor.u32 s3, s0;
	s1 =	sshll.u32 s1, $0x11  }
0xbb: {  	s0 =	sor.u32 s1, s0  }
0xbc: {  	s0 =	sadd.s32 $0x8F2B, s0  }
0xbd: {  	[sflag:s0] =	ssyncadd.remote.s32 $0x1  }
0xbe: {  	_ =	sfence.sel $0xFFFF  }
0xbf: {  	[dreg:$0x0] =	wrdreg $0xFFFFFFFF;
	(pc) =	sbr.abs _section_cstart, $3  }
0xc0: {  	[dreg:$0x1] =	wrdreg $0xFFFFFFFF  }
0xc1: {  	_ =	task.clear_ibuf [dreg:s7], $0x2FFFF;
	_ =	strace $0x9FFFFFFF  }
0xc2: {  	(tm) =	ssettm $0x7FFFFFFF  }
0xc3: {  	_ =	shalt  }
tec
execute0_lowered:
.L_overlay_start_1:
0x0: {  	(tag) =	ssettag $0x1  }
0x1: {  	s1 =	srdreg.scid  }
0x2: {  	s5 =	rddreg [dreg:$0x0];
	s0 =	stileid.u32  }
0x3: {  	s7 =	rddreg [dreg:$0x1];
	s2 =	simm.s32 $0x0;
	s12 =	simm.s32 $0x80  }
0x4: {  	s13 =	simm.s32 $0x800;
	s14 =	simm.s32 $0x1;
	s15 =	simm.s32 $0x4800  }
0x5: {  	s16 =	simm.s32 $0x2;
	s6 =	sand.u32 $0x1, s1;
	s1 =	rddreg [dreg:$0x2]  }
0x6: {  	s17 =	simm.s32 $0x0;
	s3 =	sshll.u32 s0, $0xB;
	[smem:$0x7FF] =	sst s2  }
0x7: {  	s10 =	sshll.u32 s0, $0xF;
	s4 =	sshll.u32 s6, $0xA;
	_ =	strace $0x80000053  }
0x8: {  	s11 =	ssub.s32 $0x2, s6;
	s10 =	sadd.s32 s10, s5;
	s6 =	sshll.u32 s6, $0xE  }
0x9: {  	s3 =	sor.u32 s4, s3;
	s4 =	sadd.s32 $0x31200, s5;
	s30 =	sshrl.u32 s11, $0x1  }
0xa: {  	s31 =	sadd.s32 s6, s10;
	s10 =	simm.s32 $0x3;
	s8 =	sshrl.u32 s3, $0x3  }
0xb: {  	s3 =	sadd.s32 $0xA000, s5;
	s11 =	ssub.s32 s11, s30;
	s9 =	sadd.s32 s8, s5  }
0xc: {  	s6 =	sadd.s32 s7, s8;
	s7 =	smax.u32 s11, $0x1;
	s8 =	sadd.s32 $0x58400, s31  }
0xd: {  	s11 =	simm.s32 $0x400;
	s5 =	sadd.s32 $0x136000, s9;
	s9 =	sadd.s32 $0x137000, s31  }
.LBB2_1:
0xe: {  	[tilespmem:s2], [sflag:$0x3] =	stream.linear.gather [hbm4b:s5+s2], $0x400, $0x38;
	[tilespmem:$0x8800] =	vst v63  }
0xf: {  	_ =	swait.ge [sflag:s10], $0x400  }
0x10: {  	[sflag:s10] =	ssyncset.done $0x0  }
0x11: {  	[sflag:s10] =	ssyncadd.s32 $0xFFFFFC00  }
0x12: {  	[tilespmem:s11], [sflag:$0x3] =	stream.linear.gather [hbm4b:s6+s2], $0x400, $0x38;
	[tilespmem:$0x8800] =	vst v63  }
0x13: {  	_ =	swait.ge [sflag:s10], $0x400  }
0x14: {  	[sflag:s10] =	ssyncset.done $0x0  }
0x15: {  	s18 =	simm.s32 $0x0;
	[sflag:s10] =	ssyncadd.s32 $0xFFFFFC00  }
0x16: {  	[tilespmem:s13], [sflag:$0x1] =	stream.indirect.gather [hbm4b:s3+s12], $0x80, s18, s12, $0xb8;
	[tilespmem:$0x8800] =	vst v63  }
0x17: {  	_ =	swait.ge [sflag:s14], $0x4000  }
0x18: {  	[sflag:s14] =	ssyncset.done $0x0  }
0x19: {  	[sflag:s14] =	ssyncadd.s32 $0xFFFFC000  }
0x1a: {  	[hbm4b:s8+s2] =	stream.linear.scatter [tilespmem:s13], [sflag:$0x3], $0x4000, $0x38;
	[tilespmem:$0x8800] =	vst v63  }
0x1b: {  	_ =	swait.ge [sflag:s10], $0x4000  }
0x1c: {  	[sflag:s10] =	ssyncset.done $0x0  }
0x1d: {  	s31 =	simm.s32 $0x400;
	[sflag:s10] =	ssyncadd.s32 $0xFFFFC000  }
0x1e: {  	[tilespmem:s15], [sflag:$0x2] =	stream.indirect.gather [hbm4b:s4+s12], $0x80, s31, s12, $0xb8;
	[tilespmem:$0x8800] =	vst v63  }
0x1f: {  	_ =	swait.ge [sflag:s16], $0x4000  }
0x20: {  	[sflag:s16] =	ssyncset.done $0x0  }
0x21: {  	[sflag:s16] =	ssyncadd.s32 $0xFFFFC000  }
0x22: {  	[hbm4b:s9+s2] =	stream.linear.scatter [tilespmem:s15], [sflag:$0x3], $0x4000, $0x38;
	[tilespmem:$0x8800] =	vst v63  }
0x23: {  	s20 =	simm.s32 $0x200;
	s21 =	simm.s32 $0x400;
	_ =	swait.ge [sflag:s10], $0x4000  }
0x24: {  	s19 =	sadd.s32 $0x800, s8;
	s18 =	sadd.s32 $0x800, s9;
	[sflag:s10] =	ssyncset.done $0x0  }
.LBB2_2:
0x25: {  	s22 =	sshra.s32 s20, $0x2  }
0x26: {  	[sflag:s10] =	ssyncadd.s32 $0xFFFFC000;
	s20 =	smov.u32 s21;
	s23 =	sadd.s32 $0x200, s21  }
0x27: {  	[tilespmem:s13], [sflag:$0x1] =	stream.indirect.gather [hbm4b:s3+s12], $0x80, s22, s12, $0xb8;
	[tilespmem:$0x8800] =	vst v63  }
0x28: {  	p0 =	sne.s32 s21, $0xE00;
	_ =	swait.ge [sflag:s14], $0x4000  }
0x29: {  	[sflag:s14] =	ssyncset.done $0x0  }
0x2a: {  	[sflag:s14] =	ssyncadd.s32 $0xFFFFC000  }
0x2b: {  	[hbm4b:s19+s2] =	stream.linear.scatter [tilespmem:s13], [sflag:$0x3], $0x4000, $0x38;
	[tilespmem:$0x8800] =	vst v63  }
0x2c: {  	_ =	swait.ge [sflag:s10], $0x4000  }
0x2d: {  	[sflag:s10] =	ssyncset.done $0x0  }
0x2e: {  	s21 =	sadd.s32 $0x400, s22;
	[sflag:s10] =	ssyncadd.s32 $0xFFFFC000  }
0x2f: {  	[tilespmem:s15], [sflag:$0x2] =	stream.indirect.gather [hbm4b:s4+s12], $0x80, s21, s12, $0xb8;
	[tilespmem:$0x8800] =	vst v63  }
0x30: {  	_ =	swait.ge [sflag:s16], $0x4000  }
.Ltmp0:
0x31: {  	[sflag:s16] =	ssyncset.done $0x0;
	(pc) =	sbr.rel @p0 .LBB2_2-.Ltmp0, $4  }
0x32: {  	[sflag:s16] =	ssyncadd.s32 $0xFFFFC000  }
0x33: {  	[hbm4b:s18+s2] =	stream.linear.scatter [tilespmem:s15], [sflag:$0x3], $0x4000, $0x38;
	[tilespmem:$0x8800] =	vst v63  }
0x34: {  	s19 =	sadd.s32 $0x800, s19;
	_ =	swait.ge [sflag:s10], $0x4000  }
0x35: {  	s21 =	smov.u32 s23;
	s18 =	sadd.s32 $0x800, s18;
	[sflag:s10] =	ssyncset.done $0x0  }
0x36: {  	s20 =	sshra.s32 s20, $0x2;
	[sflag:s10] =	ssyncadd.s32 $0xFFFFC000  }
0x37: {  	[tilespmem:s13], [sflag:$0x1] =	stream.indirect.gather [hbm4b:s3+s12], $0x80, s20, s12, $0xb8;
	[tilespmem:$0x8800] =	vst v63  }
0x38: {  	_ =	swait.ge [sflag:s14], $0x4000  }
0x39: {  	[sflag:s14] =	ssyncset.done $0x0  }
0x3a: {  	[sflag:s14] =	ssyncadd.s32 $0xFFFFC000  }
0x3b: {  	[hbm4b:s19+s2] =	stream.linear.scatter [tilespmem:s13], [sflag:$0x3], $0x4000, $0x38;
	[tilespmem:$0x8800] =	vst v63  }
0x3c: {  	_ =	swait.ge [sflag:s10], $0x4000  }
0x3d: {  	[sflag:s10] =	ssyncset.done $0x0  }
0x3e: {  	s31 =	sadd.s32 $0x400, s20;
	[sflag:s10] =	ssyncadd.s32 $0xFFFFC000  }
0x3f: {  	[tilespmem:s15], [sflag:$0x2] =	stream.indirect.gather [hbm4b:s4+s12], $0x80, s31, s12, $0xb8;
	[tilespmem:$0x8800] =	vst v63  }
0x40: {  	s17 =	sadd.s32 $0x1, s17;
	_ =	swait.ge [sflag:s16], $0x4000  }
0x41: {  	p0 =	sne.s32 s17, s7;
	[sflag:s16] =	ssyncset.done $0x0  }
.Ltmp1:
0x42: {  	[sflag:s16] =	ssyncadd.s32 $0xFFFFC000;
	(pc) =	sbr.rel @p0 .LBB2_1-.Ltmp1, $4  }
0x43: {  	[hbm4b:s18+s2] =	stream.linear.scatter [tilespmem:s15], [sflag:$0x3], $0x4000, $0x38;
	[tilespmem:$0x8800] =	vst v63  }
0x44: {  	_ =	swait.ge [sflag:s10], $0x4000  }
0x45: {  	[sflag:s10] =	ssyncset.done $0x0  }
0x46: {  	[sflag:s10] =	ssyncadd.s32 $0xFFFFC000  }
0x47: {  	_ =	sfence.sel $0x180000  }
0x48: {  	[bflag:$0x0] =	sbarrier.arrive $0xFFFF  }
0x49: {  	p0 =	sne.s32 s0, $0x0;
	_ =	strace $0x90000053  }
0x4a: {  	s0 =	sadd.s32 @!p0 $0x100000, s1;
	[bflag:$0x2] =	sbarrier.arrive $0xFFFF  }
0x4b: {  	[sflag:s0] =	ssyncadd.tile.s32 @!p0 $0x1;
	_ =	shalt  }
.Lfunc_end2:
_tile_overlayer_lowered:
.L_overlay_start_2:
0x4c: {  	(tag) =	ssettag $0x2  }
0x4d: {  	s0 =	rddreg [dreg:$0x0];
	s2 =	stileid.u32  }
0x4e: {  	s1 =	rddreg [dreg:$0x1];
	p0 =	sne.s32 s2, $0x0  }
0x4f: {  	s3 =	rddreg [dreg:$0x2];
	[bflag:$0x3] =	sbarrier.arrive $0xFFFF;
	s2 =	simm.s32 @!p0 $0x1C03  }
0x50: {  	[timem:s3], [sflag:s2] =	dma.local @!p0 [hbm:s0], s1  }
0x51: {  	s0 =	simm.s32 @!p0 $0x3  }
0x52: {  	_ =	swait.ge @!p0 [sflag:s0], s1  }
0x53: {  	s1 =	ssub.s32 @!p0 $0x0, s1;
	[sflag:s0] =	ssyncset.done @!p0 $0x0  }
0x54: {  	[sflag:s0] =	ssyncadd.s32 @!p0 s1  }
0x55: {  	[bflag:$0x3] =	sbarrier.arrive $0xFFFF  }
0x56: {  	_ =	shalt  }

</sc_bundles>
